<compile_context>
chip_gen: v7x
topology: tpu7x:2x2x1
jax: 0.10.2.dev20260603
libtpu: 0.0.44.dev20260713+nightly
codegen_flags: <defaults>
</compile_context>

<pallas_src>
import jax
import jax.numpy as jnp
from jax import lax
from jax.experimental import pallas as pl
from jax.experimental.pallas import tpu as pltpu
from jax.experimental.pallas import tpu_sc as plsc

NC = 2
NS = 16
NW = NC * NS


def _mesh():
    return plsc.VectorSubcoreMesh(
        core_axis_name="c", subcore_axis_name="s", num_cores=NC, num_subcores=NS
    )


def _fill(ref, n, value):
    def body(i, _):
        ref[pl.ds(i * 16, 16)] = jnp.full((16,), value, jnp.float32)
        return 0
    lax.fori_loop(0, n // 16, body, 0)


def _sc_degrees(eflat, n_pad):
    E = eflat.shape[1]
    CH = 128
    NB = 6
    assert E % NW == 0
    per_tile = E // NW
    full = per_tile // CH
    tail = per_tile % CH
    rounds, rem = divmod(full, NB)
    assert tail % 16 == 0 and per_tile % 8 == 0
    rpt = n_pad // NS

    def body(e_hbm, out_hbm, sbt, dbt, ones_v, onest_v, zer_v,
             din_sp, dout_sp, *rest):
        sbs = rest[0:NB]
        dbs = rest[NB:2 * NB]
        semA = rest[2 * NB:3 * NB]
        semB = rest[3 * NB:4 * NB]
        semS1 = rest[4 * NB:5 * NB]
        semS2 = rest[5 * NB:6 * NB]
        c = lax.axis_index("c")
        s = lax.axis_index("s")
        wid = c * NS + s
        base0 = wid * per_tile

        _fill(zer_v, rpt, 0.0)
        _fill(ones_v, CH, 1.0)
        if tail:
            _fill(onest_v, tail, 1.0)
        pltpu.sync_copy(zer_v, din_sp.at[pl.ds(s * rpt, rpt)])
        pltpu.sync_copy(zer_v, dout_sp.at[pl.ds(s * rpt, rpt)])
        plsc.subcore_barrier()

        bufs = tuple(zip(sbs, dbs, semA, semB, semS1, semS2))

        def pbody(i, _):
            descs = []
            for k, (sb, db, sA, sB, sS1, sS2) in enumerate(bufs):
                b0 = base0 + (NB * i + k) * CH

                @pl.when(i > 0)
                def _(sb=sb, db=db, sS1=sS1, sS2=sS2):
                    pltpu.make_async_copy(ones_v, dout_sp.at[sb], sS1).wait()
                    pltpu.make_async_copy(ones_v, din_sp.at[db], sS2).wait()
                descs.append((
                    pltpu.async_copy(e_hbm.at[0, pl.ds(b0, CH)], sb, sA),
                    pltpu.async_copy(e_hbm.at[1, pl.ds(b0, CH)], db, sB),
                ))
            for (dA, dB), (sb, db, _, _, sS1, sS2) in zip(descs, bufs):
                dA.wait()
                pltpu.async_copy(ones_v, dout_sp.at[sb], sS1, add=True)
                dB.wait()
                pltpu.async_copy(ones_v, din_sp.at[db], sS2, add=True)
            return 0

        lax.fori_loop(0, rounds, pbody, 0)
        if rounds > 0:
            for sb, db, _, _, sS1, sS2 in bufs:
                pltpu.make_async_copy(ones_v, dout_sp.at[sb], sS1).wait()
                pltpu.make_async_copy(ones_v, din_sp.at[db], sS2).wait()

        for r in range(rem):
            b0 = base0 + (rounds * NB + r) * CH
            sb, db = bufs[0][0], bufs[0][1]
            pltpu.sync_copy(e_hbm.at[0, pl.ds(b0, CH)], sb)
            pltpu.sync_copy(ones_v, dout_sp.at[sb], add=True)
            pltpu.sync_copy(e_hbm.at[1, pl.ds(b0, CH)], db)
            pltpu.sync_copy(ones_v, din_sp.at[db], add=True)

        if tail:
            bt = base0 + full * CH
            pltpu.sync_copy(e_hbm.at[0, pl.ds(bt, tail)], sbt)
            pltpu.sync_copy(onest_v, dout_sp.at[sbt], add=True)
            pltpu.sync_copy(e_hbm.at[1, pl.ds(bt, tail)], dbt)
            pltpu.sync_copy(onest_v, din_sp.at[dbt], add=True)

        plsc.subcore_barrier()

        pltpu.sync_copy(din_sp.at[pl.ds(s * rpt, rpt)],
                        out_hbm.at[c, 0, pl.ds(s * rpt, rpt)])
        pltpu.sync_copy(dout_sp.at[pl.ds(s * rpt, rpt)],
                        out_hbm.at[c, 1, pl.ds(s * rpt, rpt)])

    f = pl.kernel(
        body,
        out_type=jax.ShapeDtypeStruct((NC, 2, n_pad), jnp.float32),
        mesh=_mesh(),
        scratch_types=(
            [
                pltpu.VMEM((max(tail, 16),), jnp.int32),
                pltpu.VMEM((max(tail, 16),), jnp.int32),
                pltpu.VMEM((CH,), jnp.float32),
                pltpu.VMEM((max(tail, 16),), jnp.float32),
                pltpu.VMEM((rpt,), jnp.float32),
                pltpu.VMEM_SHARED((n_pad,), jnp.float32),
                pltpu.VMEM_SHARED((n_pad,), jnp.float32),
            ]
            + [pltpu.VMEM((CH,), jnp.int32)] * (2 * NB)
            + [pltpu.SemaphoreType.DMA] * (4 * NB)
        ),
        compiler_params=pltpu.CompilerParams(use_tc_tiling_on_sc=False),
    )
    return f(eflat)


def _sc_aggregate(eflat, p, n_pad):
    E = eflat.shape[1]
    H = p.shape[1]
    CH = 128
    NB = 6
    assert E % NW == 0
    per_tile = E // NW
    full = per_tile // CH
    tail = per_tile % CH
    rounds, rem = divmod(full, NB)
    assert tail % 8 == 0 and per_tile % 8 == 0
    rpt = n_pad // NS
    ZR = 64
    assert rpt % ZR == 0

    def body(e_hbm, p_hbm, out_hbm, sbig, dbt, rowst, zer_v, acc_sp, *rest):
        dbs = rest[0:NB]
        rows_l = rest[NB:2 * NB]
        semD = rest[2 * NB:3 * NB]
        semG = rest[3 * NB:4 * NB]
        semS = rest[4 * NB:5 * NB]
        c = lax.axis_index("c")
        s = lax.axis_index("s")
        wid = c * NS + s
        base0 = wid * per_tile

        pre = pltpu.async_copy(e_hbm.at[0, pl.ds(base0, per_tile)], sbig, semG[0])

        def zfill(i, _):
            zer_v[i, pl.ds(0, 16)] = jnp.zeros((16,), jnp.float32)
            zer_v[i, pl.ds(16, 16)] = jnp.zeros((16,), jnp.float32)
            zer_v[i, pl.ds(32, 16)] = jnp.zeros((16,), jnp.float32)
            zer_v[i, pl.ds(48, 16)] = jnp.zeros((16,), jnp.float32)
            return 0
        lax.fori_loop(0, ZR, zfill, 0)

        def zcopy(i, _):
            pltpu.sync_copy(zer_v, acc_sp.at[pl.ds(s * rpt + i * ZR, ZR)])
            return 0
        lax.fori_loop(0, rpt // ZR, zcopy, 0)
        pre.wait()
        plsc.subcore_barrier()

        bufs = tuple(zip(dbs, rows_l, semD, semG, semS))

        def tbody(i, _):
            descs = []
            for k, (db, rows, sD, sG, sS) in enumerate(bufs):
                b0 = (NB * i + k) * CH
                @pl.when(i > 0)
                def _(db=db, rows=rows, sS=sS):
                    pltpu.make_async_copy(rows, acc_sp.at[db], sS).wait()
                descs.append((
                    pltpu.async_copy(e_hbm.at[1, pl.ds(base0 + b0, CH)], db, sD),
                    pltpu.async_copy(p_hbm.at[sbig.at[pl.ds(b0, CH)]], rows, sG),
                ))
            for (d, g), (db, rows, _, _, sS) in zip(descs, bufs):
                d.wait()
                g.wait()
                pltpu.async_copy(rows, acc_sp.at[db], sS, add=True)
            return 0

        lax.fori_loop(0, rounds, tbody, 0)
        if rounds > 0:
            for db, rows, _, _, sS in bufs:
                pltpu.make_async_copy(rows, acc_sp.at[db], sS).wait()

        for r in range(rem):
            b0 = (rounds * NB + r) * CH
            db, rows, sD, sG, sS = bufs[0]
            pltpu.sync_copy(e_hbm.at[1, pl.ds(base0 + b0, CH)], db)
            pltpu.async_copy(p_hbm.at[sbig.at[pl.ds(b0, CH)]], rows, sG).wait()
            pltpu.sync_copy(rows, acc_sp.at[db], add=True)

        if tail:
            bt = full * CH
            pltpu.sync_copy(e_hbm.at[1, pl.ds(base0 + bt, tail)], dbt)
            pltpu.async_copy(p_hbm.at[sbig.at[pl.ds(bt, tail)]], rowst,
                             semG[0]).wait()
            pltpu.sync_copy(rowst, acc_sp.at[dbt], add=True)

        plsc.subcore_barrier()
        pltpu.sync_copy(acc_sp.at[pl.ds(s * rpt, rpt)],
                        out_hbm.at[pl.ds(s * rpt, rpt), pl.ds(c * H, H)])

    f = pl.kernel(
        body,
        out_type=jax.ShapeDtypeStruct((n_pad, NC * H), jnp.float32),
        mesh=_mesh(),
        scratch_types=(
            [
                pltpu.VMEM((per_tile,), jnp.int32),
                pltpu.VMEM((max(tail, 8),), jnp.int32),
                pltpu.VMEM((max(tail, 8), H), jnp.float32),
                pltpu.VMEM((ZR, H), jnp.float32),
                pltpu.VMEM_SHARED((n_pad, H), jnp.float32),
            ]
            + [pltpu.VMEM((CH,), jnp.int32)] * NB
            + [pltpu.VMEM((CH, H), jnp.float32)] * NB
            + [pltpu.SemaphoreType.DMA] * (3 * NB)
        ),
        compiler_params=pltpu.CompilerParams(use_tc_tiling_on_sc=False),
    )
    return f(eflat, p)


def _tc_encode(text_f, vis_f, W_t, b_t, W_v, b_v, W_g0):
    N, T = text_f.shape
    V = vis_f.shape[1]
    H = W_t.shape[1]
    RB = 2000
    assert N % RB == 0

    def body(t_ref, v_ref, wt_ref, bt_ref, wv_ref, bv_ref, wg_ref, o_ref):
        ht = jnp.maximum(
            jnp.dot(t_ref[...], wt_ref[...], preferred_element_type=jnp.float32)
            + bt_ref[...], 0.0)
        hv = jnp.maximum(
            jnp.dot(v_ref[...], wv_ref[...], preferred_element_type=jnp.float32)
            + bv_ref[...], 0.0)
        h = jnp.concatenate([ht, hv], axis=1)
        o_ref[...] = jnp.dot(h, wg_ref[...], preferred_element_type=jnp.float32)

    return pl.pallas_call(
        body,
        grid=(N // RB,),
        in_specs=[
            pl.BlockSpec((RB, T), lambda i: (i, 0)),
            pl.BlockSpec((RB, V), lambda i: (i, 0)),
            pl.BlockSpec((T, H), lambda i: (0, 0)),
            pl.BlockSpec((1, H), lambda i: (0, 0)),
            pl.BlockSpec((V, H), lambda i: (0, 0)),
            pl.BlockSpec((1, H), lambda i: (0, 0)),
            pl.BlockSpec((2 * H, H), lambda i: (0, 0)),
        ],
        out_specs=pl.BlockSpec((RB, H), lambda i: (i, 0)),
        out_shape=jax.ShapeDtypeStruct((N, H), jnp.float32),
    )(text_f, vis_f, W_t, b_t, W_v, b_v, W_g0)


def _tc_prescale(z, deg, N, n_pad):
    H = z.shape[1]

    def body(z_ref, dg_ref, o_ref, iv_ref):
        d = dg_ref[0] + dg_ref[1]
        inv = 1.0 / jnp.sqrt(jnp.maximum(d, 1.0))
        invt = jnp.transpose(inv, (1, 0))
        iv_ref[...] = invt
        o_ref[...] = z_ref[...] * invt[:N, 1:2]

    return pl.pallas_call(
        body,
        out_shape=(
            jax.ShapeDtypeStruct((N, H), jnp.float32),
            jax.ShapeDtypeStruct((n_pad, 2), jnp.float32),
        ),
    )(z, deg)


def _tc_mid(agg, invs, b_g0, W_g1, N):
    H = W_g1.shape[0]
    RB = 2000
    assert N % RB == 0

    def body(a_ref, iv_ref, b_ref, w_ref, o_ref):
        a = a_ref[:, :H] + a_ref[:, H:]
        iv = iv_ref[...]
        h = jnp.maximum(a * iv[:, 0:1] + b_ref[...], 0.0)
        z = jnp.dot(h, w_ref[...], preferred_element_type=jnp.float32)
        o_ref[...] = z * iv[:, 1:2]

    return pl.pallas_call(
        body,
        grid=(N // RB,),
        in_specs=[
            pl.BlockSpec((RB, NC * H), lambda i: (i, 0)),
            pl.BlockSpec((RB, 2), lambda i: (i, 0)),
            pl.BlockSpec((1, H), lambda i: (0, 0)),
            pl.BlockSpec((H, H), lambda i: (0, 0)),
        ],
        out_specs=pl.BlockSpec((RB, H), lambda i: (i, 0)),
        out_shape=jax.ShapeDtypeStruct((N, H), jnp.float32),
    )(agg, invs, b_g0, W_g1)


def _tc_head(agg, invs, b_g1, W_head, b_head, N):
    H, C = W_head.shape
    RB = 2000
    assert N % RB == 0

    def body(a_ref, iv_ref, b_ref, w_ref, bh_ref, o_ref):
        a = a_ref[:, :H] + a_ref[:, H:]
        iv = iv_ref[...]
        h = jnp.maximum(a * iv[:, 0:1] + b_ref[...], 0.0)
        o_ref[...] = (
            jnp.dot(h, w_ref[...], preferred_element_type=jnp.float32) + bh_ref[...]
        )

    return pl.pallas_call(
        body,
        grid=(N // RB,),
        in_specs=[
            pl.BlockSpec((RB, NC * H), lambda i: (i, 0)),
            pl.BlockSpec((RB, 2), lambda i: (i, 0)),
            pl.BlockSpec((1, H), lambda i: (0, 0)),
            pl.BlockSpec((H, C), lambda i: (0, 0)),
            pl.BlockSpec((1, C), lambda i: (0, 0)),
        ],
        out_specs=pl.BlockSpec((RB, C), lambda i: (i, 0)),
        out_shape=jax.ShapeDtypeStruct((N, C), jnp.float32),
    )(agg, invs, b_g1, W_head, b_head)


def kernel(edge_index, text_f, vis_f, W_t, b_t, W_v, b_v, W_g0, b_g0, W_g1, b_g1,
           W_head, b_head):
    N = text_f.shape[0]
    E = edge_index.shape[1]
    n_pad = -(-N // (NS * 64)) * (NS * 64)

    deg = _sc_degrees(edge_index, n_pad)
    z0 = _tc_encode(text_f, vis_f, W_t, b_t.reshape(1, -1), W_v,
                    b_v.reshape(1, -1), W_g0)
    p0, invs = _tc_prescale(z0, deg, N, n_pad)
    agg0 = _sc_aggregate(edge_index, p0, n_pad)
    p1 = _tc_mid(agg0, invs, b_g0.reshape(1, -1), W_g1, N)
    agg1 = _sc_aggregate(edge_index, p1, n_pad)
    out = _tc_head(agg1, invs, b_g1.reshape(1, -1), W_head, b_head.reshape(1, -1), N)
    return out

# --- scband reference (transcript-rebuilt; emitter-appended) ---
"""Pipeline reference for scband-early-fusion-gnn-50440095924643 (READ-ONLY COPY).

The authoritative reference and input builder live on the scoring server;
editing this copy changes nothing except your own understanding.
"""

import jax, jax.numpy as jnp
import numpy as np

N = 10000
E = 320000
T_DIM = 128
V_DIM = 128
H = 64
C = 40


def setup_inputs(seed: int = 0) -> dict:
    key = jax.random.key(seed)
    ks = jax.random.split(key, 16)
    edge_index = jax.random.randint(ks[0], (2, E), 0, N, dtype=jnp.int32)
    text_f = jax.random.normal(ks[1], (N, T_DIM), dtype=jnp.float32)
    vis_f = jax.random.normal(ks[2], (N, V_DIM), dtype=jnp.float32)
    # encoder params
    W_t = jax.random.normal(ks[3], (T_DIM, H), dtype=jnp.float32) / np.sqrt(T_DIM)
    b_t = jnp.zeros((H,), dtype=jnp.float32)
    W_v = jax.random.normal(ks[4], (V_DIM, H), dtype=jnp.float32) / np.sqrt(V_DIM)
    b_v = jnp.zeros((H,), dtype=jnp.float32)
    # GCN params: layer0 (2H -> H), layer1 (H -> H)
    W_g0 = jax.random.normal(ks[5], (2 * H, H), dtype=jnp.float32) / np.sqrt(2 * H)
    b_g0 = jnp.zeros((H,), dtype=jnp.float32)
    W_g1 = jax.random.normal(ks[6], (H, H), dtype=jnp.float32) / np.sqrt(H)
    b_g1 = jnp.zeros((H,), dtype=jnp.float32)
    # head
    W_head = jax.random.normal(ks[7], (H, C), dtype=jnp.float32) / np.sqrt(H)
    b_head = jnp.zeros((C,), dtype=jnp.float32)
    return {
        "edge_index": edge_index,
        "text_f": text_f,
        "vis_f": vis_f,
        "W_t": W_t, "b_t": b_t,
        "W_v": W_v, "b_v": b_v,
        "W_g0": W_g0, "b_g0": b_g0,
        "W_g1": W_g1, "b_g1": b_g1,
        "W_head": W_head, "b_head": b_head,
    }


def _gcn_conv(h, W, b, src, dst, norm_e):
    # symmetric-normalized message passing: D^{-1/2} A D^{-1/2} h W + b
    msgs = h[src] * norm_e[:, None]          # gather (SparseCore)
    agg = jax.ops.segment_sum(msgs, dst, num_segments=N)  # scatter-add
    return agg @ W + b


def reference(edge_index, text_f, vis_f, W_t, b_t, W_v, b_v, W_g0, b_g0, W_g1, b_g1, W_head, b_head):
    src = edge_index[0]
    dst = edge_index[1]
    ones = jnp.ones((E,), dtype=jnp.float32)
    deg_in = jax.ops.segment_sum(ones, dst, num_segments=N)
    deg_out = jax.ops.segment_sum(ones, src, num_segments=N)
    inv_sqrt_in = 1.0 / jnp.sqrt(jnp.clip(deg_in, 1.0))
    inv_sqrt_out = 1.0 / jnp.sqrt(jnp.clip(deg_out, 1.0))
    norm_e = inv_sqrt_out[src] * inv_sqrt_in[dst]

    # early fusion encoders (dropout=0.0 -> identity in eval)
    h_t = jax.nn.relu(text_f @ W_t + b_t)
    h_v = jax.nn.relu(vis_f @ W_v + b_v)
    h = jnp.concatenate([h_t, h_v], axis=1)   # [N, 2H]

    # 2-layer GCN with relu activation
    h = jax.nn.relu(_gcn_conv(h, W_g0, b_g0, src, dst, norm_e))
    h = jax.nn.relu(_gcn_conv(h, W_g1, b_g1, src, dst, norm_e))

    # classification head
    out = h @ W_head + b_head                  # [N, C]
    return out

if __name__ == "__main__":
    import jax
    _d = setup_inputs()
    print(jax.jit(kernel)(*tuple(_d.values())))

</pallas_src>

<mosaic_0001>
#map = affine_map<(d0, d1) -> (0, 0)>
module attributes {stable_mosaic.version = 14 : i64} {
  func.func @body(%arg0: i32, %arg1: i32, %arg2: memref<2x320000xi32, #tpu.memory_space<hbm>>, %arg3: memref<10000x64xf32, #tpu.memory_space<hbm>>, %arg4: memref<10240x128xf32, #tpu.memory_space<hbm>>, %arg5: memref<10000xi32, #tpu.memory_space<vmem>>, %arg6: memref<16xi32, #tpu.memory_space<vmem>>, %arg7: memref<16x64xf32, #tpu.memory_space<vmem>>, %arg8: memref<64x64xf32, #tpu.memory_space<vmem>>, %arg9: memref<10240x64xf32, #tpu.memory_space<vmem_shared>>, %arg10: memref<128xi32, #tpu.memory_space<vmem>>, %arg11: memref<128xi32, #tpu.memory_space<vmem>>, %arg12: memref<128xi32, #tpu.memory_space<vmem>>, %arg13: memref<128xi32, #tpu.memory_space<vmem>>, %arg14: memref<128xi32, #tpu.memory_space<vmem>>, %arg15: memref<128xi32, #tpu.memory_space<vmem>>, %arg16: memref<128x64xf32, #tpu.memory_space<vmem>>, %arg17: memref<128x64xf32, #tpu.memory_space<vmem>>, %arg18: memref<128x64xf32, #tpu.memory_space<vmem>>, %arg19: memref<128x64xf32, #tpu.memory_space<vmem>>, %arg20: memref<128x64xf32, #tpu.memory_space<vmem>>, %arg21: memref<128x64xf32, #tpu.memory_space<vmem>>, %arg22: memref<!tpu.dma_semaphore, #tpu.memory_space<semaphore_mem>>, %arg23: memref<!tpu.dma_semaphore, #tpu.memory_space<semaphore_mem>>, %arg24: memref<!tpu.dma_semaphore, #tpu.memory_space<semaphore_mem>>, %arg25: memref<!tpu.dma_semaphore, #tpu.memory_space<semaphore_mem>>, %arg26: memref<!tpu.dma_semaphore, #tpu.memory_space<semaphore_mem>>, %arg27: memref<!tpu.dma_semaphore, #tpu.memory_space<semaphore_mem>>, %arg28: memref<!tpu.dma_semaphore, #tpu.memory_space<semaphore_mem>>, %arg29: memref<!tpu.dma_semaphore, #tpu.memory_space<semaphore_mem>>, %arg30: memref<!tpu.dma_semaphore, #tpu.memory_space<semaphore_mem>>, %arg31: memref<!tpu.dma_semaphore, #tpu.memory_space<semaphore_mem>>, %arg32: memref<!tpu.dma_semaphore, #tpu.memory_space<semaphore_mem>>, %arg33: memref<!tpu.dma_semaphore, #tpu.memory_space<semaphore_mem>>, %arg34: memref<!tpu.dma_semaphore, #tpu.memory_space<semaphore_mem>>, %arg35: memref<!tpu.dma_semaphore, #tpu.memory_space<semaphore_mem>>, %arg36: memref<!tpu.dma_semaphore, #tpu.memory_space<semaphore_mem>>, %arg37: memref<!tpu.dma_semaphore, #tpu.memory_space<semaphore_mem>>, %arg38: memref<!tpu.dma_semaphore, #tpu.memory_space<semaphore_mem>>, %arg39: memref<!tpu.dma_semaphore, #tpu.memory_space<semaphore_mem>>) attributes {dimension_semantics = [#tpu.dimension_semantics<core_parallel>, #tpu.dimension_semantics<subcore_parallel>], iteration_bounds = array<i64: 2, 16>, scalar_prefetch = 0 : i64, scratch_operands = 35 : i64, tpu.core_type = #tpu.core_type<sc_vector_subcore>, window_params = [{transform_indices = #map}, {transform_indices = #map}, {transform_indices = #map}]} {
    %mul3A = arith.constant 16 : i32
    %mul3A_0 = arith.muli %arg0, %mul3A : i32
    %add3A = arith.addi %mul3A_0, %arg1 : i32
    %mul3A_1 = arith.constant 10000 : i32
    %mul3A_2 = arith.muli %add3A, %mul3A_1 : i32
    %dma_start3A = arith.constant 0 : i32
    %dma_start3A_3 = tpu.memref_slice %arg2[%dma_start3A, %mul3A_2] : memref<2x320000xi32, #tpu.memory_space<hbm>> -> memref<1x10000xi32, #tpu.memory_space<hbm>>
    %dma_start3A_4 = tpu.memref_squeeze %dma_start3A_3 : memref<1x10000xi32, #tpu.memory_space<hbm>> -> memref<10000xi32, #tpu.memory_space<hbm>>
    %dma_start3A_5 = tpu.memref_slice %arg2[%dma_start3A, %mul3A_2] : memref<2x320000xi32, #tpu.memory_space<hbm>> -> memref<1x10000xi32, #tpu.memory_space<hbm>>
    %dma_start3A_6 = tpu.memref_squeeze %dma_start3A_5 : memref<1x10000xi32, #tpu.memory_space<hbm>> -> memref<10000xi32, #tpu.memory_space<hbm>>
    tpu.enqueue_dma source(%dma_start3A_6 : memref<10000xi32, #tpu.memory_space<hbm>>) target(%arg5 : memref<10000xi32, #tpu.memory_space<vmem>>) target_semaphore(%arg28 : memref<!tpu.dma_semaphore, #tpu.memory_space<semaphore_mem>>)
    %scan3A = arith.constant 0 : i32
    %scan3A_7 = arith.constant 0 : i32
    %scan3A_8 = arith.constant 64 : i32
    %scan3A_9 = arith.addi %scan3A_7, %scan3A_8 : i32
    %scan3A_10 = arith.constant 1 : i32
    %scan3A_11 = scf.for %scan3A_68 = %scan3A_7 to %scan3A_9 step %scan3A_10 iter_args(%scan3A_69 = %scan3A) -> (i32)  : i32 {
      %broadcast_in_dim3A = arith.constant 0.000000e+00 : f32
      %broadcast_in_dim3A_70 = vector.broadcast %broadcast_in_dim3A : f32 to vector<16xf32>
      %swap3A = arith.index_cast %scan3A_68 : i32 to index
      %swap3A_71 = arith.constant 0 : index
      %swap3A_72 = tpu.vector_load %arg8[%swap3A, %swap3A_71] {strides = array<i32>} : memref<64x64xf32, #tpu.memory_space<vmem>>, vector<1x16xf32>,
      %swap3A_73 = vector.shape_cast %swap3A_72 : vector<1x16xf32> to vector<16xf32>
      %swap3A_74 = vector.shape_cast %broadcast_in_dim3A_70 : vector<16xf32> to vector<1x16xf32>
      tpu.vector_store %arg8[%swap3A, %swap3A_71], %swap3A_74 {strides = array<i32>} : memref<64x64xf32, #tpu.memory_space<vmem>>, vector<1x16xf32>,
      %broadcast_in_dim3A_75 = arith.constant 0.000000e+00 : f32
      %broadcast_in_dim3A_76 = vector.broadcast %broadcast_in_dim3A_75 : f32 to vector<16xf32>
      %swap3A_77 = arith.index_cast %scan3A_68 : i32 to index
      %swap3A_78 = arith.constant 16 : index
      %swap3A_79 = tpu.vector_load %arg8[%swap3A_77, %swap3A_78] {strides = array<i32>} : memref<64x64xf32, #tpu.memory_space<vmem>>, vector<1x16xf32>,
      %swap3A_80 = vector.shape_cast %swap3A_79 : vector<1x16xf32> to vector<16xf32>
      %swap3A_81 = vector.shape_cast %broadcast_in_dim3A_76 : vector<16xf32> to vector<1x16xf32>
      tpu.vector_store %arg8[%swap3A_77, %swap3A_78], %swap3A_81 {strides = array<i32>} : memref<64x64xf32, #tpu.memory_space<vmem>>, vector<1x16xf32>,
      %broadcast_in_dim3A_82 = arith.constant 0.000000e+00 : f32
      %broadcast_in_dim3A_83 = vector.broadcast %broadcast_in_dim3A_82 : f32 to vector<16xf32>
      %swap3A_84 = arith.index_cast %scan3A_68 : i32 to index
      %swap3A_85 = arith.constant 32 : index
      %swap3A_86 = tpu.vector_load %arg8[%swap3A_84, %swap3A_85] {strides = array<i32>} : memref<64x64xf32, #tpu.memory_space<vmem>>, vector<1x16xf32>,
      %swap3A_87 = vector.shape_cast %swap3A_86 : vector<1x16xf32> to vector<16xf32>
      %swap3A_88 = vector.shape_cast %broadcast_in_dim3A_83 : vector<16xf32> to vector<1x16xf32>
      tpu.vector_store %arg8[%swap3A_84, %swap3A_85], %swap3A_88 {strides = array<i32>} : memref<64x64xf32, #tpu.memory_space<vmem>>, vector<1x16xf32>,
      %broadcast_in_dim3A_89 = arith.constant 0.000000e+00 : f32
      %broadcast_in_dim3A_90 = vector.broadcast %broadcast_in_dim3A_89 : f32 to vector<16xf32>
      %swap3A_91 = arith.index_cast %scan3A_68 : i32 to index
      %swap3A_92 = arith.constant 48 : index
      %swap3A_93 = tpu.vector_load %arg8[%swap3A_91, %swap3A_92] {strides = array<i32>} : memref<64x64xf32, #tpu.memory_space<vmem>>, vector<1x16xf32>,
      %swap3A_94 = vector.shape_cast %swap3A_93 : vector<1x16xf32> to vector<16xf32>
      %swap3A_95 = vector.shape_cast %broadcast_in_dim3A_90 : vector<16xf32> to vector<1x16xf32>
      tpu.vector_store %arg8[%swap3A_91, %swap3A_92], %swap3A_95 {strides = array<i32>} : memref<64x64xf32, #tpu.memory_space<vmem>>, vector<1x16xf32>,
      %scan3A_96 = arith.constant 0 : i32
      scf.yield %scan3A_96 : i32
    }
    %scan3A_12 = arith.constant 64 : i32
    %scan3A_13 = arith.constant 0 : i32
    %scan3A_14 = arith.constant 0 : i32
    %scan3A_15 = arith.constant 10 : i32
    %scan3A_16 = arith.addi %scan3A_14, %scan3A_15 : i32
    %scan3A_17 = arith.constant 1 : i32
    %scan3A_18 = scf.for %scan3A_68 = %scan3A_14 to %scan3A_16 step %scan3A_17 iter_args(%scan3A_69 = %scan3A_13) -> (i32)  : i32 {
      %mul3A_70 = arith.constant 640 : i32
      %mul3A_71 = arith.muli %arg1, %mul3A_70 : i32
      %mul3A_72 = arith.constant 64 : i32
      %mul3A_73 = arith.muli %scan3A_68, %mul3A_72 : i32
      %add3A_74 = arith.addi %mul3A_71, %mul3A_73 : i32
      "tpu.region"() ({
        %run_scoped3A_76 = tpu.sem_alloc : memref<!tpu.dma_semaphore, #tpu.memory_space<semaphore_mem>>
        %dma_start3A_77 = arith.constant 0 : i32
        %dma_start3A_78 = tpu.memref_slice %arg9[%add3A_74, %dma_start3A_77] : memref<10240x64xf32, #tpu.memory_space<vmem_shared>> -> memref<64x64xf32, #tpu.memory_space<vmem_shared>>
        %dma_start3A_79 = arith.constant 0 : i32
        %dma_start3A_80 = tpu.memref_slice %arg9[%add3A_74, %dma_start3A_79] : memref<10240x64xf32, #tpu.memory_space<vmem_shared>> -> memref<64x64xf32, #tpu.memory_space<vmem_shared>>
        tpu.enqueue_dma source(%arg8 : memref<64x64xf32, #tpu.memory_space<vmem>>) target(%dma_start3A_80 : memref<64x64xf32, #tpu.memory_space<vmem_shared>>) target_semaphore(%run_scoped3A_76 : memref<!tpu.dma_semaphore, #tpu.memory_space<semaphore_mem>>)
        %dma_wait3A_81 = arith.constant 0 : i32
        %dma_wait3A_82 = tpu.memref_slice %arg9[%add3A_74, %dma_wait3A_81] : memref<10240x64xf32, #tpu.memory_space<vmem_shared>> -> memref<64x64xf32, #tpu.memory_space<vmem_shared>>
        %dma_wait3A_83 = arith.constant 0 : i32
        %dma_wait3A_84 = tpu.memref_slice %arg9[%add3A_74, %dma_wait3A_83] : memref<10240x64xf32, #tpu.memory_space<vmem_shared>> -> memref<64x64xf32, #tpu.memory_space<vmem_shared>>
        tpu.wait_dma2 semaphore(%run_scoped3A_76 : memref<!tpu.dma_semaphore, #tpu.memory_space<semaphore_mem>>) src(%arg8 : memref<64x64xf32, #tpu.memory_space<vmem>>) dst(%dma_wait3A_84 : memref<64x64xf32, #tpu.memory_space<vmem_shared>>)
        tpu.yield
      }) : () -> ()
      %scan3A_75 = arith.constant 0 : i32
      scf.yield %scan3A_75 : i32
    }
    %scan3A_19 = arith.constant 10 : i32
    %dma_wait3A = arith.constant 0 : i32
    %dma_wait3A_20 = tpu.memref_slice %arg2[%dma_wait3A, %mul3A_2] : memref<2x320000xi32, #tpu.memory_space<hbm>> -> memref<1x10000xi32, #tpu.memory_space<hbm>>
    %dma_wait3A_21 = tpu.memref_squeeze %dma_wait3A_20 : memref<1x10000xi32, #tpu.memory_space<hbm>> -> memref<10000xi32, #tpu.memory_space<hbm>>
    %dma_wait3A_22 = tpu.memref_slice %arg2[%dma_wait3A, %mul3A_2] : memref<2x320000xi32, #tpu.memory_space<hbm>> -> memref<1x10000xi32, #tpu.memory_space<hbm>>
    %dma_wait3A_23 = tpu.memref_squeeze %dma_wait3A_22 : memref<1x10000xi32, #tpu.memory_space<hbm>> -> memref<10000xi32, #tpu.memory_space<hbm>>
    tpu.wait_dma2 semaphore(%arg28 : memref<!tpu.dma_semaphore, #tpu.memory_space<semaphore_mem>>) src(%dma_wait3A_23 : memref<10000xi32, #tpu.memory_space<hbm>>) dst(%arg5 : memref<10000xi32, #tpu.memory_space<vmem>>)
    %barrier3A = arith.constant 0 : index
    tpu.barrier barrier_id(%barrier3A)
    %scan3A_24 = arith.constant 0 : i32
    %scan3A_25 = arith.constant 0 : i32
    %scan3A_26 = arith.constant 13 : i32
    %scan3A_27 = arith.addi %scan3A_25, %scan3A_26 : i32
    %scan3A_28 = arith.constant 1 : i32
    %scan3A_29 = scf.for %scan3A_68 = %scan3A_25 to %scan3A_27 step %scan3A_28 iter_args(%scan3A_69 = %scan3A_24) -> (i32)  : i32 {
      %mul3A_70 = arith.constant 6 : i32
      %mul3A_71 = arith.muli %mul3A_70, %scan3A_68 : i32
      %add3A_72 = arith.constant 0 : i32
      %add3A_73 = arith.addi %mul3A_71, %add3A_72 : i32
      %mul3A_74 = arith.constant 128 : i32
      %mul3A_75 = arith.muli %add3A_73, %mul3A_74 : i32
      %gt3A = arith.constant 0 : i32
      %gt3A_76 = arith.cmpi sgt, %scan3A_68, %gt3A : i32
      %convert_element_type3A = arith.extui %gt3A_76 : i1 to i32
      %cond3A = arith.constant 0 : i32
      %cond3A_77 = arith.cmpi ne, %convert_element_type3A, %cond3A : i32
      scf.if %cond3A_77 {
        %dma_wait3A_266 = arith.constant 0 : i32
        %dma_wait3A_267 = arith.constant 0 : i32
        %dma_wait3A_268 = tpu.memref_slice %arg9[%dma_wait3A_266, %dma_wait3A_267] : memref<10240x64xf32, #tpu.memory_space<vmem_shared>> -> memref<10240x64xf32, #tpu.memory_space<vmem_shared>>
        tpu.wait_indirect_dma semaphore(%arg34 : memref<!tpu.dma_semaphore, #tpu.memory_space<semaphore_mem>>) src(%arg16 : memref<128x64xf32, #tpu.memory_space<vmem>>) dst(%dma_wait3A_268 : memref<10240x64xf32, #tpu.memory_space<vmem_shared>>)
      } else {
      }
      %add3A_78 = arith.addi %mul3A_2, %mul3A_75 : i32
      %dma_start3A_79 = arith.constant 1 : i32
      %dma_start3A_80 = tpu.memref_slice %arg2[%dma_start3A_79, %add3A_78] : memref<2x320000xi32, #tpu.memory_space<hbm>> -> memref<1x128xi32, #tpu.memory_space<hbm>>
      %dma_start3A_81 = tpu.memref_squeeze %dma_start3A_80 : memref<1x128xi32, #tpu.memory_space<hbm>> -> memref<128xi32, #tpu.memory_space<hbm>>
      %dma_start3A_82 = tpu.memref_slice %arg2[%dma_start3A_79, %add3A_78] : memref<2x320000xi32, #tpu.memory_space<hbm>> -> memref<1x128xi32, #tpu.memory_space<hbm>>
      %dma_start3A_83 = tpu.memref_squeeze %dma_start3A_82 : memref<1x128xi32, #tpu.memory_space<hbm>> -> memref<128xi32, #tpu.memory_space<hbm>>
      tpu.enqueue_dma source(%dma_start3A_83 : memref<128xi32, #tpu.memory_space<hbm>>) target(%arg10 : memref<128xi32, #tpu.memory_space<vmem>>) target_semaphore(%arg22 : memref<!tpu.dma_semaphore, #tpu.memory_space<semaphore_mem>>)
      %dma_start3A_84 = tpu.memref_slice %arg5[%mul3A_75] : memref<10000xi32, #tpu.memory_space<vmem>> -> memref<128xi32, #tpu.memory_space<vmem>>
      %dma_start3A_85 = arith.constant 0 : i32
      %dma_start3A_86 = arith.constant 0 : i32
      %dma_start3A_87 = tpu.memref_slice %arg3[%dma_start3A_85, %dma_start3A_86] : memref<10000x64xf32, #tpu.memory_space<hbm>> -> memref<10000x64xf32, #tpu.memory_space<hbm>>
      tpu.enqueue_indirect_dma source(%dma_start3A_87 : memref<10000x64xf32, #tpu.memory_space<hbm>>) target(%arg16 : memref<128x64xf32, #tpu.memory_space<vmem>>) offsets(%dma_start3A_84 : memref<128xi32, #tpu.memory_space<vmem>>) semaphore(%arg28 : memref<!tpu.dma_semaphore, #tpu.memory_space<semaphore_mem>>)
      %mul3A_88 = arith.constant 6 : i32
      %mul3A_89 = arith.muli %mul3A_88, %scan3A_68 : i32
      %add3A_90 = arith.constant 1 : i32
      %add3A_91 = arith.addi %mul3A_89, %add3A_90 : i32
      %mul3A_92 = arith.constant 128 : i32
      %mul3A_93 = arith.muli %add3A_91, %mul3A_92 : i32
      %gt3A_94 = arith.constant 0 : i32
      %gt3A_95 = arith.cmpi sgt, %scan3A_68, %gt3A_94 : i32
      %convert_element_type3A_96 = arith.extui %gt3A_95 : i1 to i32
      %cond3A_97 = arith.constant 0 : i32
      %cond3A_98 = arith.cmpi ne, %convert_element_type3A_96, %cond3A_97 : i32
      scf.if %cond3A_98 {
        %dma_wait3A_266 = arith.constant 0 : i32
        %dma_wait3A_267 = arith.constant 0 : i32
        %dma_wait3A_268 = tpu.memref_slice %arg9[%dma_wait3A_266, %dma_wait3A_267] : memref<10240x64xf32, #tpu.memory_space<vmem_shared>> -> memref<10240x64xf32, #tpu.memory_space<vmem_shared>>
        tpu.wait_indirect_dma semaphore(%arg35 : memref<!tpu.dma_semaphore, #tpu.memory_space<semaphore_mem>>) src(%arg17 : memref<128x64xf32, #tpu.memory_space<vmem>>) dst(%dma_wait3A_268 : memref<10240x64xf32, #tpu.memory_space<vmem_shared>>)
      } else {
      }
      %add3A_99 = arith.addi %mul3A_2, %mul3A_93 : i32
      %dma_start3A_100 = arith.constant 1 : i32
      %dma_start3A_101 = tpu.memref_slice %arg2[%dma_start3A_100, %add3A_99] : memref<2x320000xi32, #tpu.memory_space<hbm>> -> memref<1x128xi32, #tpu.memory_space<hbm>>
      %dma_start3A_102 = tpu.memref_squeeze %dma_start3A_101 : memref<1x128xi32, #tpu.memory_space<hbm>> -> memref<128xi32, #tpu.memory_space<hbm>>
      %dma_start3A_103 = tpu.memref_slice %arg2[%dma_start3A_100, %add3A_99] : memref<2x320000xi32, #tpu.memory_space<hbm>> -> memref<1x128xi32, #tpu.memory_space<hbm>>
      %dma_start3A_104 = tpu.memref_squeeze %dma_start3A_103 : memref<1x128xi32, #tpu.memory_space<hbm>> -> memref<128xi32, #tpu.memory_space<hbm>>
      tpu.enqueue_dma source(%dma_start3A_104 : memref<128xi32, #tpu.memory_space<hbm>>) target(%arg11 : memref<128xi32, #tpu.memory_space<vmem>>) target_semaphore(%arg23 : memref<!tpu.dma_semaphore, #tpu.memory_space<semaphore_mem>>)
      %dma_start3A_105 = tpu.memref_slice %arg5[%mul3A_93] : memref<10000xi32, #tpu.memory_space<vmem>> -> memref<128xi32, #tpu.memory_space<vmem>>
      %dma_start3A_106 = arith.constant 0 : i32
      %dma_start3A_107 = arith.constant 0 : i32
      %dma_start3A_108 = tpu.memref_slice %arg3[%dma_start3A_106, %dma_start3A_107] : memref<10000x64xf32, #tpu.memory_space<hbm>> -> memref<10000x64xf32, #tpu.memory_space<hbm>>
      tpu.enqueue_indirect_dma source(%dma_start3A_108 : memref<10000x64xf32, #tpu.memory_space<hbm>>) target(%arg17 : memref<128x64xf32, #tpu.memory_space<vmem>>) offsets(%dma_start3A_105 : memref<128xi32, #tpu.memory_space<vmem>>) semaphore(%arg29 : memref<!tpu.dma_semaphore, #tpu.memory_space<semaphore_mem>>)
      %mul3A_109 = arith.constant 6 : i32
      %mul3A_110 = arith.muli %mul3A_109, %scan3A_68 : i32
      %add3A_111 = arith.constant 2 : i32
      %add3A_112 = arith.addi %mul3A_110, %add3A_111 : i32
      %mul3A_113 = arith.constant 128 : i32
      %mul3A_114 = arith.muli %add3A_112, %mul3A_113 : i32
      %gt3A_115 = arith.constant 0 : i32
      %gt3A_116 = arith.cmpi sgt, %scan3A_68, %gt3A_115 : i32
      %convert_element_type3A_117 = arith.extui %gt3A_116 : i1 to i32
      %cond3A_118 = arith.constant 0 : i32
      %cond3A_119 = arith.cmpi ne, %convert_element_type3A_117, %cond3A_118 : i32
      scf.if %cond3A_119 {
        %dma_wait3A_266 = arith.constant 0 : i32
        %dma_wait3A_267 = arith.constant 0 : i32
        %dma_wait3A_268 = tpu.memref_slice %arg9[%dma_wait3A_266, %dma_wait3A_267] : memref<10240x64xf32, #tpu.memory_space<vmem_shared>> -> memref<10240x64xf32, #tpu.memory_space<vmem_shared>>
        tpu.wait_indirect_dma semaphore(%arg36 : memref<!tpu.dma_semaphore, #tpu.memory_space<semaphore_mem>>) src(%arg18 : memref<128x64xf32, #tpu.memory_space<vmem>>) dst(%dma_wait3A_268 : memref<10240x64xf32, #tpu.memory_space<vmem_shared>>)
      } else {
      }
      %add3A_120 = arith.addi %mul3A_2, %mul3A_114 : i32
      %dma_start3A_121 = arith.constant 1 : i32
      %dma_start3A_122 = tpu.memref_slice %arg2[%dma_start3A_121, %add3A_120] : memref<2x320000xi32, #tpu.memory_space<hbm>> -> memref<1x128xi32, #tpu.memory_space<hbm>>
      %dma_start3A_123 = tpu.memref_squeeze %dma_start3A_122 : memref<1x128xi32, #tpu.memory_space<hbm>> -> memref<128xi32, #tpu.memory_space<hbm>>
      %dma_start3A_124 = tpu.memref_slice %arg2[%dma_start3A_121, %add3A_120] : memref<2x320000xi32, #tpu.memory_space<hbm>> -> memref<1x128xi32, #tpu.memory_space<hbm>>
      %dma_start3A_125 = tpu.memref_squeeze %dma_start3A_124 : memref<1x128xi32, #tpu.memory_space<hbm>> -> memref<128xi32, #tpu.memory_space<hbm>>
      tpu.enqueue_dma source(%dma_start3A_125 : memref<128xi32, #tpu.memory_space<hbm>>) target(%arg12 : memref<128xi32, #tpu.memory_space<vmem>>) target_semaphore(%arg24 : memref<!tpu.dma_semaphore, #tpu.memory_space<semaphore_mem>>)
      %dma_start3A_126 = tpu.memref_slice %arg5[%mul3A_114] : memref<10000xi32, #tpu.memory_space<vmem>> -> memref<128xi32, #tpu.memory_space<vmem>>
      %dma_start3A_127 = arith.constant 0 : i32
      %dma_start3A_128 = arith.constant 0 : i32
      %dma_start3A_129 = tpu.memref_slice %arg3[%dma_start3A_127, %dma_start3A_128] : memref<10000x64xf32, #tpu.memory_space<hbm>> -> memref<10000x64xf32, #tpu.memory_space<hbm>>
      tpu.enqueue_indirect_dma source(%dma_start3A_129 : memref<10000x64xf32, #tpu.memory_space<hbm>>) target(%arg18 : memref<128x64xf32, #tpu.memory_space<vmem>>) offsets(%dma_start3A_126 : memref<128xi32, #tpu.memory_space<vmem>>) semaphore(%arg30 : memref<!tpu.dma_semaphore, #tpu.memory_space<semaphore_mem>>)
      %mul3A_130 = arith.constant 6 : i32
      %mul3A_131 = arith.muli %mul3A_130, %scan3A_68 : i32
      %add3A_132 = arith.constant 3 : i32
      %add3A_133 = arith.addi %mul3A_131, %add3A_132 : i32
      %mul3A_134 = arith.constant 128 : i32
      %mul3A_135 = arith.muli %add3A_133, %mul3A_134 : i32
      %gt3A_136 = arith.constant 0 : i32
      %gt3A_137 = arith.cmpi sgt, %scan3A_68, %gt3A_136 : i32
      %convert_element_type3A_138 = arith.extui %gt3A_137 : i1 to i32
      %cond3A_139 = arith.constant 0 : i32
      %cond3A_140 = arith.cmpi ne, %convert_element_type3A_138, %cond3A_139 : i32
      scf.if %cond3A_140 {
        %dma_wait3A_266 = arith.constant 0 : i32
        %dma_wait3A_267 = arith.constant 0 : i32
        %dma_wait3A_268 = tpu.memref_slice %arg9[%dma_wait3A_266, %dma_wait3A_267] : memref<10240x64xf32, #tpu.memory_space<vmem_shared>> -> memref<10240x64xf32, #tpu.memory_space<vmem_shared>>
        tpu.wait_indirect_dma semaphore(%arg37 : memref<!tpu.dma_semaphore, #tpu.memory_space<semaphore_mem>>) src(%arg19 : memref<128x64xf32, #tpu.memory_space<vmem>>) dst(%dma_wait3A_268 : memref<10240x64xf32, #tpu.memory_space<vmem_shared>>)
      } else {
      }
      %add3A_141 = arith.addi %mul3A_2, %mul3A_135 : i32
      %dma_start3A_142 = arith.constant 1 : i32
      %dma_start3A_143 = tpu.memref_slice %arg2[%dma_start3A_142, %add3A_141] : memref<2x320000xi32, #tpu.memory_space<hbm>> -> memref<1x128xi32, #tpu.memory_space<hbm>>
      %dma_start3A_144 = tpu.memref_squeeze %dma_start3A_143 : memref<1x128xi32, #tpu.memory_space<hbm>> -> memref<128xi32, #tpu.memory_space<hbm>>
      %dma_start3A_145 = tpu.memref_slice %arg2[%dma_start3A_142, %add3A_141] : memref<2x320000xi32, #tpu.memory_space<hbm>> -> memref<1x128xi32, #tpu.memory_space<hbm>>
      %dma_start3A_146 = tpu.memref_squeeze %dma_start3A_145 : memref<1x128xi32, #tpu.memory_space<hbm>> -> memref<128xi32, #tpu.memory_space<hbm>>
      tpu.enqueue_dma source(%dma_start3A_146 : memref<128xi32, #tpu.memory_space<hbm>>) target(%arg13 : memref<128xi32, #tpu.memory_space<vmem>>) target_semaphore(%arg25 : memref<!tpu.dma_semaphore, #tpu.memory_space<semaphore_mem>>)
      %dma_start3A_147 = tpu.memref_slice %arg5[%mul3A_135] : memref<10000xi32, #tpu.memory_space<vmem>> -> memref<128xi32, #tpu.memory_space<vmem>>
      %dma_start3A_148 = arith.constant 0 : i32
      %dma_start3A_149 = arith.constant 0 : i32
      %dma_start3A_150 = tpu.memref_slice %arg3[%dma_start3A_148, %dma_start3A_149] : memref<10000x64xf32, #tpu.memory_space<hbm>> -> memref<10000x64xf32, #tpu.memory_space<hbm>>
      tpu.enqueue_indirect_dma source(%dma_start3A_150 : memref<10000x64xf32, #tpu.memory_space<hbm>>) target(%arg19 : memref<128x64xf32, #tpu.memory_space<vmem>>) offsets(%dma_start3A_147 : memref<128xi32, #tpu.memory_space<vmem>>) semaphore(%arg31 : memref<!tpu.dma_semaphore, #tpu.memory_space<semaphore_mem>>)
      %mul3A_151 = arith.constant 6 : i32
      %mul3A_152 = arith.muli %mul3A_151, %scan3A_68 : i32
      %add3A_153 = arith.constant 4 : i32
      %add3A_154 = arith.addi %mul3A_152, %add3A_153 : i32
      %mul3A_155 = arith.constant 128 : i32
      %mul3A_156 = arith.muli %add3A_154, %mul3A_155 : i32
      %gt3A_157 = arith.constant 0 : i32
      %gt3A_158 = arith.cmpi sgt, %scan3A_68, %gt3A_157 : i32
      %convert_element_type3A_159 = arith.extui %gt3A_158 : i1 to i32
      %cond3A_160 = arith.constant 0 : i32
      %cond3A_161 = arith.cmpi ne, %convert_element_type3A_159, %cond3A_160 : i32
      scf.if %cond3A_161 {
        %dma_wait3A_266 = arith.constant 0 : i32
        %dma_wait3A_267 = arith.constant 0 : i32
        %dma_wait3A_268 = tpu.memref_slice %arg9[%dma_wait3A_266, %dma_wait3A_267] : memref<10240x64xf32, #tpu.memory_space<vmem_shared>> -> memref<10240x64xf32, #tpu.memory_space<vmem_shared>>
        tpu.wait_indirect_dma semaphore(%arg38 : memref<!tpu.dma_semaphore, #tpu.memory_space<semaphore_mem>>) src(%arg20 : memref<128x64xf32, #tpu.memory_space<vmem>>) dst(%dma_wait3A_268 : memref<10240x64xf32, #tpu.memory_space<vmem_shared>>)
      } else {
      }
      %add3A_162 = arith.addi %mul3A_2, %mul3A_156 : i32
      %dma_start3A_163 = arith.constant 1 : i32
      %dma_start3A_164 = tpu.memref_slice %arg2[%dma_start3A_163, %add3A_162] : memref<2x320000xi32, #tpu.memory_space<hbm>> -> memref<1x128xi32, #tpu.memory_space<hbm>>
      %dma_start3A_165 = tpu.memref_squeeze %dma_start3A_164 : memref<1x128xi32, #tpu.memory_space<hbm>> -> memref<128xi32, #tpu.memory_space<hbm>>
      %dma_start3A_166 = tpu.memref_slice %arg2[%dma_start3A_163, %add3A_162] : memref<2x320000xi32, #tpu.memory_space<hbm>> -> memref<1x128xi32, #tpu.memory_space<hbm>>
      %dma_start3A_167 = tpu.memref_squeeze %dma_start3A_166 : memref<1x128xi32, #tpu.memory_space<hbm>> -> memref<128xi32, #tpu.memory_space<hbm>>
      tpu.enqueue_dma source(%dma_start3A_167 : memref<128xi32, #tpu.memory_space<hbm>>) target(%arg14 : memref<128xi32, #tpu.memory_space<vmem>>) target_semaphore(%arg26 : memref<!tpu.dma_semaphore, #tpu.memory_space<semaphore_mem>>)
      %dma_start3A_168 = tpu.memref_slice %arg5[%mul3A_156] : memref<10000xi32, #tpu.memory_space<vmem>> -> memref<128xi32, #tpu.memory_space<vmem>>
      %dma_start3A_169 = arith.constant 0 : i32
      %dma_start3A_170 = arith.constant 0 : i32
      %dma_start3A_171 = tpu.memref_slice %arg3[%dma_start3A_169, %dma_start3A_170] : memref<10000x64xf32, #tpu.memory_space<hbm>> -> memref<10000x64xf32, #tpu.memory_space<hbm>>
      tpu.enqueue_indirect_dma source(%dma_start3A_171 : memref<10000x64xf32, #tpu.memory_space<hbm>>) target(%arg20 : memref<128x64xf32, #tpu.memory_space<vmem>>) offsets(%dma_start3A_168 : memref<128xi32, #tpu.memory_space<vmem>>) semaphore(%arg32 : memref<!tpu.dma_semaphore, #tpu.memory_space<semaphore_mem>>)
      %mul3A_172 = arith.constant 6 : i32
      %mul3A_173 = arith.muli %mul3A_172, %scan3A_68 : i32
      %add3A_174 = arith.constant 5 : i32
      %add3A_175 = arith.addi %mul3A_173, %add3A_174 : i32
      %mul3A_176 = arith.constant 128 : i32
      %mul3A_177 = arith.muli %add3A_175, %mul3A_176 : i32
      %gt3A_178 = arith.constant 0 : i32
      %gt3A_179 = arith.cmpi sgt, %scan3A_68, %gt3A_178 : i32
      %convert_element_type3A_180 = arith.extui %gt3A_179 : i1 to i32
      %cond3A_181 = arith.constant 0 : i32
      %cond3A_182 = arith.cmpi ne, %convert_element_type3A_180, %cond3A_181 : i32
      scf.if %cond3A_182 {
        %dma_wait3A_266 = arith.constant 0 : i32
        %dma_wait3A_267 = arith.constant 0 : i32
        %dma_wait3A_268 = tpu.memref_slice %arg9[%dma_wait3A_266, %dma_wait3A_267] : memref<10240x64xf32, #tpu.memory_space<vmem_shared>> -> memref<10240x64xf32, #tpu.memory_space<vmem_shared>>
        tpu.wait_indirect_dma semaphore(%arg39 : memref<!tpu.dma_semaphore, #tpu.memory_space<semaphore_mem>>) src(%arg21 : memref<128x64xf32, #tpu.memory_space<vmem>>) dst(%dma_wait3A_268 : memref<10240x64xf32, #tpu.memory_space<vmem_shared>>)
      } else {
      }
      %add3A_183 = arith.addi %mul3A_2, %mul3A_177 : i32
      %dma_start3A_184 = arith.constant 1 : i32
      %dma_start3A_185 = tpu.memref_slice %arg2[%dma_start3A_184, %add3A_183] : memref<2x320000xi32, #tpu.memory_space<hbm>> -> memref<1x128xi32, #tpu.memory_space<hbm>>
      %dma_start3A_186 = tpu.memref_squeeze %dma_start3A_185 : memref<1x128xi32, #tpu.memory_space<hbm>> -> memref<128xi32, #tpu.memory_space<hbm>>
      %dma_start3A_187 = tpu.memref_slice %arg2[%dma_start3A_184, %add3A_183] : memref<2x320000xi32, #tpu.memory_space<hbm>> -> memref<1x128xi32, #tpu.memory_space<hbm>>
      %dma_start3A_188 = tpu.memref_squeeze %dma_start3A_187 : memref<1x128xi32, #tpu.memory_space<hbm>> -> memref<128xi32, #tpu.memory_space<hbm>>
      tpu.enqueue_dma source(%dma_start3A_188 : memref<128xi32, #tpu.memory_space<hbm>>) target(%arg15 : memref<128xi32, #tpu.memory_space<vmem>>) target_semaphore(%arg27 : memref<!tpu.dma_semaphore, #tpu.memory_space<semaphore_mem>>)
      %dma_start3A_189 = tpu.memref_slice %arg5[%mul3A_177] : memref<10000xi32, #tpu.memory_space<vmem>> -> memref<128xi32, #tpu.memory_space<vmem>>
      %dma_start3A_190 = arith.constant 0 : i32
      %dma_start3A_191 = arith.constant 0 : i32
      %dma_start3A_192 = tpu.memref_slice %arg3[%dma_start3A_190, %dma_start3A_191] : memref<10000x64xf32, #tpu.memory_space<hbm>> -> memref<10000x64xf32, #tpu.memory_space<hbm>>
      tpu.enqueue_indirect_dma source(%dma_start3A_192 : memref<10000x64xf32, #tpu.memory_space<hbm>>) target(%arg21 : memref<128x64xf32, #tpu.memory_space<vmem>>) offsets(%dma_start3A_189 : memref<128xi32, #tpu.memory_space<vmem>>) semaphore(%arg33 : memref<!tpu.dma_semaphore, #tpu.memory_space<semaphore_mem>>)
      %dma_wait3A_193 = arith.constant 1 : i32
      %dma_wait3A_194 = tpu.memref_slice %arg2[%dma_wait3A_193, %add3A_78] : memref<2x320000xi32, #tpu.memory_space<hbm>> -> memref<1x128xi32, #tpu.memory_space<hbm>>
      %dma_wait3A_195 = tpu.memref_squeeze %dma_wait3A_194 : memref<1x128xi32, #tpu.memory_space<hbm>> -> memref<128xi32, #tpu.memory_space<hbm>>
      %dma_wait3A_196 = tpu.memref_slice %arg2[%dma_wait3A_193, %add3A_78] : memref<2x320000xi32, #tpu.memory_space<hbm>> -> memref<1x128xi32, #tpu.memory_space<hbm>>
      %dma_wait3A_197 = tpu.memref_squeeze %dma_wait3A_196 : memref<1x128xi32, #tpu.memory_space<hbm>> -> memref<128xi32, #tpu.memory_space<hbm>>
      tpu.wait_dma2 semaphore(%arg22 : memref<!tpu.dma_semaphore, #tpu.memory_space<semaphore_mem>>) src(%dma_wait3A_197 : memref<128xi32, #tpu.memory_space<hbm>>) dst(%arg10 : memref<128xi32, #tpu.memory_space<vmem>>)
      %dma_wait3A_198 = tpu.memref_slice %arg5[%mul3A_75] : memref<10000xi32, #tpu.memory_space<vmem>> -> memref<128xi32, #tpu.memory_space<vmem>>
      %dma_wait3A_199 = arith.constant 0 : i32
      %dma_wait3A_200 = arith.constant 0 : i32
      %dma_wait3A_201 = tpu.memref_slice %arg3[%dma_wait3A_199, %dma_wait3A_200] : memref<10000x64xf32, #tpu.memory_space<hbm>> -> memref<10000x64xf32, #tpu.memory_space<hbm>>
      tpu.wait_indirect_dma semaphore(%arg28 : memref<!tpu.dma_semaphore, #tpu.memory_space<semaphore_mem>>) src(%dma_wait3A_201 : memref<10000x64xf32, #tpu.memory_space<hbm>>) dst(%arg16 : memref<128x64xf32, #tpu.memory_space<vmem>>)
      %dma_start3A_202 = arith.constant 0 : i32
      %dma_start3A_203 = arith.constant 0 : i32
      %dma_start3A_204 = tpu.memref_slice %arg9[%dma_start3A_202, %dma_start3A_203] : memref<10240x64xf32, #tpu.memory_space<vmem_shared>> -> memref<10240x64xf32, #tpu.memory_space<vmem_shared>>
      tpu.enqueue_indirect_dma source(%arg16 : memref<128x64xf32, #tpu.memory_space<vmem>>) target(%dma_start3A_204 : memref<10240x64xf32, #tpu.memory_space<vmem_shared>>) offsets(%arg10 : memref<128xi32, #tpu.memory_space<vmem>>) semaphore(%arg34 : memref<!tpu.dma_semaphore, #tpu.memory_space<semaphore_mem>>) {add = true}
      %dma_wait3A_205 = arith.constant 1 : i32
      %dma_wait3A_206 = tpu.memref_slice %arg2[%dma_wait3A_205, %add3A_99] : memref<2x320000xi32, #tpu.memory_space<hbm>> -> memref<1x128xi32, #tpu.memory_space<hbm>>
      %dma_wait3A_207 = tpu.memref_squeeze %dma_wait3A_206 : memref<1x128xi32, #tpu.memory_space<hbm>> -> memref<128xi32, #tpu.memory_space<hbm>>
      %dma_wait3A_208 = tpu.memref_slice %arg2[%dma_wait3A_205, %add3A_99] : memref<2x320000xi32, #tpu.memory_space<hbm>> -> memref<1x128xi32, #tpu.memory_space<hbm>>
      %dma_wait3A_209 = tpu.memref_squeeze %dma_wait3A_208 : memref<1x128xi32, #tpu.memory_space<hbm>> -> memref<128xi32, #tpu.memory_space<hbm>>
      tpu.wait_dma2 semaphore(%arg23 : memref<!tpu.dma_semaphore, #tpu.memory_space<semaphore_mem>>) src(%dma_wait3A_209 : memref<128xi32, #tpu.memory_space<hbm>>) dst(%arg11 : memref<128xi32, #tpu.memory_space<vmem>>)
      %dma_wait3A_210 = tpu.memref_slice %arg5[%mul3A_93] : memref<10000xi32, #tpu.memory_space<vmem>> -> memref<128xi32, #tpu.memory_space<vmem>>
      %dma_wait3A_211 = arith.constant 0 : i32
      %dma_wait3A_212 = arith.constant 0 : i32
      %dma_wait3A_213 = tpu.memref_slice %arg3[%dma_wait3A_211, %dma_wait3A_212] : memref<10000x64xf32, #tpu.memory_space<hbm>> -> memref<10000x64xf32, #tpu.memory_space<hbm>>
      tpu.wait_indirect_dma semaphore(%arg29 : memref<!tpu.dma_semaphore, #tpu.memory_space<semaphore_mem>>) src(%dma_wait3A_213 : memref<10000x64xf32, #tpu.memory_space<hbm>>) dst(%arg17 : memref<128x64xf32, #tpu.memory_space<vmem>>)
      %dma_start3A_214 = arith.constant 0 : i32
      %dma_start3A_215 = arith.constant 0 : i32
      %dma_start3A_216 = tpu.memref_slice %arg9[%dma_start3A_214, %dma_start3A_215] : memref<10240x64xf32, #tpu.memory_space<vmem_shared>> -> memref<10240x64xf32, #tpu.memory_space<vmem_shared>>
      tpu.enqueue_indirect_dma source(%arg17 : memref<128x64xf32, #tpu.memory_space<vmem>>) target(%dma_start3A_216 : memref<10240x64xf32, #tpu.memory_space<vmem_shared>>) offsets(%arg11 : memref<128xi32, #tpu.memory_space<vmem>>) semaphore(%arg35 : memref<!tpu.dma_semaphore, #tpu.memory_space<semaphore_mem>>) {add = true}
      %dma_wait3A_217 = arith.constant 1 : i32
      %dma_wait3A_218 = tpu.memref_slice %arg2[%dma_wait3A_217, %add3A_120] : memref<2x320000xi32, #tpu.memory_space<hbm>> -> memref<1x128xi32, #tpu.memory_space<hbm>>
      %dma_wait3A_219 = tpu.memref_squeeze %dma_wait3A_218 : memref<1x128xi32, #tpu.memory_space<hbm>> -> memref<128xi32, #tpu.memory_space<hbm>>
      %dma_wait3A_220 = tpu.memref_slice %arg2[%dma_wait3A_217, %add3A_120] : memref<2x320000xi32, #tpu.memory_space<hbm>> -> memref<1x128xi32, #tpu.memory_space<hbm>>
      %dma_wait3A_221 = tpu.memref_squeeze %dma_wait3A_220 : memref<1x128xi32, #tpu.memory_space<hbm>> -> memref<128xi32, #tpu.memory_space<hbm>>
      tpu.wait_dma2 semaphore(%arg24 : memref<!tpu.dma_semaphore, #tpu.memory_space<semaphore_mem>>) src(%dma_wait3A_221 : memref<128xi32, #tpu.memory_space<hbm>>) dst(%arg12 : memref<128xi32, #tpu.memory_space<vmem>>)
      %dma_wait3A_222 = tpu.memref_slice %arg5[%mul3A_114] : memref<10000xi32, #tpu.memory_space<vmem>> -> memref<128xi32, #tpu.memory_space<vmem>>
      %dma_wait3A_223 = arith.constant 0 : i32
      %dma_wait3A_224 = arith.constant 0 : i32
      %dma_wait3A_225 = tpu.memref_slice %arg3[%dma_wait3A_223, %dma_wait3A_224] : memref<10000x64xf32, #tpu.memory_space<hbm>> -> memref<10000x64xf32, #tpu.memory_space<hbm>>
      tpu.wait_indirect_dma semaphore(%arg30 : memref<!tpu.dma_semaphore, #tpu.memory_space<semaphore_mem>>) src(%dma_wait3A_225 : memref<10000x64xf32, #tpu.memory_space<hbm>>) dst(%arg18 : memref<128x64xf32, #tpu.memory_space<vmem>>)
      %dma_start3A_226 = arith.constant 0 : i32
      %dma_start3A_227 = arith.constant 0 : i32
      %dma_start3A_228 = tpu.memref_slice %arg9[%dma_start3A_226, %dma_start3A_227] : memref<10240x64xf32, #tpu.memory_space<vmem_shared>> -> memref<10240x64xf32, #tpu.memory_space<vmem_shared>>
      tpu.enqueue_indirect_dma source(%arg18 : memref<128x64xf32, #tpu.memory_space<vmem>>) target(%dma_start3A_228 : memref<10240x64xf32, #tpu.memory_space<vmem_shared>>) offsets(%arg12 : memref<128xi32, #tpu.memory_space<vmem>>) semaphore(%arg36 : memref<!tpu.dma_semaphore, #tpu.memory_space<semaphore_mem>>) {add = true}
      %dma_wait3A_229 = arith.constant 1 : i32
      %dma_wait3A_230 = tpu.memref_slice %arg2[%dma_wait3A_229, %add3A_141] : memref<2x320000xi32, #tpu.memory_space<hbm>> -> memref<1x128xi32, #tpu.memory_space<hbm>>
      %dma_wait3A_231 = tpu.memref_squeeze %dma_wait3A_230 : memref<1x128xi32, #tpu.memory_space<hbm>> -> memref<128xi32, #tpu.memory_space<hbm>>
      %dma_wait3A_232 = tpu.memref_slice %arg2[%dma_wait3A_229, %add3A_141] : memref<2x320000xi32, #tpu.memory_space<hbm>> -> memref<1x128xi32, #tpu.memory_space<hbm>>
      %dma_wait3A_233 = tpu.memref_squeeze %dma_wait3A_232 : memref<1x128xi32, #tpu.memory_space<hbm>> -> memref<128xi32, #tpu.memory_space<hbm>>
      tpu.wait_dma2 semaphore(%arg25 : memref<!tpu.dma_semaphore, #tpu.memory_space<semaphore_mem>>) src(%dma_wait3A_233 : memref<128xi32, #tpu.memory_space<hbm>>) dst(%arg13 : memref<128xi32, #tpu.memory_space<vmem>>)
      %dma_wait3A_234 = tpu.memref_slice %arg5[%mul3A_135] : memref<10000xi32, #tpu.memory_space<vmem>> -> memref<128xi32, #tpu.memory_space<vmem>>
      %dma_wait3A_235 = arith.constant 0 : i32
      %dma_wait3A_236 = arith.constant 0 : i32
      %dma_wait3A_237 = tpu.memref_slice %arg3[%dma_wait3A_235, %dma_wait3A_236] : memref<10000x64xf32, #tpu.memory_space<hbm>> -> memref<10000x64xf32, #tpu.memory_space<hbm>>
      tpu.wait_indirect_dma semaphore(%arg31 : memref<!tpu.dma_semaphore, #tpu.memory_space<semaphore_mem>>) src(%dma_wait3A_237 : memref<10000x64xf32, #tpu.memory_space<hbm>>) dst(%arg19 : memref<128x64xf32, #tpu.memory_space<vmem>>)
      %dma_start3A_238 = arith.constant 0 : i32
      %dma_start3A_239 = arith.constant 0 : i32
      %dma_start3A_240 = tpu.memref_slice %arg9[%dma_start3A_238, %dma_start3A_239] : memref<10240x64xf32, #tpu.memory_space<vmem_shared>> -> memref<10240x64xf32, #tpu.memory_space<vmem_shared>>
      tpu.enqueue_indirect_dma source(%arg19 : memref<128x64xf32, #tpu.memory_space<vmem>>) target(%dma_start3A_240 : memref<10240x64xf32, #tpu.memory_space<vmem_shared>>) offsets(%arg13 : memref<128xi32, #tpu.memory_space<vmem>>) semaphore(%arg37 : memref<!tpu.dma_semaphore, #tpu.memory_space<semaphore_mem>>) {add = true}
      %dma_wait3A_241 = arith.constant 1 : i32
      %dma_wait3A_242 = tpu.memref_slice %arg2[%dma_wait3A_241, %add3A_162] : memref<2x320000xi32, #tpu.memory_space<hbm>> -> memref<1x128xi32, #tpu.memory_space<hbm>>
      %dma_wait3A_243 = tpu.memref_squeeze %dma_wait3A_242 : memref<1x128xi32, #tpu.memory_space<hbm>> -> memref<128xi32, #tpu.memory_space<hbm>>
      %dma_wait3A_244 = tpu.memref_slice %arg2[%dma_wait3A_241, %add3A_162] : memref<2x320000xi32, #tpu.memory_space<hbm>> -> memref<1x128xi32, #tpu.memory_space<hbm>>
      %dma_wait3A_245 = tpu.memref_squeeze %dma_wait3A_244 : memref<1x128xi32, #tpu.memory_space<hbm>> -> memref<128xi32, #tpu.memory_space<hbm>>
      tpu.wait_dma2 semaphore(%arg26 : memref<!tpu.dma_semaphore, #tpu.memory_space<semaphore_mem>>) src(%dma_wait3A_245 : memref<128xi32, #tpu.memory_space<hbm>>) dst(%arg14 : memref<128xi32, #tpu.memory_space<vmem>>)
      %dma_wait3A_246 = tpu.memref_slice %arg5[%mul3A_156] : memref<10000xi32, #tpu.memory_space<vmem>> -> memref<128xi32, #tpu.memory_space<vmem>>
      %dma_wait3A_247 = arith.constant 0 : i32
      %dma_wait3A_248 = arith.constant 0 : i32
      %dma_wait3A_249 = tpu.memref_slice %arg3[%dma_wait3A_247, %dma_wait3A_248] : memref<10000x64xf32, #tpu.memory_space<hbm>> -> memref<10000x64xf32, #tpu.memory_space<hbm>>
      tpu.wait_indirect_dma semaphore(%arg32 : memref<!tpu.dma_semaphore, #tpu.memory_space<semaphore_mem>>) src(%dma_wait3A_249 : memref<10000x64xf32, #tpu.memory_space<hbm>>) dst(%arg20 : memref<128x64xf32, #tpu.memory_space<vmem>>)
      %dma_start3A_250 = arith.constant 0 : i32
      %dma_start3A_251 = arith.constant 0 : i32
      %dma_start3A_252 = tpu.memref_slice %arg9[%dma_start3A_250, %dma_start3A_251] : memref<10240x64xf32, #tpu.memory_space<vmem_shared>> -> memref<10240x64xf32, #tpu.memory_space<vmem_shared>>
      tpu.enqueue_indirect_dma source(%arg20 : memref<128x64xf32, #tpu.memory_space<vmem>>) target(%dma_start3A_252 : memref<10240x64xf32, #tpu.memory_space<vmem_shared>>) offsets(%arg14 : memref<128xi32, #tpu.memory_space<vmem>>) semaphore(%arg38 : memref<!tpu.dma_semaphore, #tpu.memory_space<semaphore_mem>>) {add = true}
      %dma_wait3A_253 = arith.constant 1 : i32
      %dma_wait3A_254 = tpu.memref_slice %arg2[%dma_wait3A_253, %add3A_183] : memref<2x320000xi32, #tpu.memory_space<hbm>> -> memref<1x128xi32, #tpu.memory_space<hbm>>
      %dma_wait3A_255 = tpu.memref_squeeze %dma_wait3A_254 : memref<1x128xi32, #tpu.memory_space<hbm>> -> memref<128xi32, #tpu.memory_space<hbm>>
      %dma_wait3A_256 = tpu.memref_slice %arg2[%dma_wait3A_253, %add3A_183] : memref<2x320000xi32, #tpu.memory_space<hbm>> -> memref<1x128xi32, #tpu.memory_space<hbm>>
      %dma_wait3A_257 = tpu.memref_squeeze %dma_wait3A_256 : memref<1x128xi32, #tpu.memory_space<hbm>> -> memref<128xi32, #tpu.memory_space<hbm>>
      tpu.wait_dma2 semaphore(%arg27 : memref<!tpu.dma_semaphore, #tpu.memory_space<semaphore_mem>>) src(%dma_wait3A_257 : memref<128xi32, #tpu.memory_space<hbm>>) dst(%arg15 : memref<128xi32, #tpu.memory_space<vmem>>)
      %dma_wait3A_258 = tpu.memref_slice %arg5[%mul3A_177] : memref<10000xi32, #tpu.memory_space<vmem>> -> memref<128xi32, #tpu.memory_space<vmem>>
      %dma_wait3A_259 = arith.constant 0 : i32
      %dma_wait3A_260 = arith.constant 0 : i32
      %dma_wait3A_261 = tpu.memref_slice %arg3[%dma_wait3A_259, %dma_wait3A_260] : memref<10000x64xf32, #tpu.memory_space<hbm>> -> memref<10000x64xf32, #tpu.memory_space<hbm>>
      tpu.wait_indirect_dma semaphore(%arg33 : memref<!tpu.dma_semaphore, #tpu.memory_space<semaphore_mem>>) src(%dma_wait3A_261 : memref<10000x64xf32, #tpu.memory_space<hbm>>) dst(%arg21 : memref<128x64xf32, #tpu.memory_space<vmem>>)
      %dma_start3A_262 = arith.constant 0 : i32
      %dma_start3A_263 = arith.constant 0 : i32
      %dma_start3A_264 = tpu.memref_slice %arg9[%dma_start3A_262, %dma_start3A_263] : memref<10240x64xf32, #tpu.memory_space<vmem_shared>> -> memref<10240x64xf32, #tpu.memory_space<vmem_shared>>
      tpu.enqueue_indirect_dma source(%arg21 : memref<128x64xf32, #tpu.memory_space<vmem>>) target(%dma_start3A_264 : memref<10240x64xf32, #tpu.memory_space<vmem_shared>>) offsets(%arg15 : memref<128xi32, #tpu.memory_space<vmem>>) semaphore(%arg39 : memref<!tpu.dma_semaphore, #tpu.memory_space<semaphore_mem>>) {add = true}
      %scan3A_265 = arith.constant 0 : i32
      scf.yield %scan3A_265 : i32
    }
    %scan3A_30 = arith.constant 13 : i32
    %dma_wait3A_31 = arith.constant 0 : i32
    %dma_wait3A_32 = arith.constant 0 : i32
    %dma_wait3A_33 = tpu.memref_slice %arg9[%dma_wait3A_31, %dma_wait3A_32] : memref<10240x64xf32, #tpu.memory_space<vmem_shared>> -> memref<10240x64xf32, #tpu.memory_space<vmem_shared>>
    tpu.wait_indirect_dma semaphore(%arg34 : memref<!tpu.dma_semaphore, #tpu.memory_space<semaphore_mem>>) src(%arg16 : memref<128x64xf32, #tpu.memory_space<vmem>>) dst(%dma_wait3A_33 : memref<10240x64xf32, #tpu.memory_space<vmem_shared>>)
    %dma_wait3A_34 = arith.constant 0 : i32
    %dma_wait3A_35 = arith.constant 0 : i32
    %dma_wait3A_36 = tpu.memref_slice %arg9[%dma_wait3A_34, %dma_wait3A_35] : memref<10240x64xf32, #tpu.memory_space<vmem_shared>> -> memref<10240x64xf32, #tpu.memory_space<vmem_shared>>
    tpu.wait_indirect_dma semaphore(%arg35 : memref<!tpu.dma_semaphore, #tpu.memory_space<semaphore_mem>>) src(%arg17 : memref<128x64xf32, #tpu.memory_space<vmem>>) dst(%dma_wait3A_36 : memref<10240x64xf32, #tpu.memory_space<vmem_shared>>)
    %dma_wait3A_37 = arith.constant 0 : i32
    %dma_wait3A_38 = arith.constant 0 : i32
    %dma_wait3A_39 = tpu.memref_slice %arg9[%dma_wait3A_37, %dma_wait3A_38] : memref<10240x64xf32, #tpu.memory_space<vmem_shared>> -> memref<10240x64xf32, #tpu.memory_space<vmem_shared>>
    tpu.wait_indirect_dma semaphore(%arg36 : memref<!tpu.dma_semaphore, #tpu.memory_space<semaphore_mem>>) src(%arg18 : memref<128x64xf32, #tpu.memory_space<vmem>>) dst(%dma_wait3A_39 : memref<10240x64xf32, #tpu.memory_space<vmem_shared>>)
    %dma_wait3A_40 = arith.constant 0 : i32
    %dma_wait3A_41 = arith.constant 0 : i32
    %dma_wait3A_42 = tpu.memref_slice %arg9[%dma_wait3A_40, %dma_wait3A_41] : memref<10240x64xf32, #tpu.memory_space<vmem_shared>> -> memref<10240x64xf32, #tpu.memory_space<vmem_shared>>
    tpu.wait_indirect_dma semaphore(%arg37 : memref<!tpu.dma_semaphore, #tpu.memory_space<semaphore_mem>>) src(%arg19 : memref<128x64xf32, #tpu.memory_space<vmem>>) dst(%dma_wait3A_42 : memref<10240x64xf32, #tpu.memory_space<vmem_shared>>)
    %dma_wait3A_43 = arith.constant 0 : i32
    %dma_wait3A_44 = arith.constant 0 : i32
    %dma_wait3A_45 = tpu.memref_slice %arg9[%dma_wait3A_43, %dma_wait3A_44] : memref<10240x64xf32, #tpu.memory_space<vmem_shared>> -> memref<10240x64xf32, #tpu.memory_space<vmem_shared>>
    tpu.wait_indirect_dma semaphore(%arg38 : memref<!tpu.dma_semaphore, #tpu.memory_space<semaphore_mem>>) src(%arg20 : memref<128x64xf32, #tpu.memory_space<vmem>>) dst(%dma_wait3A_45 : memref<10240x64xf32, #tpu.memory_space<vmem_shared>>)
    %dma_wait3A_46 = arith.constant 0 : i32
    %dma_wait3A_47 = arith.constant 0 : i32
    %dma_wait3A_48 = tpu.memref_slice %arg9[%dma_wait3A_46, %dma_wait3A_47] : memref<10240x64xf32, #tpu.memory_space<vmem_shared>> -> memref<10240x64xf32, #tpu.memory_space<vmem_shared>>
    tpu.wait_indirect_dma semaphore(%arg39 : memref<!tpu.dma_semaphore, #tpu.memory_space<semaphore_mem>>) src(%arg21 : memref<128x64xf32, #tpu.memory_space<vmem>>) dst(%dma_wait3A_48 : memref<10240x64xf32, #tpu.memory_space<vmem_shared>>)
    %add3A_49 = arith.constant 9984 : i32
    %add3A_50 = arith.addi %mul3A_2, %add3A_49 : i32
    %run_scoped3A = arith.constant 1 : i32
    "tpu.region"() ({
      %run_scoped3A_68 = tpu.sem_alloc : memref<!tpu.dma_semaphore, #tpu.memory_space<semaphore_mem>>
      %dma_start3A_69 = tpu.memref_slice %arg2[%run_scoped3A, %add3A_50] : memref<2x320000xi32, #tpu.memory_space<hbm>> -> memref<1x16xi32, #tpu.memory_space<hbm>>
      %dma_start3A_70 = tpu.memref_squeeze %dma_start3A_69 : memref<1x16xi32, #tpu.memory_space<hbm>> -> memref<16xi32, #tpu.memory_space<hbm>>
      %dma_start3A_71 = tpu.memref_slice %arg2[%run_scoped3A, %add3A_50] : memref<2x320000xi32, #tpu.memory_space<hbm>> -> memref<1x16xi32, #tpu.memory_space<hbm>>
      %dma_start3A_72 = tpu.memref_squeeze %dma_start3A_71 : memref<1x16xi32, #tpu.memory_space<hbm>> -> memref<16xi32, #tpu.memory_space<hbm>>
      tpu.enqueue_dma source(%dma_start3A_72 : memref<16xi32, #tpu.memory_space<hbm>>) target(%arg6 : memref<16xi32, #tpu.memory_space<vmem>>) target_semaphore(%run_scoped3A_68 : memref<!tpu.dma_semaphore, #tpu.memory_space<semaphore_mem>>)
      %dma_wait3A_73 = tpu.memref_slice %arg2[%run_scoped3A, %add3A_50] : memref<2x320000xi32, #tpu.memory_space<hbm>> -> memref<1x16xi32, #tpu.memory_space<hbm>>
      %dma_wait3A_74 = tpu.memref_squeeze %dma_wait3A_73 : memref<1x16xi32, #tpu.memory_space<hbm>> -> memref<16xi32, #tpu.memory_space<hbm>>
      %dma_wait3A_75 = tpu.memref_slice %arg2[%run_scoped3A, %add3A_50] : memref<2x320000xi32, #tpu.memory_space<hbm>> -> memref<1x16xi32, #tpu.memory_space<hbm>>
      %dma_wait3A_76 = tpu.memref_squeeze %dma_wait3A_75 : memref<1x16xi32, #tpu.memory_space<hbm>> -> memref<16xi32, #tpu.memory_space<hbm>>
      tpu.wait_dma2 semaphore(%run_scoped3A_68 : memref<!tpu.dma_semaphore, #tpu.memory_space<semaphore_mem>>) src(%dma_wait3A_76 : memref<16xi32, #tpu.memory_space<hbm>>) dst(%arg6 : memref<16xi32, #tpu.memory_space<vmem>>)
      tpu.yield
    }) : () -> ()
    %dma_start3A_51 = arith.constant 9984 : i32
    %dma_start3A_52 = tpu.memref_slice %arg5[%dma_start3A_51] : memref<10000xi32, #tpu.memory_space<vmem>> -> memref<16xi32, #tpu.memory_space<vmem>>
    %dma_start3A_53 = arith.constant 0 : i32
    %dma_start3A_54 = arith.constant 0 : i32
    %dma_start3A_55 = tpu.memref_slice %arg3[%dma_start3A_53, %dma_start3A_54] : memref<10000x64xf32, #tpu.memory_space<hbm>> -> memref<10000x64xf32, #tpu.memory_space<hbm>>
    tpu.enqueue_indirect_dma source(%dma_start3A_55 : memref<10000x64xf32, #tpu.memory_space<hbm>>) target(%arg7 : memref<16x64xf32, #tpu.memory_space<vmem>>) offsets(%dma_start3A_52 : memref<16xi32, #tpu.memory_space<vmem>>) semaphore(%arg28 : memref<!tpu.dma_semaphore, #tpu.memory_space<semaphore_mem>>)
    %dma_wait3A_56 = arith.constant 9984 : i32
    %dma_wait3A_57 = tpu.memref_slice %arg5[%dma_wait3A_56] : memref<10000xi32, #tpu.memory_space<vmem>> -> memref<16xi32, #tpu.memory_space<vmem>>
    %dma_wait3A_58 = arith.constant 0 : i32
    %dma_wait3A_59 = arith.constant 0 : i32
    %dma_wait3A_60 = tpu.memref_slice %arg3[%dma_wait3A_58, %dma_wait3A_59] : memref<10000x64xf32, #tpu.memory_space<hbm>> -> memref<10000x64xf32, #tpu.memory_space<hbm>>
    tpu.wait_indirect_dma semaphore(%arg28 : memref<!tpu.dma_semaphore, #tpu.memory_space<semaphore_mem>>) src(%dma_wait3A_60 : memref<10000x64xf32, #tpu.memory_space<hbm>>) dst(%arg7 : memref<16x64xf32, #tpu.memory_space<vmem>>)
    "tpu.region"() ({
      %run_scoped3A_68 = tpu.sem_alloc : memref<!tpu.dma_semaphore, #tpu.memory_space<semaphore_mem>>
      %dma_start3A_69 = arith.constant 0 : i32
      %dma_start3A_70 = arith.constant 0 : i32
      %dma_start3A_71 = tpu.memref_slice %arg9[%dma_start3A_69, %dma_start3A_70] : memref<10240x64xf32, #tpu.memory_space<vmem_shared>> -> memref<10240x64xf32, #tpu.memory_space<vmem_shared>>
      tpu.enqueue_indirect_dma source(%arg7 : memref<16x64xf32, #tpu.memory_space<vmem>>) target(%dma_start3A_71 : memref<10240x64xf32, #tpu.memory_space<vmem_shared>>) offsets(%arg6 : memref<16xi32, #tpu.memory_space<vmem>>) semaphore(%run_scoped3A_68 : memref<!tpu.dma_semaphore, #tpu.memory_space<semaphore_mem>>) {add = true}
      %dma_wait3A_72 = arith.constant 0 : i32
      %dma_wait3A_73 = arith.constant 0 : i32
      %dma_wait3A_74 = tpu.memref_slice %arg9[%dma_wait3A_72, %dma_wait3A_73] : memref<10240x64xf32, #tpu.memory_space<vmem_shared>> -> memref<10240x64xf32, #tpu.memory_space<vmem_shared>>
      tpu.wait_indirect_dma semaphore(%run_scoped3A_68 : memref<!tpu.dma_semaphore, #tpu.memory_space<semaphore_mem>>) src(%arg7 : memref<16x64xf32, #tpu.memory_space<vmem>>) dst(%dma_wait3A_74 : memref<10240x64xf32, #tpu.memory_space<vmem_shared>>)
      tpu.yield
    }) : () -> ()
    %barrier3A_61 = arith.constant 0 : index
    tpu.barrier barrier_id(%barrier3A_61)
    %mul3A_62 = arith.constant 640 : i32
    %mul3A_63 = arith.muli %arg1, %mul3A_62 : i32
    %mul3A_64 = arith.constant 640 : i32
    %mul3A_65 = arith.muli %arg1, %mul3A_64 : i32
    %mul3A_66 = arith.constant 64 : i32
    %mul3A_67 = arith.muli %arg0, %mul3A_66 : i32
    "tpu.region"() ({
      %run_scoped3A_68 = tpu.sem_alloc : memref<!tpu.dma_semaphore, #tpu.memory_space<semaphore_mem>>
      %dma_start3A_69 = tpu.memref_slice %arg4[%mul3A_65, %mul3A_67] : memref<10240x128xf32, #tpu.memory_space<hbm>> -> memref<640x64xf32, #tpu.memory_space<hbm>>
      %dma_start3A_70 = arith.constant 0 : i32
      %dma_start3A_71 = tpu.memref_slice %arg9[%mul3A_63, %dma_start3A_70] : memref<10240x64xf32, #tpu.memory_space<vmem_shared>> -> memref<640x64xf32, #tpu.memory_space<vmem_shared>>
      tpu.enqueue_dma source(%dma_start3A_71 : memref<640x64xf32, #tpu.memory_space<vmem_shared>>) target(%dma_start3A_69 : memref<640x64xf32, #tpu.memory_space<hbm>>) target_semaphore(%run_scoped3A_68 : memref<!tpu.dma_semaphore, #tpu.memory_space<semaphore_mem>>)
      %dma_wait3A_72 = tpu.memref_slice %arg4[%mul3A_65, %mul3A_67] : memref<10240x128xf32, #tpu.memory_space<hbm>> -> memref<640x64xf32, #tpu.memory_space<hbm>>
      %dma_wait3A_73 = arith.constant 0 : i32
      %dma_wait3A_74 = tpu.memref_slice %arg9[%mul3A_63, %dma_wait3A_73] : memref<10240x64xf32, #tpu.memory_space<vmem_shared>> -> memref<640x64xf32, #tpu.memory_space<vmem_shared>>
      tpu.wait_dma2 semaphore(%run_scoped3A_68 : memref<!tpu.dma_semaphore, #tpu.memory_space<semaphore_mem>>) src(%dma_wait3A_74 : memref<640x64xf32, #tpu.memory_space<vmem_shared>>) dst(%dma_wait3A_72 : memref<640x64xf32, #tpu.memory_space<hbm>>)
      tpu.yield
    }) : () -> ()
    return
  }
}

#map = affine_map<(d0, d1) -> (0, 0)>
#map1 = affine_map<(d0, d1) -> (0, 0, 0)>
module attributes {stable_mosaic.version = 14 : i64} {
  func.func @body(%arg0: i32, %arg1: i32, %arg2: memref<2x320000xi32, #tpu.memory_space<hbm>>, %arg3: memref<2x2x10240xf32, #tpu.memory_space<hbm>>, %arg4: memref<16xi32, #tpu.memory_space<vmem>>, %arg5: memref<16xi32, #tpu.memory_space<vmem>>, %arg6: memref<128xf32, #tpu.memory_space<vmem>>, %arg7: memref<16xf32, #tpu.memory_space<vmem>>, %arg8: memref<640xf32, #tpu.memory_space<vmem>>, %arg9: memref<10240xf32, #tpu.memory_space<vmem_shared>>, %arg10: memref<10240xf32, #tpu.memory_space<vmem_shared>>, %arg11: memref<128xi32, #tpu.memory_space<vmem>>, %arg12: memref<128xi32, #tpu.memory_space<vmem>>, %arg13: memref<128xi32, #tpu.memory_space<vmem>>, %arg14: memref<128xi32, #tpu.memory_space<vmem>>, %arg15: memref<128xi32, #tpu.memory_space<vmem>>, %arg16: memref<128xi32, #tpu.memory_space<vmem>>, %arg17: memref<128xi32, #tpu.memory_space<vmem>>, %arg18: memref<128xi32, #tpu.memory_space<vmem>>, %arg19: memref<128xi32, #tpu.memory_space<vmem>>, %arg20: memref<128xi32, #tpu.memory_space<vmem>>, %arg21: memref<128xi32, #tpu.memory_space<vmem>>, %arg22: memref<128xi32, #tpu.memory_space<vmem>>, %arg23: memref<!tpu.dma_semaphore, #tpu.memory_space<semaphore_mem>>, %arg24: memref<!tpu.dma_semaphore, #tpu.memory_space<semaphore_mem>>, %arg25: memref<!tpu.dma_semaphore, #tpu.memory_space<semaphore_mem>>, %arg26: memref<!tpu.dma_semaphore, #tpu.memory_space<semaphore_mem>>, %arg27: memref<!tpu.dma_semaphore, #tpu.memory_space<semaphore_mem>>, %arg28: memref<!tpu.dma_semaphore, #tpu.memory_space<semaphore_mem>>, %arg29: memref<!tpu.dma_semaphore, #tpu.memory_space<semaphore_mem>>, %arg30: memref<!tpu.dma_semaphore, #tpu.memory_space<semaphore_mem>>, %arg31: memref<!tpu.dma_semaphore, #tpu.memory_space<semaphore_mem>>, %arg32: memref<!tpu.dma_semaphore, #tpu.memory_space<semaphore_mem>>, %arg33: memref<!tpu.dma_semaphore, #tpu.memory_space<semaphore_mem>>, %arg34: memref<!tpu.dma_semaphore, #tpu.memory_space<semaphore_mem>>, %arg35: memref<!tpu.dma_semaphore, #tpu.memory_space<semaphore_mem>>, %arg36: memref<!tpu.dma_semaphore, #tpu.memory_space<semaphore_mem>>, %arg37: memref<!tpu.dma_semaphore, #tpu.memory_space<semaphore_mem>>, %arg38: memref<!tpu.dma_semaphore, #tpu.memory_space<semaphore_mem>>, %arg39: memref<!tpu.dma_semaphore, #tpu.memory_space<semaphore_mem>>, %arg40: memref<!tpu.dma_semaphore, #tpu.memory_space<semaphore_mem>>, %arg41: memref<!tpu.dma_semaphore, #tpu.memory_space<semaphore_mem>>, %arg42: memref<!tpu.dma_semaphore, #tpu.memory_space<semaphore_mem>>, %arg43: memref<!tpu.dma_semaphore, #tpu.memory_space<semaphore_mem>>, %arg44: memref<!tpu.dma_semaphore, #tpu.memory_space<semaphore_mem>>, %arg45: memref<!tpu.dma_semaphore, #tpu.memory_space<semaphore_mem>>, %arg46: memref<!tpu.dma_semaphore, #tpu.memory_space<semaphore_mem>>) attributes {dimension_semantics = [#tpu.dimension_semantics<core_parallel>, #tpu.dimension_semantics<subcore_parallel>], iteration_bounds = array<i64: 2, 16>, scalar_prefetch = 0 : i64, scratch_operands = 43 : i64, tpu.core_type = #tpu.core_type<sc_vector_subcore>, window_params = [{transform_indices = #map}, {transform_indices = #map1}]} {
    %mul3A = arith.constant 16 : i32
    %mul3A_0 = arith.muli %arg0, %mul3A : i32
    %add3A = arith.addi %mul3A_0, %arg1 : i32
    %mul3A_1 = arith.constant 10000 : i32
    %mul3A_2 = arith.muli %add3A, %mul3A_1 : i32
    %scan3A = arith.constant 0 : i32
    %scan3A_3 = arith.constant 0 : i32
    %scan3A_4 = arith.constant 40 : i32
    %scan3A_5 = arith.addi %scan3A_3, %scan3A_4 : i32
    %scan3A_6 = arith.constant 1 : i32
    %scan3A_7 = scf.for %scan3A_74 = %scan3A_3 to %scan3A_5 step %scan3A_6 iter_args(%scan3A_75 = %scan3A) -> (i32)  : i32 {
      %broadcast_in_dim3A_76 = arith.constant 0.000000e+00 : f32
      %broadcast_in_dim3A_77 = vector.broadcast %broadcast_in_dim3A_76 : f32 to vector<16xf32>
      %mul3A_78 = arith.constant 16 : i32
      %mul3A_79 = arith.muli %scan3A_74, %mul3A_78 : i32
      %swap3A_80 = arith.index_cast %mul3A_79 : i32 to index
      %swap3A_81 = tpu.vector_load %arg8[%swap3A_80] {strides = array<i32>} : memref<640xf32, #tpu.memory_space<vmem>>, vector<16xf32>,
      %swap3A_82 = vector.shape_cast %swap3A_81 : vector<16xf32> to vector<16xf32>
      %swap3A_83 = vector.shape_cast %broadcast_in_dim3A_77 : vector<16xf32> to vector<16xf32>
      tpu.vector_store %arg8[%swap3A_80], %swap3A_83 {strides = array<i32>} : memref<640xf32, #tpu.memory_space<vmem>>, vector<16xf32>,
      %scan3A_84 = arith.constant 0 : i32
      scf.yield %scan3A_84 : i32
    }
    %scan3A_8 = arith.constant 40 : i32
    %scan3A_9 = arith.constant 0 : i32
    %scan3A_10 = arith.constant 0 : i32
    %scan3A_11 = arith.constant 8 : i32
    %scan3A_12 = arith.addi %scan3A_10, %scan3A_11 : i32
    %scan3A_13 = arith.constant 1 : i32
    %scan3A_14 = scf.for %scan3A_74 = %scan3A_10 to %scan3A_12 step %scan3A_13 iter_args(%scan3A_75 = %scan3A_9) -> (i32)  : i32 {
      %broadcast_in_dim3A_76 = arith.constant 1.000000e+00 : f32
      %broadcast_in_dim3A_77 = vector.broadcast %broadcast_in_dim3A_76 : f32 to vector<16xf32>
      %mul3A_78 = arith.constant 16 : i32
      %mul3A_79 = arith.muli %scan3A_74, %mul3A_78 : i32
      %swap3A_80 = arith.index_cast %mul3A_79 : i32 to index
      %swap3A_81 = tpu.vector_load %arg6[%swap3A_80] {strides = array<i32>} : memref<128xf32, #tpu.memory_space<vmem>>, vector<16xf32>,
      %swap3A_82 = vector.shape_cast %swap3A_81 : vector<16xf32> to vector<16xf32>
      %swap3A_83 = vector.shape_cast %broadcast_in_dim3A_77 : vector<16xf32> to vector<16xf32>
      tpu.vector_store %arg6[%swap3A_80], %swap3A_83 {strides = array<i32>} : memref<128xf32, #tpu.memory_space<vmem>>, vector<16xf32>,
      %scan3A_84 = arith.constant 0 : i32
      scf.yield %scan3A_84 : i32
    }
    %scan3A_15 = arith.constant 8 : i32
    %scan3A_16 = arith.constant 0 : i32
    %scan3A_17 = arith.constant 0 : i32
    %broadcast_in_dim3A = arith.constant 1.000000e+00 : f32
    %broadcast_in_dim3A_18 = vector.broadcast %broadcast_in_dim3A : f32 to vector<16xf32>
    %mul3A_19 = arith.constant 16 : i32
    %mul3A_20 = arith.muli %scan3A_17, %mul3A_19 : i32
    %swap3A = arith.index_cast %mul3A_20 : i32 to index
    %swap3A_21 = tpu.vector_load %arg7[%swap3A] {strides = array<i32>} : memref<16xf32, #tpu.memory_space<vmem>>, vector<16xf32>,
    %swap3A_22 = vector.shape_cast %swap3A_21 : vector<16xf32> to vector<16xf32>
    %swap3A_23 = vector.shape_cast %broadcast_in_dim3A_18 : vector<16xf32> to vector<16xf32>
    tpu.vector_store %arg7[%swap3A], %swap3A_23 {strides = array<i32>} : memref<16xf32, #tpu.memory_space<vmem>>, vector<16xf32>,
    %scan3A_24 = arith.constant 0 : i32
    %scan3A_25 = arith.constant 1 : i32
    %mul3A_26 = arith.constant 640 : i32
    %mul3A_27 = arith.muli %arg1, %mul3A_26 : i32
    "tpu.region"() ({
      %run_scoped3A_74 = tpu.sem_alloc : memref<!tpu.dma_semaphore, #tpu.memory_space<semaphore_mem>>
      %dma_start3A = tpu.memref_slice %arg9[%mul3A_27] : memref<10240xf32, #tpu.memory_space<vmem_shared>> -> memref<640xf32, #tpu.memory_space<vmem_shared>>
      %dma_start3A_75 = tpu.memref_slice %arg9[%mul3A_27] : memref<10240xf32, #tpu.memory_space<vmem_shared>> -> memref<640xf32, #tpu.memory_space<vmem_shared>>
      tpu.enqueue_dma source(%arg8 : memref<640xf32, #tpu.memory_space<vmem>>) target(%dma_start3A_75 : memref<640xf32, #tpu.memory_space<vmem_shared>>) target_semaphore(%run_scoped3A_74 : memref<!tpu.dma_semaphore, #tpu.memory_space<semaphore_mem>>)
      %dma_wait3A_76 = tpu.memref_slice %arg9[%mul3A_27] : memref<10240xf32, #tpu.memory_space<vmem_shared>> -> memref<640xf32, #tpu.memory_space<vmem_shared>>
      %dma_wait3A_77 = tpu.memref_slice %arg9[%mul3A_27] : memref<10240xf32, #tpu.memory_space<vmem_shared>> -> memref<640xf32, #tpu.memory_space<vmem_shared>>
      tpu.wait_dma2 semaphore(%run_scoped3A_74 : memref<!tpu.dma_semaphore, #tpu.memory_space<semaphore_mem>>) src(%arg8 : memref<640xf32, #tpu.memory_space<vmem>>) dst(%dma_wait3A_77 : memref<640xf32, #tpu.memory_space<vmem_shared>>)
      tpu.yield
    }) : () -> ()
    %mul3A_28 = arith.constant 640 : i32
    %mul3A_29 = arith.muli %arg1, %mul3A_28 : i32
    "tpu.region"() ({
      %run_scoped3A_74 = tpu.sem_alloc : memref<!tpu.dma_semaphore, #tpu.memory_space<semaphore_mem>>
      %dma_start3A = tpu.memref_slice %arg10[%mul3A_29] : memref<10240xf32, #tpu.memory_space<vmem_shared>> -> memref<640xf32, #tpu.memory_space<vmem_shared>>
      %dma_start3A_75 = tpu.memref_slice %arg10[%mul3A_29] : memref<10240xf32, #tpu.memory_space<vmem_shared>> -> memref<640xf32, #tpu.memory_space<vmem_shared>>
      tpu.enqueue_dma source(%arg8 : memref<640xf32, #tpu.memory_space<vmem>>) target(%dma_start3A_75 : memref<640xf32, #tpu.memory_space<vmem_shared>>) target_semaphore(%run_scoped3A_74 : memref<!tpu.dma_semaphore, #tpu.memory_space<semaphore_mem>>)
      %dma_wait3A_76 = tpu.memref_slice %arg10[%mul3A_29] : memref<10240xf32, #tpu.memory_space<vmem_shared>> -> memref<640xf32, #tpu.memory_space<vmem_shared>>
      %dma_wait3A_77 = tpu.memref_slice %arg10[%mul3A_29] : memref<10240xf32, #tpu.memory_space<vmem_shared>> -> memref<640xf32, #tpu.memory_space<vmem_shared>>
      tpu.wait_dma2 semaphore(%run_scoped3A_74 : memref<!tpu.dma_semaphore, #tpu.memory_space<semaphore_mem>>) src(%arg8 : memref<640xf32, #tpu.memory_space<vmem>>) dst(%dma_wait3A_77 : memref<640xf32, #tpu.memory_space<vmem_shared>>)
      tpu.yield
    }) : () -> ()
    %barrier3A = arith.constant 0 : index
    tpu.barrier barrier_id(%barrier3A)
    %scan3A_30 = arith.constant 0 : i32
    %scan3A_31 = arith.constant 0 : i32
    %scan3A_32 = arith.constant 13 : i32
    %scan3A_33 = arith.addi %scan3A_31, %scan3A_32 : i32
    %scan3A_34 = arith.constant 1 : i32
    %scan3A_35 = scf.for %scan3A_74 = %scan3A_31 to %scan3A_33 step %scan3A_34 iter_args(%scan3A_75 = %scan3A_30) -> (i32)  : i32 {
      %mul3A_76 = arith.constant 6 : i32
      %mul3A_77 = arith.muli %mul3A_76, %scan3A_74 : i32
      %add3A_78 = arith.constant 0 : i32
      %add3A_79 = arith.addi %mul3A_77, %add3A_78 : i32
      %mul3A_80 = arith.constant 128 : i32
      %mul3A_81 = arith.muli %add3A_79, %mul3A_80 : i32
      %add3A_82 = arith.addi %mul3A_2, %mul3A_81 : i32
      %gt3A = arith.constant 0 : i32
      %gt3A_83 = arith.cmpi sgt, %scan3A_74, %gt3A : i32
      %convert_element_type3A = arith.extui %gt3A_83 : i1 to i32
      %cond3A = arith.constant 0 : i32
      %cond3A_84 = arith.cmpi ne, %convert_element_type3A, %cond3A : i32
      scf.if %cond3A_84 {
        %dma_wait3A_289 = arith.constant 0 : i32
        %dma_wait3A_290 = tpu.memref_slice %arg10[%dma_wait3A_289] : memref<10240xf32, #tpu.memory_space<vmem_shared>> -> memref<10240xf32, #tpu.memory_space<vmem_shared>>
        tpu.wait_indirect_dma semaphore(%arg35 : memref<!tpu.dma_semaphore, #tpu.memory_space<semaphore_mem>>) src(%arg6 : memref<128xf32, #tpu.memory_space<vmem>>) dst(%dma_wait3A_290 : memref<10240xf32, #tpu.memory_space<vmem_shared>>)
        %dma_wait3A_291 = arith.constant 0 : i32
        %dma_wait3A_292 = tpu.memref_slice %arg9[%dma_wait3A_291] : memref<10240xf32, #tpu.memory_space<vmem_shared>> -> memref<10240xf32, #tpu.memory_space<vmem_shared>>
        tpu.wait_indirect_dma semaphore(%arg41 : memref<!tpu.dma_semaphore, #tpu.memory_space<semaphore_mem>>) src(%arg6 : memref<128xf32, #tpu.memory_space<vmem>>) dst(%dma_wait3A_292 : memref<10240xf32, #tpu.memory_space<vmem_shared>>)
      } else {
      }
      %dma_start3A = arith.constant 0 : i32
      %dma_start3A_85 = tpu.memref_slice %arg2[%dma_start3A, %add3A_82] : memref<2x320000xi32, #tpu.memory_space<hbm>> -> memref<1x128xi32, #tpu.memory_space<hbm>>
      %dma_start3A_86 = tpu.memref_squeeze %dma_start3A_85 : memref<1x128xi32, #tpu.memory_space<hbm>> -> memref<128xi32, #tpu.memory_space<hbm>>
      %dma_start3A_87 = tpu.memref_slice %arg2[%dma_start3A, %add3A_82] : memref<2x320000xi32, #tpu.memory_space<hbm>> -> memref<1x128xi32, #tpu.memory_space<hbm>>
      %dma_start3A_88 = tpu.memref_squeeze %dma_start3A_87 : memref<1x128xi32, #tpu.memory_space<hbm>> -> memref<128xi32, #tpu.memory_space<hbm>>
      tpu.enqueue_dma source(%dma_start3A_88 : memref<128xi32, #tpu.memory_space<hbm>>) target(%arg11 : memref<128xi32, #tpu.memory_space<vmem>>) target_semaphore(%arg23 : memref<!tpu.dma_semaphore, #tpu.memory_space<semaphore_mem>>)
      %dma_start3A_89 = arith.constant 1 : i32
      %dma_start3A_90 = tpu.memref_slice %arg2[%dma_start3A_89, %add3A_82] : memref<2x320000xi32, #tpu.memory_space<hbm>> -> memref<1x128xi32, #tpu.memory_space<hbm>>
      %dma_start3A_91 = tpu.memref_squeeze %dma_start3A_90 : memref<1x128xi32, #tpu.memory_space<hbm>> -> memref<128xi32, #tpu.memory_space<hbm>>
      %dma_start3A_92 = tpu.memref_slice %arg2[%dma_start3A_89, %add3A_82] : memref<2x320000xi32, #tpu.memory_space<hbm>> -> memref<1x128xi32, #tpu.memory_space<hbm>>
      %dma_start3A_93 = tpu.memref_squeeze %dma_start3A_92 : memref<1x128xi32, #tpu.memory_space<hbm>> -> memref<128xi32, #tpu.memory_space<hbm>>
      tpu.enqueue_dma source(%dma_start3A_93 : memref<128xi32, #tpu.memory_space<hbm>>) target(%arg17 : memref<128xi32, #tpu.memory_space<vmem>>) target_semaphore(%arg29 : memref<!tpu.dma_semaphore, #tpu.memory_space<semaphore_mem>>)
      %mul3A_94 = arith.constant 6 : i32
      %mul3A_95 = arith.muli %mul3A_94, %scan3A_74 : i32
      %add3A_96 = arith.constant 1 : i32
      %add3A_97 = arith.addi %mul3A_95, %add3A_96 : i32
      %mul3A_98 = arith.constant 128 : i32
      %mul3A_99 = arith.muli %add3A_97, %mul3A_98 : i32
      %add3A_100 = arith.addi %mul3A_2, %mul3A_99 : i32
      %gt3A_101 = arith.constant 0 : i32
      %gt3A_102 = arith.cmpi sgt, %scan3A_74, %gt3A_101 : i32
      %convert_element_type3A_103 = arith.extui %gt3A_102 : i1 to i32
      %cond3A_104 = arith.constant 0 : i32
      %cond3A_105 = arith.cmpi ne, %convert_element_type3A_103, %cond3A_104 : i32
      scf.if %cond3A_105 {
        %dma_wait3A_289 = arith.constant 0 : i32
        %dma_wait3A_290 = tpu.memref_slice %arg10[%dma_wait3A_289] : memref<10240xf32, #tpu.memory_space<vmem_shared>> -> memref<10240xf32, #tpu.memory_space<vmem_shared>>
        tpu.wait_indirect_dma semaphore(%arg36 : memref<!tpu.dma_semaphore, #tpu.memory_space<semaphore_mem>>) src(%arg6 : memref<128xf32, #tpu.memory_space<vmem>>) dst(%dma_wait3A_290 : memref<10240xf32, #tpu.memory_space<vmem_shared>>)
        %dma_wait3A_291 = arith.constant 0 : i32
        %dma_wait3A_292 = tpu.memref_slice %arg9[%dma_wait3A_291] : memref<10240xf32, #tpu.memory_space<vmem_shared>> -> memref<10240xf32, #tpu.memory_space<vmem_shared>>
        tpu.wait_indirect_dma semaphore(%arg42 : memref<!tpu.dma_semaphore, #tpu.memory_space<semaphore_mem>>) src(%arg6 : memref<128xf32, #tpu.memory_space<vmem>>) dst(%dma_wait3A_292 : memref<10240xf32, #tpu.memory_space<vmem_shared>>)
      } else {
      }
      %dma_start3A_106 = arith.constant 0 : i32
      %dma_start3A_107 = tpu.memref_slice %arg2[%dma_start3A_106, %add3A_100] : memref<2x320000xi32, #tpu.memory_space<hbm>> -> memref<1x128xi32, #tpu.memory_space<hbm>>
      %dma_start3A_108 = tpu.memref_squeeze %dma_start3A_107 : memref<1x128xi32, #tpu.memory_space<hbm>> -> memref<128xi32, #tpu.memory_space<hbm>>
      %dma_start3A_109 = tpu.memref_slice %arg2[%dma_start3A_106, %add3A_100] : memref<2x320000xi32, #tpu.memory_space<hbm>> -> memref<1x128xi32, #tpu.memory_space<hbm>>
      %dma_start3A_110 = tpu.memref_squeeze %dma_start3A_109 : memref<1x128xi32, #tpu.memory_space<hbm>> -> memref<128xi32, #tpu.memory_space<hbm>>
      tpu.enqueue_dma source(%dma_start3A_110 : memref<128xi32, #tpu.memory_space<hbm>>) target(%arg12 : memref<128xi32, #tpu.memory_space<vmem>>) target_semaphore(%arg24 : memref<!tpu.dma_semaphore, #tpu.memory_space<semaphore_mem>>)
      %dma_start3A_111 = arith.constant 1 : i32
      %dma_start3A_112 = tpu.memref_slice %arg2[%dma_start3A_111, %add3A_100] : memref<2x320000xi32, #tpu.memory_space<hbm>> -> memref<1x128xi32, #tpu.memory_space<hbm>>
      %dma_start3A_113 = tpu.memref_squeeze %dma_start3A_112 : memref<1x128xi32, #tpu.memory_space<hbm>> -> memref<128xi32, #tpu.memory_space<hbm>>
      %dma_start3A_114 = tpu.memref_slice %arg2[%dma_start3A_111, %add3A_100] : memref<2x320000xi32, #tpu.memory_space<hbm>> -> memref<1x128xi32, #tpu.memory_space<hbm>>
      %dma_start3A_115 = tpu.memref_squeeze %dma_start3A_114 : memref<1x128xi32, #tpu.memory_space<hbm>> -> memref<128xi32, #tpu.memory_space<hbm>>
      tpu.enqueue_dma source(%dma_start3A_115 : memref<128xi32, #tpu.memory_space<hbm>>) target(%arg18 : memref<128xi32, #tpu.memory_space<vmem>>) target_semaphore(%arg30 : memref<!tpu.dma_semaphore, #tpu.memory_space<semaphore_mem>>)
      %mul3A_116 = arith.constant 6 : i32
      %mul3A_117 = arith.muli %mul3A_116, %scan3A_74 : i32
      %add3A_118 = arith.constant 2 : i32
      %add3A_119 = arith.addi %mul3A_117, %add3A_118 : i32
      %mul3A_120 = arith.constant 128 : i32
      %mul3A_121 = arith.muli %add3A_119, %mul3A_120 : i32
      %add3A_122 = arith.addi %mul3A_2, %mul3A_121 : i32
      %gt3A_123 = arith.constant 0 : i32
      %gt3A_124 = arith.cmpi sgt, %scan3A_74, %gt3A_123 : i32
      %convert_element_type3A_125 = arith.extui %gt3A_124 : i1 to i32
      %cond3A_126 = arith.constant 0 : i32
      %cond3A_127 = arith.cmpi ne, %convert_element_type3A_125, %cond3A_126 : i32
      scf.if %cond3A_127 {
        %dma_wait3A_289 = arith.constant 0 : i32
        %dma_wait3A_290 = tpu.memref_slice %arg10[%dma_wait3A_289] : memref<10240xf32, #tpu.memory_space<vmem_shared>> -> memref<10240xf32, #tpu.memory_space<vmem_shared>>
        tpu.wait_indirect_dma semaphore(%arg37 : memref<!tpu.dma_semaphore, #tpu.memory_space<semaphore_mem>>) src(%arg6 : memref<128xf32, #tpu.memory_space<vmem>>) dst(%dma_wait3A_290 : memref<10240xf32, #tpu.memory_space<vmem_shared>>)
        %dma_wait3A_291 = arith.constant 0 : i32
        %dma_wait3A_292 = tpu.memref_slice %arg9[%dma_wait3A_291] : memref<10240xf32, #tpu.memory_space<vmem_shared>> -> memref<10240xf32, #tpu.memory_space<vmem_shared>>
        tpu.wait_indirect_dma semaphore(%arg43 : memref<!tpu.dma_semaphore, #tpu.memory_space<semaphore_mem>>) src(%arg6 : memref<128xf32, #tpu.memory_space<vmem>>) dst(%dma_wait3A_292 : memref<10240xf32, #tpu.memory_space<vmem_shared>>)
      } else {
      }
      %dma_start3A_128 = arith.constant 0 : i32
      %dma_start3A_129 = tpu.memref_slice %arg2[%dma_start3A_128, %add3A_122] : memref<2x320000xi32, #tpu.memory_space<hbm>> -> memref<1x128xi32, #tpu.memory_space<hbm>>
      %dma_start3A_130 = tpu.memref_squeeze %dma_start3A_129 : memref<1x128xi32, #tpu.memory_space<hbm>> -> memref<128xi32, #tpu.memory_space<hbm>>
      %dma_start3A_131 = tpu.memref_slice %arg2[%dma_start3A_128, %add3A_122] : memref<2x320000xi32, #tpu.memory_space<hbm>> -> memref<1x128xi32, #tpu.memory_space<hbm>>
      %dma_start3A_132 = tpu.memref_squeeze %dma_start3A_131 : memref<1x128xi32, #tpu.memory_space<hbm>> -> memref<128xi32, #tpu.memory_space<hbm>>
      tpu.enqueue_dma source(%dma_start3A_132 : memref<128xi32, #tpu.memory_space<hbm>>) target(%arg13 : memref<128xi32, #tpu.memory_space<vmem>>) target_semaphore(%arg25 : memref<!tpu.dma_semaphore, #tpu.memory_space<semaphore_mem>>)
      %dma_start3A_133 = arith.constant 1 : i32
      %dma_start3A_134 = tpu.memref_slice %arg2[%dma_start3A_133, %add3A_122] : memref<2x320000xi32, #tpu.memory_space<hbm>> -> memref<1x128xi32, #tpu.memory_space<hbm>>
      %dma_start3A_135 = tpu.memref_squeeze %dma_start3A_134 : memref<1x128xi32, #tpu.memory_space<hbm>> -> memref<128xi32, #tpu.memory_space<hbm>>
      %dma_start3A_136 = tpu.memref_slice %arg2[%dma_start3A_133, %add3A_122] : memref<2x320000xi32, #tpu.memory_space<hbm>> -> memref<1x128xi32, #tpu.memory_space<hbm>>
      %dma_start3A_137 = tpu.memref_squeeze %dma_start3A_136 : memref<1x128xi32, #tpu.memory_space<hbm>> -> memref<128xi32, #tpu.memory_space<hbm>>
      tpu.enqueue_dma source(%dma_start3A_137 : memref<128xi32, #tpu.memory_space<hbm>>) target(%arg19 : memref<128xi32, #tpu.memory_space<vmem>>) target_semaphore(%arg31 : memref<!tpu.dma_semaphore, #tpu.memory_space<semaphore_mem>>)
      %mul3A_138 = arith.constant 6 : i32
      %mul3A_139 = arith.muli %mul3A_138, %scan3A_74 : i32
      %add3A_140 = arith.constant 3 : i32
      %add3A_141 = arith.addi %mul3A_139, %add3A_140 : i32
      %mul3A_142 = arith.constant 128 : i32
      %mul3A_143 = arith.muli %add3A_141, %mul3A_142 : i32
      %add3A_144 = arith.addi %mul3A_2, %mul3A_143 : i32
      %gt3A_145 = arith.constant 0 : i32
      %gt3A_146 = arith.cmpi sgt, %scan3A_74, %gt3A_145 : i32
      %convert_element_type3A_147 = arith.extui %gt3A_146 : i1 to i32
      %cond3A_148 = arith.constant 0 : i32
      %cond3A_149 = arith.cmpi ne, %convert_element_type3A_147, %cond3A_148 : i32
      scf.if %cond3A_149 {
        %dma_wait3A_289 = arith.constant 0 : i32
        %dma_wait3A_290 = tpu.memref_slice %arg10[%dma_wait3A_289] : memref<10240xf32, #tpu.memory_space<vmem_shared>> -> memref<10240xf32, #tpu.memory_space<vmem_shared>>
        tpu.wait_indirect_dma semaphore(%arg38 : memref<!tpu.dma_semaphore, #tpu.memory_space<semaphore_mem>>) src(%arg6 : memref<128xf32, #tpu.memory_space<vmem>>) dst(%dma_wait3A_290 : memref<10240xf32, #tpu.memory_space<vmem_shared>>)
        %dma_wait3A_291 = arith.constant 0 : i32
        %dma_wait3A_292 = tpu.memref_slice %arg9[%dma_wait3A_291] : memref<10240xf32, #tpu.memory_space<vmem_shared>> -> memref<10240xf32, #tpu.memory_space<vmem_shared>>
        tpu.wait_indirect_dma semaphore(%arg44 : memref<!tpu.dma_semaphore, #tpu.memory_space<semaphore_mem>>) src(%arg6 : memref<128xf32, #tpu.memory_space<vmem>>) dst(%dma_wait3A_292 : memref<10240xf32, #tpu.memory_space<vmem_shared>>)
      } else {
      }
      %dma_start3A_150 = arith.constant 0 : i32
      %dma_start3A_151 = tpu.memref_slice %arg2[%dma_start3A_150, %add3A_144] : memref<2x320000xi32, #tpu.memory_space<hbm>> -> memref<1x128xi32, #tpu.memory_space<hbm>>
      %dma_start3A_152 = tpu.memref_squeeze %dma_start3A_151 : memref<1x128xi32, #tpu.memory_space<hbm>> -> memref<128xi32, #tpu.memory_space<hbm>>
      %dma_start3A_153 = tpu.memref_slice %arg2[%dma_start3A_150, %add3A_144] : memref<2x320000xi32, #tpu.memory_space<hbm>> -> memref<1x128xi32, #tpu.memory_space<hbm>>
      %dma_start3A_154 = tpu.memref_squeeze %dma_start3A_153 : memref<1x128xi32, #tpu.memory_space<hbm>> -> memref<128xi32, #tpu.memory_space<hbm>>
      tpu.enqueue_dma source(%dma_start3A_154 : memref<128xi32, #tpu.memory_space<hbm>>) target(%arg14 : memref<128xi32, #tpu.memory_space<vmem>>) target_semaphore(%arg26 : memref<!tpu.dma_semaphore, #tpu.memory_space<semaphore_mem>>)
      %dma_start3A_155 = arith.constant 1 : i32
      %dma_start3A_156 = tpu.memref_slice %arg2[%dma_start3A_155, %add3A_144] : memref<2x320000xi32, #tpu.memory_space<hbm>> -> memref<1x128xi32, #tpu.memory_space<hbm>>
      %dma_start3A_157 = tpu.memref_squeeze %dma_start3A_156 : memref<1x128xi32, #tpu.memory_space<hbm>> -> memref<128xi32, #tpu.memory_space<hbm>>
      %dma_start3A_158 = tpu.memref_slice %arg2[%dma_start3A_155, %add3A_144] : memref<2x320000xi32, #tpu.memory_space<hbm>> -> memref<1x128xi32, #tpu.memory_space<hbm>>
      %dma_start3A_159 = tpu.memref_squeeze %dma_start3A_158 : memref<1x128xi32, #tpu.memory_space<hbm>> -> memref<128xi32, #tpu.memory_space<hbm>>
      tpu.enqueue_dma source(%dma_start3A_159 : memref<128xi32, #tpu.memory_space<hbm>>) target(%arg20 : memref<128xi32, #tpu.memory_space<vmem>>) target_semaphore(%arg32 : memref<!tpu.dma_semaphore, #tpu.memory_space<semaphore_mem>>)
      %mul3A_160 = arith.constant 6 : i32
      %mul3A_161 = arith.muli %mul3A_160, %scan3A_74 : i32
      %add3A_162 = arith.constant 4 : i32
      %add3A_163 = arith.addi %mul3A_161, %add3A_162 : i32
      %mul3A_164 = arith.constant 128 : i32
      %mul3A_165 = arith.muli %add3A_163, %mul3A_164 : i32
      %add3A_166 = arith.addi %mul3A_2, %mul3A_165 : i32
      %gt3A_167 = arith.constant 0 : i32
      %gt3A_168 = arith.cmpi sgt, %scan3A_74, %gt3A_167 : i32
      %convert_element_type3A_169 = arith.extui %gt3A_168 : i1 to i32
      %cond3A_170 = arith.constant 0 : i32
      %cond3A_171 = arith.cmpi ne, %convert_element_type3A_169, %cond3A_170 : i32
      scf.if %cond3A_171 {
        %dma_wait3A_289 = arith.constant 0 : i32
        %dma_wait3A_290 = tpu.memref_slice %arg10[%dma_wait3A_289] : memref<10240xf32, #tpu.memory_space<vmem_shared>> -> memref<10240xf32, #tpu.memory_space<vmem_shared>>
        tpu.wait_indirect_dma semaphore(%arg39 : memref<!tpu.dma_semaphore, #tpu.memory_space<semaphore_mem>>) src(%arg6 : memref<128xf32, #tpu.memory_space<vmem>>) dst(%dma_wait3A_290 : memref<10240xf32, #tpu.memory_space<vmem_shared>>)
        %dma_wait3A_291 = arith.constant 0 : i32
        %dma_wait3A_292 = tpu.memref_slice %arg9[%dma_wait3A_291] : memref<10240xf32, #tpu.memory_space<vmem_shared>> -> memref<10240xf32, #tpu.memory_space<vmem_shared>>
        tpu.wait_indirect_dma semaphore(%arg45 : memref<!tpu.dma_semaphore, #tpu.memory_space<semaphore_mem>>) src(%arg6 : memref<128xf32, #tpu.memory_space<vmem>>) dst(%dma_wait3A_292 : memref<10240xf32, #tpu.memory_space<vmem_shared>>)
      } else {
      }
      %dma_start3A_172 = arith.constant 0 : i32
      %dma_start3A_173 = tpu.memref_slice %arg2[%dma_start3A_172, %add3A_166] : memref<2x320000xi32, #tpu.memory_space<hbm>> -> memref<1x128xi32, #tpu.memory_space<hbm>>
      %dma_start3A_174 = tpu.memref_squeeze %dma_start3A_173 : memref<1x128xi32, #tpu.memory_space<hbm>> -> memref<128xi32, #tpu.memory_space<hbm>>
      %dma_start3A_175 = tpu.memref_slice %arg2[%dma_start3A_172, %add3A_166] : memref<2x320000xi32, #tpu.memory_space<hbm>> -> memref<1x128xi32, #tpu.memory_space<hbm>>
      %dma_start3A_176 = tpu.memref_squeeze %dma_start3A_175 : memref<1x128xi32, #tpu.memory_space<hbm>> -> memref<128xi32, #tpu.memory_space<hbm>>
      tpu.enqueue_dma source(%dma_start3A_176 : memref<128xi32, #tpu.memory_space<hbm>>) target(%arg15 : memref<128xi32, #tpu.memory_space<vmem>>) target_semaphore(%arg27 : memref<!tpu.dma_semaphore, #tpu.memory_space<semaphore_mem>>)
      %dma_start3A_177 = arith.constant 1 : i32
      %dma_start3A_178 = tpu.memref_slice %arg2[%dma_start3A_177, %add3A_166] : memref<2x320000xi32, #tpu.memory_space<hbm>> -> memref<1x128xi32, #tpu.memory_space<hbm>>
      %dma_start3A_179 = tpu.memref_squeeze %dma_start3A_178 : memref<1x128xi32, #tpu.memory_space<hbm>> -> memref<128xi32, #tpu.memory_space<hbm>>
      %dma_start3A_180 = tpu.memref_slice %arg2[%dma_start3A_177, %add3A_166] : memref<2x320000xi32, #tpu.memory_space<hbm>> -> memref<1x128xi32, #tpu.memory_space<hbm>>
      %dma_start3A_181 = tpu.memref_squeeze %dma_start3A_180 : memref<1x128xi32, #tpu.memory_space<hbm>> -> memref<128xi32, #tpu.memory_space<hbm>>
      tpu.enqueue_dma source(%dma_start3A_181 : memref<128xi32, #tpu.memory_space<hbm>>) target(%arg21 : memref<128xi32, #tpu.memory_space<vmem>>) target_semaphore(%arg33 : memref<!tpu.dma_semaphore, #tpu.memory_space<semaphore_mem>>)
      %mul3A_182 = arith.constant 6 : i32
      %mul3A_183 = arith.muli %mul3A_182, %scan3A_74 : i32
      %add3A_184 = arith.constant 5 : i32
      %add3A_185 = arith.addi %mul3A_183, %add3A_184 : i32
      %mul3A_186 = arith.constant 128 : i32
      %mul3A_187 = arith.muli %add3A_185, %mul3A_186 : i32
      %add3A_188 = arith.addi %mul3A_2, %mul3A_187 : i32
      %gt3A_189 = arith.constant 0 : i32
      %gt3A_190 = arith.cmpi sgt, %scan3A_74, %gt3A_189 : i32
      %convert_element_type3A_191 = arith.extui %gt3A_190 : i1 to i32
      %cond3A_192 = arith.constant 0 : i32
      %cond3A_193 = arith.cmpi ne, %convert_element_type3A_191, %cond3A_192 : i32
      scf.if %cond3A_193 {
        %dma_wait3A_289 = arith.constant 0 : i32
        %dma_wait3A_290 = tpu.memref_slice %arg10[%dma_wait3A_289] : memref<10240xf32, #tpu.memory_space<vmem_shared>> -> memref<10240xf32, #tpu.memory_space<vmem_shared>>
        tpu.wait_indirect_dma semaphore(%arg40 : memref<!tpu.dma_semaphore, #tpu.memory_space<semaphore_mem>>) src(%arg6 : memref<128xf32, #tpu.memory_space<vmem>>) dst(%dma_wait3A_290 : memref<10240xf32, #tpu.memory_space<vmem_shared>>)
        %dma_wait3A_291 = arith.constant 0 : i32
        %dma_wait3A_292 = tpu.memref_slice %arg9[%dma_wait3A_291] : memref<10240xf32, #tpu.memory_space<vmem_shared>> -> memref<10240xf32, #tpu.memory_space<vmem_shared>>
        tpu.wait_indirect_dma semaphore(%arg46 : memref<!tpu.dma_semaphore, #tpu.memory_space<semaphore_mem>>) src(%arg6 : memref<128xf32, #tpu.memory_space<vmem>>) dst(%dma_wait3A_292 : memref<10240xf32, #tpu.memory_space<vmem_shared>>)
      } else {
      }
      %dma_start3A_194 = arith.constant 0 : i32
      %dma_start3A_195 = tpu.memref_slice %arg2[%dma_start3A_194, %add3A_188] : memref<2x320000xi32, #tpu.memory_space<hbm>> -> memref<1x128xi32, #tpu.memory_space<hbm>>
      %dma_start3A_196 = tpu.memref_squeeze %dma_start3A_195 : memref<1x128xi32, #tpu.memory_space<hbm>> -> memref<128xi32, #tpu.memory_space<hbm>>
      %dma_start3A_197 = tpu.memref_slice %arg2[%dma_start3A_194, %add3A_188] : memref<2x320000xi32, #tpu.memory_space<hbm>> -> memref<1x128xi32, #tpu.memory_space<hbm>>
      %dma_start3A_198 = tpu.memref_squeeze %dma_start3A_197 : memref<1x128xi32, #tpu.memory_space<hbm>> -> memref<128xi32, #tpu.memory_space<hbm>>
      tpu.enqueue_dma source(%dma_start3A_198 : memref<128xi32, #tpu.memory_space<hbm>>) target(%arg16 : memref<128xi32, #tpu.memory_space<vmem>>) target_semaphore(%arg28 : memref<!tpu.dma_semaphore, #tpu.memory_space<semaphore_mem>>)
      %dma_start3A_199 = arith.constant 1 : i32
      %dma_start3A_200 = tpu.memref_slice %arg2[%dma_start3A_199, %add3A_188] : memref<2x320000xi32, #tpu.memory_space<hbm>> -> memref<1x128xi32, #tpu.memory_space<hbm>>
      %dma_start3A_201 = tpu.memref_squeeze %dma_start3A_200 : memref<1x128xi32, #tpu.memory_space<hbm>> -> memref<128xi32, #tpu.memory_space<hbm>>
      %dma_start3A_202 = tpu.memref_slice %arg2[%dma_start3A_199, %add3A_188] : memref<2x320000xi32, #tpu.memory_space<hbm>> -> memref<1x128xi32, #tpu.memory_space<hbm>>
      %dma_start3A_203 = tpu.memref_squeeze %dma_start3A_202 : memref<1x128xi32, #tpu.memory_space<hbm>> -> memref<128xi32, #tpu.memory_space<hbm>>
      tpu.enqueue_dma source(%dma_start3A_203 : memref<128xi32, #tpu.memory_space<hbm>>) target(%arg22 : memref<128xi32, #tpu.memory_space<vmem>>) target_semaphore(%arg34 : memref<!tpu.dma_semaphore, #tpu.memory_space<semaphore_mem>>)
      %dma_wait3A_204 = arith.constant 0 : i32
      %dma_wait3A_205 = tpu.memref_slice %arg2[%dma_wait3A_204, %add3A_82] : memref<2x320000xi32, #tpu.memory_space<hbm>> -> memref<1x128xi32, #tpu.memory_space<hbm>>
      %dma_wait3A_206 = tpu.memref_squeeze %dma_wait3A_205 : memref<1x128xi32, #tpu.memory_space<hbm>> -> memref<128xi32, #tpu.memory_space<hbm>>
      %dma_wait3A_207 = tpu.memref_slice %arg2[%dma_wait3A_204, %add3A_82] : memref<2x320000xi32, #tpu.memory_space<hbm>> -> memref<1x128xi32, #tpu.memory_space<hbm>>
      %dma_wait3A_208 = tpu.memref_squeeze %dma_wait3A_207 : memref<1x128xi32, #tpu.memory_space<hbm>> -> memref<128xi32, #tpu.memory_space<hbm>>
      tpu.wait_dma2 semaphore(%arg23 : memref<!tpu.dma_semaphore, #tpu.memory_space<semaphore_mem>>) src(%dma_wait3A_208 : memref<128xi32, #tpu.memory_space<hbm>>) dst(%arg11 : memref<128xi32, #tpu.memory_space<vmem>>)
      %dma_start3A_209 = arith.constant 0 : i32
      %dma_start3A_210 = tpu.memref_slice %arg10[%dma_start3A_209] : memref<10240xf32, #tpu.memory_space<vmem_shared>> -> memref<10240xf32, #tpu.memory_space<vmem_shared>>
      tpu.enqueue_indirect_dma source(%arg6 : memref<128xf32, #tpu.memory_space<vmem>>) target(%dma_start3A_210 : memref<10240xf32, #tpu.memory_space<vmem_shared>>) offsets(%arg11 : memref<128xi32, #tpu.memory_space<vmem>>) semaphore(%arg35 : memref<!tpu.dma_semaphore, #tpu.memory_space<semaphore_mem>>) {add = true}
      %dma_wait3A_211 = arith.constant 1 : i32
      %dma_wait3A_212 = tpu.memref_slice %arg2[%dma_wait3A_211, %add3A_82] : memref<2x320000xi32, #tpu.memory_space<hbm>> -> memref<1x128xi32, #tpu.memory_space<hbm>>
      %dma_wait3A_213 = tpu.memref_squeeze %dma_wait3A_212 : memref<1x128xi32, #tpu.memory_space<hbm>> -> memref<128xi32, #tpu.memory_space<hbm>>
      %dma_wait3A_214 = tpu.memref_slice %arg2[%dma_wait3A_211, %add3A_82] : memref<2x320000xi32, #tpu.memory_space<hbm>> -> memref<1x128xi32, #tpu.memory_space<hbm>>
      %dma_wait3A_215 = tpu.memref_squeeze %dma_wait3A_214 : memref<1x128xi32, #tpu.memory_space<hbm>> -> memref<128xi32, #tpu.memory_space<hbm>>
      tpu.wait_dma2 semaphore(%arg29 : memref<!tpu.dma_semaphore, #tpu.memory_space<semaphore_mem>>) src(%dma_wait3A_215 : memref<128xi32, #tpu.memory_space<hbm>>) dst(%arg17 : memref<128xi32, #tpu.memory_space<vmem>>)
      %dma_start3A_216 = arith.constant 0 : i32
      %dma_start3A_217 = tpu.memref_slice %arg9[%dma_start3A_216] : memref<10240xf32, #tpu.memory_space<vmem_shared>> -> memref<10240xf32, #tpu.memory_space<vmem_shared>>
      tpu.enqueue_indirect_dma source(%arg6 : memref<128xf32, #tpu.memory_space<vmem>>) target(%dma_start3A_217 : memref<10240xf32, #tpu.memory_space<vmem_shared>>) offsets(%arg17 : memref<128xi32, #tpu.memory_space<vmem>>) semaphore(%arg41 : memref<!tpu.dma_semaphore, #tpu.memory_space<semaphore_mem>>) {add = true}
      %dma_wait3A_218 = arith.constant 0 : i32
      %dma_wait3A_219 = tpu.memref_slice %arg2[%dma_wait3A_218, %add3A_100] : memref<2x320000xi32, #tpu.memory_space<hbm>> -> memref<1x128xi32, #tpu.memory_space<hbm>>
      %dma_wait3A_220 = tpu.memref_squeeze %dma_wait3A_219 : memref<1x128xi32, #tpu.memory_space<hbm>> -> memref<128xi32, #tpu.memory_space<hbm>>
      %dma_wait3A_221 = tpu.memref_slice %arg2[%dma_wait3A_218, %add3A_100] : memref<2x320000xi32, #tpu.memory_space<hbm>> -> memref<1x128xi32, #tpu.memory_space<hbm>>
      %dma_wait3A_222 = tpu.memref_squeeze %dma_wait3A_221 : memref<1x128xi32, #tpu.memory_space<hbm>> -> memref<128xi32, #tpu.memory_space<hbm>>
      tpu.wait_dma2 semaphore(%arg24 : memref<!tpu.dma_semaphore, #tpu.memory_space<semaphore_mem>>) src(%dma_wait3A_222 : memref<128xi32, #tpu.memory_space<hbm>>) dst(%arg12 : memref<128xi32, #tpu.memory_space<vmem>>)
      %dma_start3A_223 = arith.constant 0 : i32
      %dma_start3A_224 = tpu.memref_slice %arg10[%dma_start3A_223] : memref<10240xf32, #tpu.memory_space<vmem_shared>> -> memref<10240xf32, #tpu.memory_space<vmem_shared>>
      tpu.enqueue_indirect_dma source(%arg6 : memref<128xf32, #tpu.memory_space<vmem>>) target(%dma_start3A_224 : memref<10240xf32, #tpu.memory_space<vmem_shared>>) offsets(%arg12 : memref<128xi32, #tpu.memory_space<vmem>>) semaphore(%arg36 : memref<!tpu.dma_semaphore, #tpu.memory_space<semaphore_mem>>) {add = true}
      %dma_wait3A_225 = arith.constant 1 : i32
      %dma_wait3A_226 = tpu.memref_slice %arg2[%dma_wait3A_225, %add3A_100] : memref<2x320000xi32, #tpu.memory_space<hbm>> -> memref<1x128xi32, #tpu.memory_space<hbm>>
      %dma_wait3A_227 = tpu.memref_squeeze %dma_wait3A_226 : memref<1x128xi32, #tpu.memory_space<hbm>> -> memref<128xi32, #tpu.memory_space<hbm>>
      %dma_wait3A_228 = tpu.memref_slice %arg2[%dma_wait3A_225, %add3A_100] : memref<2x320000xi32, #tpu.memory_space<hbm>> -> memref<1x128xi32, #tpu.memory_space<hbm>>
      %dma_wait3A_229 = tpu.memref_squeeze %dma_wait3A_228 : memref<1x128xi32, #tpu.memory_space<hbm>> -> memref<128xi32, #tpu.memory_space<hbm>>
      tpu.wait_dma2 semaphore(%arg30 : memref<!tpu.dma_semaphore, #tpu.memory_space<semaphore_mem>>) src(%dma_wait3A_229 : memref<128xi32, #tpu.memory_space<hbm>>) dst(%arg18 : memref<128xi32, #tpu.memory_space<vmem>>)
      %dma_start3A_230 = arith.constant 0 : i32
      %dma_start3A_231 = tpu.memref_slice %arg9[%dma_start3A_230] : memref<10240xf32, #tpu.memory_space<vmem_shared>> -> memref<10240xf32, #tpu.memory_space<vmem_shared>>
      tpu.enqueue_indirect_dma source(%arg6 : memref<128xf32, #tpu.memory_space<vmem>>) target(%dma_start3A_231 : memref<10240xf32, #tpu.memory_space<vmem_shared>>) offsets(%arg18 : memref<128xi32, #tpu.memory_space<vmem>>) semaphore(%arg42 : memref<!tpu.dma_semaphore, #tpu.memory_space<semaphore_mem>>) {add = true}
      %dma_wait3A_232 = arith.constant 0 : i32
      %dma_wait3A_233 = tpu.memref_slice %arg2[%dma_wait3A_232, %add3A_122] : memref<2x320000xi32, #tpu.memory_space<hbm>> -> memref<1x128xi32, #tpu.memory_space<hbm>>
      %dma_wait3A_234 = tpu.memref_squeeze %dma_wait3A_233 : memref<1x128xi32, #tpu.memory_space<hbm>> -> memref<128xi32, #tpu.memory_space<hbm>>
      %dma_wait3A_235 = tpu.memref_slice %arg2[%dma_wait3A_232, %add3A_122] : memref<2x320000xi32, #tpu.memory_space<hbm>> -> memref<1x128xi32, #tpu.memory_space<hbm>>
      %dma_wait3A_236 = tpu.memref_squeeze %dma_wait3A_235 : memref<1x128xi32, #tpu.memory_space<hbm>> -> memref<128xi32, #tpu.memory_space<hbm>>
      tpu.wait_dma2 semaphore(%arg25 : memref<!tpu.dma_semaphore, #tpu.memory_space<semaphore_mem>>) src(%dma_wait3A_236 : memref<128xi32, #tpu.memory_space<hbm>>) dst(%arg13 : memref<128xi32, #tpu.memory_space<vmem>>)
      %dma_start3A_237 = arith.constant 0 : i32
      %dma_start3A_238 = tpu.memref_slice %arg10[%dma_start3A_237] : memref<10240xf32, #tpu.memory_space<vmem_shared>> -> memref<10240xf32, #tpu.memory_space<vmem_shared>>
      tpu.enqueue_indirect_dma source(%arg6 : memref<128xf32, #tpu.memory_space<vmem>>) target(%dma_start3A_238 : memref<10240xf32, #tpu.memory_space<vmem_shared>>) offsets(%arg13 : memref<128xi32, #tpu.memory_space<vmem>>) semaphore(%arg37 : memref<!tpu.dma_semaphore, #tpu.memory_space<semaphore_mem>>) {add = true}
      %dma_wait3A_239 = arith.constant 1 : i32
      %dma_wait3A_240 = tpu.memref_slice %arg2[%dma_wait3A_239, %add3A_122] : memref<2x320000xi32, #tpu.memory_space<hbm>> -> memref<1x128xi32, #tpu.memory_space<hbm>>
      %dma_wait3A_241 = tpu.memref_squeeze %dma_wait3A_240 : memref<1x128xi32, #tpu.memory_space<hbm>> -> memref<128xi32, #tpu.memory_space<hbm>>
      %dma_wait3A_242 = tpu.memref_slice %arg2[%dma_wait3A_239, %add3A_122] : memref<2x320000xi32, #tpu.memory_space<hbm>> -> memref<1x128xi32, #tpu.memory_space<hbm>>
      %dma_wait3A_243 = tpu.memref_squeeze %dma_wait3A_242 : memref<1x128xi32, #tpu.memory_space<hbm>> -> memref<128xi32, #tpu.memory_space<hbm>>
      tpu.wait_dma2 semaphore(%arg31 : memref<!tpu.dma_semaphore, #tpu.memory_space<semaphore_mem>>) src(%dma_wait3A_243 : memref<128xi32, #tpu.memory_space<hbm>>) dst(%arg19 : memref<128xi32, #tpu.memory_space<vmem>>)
      %dma_start3A_244 = arith.constant 0 : i32
      %dma_start3A_245 = tpu.memref_slice %arg9[%dma_start3A_244] : memref<10240xf32, #tpu.memory_space<vmem_shared>> -> memref<10240xf32, #tpu.memory_space<vmem_shared>>
      tpu.enqueue_indirect_dma source(%arg6 : memref<128xf32, #tpu.memory_space<vmem>>) target(%dma_start3A_245 : memref<10240xf32, #tpu.memory_space<vmem_shared>>) offsets(%arg19 : memref<128xi32, #tpu.memory_space<vmem>>) semaphore(%arg43 : memref<!tpu.dma_semaphore, #tpu.memory_space<semaphore_mem>>) {add = true}
      %dma_wait3A_246 = arith.constant 0 : i32
      %dma_wait3A_247 = tpu.memref_slice %arg2[%dma_wait3A_246, %add3A_144] : memref<2x320000xi32, #tpu.memory_space<hbm>> -> memref<1x128xi32, #tpu.memory_space<hbm>>
      %dma_wait3A_248 = tpu.memref_squeeze %dma_wait3A_247 : memref<1x128xi32, #tpu.memory_space<hbm>> -> memref<128xi32, #tpu.memory_space<hbm>>
      %dma_wait3A_249 = tpu.memref_slice %arg2[%dma_wait3A_246, %add3A_144] : memref<2x320000xi32, #tpu.memory_space<hbm>> -> memref<1x128xi32, #tpu.memory_space<hbm>>
      %dma_wait3A_250 = tpu.memref_squeeze %dma_wait3A_249 : memref<1x128xi32, #tpu.memory_space<hbm>> -> memref<128xi32, #tpu.memory_space<hbm>>
      tpu.wait_dma2 semaphore(%arg26 : memref<!tpu.dma_semaphore, #tpu.memory_space<semaphore_mem>>) src(%dma_wait3A_250 : memref<128xi32, #tpu.memory_space<hbm>>) dst(%arg14 : memref<128xi32, #tpu.memory_space<vmem>>)
      %dma_start3A_251 = arith.constant 0 : i32
      %dma_start3A_252 = tpu.memref_slice %arg10[%dma_start3A_251] : memref<10240xf32, #tpu.memory_space<vmem_shared>> -> memref<10240xf32, #tpu.memory_space<vmem_shared>>
      tpu.enqueue_indirect_dma source(%arg6 : memref<128xf32, #tpu.memory_space<vmem>>) target(%dma_start3A_252 : memref<10240xf32, #tpu.memory_space<vmem_shared>>) offsets(%arg14 : memref<128xi32, #tpu.memory_space<vmem>>) semaphore(%arg38 : memref<!tpu.dma_semaphore, #tpu.memory_space<semaphore_mem>>) {add = true}
      %dma_wait3A_253 = arith.constant 1 : i32
      %dma_wait3A_254 = tpu.memref_slice %arg2[%dma_wait3A_253, %add3A_144] : memref<2x320000xi32, #tpu.memory_space<hbm>> -> memref<1x128xi32, #tpu.memory_space<hbm>>
      %dma_wait3A_255 = tpu.memref_squeeze %dma_wait3A_254 : memref<1x128xi32, #tpu.memory_space<hbm>> -> memref<128xi32, #tpu.memory_space<hbm>>
      %dma_wait3A_256 = tpu.memref_slice %arg2[%dma_wait3A_253, %add3A_144] : memref<2x320000xi32, #tpu.memory_space<hbm>> -> memref<1x128xi32, #tpu.memory_space<hbm>>
      %dma_wait3A_257 = tpu.memref_squeeze %dma_wait3A_256 : memref<1x128xi32, #tpu.memory_space<hbm>> -> memref<128xi32, #tpu.memory_space<hbm>>
      tpu.wait_dma2 semaphore(%arg32 : memref<!tpu.dma_semaphore, #tpu.memory_space<semaphore_mem>>) src(%dma_wait3A_257 : memref<128xi32, #tpu.memory_space<hbm>>) dst(%arg20 : memref<128xi32, #tpu.memory_space<vmem>>)
      %dma_start3A_258 = arith.constant 0 : i32
      %dma_start3A_259 = tpu.memref_slice %arg9[%dma_start3A_258] : memref<10240xf32, #tpu.memory_space<vmem_shared>> -> memref<10240xf32, #tpu.memory_space<vmem_shared>>
      tpu.enqueue_indirect_dma source(%arg6 : memref<128xf32, #tpu.memory_space<vmem>>) target(%dma_start3A_259 : memref<10240xf32, #tpu.memory_space<vmem_shared>>) offsets(%arg20 : memref<128xi32, #tpu.memory_space<vmem>>) semaphore(%arg44 : memref<!tpu.dma_semaphore, #tpu.memory_space<semaphore_mem>>) {add = true}
      %dma_wait3A_260 = arith.constant 0 : i32
      %dma_wait3A_261 = tpu.memref_slice %arg2[%dma_wait3A_260, %add3A_166] : memref<2x320000xi32, #tpu.memory_space<hbm>> -> memref<1x128xi32, #tpu.memory_space<hbm>>
      %dma_wait3A_262 = tpu.memref_squeeze %dma_wait3A_261 : memref<1x128xi32, #tpu.memory_space<hbm>> -> memref<128xi32, #tpu.memory_space<hbm>>
      %dma_wait3A_263 = tpu.memref_slice %arg2[%dma_wait3A_260, %add3A_166] : memref<2x320000xi32, #tpu.memory_space<hbm>> -> memref<1x128xi32, #tpu.memory_space<hbm>>
      %dma_wait3A_264 = tpu.memref_squeeze %dma_wait3A_263 : memref<1x128xi32, #tpu.memory_space<hbm>> -> memref<128xi32, #tpu.memory_space<hbm>>
      tpu.wait_dma2 semaphore(%arg27 : memref<!tpu.dma_semaphore, #tpu.memory_space<semaphore_mem>>) src(%dma_wait3A_264 : memref<128xi32, #tpu.memory_space<hbm>>) dst(%arg15 : memref<128xi32, #tpu.memory_space<vmem>>)
      %dma_start3A_265 = arith.constant 0 : i32
      %dma_start3A_266 = tpu.memref_slice %arg10[%dma_start3A_265] : memref<10240xf32, #tpu.memory_space<vmem_shared>> -> memref<10240xf32, #tpu.memory_space<vmem_shared>>
      tpu.enqueue_indirect_dma source(%arg6 : memref<128xf32, #tpu.memory_space<vmem>>) target(%dma_start3A_266 : memref<10240xf32, #tpu.memory_space<vmem_shared>>) offsets(%arg15 : memref<128xi32, #tpu.memory_space<vmem>>) semaphore(%arg39 : memref<!tpu.dma_semaphore, #tpu.memory_space<semaphore_mem>>) {add = true}
      %dma_wait3A_267 = arith.constant 1 : i32
      %dma_wait3A_268 = tpu.memref_slice %arg2[%dma_wait3A_267, %add3A_166] : memref<2x320000xi32, #tpu.memory_space<hbm>> -> memref<1x128xi32, #tpu.memory_space<hbm>>
      %dma_wait3A_269 = tpu.memref_squeeze %dma_wait3A_268 : memref<1x128xi32, #tpu.memory_space<hbm>> -> memref<128xi32, #tpu.memory_space<hbm>>
      %dma_wait3A_270 = tpu.memref_slice %arg2[%dma_wait3A_267, %add3A_166] : memref<2x320000xi32, #tpu.memory_space<hbm>> -> memref<1x128xi32, #tpu.memory_space<hbm>>
      %dma_wait3A_271 = tpu.memref_squeeze %dma_wait3A_270 : memref<1x128xi32, #tpu.memory_space<hbm>> -> memref<128xi32, #tpu.memory_space<hbm>>
      tpu.wait_dma2 semaphore(%arg33 : memref<!tpu.dma_semaphore, #tpu.memory_space<semaphore_mem>>) src(%dma_wait3A_271 : memref<128xi32, #tpu.memory_space<hbm>>) dst(%arg21 : memref<128xi32, #tpu.memory_space<vmem>>)
      %dma_start3A_272 = arith.constant 0 : i32
      %dma_start3A_273 = tpu.memref_slice %arg9[%dma_start3A_272] : memref<10240xf32, #tpu.memory_space<vmem_shared>> -> memref<10240xf32, #tpu.memory_space<vmem_shared>>
      tpu.enqueue_indirect_dma source(%arg6 : memref<128xf32, #tpu.memory_space<vmem>>) target(%dma_start3A_273 : memref<10240xf32, #tpu.memory_space<vmem_shared>>) offsets(%arg21 : memref<128xi32, #tpu.memory_space<vmem>>) semaphore(%arg45 : memref<!tpu.dma_semaphore, #tpu.memory_space<semaphore_mem>>) {add = true}
      %dma_wait3A_274 = arith.constant 0 : i32
      %dma_wait3A_275 = tpu.memref_slice %arg2[%dma_wait3A_274, %add3A_188] : memref<2x320000xi32, #tpu.memory_space<hbm>> -> memref<1x128xi32, #tpu.memory_space<hbm>>
      %dma_wait3A_276 = tpu.memref_squeeze %dma_wait3A_275 : memref<1x128xi32, #tpu.memory_space<hbm>> -> memref<128xi32, #tpu.memory_space<hbm>>
      %dma_wait3A_277 = tpu.memref_slice %arg2[%dma_wait3A_274, %add3A_188] : memref<2x320000xi32, #tpu.memory_space<hbm>> -> memref<1x128xi32, #tpu.memory_space<hbm>>
      %dma_wait3A_278 = tpu.memref_squeeze %dma_wait3A_277 : memref<1x128xi32, #tpu.memory_space<hbm>> -> memref<128xi32, #tpu.memory_space<hbm>>
      tpu.wait_dma2 semaphore(%arg28 : memref<!tpu.dma_semaphore, #tpu.memory_space<semaphore_mem>>) src(%dma_wait3A_278 : memref<128xi32, #tpu.memory_space<hbm>>) dst(%arg16 : memref<128xi32, #tpu.memory_space<vmem>>)
      %dma_start3A_279 = arith.constant 0 : i32
      %dma_start3A_280 = tpu.memref_slice %arg10[%dma_start3A_279] : memref<10240xf32, #tpu.memory_space<vmem_shared>> -> memref<10240xf32, #tpu.memory_space<vmem_shared>>
      tpu.enqueue_indirect_dma source(%arg6 : memref<128xf32, #tpu.memory_space<vmem>>) target(%dma_start3A_280 : memref<10240xf32, #tpu.memory_space<vmem_shared>>) offsets(%arg16 : memref<128xi32, #tpu.memory_space<vmem>>) semaphore(%arg40 : memref<!tpu.dma_semaphore, #tpu.memory_space<semaphore_mem>>) {add = true}
      %dma_wait3A_281 = arith.constant 1 : i32
      %dma_wait3A_282 = tpu.memref_slice %arg2[%dma_wait3A_281, %add3A_188] : memref<2x320000xi32, #tpu.memory_space<hbm>> -> memref<1x128xi32, #tpu.memory_space<hbm>>
      %dma_wait3A_283 = tpu.memref_squeeze %dma_wait3A_282 : memref<1x128xi32, #tpu.memory_space<hbm>> -> memref<128xi32, #tpu.memory_space<hbm>>
      %dma_wait3A_284 = tpu.memref_slice %arg2[%dma_wait3A_281, %add3A_188] : memref<2x320000xi32, #tpu.memory_space<hbm>> -> memref<1x128xi32, #tpu.memory_space<hbm>>
      %dma_wait3A_285 = tpu.memref_squeeze %dma_wait3A_284 : memref<1x128xi32, #tpu.memory_space<hbm>> -> memref<128xi32, #tpu.memory_space<hbm>>
      tpu.wait_dma2 semaphore(%arg34 : memref<!tpu.dma_semaphore, #tpu.memory_space<semaphore_mem>>) src(%dma_wait3A_285 : memref<128xi32, #tpu.memory_space<hbm>>) dst(%arg22 : memref<128xi32, #tpu.memory_space<vmem>>)
      %dma_start3A_286 = arith.constant 0 : i32
      %dma_start3A_287 = tpu.memref_slice %arg9[%dma_start3A_286] : memref<10240xf32, #tpu.memory_space<vmem_shared>> -> memref<10240xf32, #tpu.memory_space<vmem_shared>>
      tpu.enqueue_indirect_dma source(%arg6 : memref<128xf32, #tpu.memory_space<vmem>>) target(%dma_start3A_287 : memref<10240xf32, #tpu.memory_space<vmem_shared>>) offsets(%arg22 : memref<128xi32, #tpu.memory_space<vmem>>) semaphore(%arg46 : memref<!tpu.dma_semaphore, #tpu.memory_space<semaphore_mem>>) {add = true}
      %scan3A_288 = arith.constant 0 : i32
      scf.yield %scan3A_288 : i32
    }
    %scan3A_36 = arith.constant 13 : i32
    %dma_wait3A = arith.constant 0 : i32
    %dma_wait3A_37 = tpu.memref_slice %arg10[%dma_wait3A] : memref<10240xf32, #tpu.memory_space<vmem_shared>> -> memref<10240xf32, #tpu.memory_space<vmem_shared>>
    tpu.wait_indirect_dma semaphore(%arg35 : memref<!tpu.dma_semaphore, #tpu.memory_space<semaphore_mem>>) src(%arg6 : memref<128xf32, #tpu.memory_space<vmem>>) dst(%dma_wait3A_37 : memref<10240xf32, #tpu.memory_space<vmem_shared>>)
    %dma_wait3A_38 = arith.constant 0 : i32
    %dma_wait3A_39 = tpu.memref_slice %arg9[%dma_wait3A_38] : memref<10240xf32, #tpu.memory_space<vmem_shared>> -> memref<10240xf32, #tpu.memory_space<vmem_shared>>
    tpu.wait_indirect_dma semaphore(%arg41 : memref<!tpu.dma_semaphore, #tpu.memory_space<semaphore_mem>>) src(%arg6 : memref<128xf32, #tpu.memory_space<vmem>>) dst(%dma_wait3A_39 : memref<10240xf32, #tpu.memory_space<vmem_shared>>)
    %dma_wait3A_40 = arith.constant 0 : i32
    %dma_wait3A_41 = tpu.memref_slice %arg10[%dma_wait3A_40] : memref<10240xf32, #tpu.memory_space<vmem_shared>> -> memref<10240xf32, #tpu.memory_space<vmem_shared>>
    tpu.wait_indirect_dma semaphore(%arg36 : memref<!tpu.dma_semaphore, #tpu.memory_space<semaphore_mem>>) src(%arg6 : memref<128xf32, #tpu.memory_space<vmem>>) dst(%dma_wait3A_41 : memref<10240xf32, #tpu.memory_space<vmem_shared>>)
    %dma_wait3A_42 = arith.constant 0 : i32
    %dma_wait3A_43 = tpu.memref_slice %arg9[%dma_wait3A_42] : memref<10240xf32, #tpu.memory_space<vmem_shared>> -> memref<10240xf32, #tpu.memory_space<vmem_shared>>
    tpu.wait_indirect_dma semaphore(%arg42 : memref<!tpu.dma_semaphore, #tpu.memory_space<semaphore_mem>>) src(%arg6 : memref<128xf32, #tpu.memory_space<vmem>>) dst(%dma_wait3A_43 : memref<10240xf32, #tpu.memory_space<vmem_shared>>)
    %dma_wait3A_44 = arith.constant 0 : i32
    %dma_wait3A_45 = tpu.memref_slice %arg10[%dma_wait3A_44] : memref<10240xf32, #tpu.memory_space<vmem_shared>> -> memref<10240xf32, #tpu.memory_space<vmem_shared>>
    tpu.wait_indirect_dma semaphore(%arg37 : memref<!tpu.dma_semaphore, #tpu.memory_space<semaphore_mem>>) src(%arg6 : memref<128xf32, #tpu.memory_space<vmem>>) dst(%dma_wait3A_45 : memref<10240xf32, #tpu.memory_space<vmem_shared>>)
    %dma_wait3A_46 = arith.constant 0 : i32
    %dma_wait3A_47 = tpu.memref_slice %arg9[%dma_wait3A_46] : memref<10240xf32, #tpu.memory_space<vmem_shared>> -> memref<10240xf32, #tpu.memory_space<vmem_shared>>
    tpu.wait_indirect_dma semaphore(%arg43 : memref<!tpu.dma_semaphore, #tpu.memory_space<semaphore_mem>>) src(%arg6 : memref<128xf32, #tpu.memory_space<vmem>>) dst(%dma_wait3A_47 : memref<10240xf32, #tpu.memory_space<vmem_shared>>)
    %dma_wait3A_48 = arith.constant 0 : i32
    %dma_wait3A_49 = tpu.memref_slice %arg10[%dma_wait3A_48] : memref<10240xf32, #tpu.memory_space<vmem_shared>> -> memref<10240xf32, #tpu.memory_space<vmem_shared>>
    tpu.wait_indirect_dma semaphore(%arg38 : memref<!tpu.dma_semaphore, #tpu.memory_space<semaphore_mem>>) src(%arg6 : memref<128xf32, #tpu.memory_space<vmem>>) dst(%dma_wait3A_49 : memref<10240xf32, #tpu.memory_space<vmem_shared>>)
    %dma_wait3A_50 = arith.constant 0 : i32
    %dma_wait3A_51 = tpu.memref_slice %arg9[%dma_wait3A_50] : memref<10240xf32, #tpu.memory_space<vmem_shared>> -> memref<10240xf32, #tpu.memory_space<vmem_shared>>
    tpu.wait_indirect_dma semaphore(%arg44 : memref<!tpu.dma_semaphore, #tpu.memory_space<semaphore_mem>>) src(%arg6 : memref<128xf32, #tpu.memory_space<vmem>>) dst(%dma_wait3A_51 : memref<10240xf32, #tpu.memory_space<vmem_shared>>)
    %dma_wait3A_52 = arith.constant 0 : i32
    %dma_wait3A_53 = tpu.memref_slice %arg10[%dma_wait3A_52] : memref<10240xf32, #tpu.memory_space<vmem_shared>> -> memref<10240xf32, #tpu.memory_space<vmem_shared>>
    tpu.wait_indirect_dma semaphore(%arg39 : memref<!tpu.dma_semaphore, #tpu.memory_space<semaphore_mem>>) src(%arg6 : memref<128xf32, #tpu.memory_space<vmem>>) dst(%dma_wait3A_53 : memref<10240xf32, #tpu.memory_space<vmem_shared>>)
    %dma_wait3A_54 = arith.constant 0 : i32
    %dma_wait3A_55 = tpu.memref_slice %arg9[%dma_wait3A_54] : memref<10240xf32, #tpu.memory_space<vmem_shared>> -> memref<10240xf32, #tpu.memory_space<vmem_shared>>
    tpu.wait_indirect_dma semaphore(%arg45 : memref<!tpu.dma_semaphore, #tpu.memory_space<semaphore_mem>>) src(%arg6 : memref<128xf32, #tpu.memory_space<vmem>>) dst(%dma_wait3A_55 : memref<10240xf32, #tpu.memory_space<vmem_shared>>)
    %dma_wait3A_56 = arith.constant 0 : i32
    %dma_wait3A_57 = tpu.memref_slice %arg10[%dma_wait3A_56] : memref<10240xf32, #tpu.memory_space<vmem_shared>> -> memref<10240xf32, #tpu.memory_space<vmem_shared>>
    tpu.wait_indirect_dma semaphore(%arg40 : memref<!tpu.dma_semaphore, #tpu.memory_space<semaphore_mem>>) src(%arg6 : memref<128xf32, #tpu.memory_space<vmem>>) dst(%dma_wait3A_57 : memref<10240xf32, #tpu.memory_space<vmem_shared>>)
    %dma_wait3A_58 = arith.constant 0 : i32
    %dma_wait3A_59 = tpu.memref_slice %arg9[%dma_wait3A_58] : memref<10240xf32, #tpu.memory_space<vmem_shared>> -> memref<10240xf32, #tpu.memory_space<vmem_shared>>
    tpu.wait_indirect_dma semaphore(%arg46 : memref<!tpu.dma_semaphore, #tpu.memory_space<semaphore_mem>>) src(%arg6 : memref<128xf32, #tpu.memory_space<vmem>>) dst(%dma_wait3A_59 : memref<10240xf32, #tpu.memory_space<vmem_shared>>)
    %add3A_60 = arith.constant 9984 : i32
    %add3A_61 = arith.addi %mul3A_2, %add3A_60 : i32
    %run_scoped3A = arith.constant 0 : i32
    "tpu.region"() ({
      %run_scoped3A_74 = tpu.sem_alloc : memref<!tpu.dma_semaphore, #tpu.memory_space<semaphore_mem>>
      %dma_start3A = tpu.memref_slice %arg2[%run_scoped3A, %add3A_61] : memref<2x320000xi32, #tpu.memory_space<hbm>> -> memref<1x16xi32, #tpu.memory_space<hbm>>
      %dma_start3A_75 = tpu.memref_squeeze %dma_start3A : memref<1x16xi32, #tpu.memory_space<hbm>> -> memref<16xi32, #tpu.memory_space<hbm>>
      %dma_start3A_76 = tpu.memref_slice %arg2[%run_scoped3A, %add3A_61] : memref<2x320000xi32, #tpu.memory_space<hbm>> -> memref<1x16xi32, #tpu.memory_space<hbm>>
      %dma_start3A_77 = tpu.memref_squeeze %dma_start3A_76 : memref<1x16xi32, #tpu.memory_space<hbm>> -> memref<16xi32, #tpu.memory_space<hbm>>
      tpu.enqueue_dma source(%dma_start3A_77 : memref<16xi32, #tpu.memory_space<hbm>>) target(%arg4 : memref<16xi32, #tpu.memory_space<vmem>>) target_semaphore(%run_scoped3A_74 : memref<!tpu.dma_semaphore, #tpu.memory_space<semaphore_mem>>)
      %dma_wait3A_78 = tpu.memref_slice %arg2[%run_scoped3A, %add3A_61] : memref<2x320000xi32, #tpu.memory_space<hbm>> -> memref<1x16xi32, #tpu.memory_space<hbm>>
      %dma_wait3A_79 = tpu.memref_squeeze %dma_wait3A_78 : memref<1x16xi32, #tpu.memory_space<hbm>> -> memref<16xi32, #tpu.memory_space<hbm>>
      %dma_wait3A_80 = tpu.memref_slice %arg2[%run_scoped3A, %add3A_61] : memref<2x320000xi32, #tpu.memory_space<hbm>> -> memref<1x16xi32, #tpu.memory_space<hbm>>
      %dma_wait3A_81 = tpu.memref_squeeze %dma_wait3A_80 : memref<1x16xi32, #tpu.memory_space<hbm>> -> memref<16xi32, #tpu.memory_space<hbm>>
      tpu.wait_dma2 semaphore(%run_scoped3A_74 : memref<!tpu.dma_semaphore, #tpu.memory_space<semaphore_mem>>) src(%dma_wait3A_81 : memref<16xi32, #tpu.memory_space<hbm>>) dst(%arg4 : memref<16xi32, #tpu.memory_space<vmem>>)
      tpu.yield
    }) : () -> ()
    "tpu.region"() ({
      %run_scoped3A_74 = tpu.sem_alloc : memref<!tpu.dma_semaphore, #tpu.memory_space<semaphore_mem>>
      %dma_start3A = arith.constant 0 : i32
      %dma_start3A_75 = tpu.memref_slice %arg10[%dma_start3A] : memref<10240xf32, #tpu.memory_space<vmem_shared>> -> memref<10240xf32, #tpu.memory_space<vmem_shared>>
      tpu.enqueue_indirect_dma source(%arg7 : memref<16xf32, #tpu.memory_space<vmem>>) target(%dma_start3A_75 : memref<10240xf32, #tpu.memory_space<vmem_shared>>) offsets(%arg4 : memref<16xi32, #tpu.memory_space<vmem>>) semaphore(%run_scoped3A_74 : memref<!tpu.dma_semaphore, #tpu.memory_space<semaphore_mem>>) {add = true}
      %dma_wait3A_76 = arith.constant 0 : i32
      %dma_wait3A_77 = tpu.memref_slice %arg10[%dma_wait3A_76] : memref<10240xf32, #tpu.memory_space<vmem_shared>> -> memref<10240xf32, #tpu.memory_space<vmem_shared>>
      tpu.wait_indirect_dma semaphore(%run_scoped3A_74 : memref<!tpu.dma_semaphore, #tpu.memory_space<semaphore_mem>>) src(%arg7 : memref<16xf32, #tpu.memory_space<vmem>>) dst(%dma_wait3A_77 : memref<10240xf32, #tpu.memory_space<vmem_shared>>)
      tpu.yield
    }) : () -> ()
    %run_scoped3A_62 = arith.constant 1 : i32
    "tpu.region"() ({
      %run_scoped3A_74 = tpu.sem_alloc : memref<!tpu.dma_semaphore, #tpu.memory_space<semaphore_mem>>
      %dma_start3A = tpu.memref_slice %arg2[%run_scoped3A_62, %add3A_61] : memref<2x320000xi32, #tpu.memory_space<hbm>> -> memref<1x16xi32, #tpu.memory_space<hbm>>
      %dma_start3A_75 = tpu.memref_squeeze %dma_start3A : memref<1x16xi32, #tpu.memory_space<hbm>> -> memref<16xi32, #tpu.memory_space<hbm>>
      %dma_start3A_76 = tpu.memref_slice %arg2[%run_scoped3A_62, %add3A_61] : memref<2x320000xi32, #tpu.memory_space<hbm>> -> memref<1x16xi32, #tpu.memory_space<hbm>>
      %dma_start3A_77 = tpu.memref_squeeze %dma_start3A_76 : memref<1x16xi32, #tpu.memory_space<hbm>> -> memref<16xi32, #tpu.memory_space<hbm>>
      tpu.enqueue_dma source(%dma_start3A_77 : memref<16xi32, #tpu.memory_space<hbm>>) target(%arg5 : memref<16xi32, #tpu.memory_space<vmem>>) target_semaphore(%run_scoped3A_74 : memref<!tpu.dma_semaphore, #tpu.memory_space<semaphore_mem>>)
      %dma_wait3A_78 = tpu.memref_slice %arg2[%run_scoped3A_62, %add3A_61] : memref<2x320000xi32, #tpu.memory_space<hbm>> -> memref<1x16xi32, #tpu.memory_space<hbm>>
      %dma_wait3A_79 = tpu.memref_squeeze %dma_wait3A_78 : memref<1x16xi32, #tpu.memory_space<hbm>> -> memref<16xi32, #tpu.memory_space<hbm>>
      %dma_wait3A_80 = tpu.memref_slice %arg2[%run_scoped3A_62, %add3A_61] : memref<2x320000xi32, #tpu.memory_space<hbm>> -> memref<1x16xi32, #tpu.memory_space<hbm>>
      %dma_wait3A_81 = tpu.memref_squeeze %dma_wait3A_80 : memref<1x16xi32, #tpu.memory_space<hbm>> -> memref<16xi32, #tpu.memory_space<hbm>>
      tpu.wait_dma2 semaphore(%run_scoped3A_74 : memref<!tpu.dma_semaphore, #tpu.memory_space<semaphore_mem>>) src(%dma_wait3A_81 : memref<16xi32, #tpu.memory_space<hbm>>) dst(%arg5 : memref<16xi32, #tpu.memory_space<vmem>>)
      tpu.yield
    }) : () -> ()
    "tpu.region"() ({
      %run_scoped3A_74 = tpu.sem_alloc : memref<!tpu.dma_semaphore, #tpu.memory_space<semaphore_mem>>
      %dma_start3A = arith.constant 0 : i32
      %dma_start3A_75 = tpu.memref_slice %arg9[%dma_start3A] : memref<10240xf32, #tpu.memory_space<vmem_shared>> -> memref<10240xf32, #tpu.memory_space<vmem_shared>>
      tpu.enqueue_indirect_dma source(%arg7 : memref<16xf32, #tpu.memory_space<vmem>>) target(%dma_start3A_75 : memref<10240xf32, #tpu.memory_space<vmem_shared>>) offsets(%arg5 : memref<16xi32, #tpu.memory_space<vmem>>) semaphore(%run_scoped3A_74 : memref<!tpu.dma_semaphore, #tpu.memory_space<semaphore_mem>>) {add = true}
      %dma_wait3A_76 = arith.constant 0 : i32
      %dma_wait3A_77 = tpu.memref_slice %arg9[%dma_wait3A_76] : memref<10240xf32, #tpu.memory_space<vmem_shared>> -> memref<10240xf32, #tpu.memory_space<vmem_shared>>
      tpu.wait_indirect_dma semaphore(%run_scoped3A_74 : memref<!tpu.dma_semaphore, #tpu.memory_space<semaphore_mem>>) src(%arg7 : memref<16xf32, #tpu.memory_space<vmem>>) dst(%dma_wait3A_77 : memref<10240xf32, #tpu.memory_space<vmem_shared>>)
      tpu.yield
    }) : () -> ()
    %barrier3A_63 = arith.constant 0 : index
    tpu.barrier barrier_id(%barrier3A_63)
    %mul3A_64 = arith.constant 640 : i32
    %mul3A_65 = arith.muli %arg1, %mul3A_64 : i32
    %mul3A_66 = arith.constant 640 : i32
    %mul3A_67 = arith.muli %arg1, %mul3A_66 : i32
    %run_scoped3A_68 = arith.constant 0 : i32
    "tpu.region"() ({
      %run_scoped3A_74 = tpu.sem_alloc : memref<!tpu.dma_semaphore, #tpu.memory_space<semaphore_mem>>
      %dma_start3A = tpu.memref_slice %arg3[%arg0, %run_scoped3A_68, %mul3A_67] : memref<2x2x10240xf32, #tpu.memory_space<hbm>> -> memref<1x1x640xf32, #tpu.memory_space<hbm>>
      %dma_start3A_75 = tpu.memref_squeeze %dma_start3A : memref<1x1x640xf32, #tpu.memory_space<hbm>> -> memref<640xf32, #tpu.memory_space<hbm>>
      %dma_start3A_76 = tpu.memref_slice %arg9[%mul3A_65] : memref<10240xf32, #tpu.memory_space<vmem_shared>> -> memref<640xf32, #tpu.memory_space<vmem_shared>>
      tpu.enqueue_dma source(%dma_start3A_76 : memref<640xf32, #tpu.memory_space<vmem_shared>>) target(%dma_start3A_75 : memref<640xf32, #tpu.memory_space<hbm>>) target_semaphore(%run_scoped3A_74 : memref<!tpu.dma_semaphore, #tpu.memory_space<semaphore_mem>>)
      %dma_wait3A_77 = tpu.memref_slice %arg3[%arg0, %run_scoped3A_68, %mul3A_67] : memref<2x2x10240xf32, #tpu.memory_space<hbm>> -> memref<1x1x640xf32, #tpu.memory_space<hbm>>
      %dma_wait3A_78 = tpu.memref_squeeze %dma_wait3A_77 : memref<1x1x640xf32, #tpu.memory_space<hbm>> -> memref<640xf32, #tpu.memory_space<hbm>>
      %dma_wait3A_79 = tpu.memref_slice %arg9[%mul3A_65] : memref<10240xf32, #tpu.memory_space<vmem_shared>> -> memref<640xf32, #tpu.memory_space<vmem_shared>>
      tpu.wait_dma2 semaphore(%run_scoped3A_74 : memref<!tpu.dma_semaphore, #tpu.memory_space<semaphore_mem>>) src(%dma_wait3A_79 : memref<640xf32, #tpu.memory_space<vmem_shared>>) dst(%dma_wait3A_78 : memref<640xf32, #tpu.memory_space<hbm>>)
      tpu.yield
    }) : () -> ()
    %mul3A_69 = arith.constant 640 : i32
    %mul3A_70 = arith.muli %arg1, %mul3A_69 : i32
    %mul3A_71 = arith.constant 640 : i32
    %mul3A_72 = arith.muli %arg1, %mul3A_71 : i32
    %run_scoped3A_73 = arith.constant 1 : i32
    "tpu.region"() ({
      %run_scoped3A_74 = tpu.sem_alloc : memref<!tpu.dma_semaphore, #tpu.memory_space<semaphore_mem>>
      %dma_start3A = tpu.memref_slice %arg3[%arg0, %run_scoped3A_73, %mul3A_72] : memref<2x2x10240xf32, #tpu.memory_space<hbm>> -> memref<1x1x640xf32, #tpu.memory_space<hbm>>
      %dma_start3A_75 = tpu.memref_squeeze %dma_start3A : memref<1x1x640xf32, #tpu.memory_space<hbm>> -> memref<640xf32, #tpu.memory_space<hbm>>
      %dma_start3A_76 = tpu.memref_slice %arg10[%mul3A_70] : memref<10240xf32, #tpu.memory_space<vmem_shared>> -> memref<640xf32, #tpu.memory_space<vmem_shared>>
      tpu.enqueue_dma source(%dma_start3A_76 : memref<640xf32, #tpu.memory_space<vmem_shared>>) target(%dma_start3A_75 : memref<640xf32, #tpu.memory_space<hbm>>) target_semaphore(%run_scoped3A_74 : memref<!tpu.dma_semaphore, #tpu.memory_space<semaphore_mem>>)
      %dma_wait3A_77 = tpu.memref_slice %arg3[%arg0, %run_scoped3A_73, %mul3A_72] : memref<2x2x10240xf32, #tpu.memory_space<hbm>> -> memref<1x1x640xf32, #tpu.memory_space<hbm>>
      %dma_wait3A_78 = tpu.memref_squeeze %dma_wait3A_77 : memref<1x1x640xf32, #tpu.memory_space<hbm>> -> memref<640xf32, #tpu.memory_space<hbm>>
      %dma_wait3A_79 = tpu.memref_slice %arg10[%mul3A_70] : memref<10240xf32, #tpu.memory_space<vmem_shared>> -> memref<640xf32, #tpu.memory_space<vmem_shared>>
      tpu.wait_dma2 semaphore(%run_scoped3A_74 : memref<!tpu.dma_semaphore, #tpu.memory_space<semaphore_mem>>) src(%dma_wait3A_79 : memref<640xf32, #tpu.memory_space<vmem_shared>>) dst(%dma_wait3A_78 : memref<640xf32, #tpu.memory_space<hbm>>)
      tpu.yield
    }) : () -> ()
    return
  }
}

#map = affine_map<(d0, d1) -> (0, 0)>
module attributes {stable_mosaic.version = 14 : i64} {
  func.func @body(%arg0: i32, %arg1: i32, %arg2: memref<2x320000xi32, #tpu.memory_space<hbm>>, %arg3: memref<10000x64xf32, #tpu.memory_space<hbm>>, %arg4: memref<10240x128xf32, #tpu.memory_space<hbm>>, %arg5: memref<10000xi32, #tpu.memory_space<vmem>>, %arg6: memref<16xi32, #tpu.memory_space<vmem>>, %arg7: memref<16x64xf32, #tpu.memory_space<vmem>>, %arg8: memref<64x64xf32, #tpu.memory_space<vmem>>, %arg9: memref<10240x64xf32, #tpu.memory_space<vmem_shared>>, %arg10: memref<128xi32, #tpu.memory_space<vmem>>, %arg11: memref<128xi32, #tpu.memory_space<vmem>>, %arg12: memref<128xi32, #tpu.memory_space<vmem>>, %arg13: memref<128xi32, #tpu.memory_space<vmem>>, %arg14: memref<128xi32, #tpu.memory_space<vmem>>, %arg15: memref<128xi32, #tpu.memory_space<vmem>>, %arg16: memref<128x64xf32, #tpu.memory_space<vmem>>, %arg17: memref<128x64xf32, #tpu.memory_space<vmem>>, %arg18: memref<128x64xf32, #tpu.memory_space<vmem>>, %arg19: memref<128x64xf32, #tpu.memory_space<vmem>>, %arg20: memref<128x64xf32, #tpu.memory_space<vmem>>, %arg21: memref<128x64xf32, #tpu.memory_space<vmem>>, %arg22: memref<!tpu.dma_semaphore, #tpu.memory_space<semaphore_mem>>, %arg23: memref<!tpu.dma_semaphore, #tpu.memory_space<semaphore_mem>>, %arg24: memref<!tpu.dma_semaphore, #tpu.memory_space<semaphore_mem>>, %arg25: memref<!tpu.dma_semaphore, #tpu.memory_space<semaphore_mem>>, %arg26: memref<!tpu.dma_semaphore, #tpu.memory_space<semaphore_mem>>, %arg27: memref<!tpu.dma_semaphore, #tpu.memory_space<semaphore_mem>>, %arg28: memref<!tpu.dma_semaphore, #tpu.memory_space<semaphore_mem>>, %arg29: memref<!tpu.dma_semaphore, #tpu.memory_space<semaphore_mem>>, %arg30: memref<!tpu.dma_semaphore, #tpu.memory_space<semaphore_mem>>, %arg31: memref<!tpu.dma_semaphore, #tpu.memory_space<semaphore_mem>>, %arg32: memref<!tpu.dma_semaphore, #tpu.memory_space<semaphore_mem>>, %arg33: memref<!tpu.dma_semaphore, #tpu.memory_space<semaphore_mem>>, %arg34: memref<!tpu.dma_semaphore, #tpu.memory_space<semaphore_mem>>, %arg35: memref<!tpu.dma_semaphore, #tpu.memory_space<semaphore_mem>>, %arg36: memref<!tpu.dma_semaphore, #tpu.memory_space<semaphore_mem>>, %arg37: memref<!tpu.dma_semaphore, #tpu.memory_space<semaphore_mem>>, %arg38: memref<!tpu.dma_semaphore, #tpu.memory_space<semaphore_mem>>, %arg39: memref<!tpu.dma_semaphore, #tpu.memory_space<semaphore_mem>>) attributes {dimension_semantics = [#tpu.dimension_semantics<core_parallel>, #tpu.dimension_semantics<subcore_parallel>], iteration_bounds = array<i64: 2, 16>, scalar_prefetch = 0 : i64, scratch_operands = 35 : i64, tpu.core_type = #tpu.core_type<sc_vector_subcore>, window_params = [{transform_indices = #map}, {transform_indices = #map}, {transform_indices = #map}]} {
    %mul3A = arith.constant 16 : i32
    %mul3A_0 = arith.muli %arg0, %mul3A : i32
    %add3A = arith.addi %mul3A_0, %arg1 : i32
    %mul3A_1 = arith.constant 10000 : i32
    %mul3A_2 = arith.muli %add3A, %mul3A_1 : i32
    %dma_start3A = arith.constant 0 : i32
    %dma_start3A_3 = tpu.memref_slice %arg2[%dma_start3A, %mul3A_2] : memref<2x320000xi32, #tpu.memory_space<hbm>> -> memref<1x10000xi32, #tpu.memory_space<hbm>>
    %dma_start3A_4 = tpu.memref_squeeze %dma_start3A_3 : memref<1x10000xi32, #tpu.memory_space<hbm>> -> memref<10000xi32, #tpu.memory_space<hbm>>
    %dma_start3A_5 = tpu.memref_slice %arg2[%dma_start3A, %mul3A_2] : memref<2x320000xi32, #tpu.memory_space<hbm>> -> memref<1x10000xi32, #tpu.memory_space<hbm>>
    %dma_start3A_6 = tpu.memref_squeeze %dma_start3A_5 : memref<1x10000xi32, #tpu.memory_space<hbm>> -> memref<10000xi32, #tpu.memory_space<hbm>>
    tpu.enqueue_dma source(%dma_start3A_6 : memref<10000xi32, #tpu.memory_space<hbm>>) target(%arg5 : memref<10000xi32, #tpu.memory_space<vmem>>) target_semaphore(%arg28 : memref<!tpu.dma_semaphore, #tpu.memory_space<semaphore_mem>>)
    %scan3A = arith.constant 0 : i32
    %scan3A_7 = arith.constant 0 : i32
    %scan3A_8 = arith.constant 64 : i32
    %scan3A_9 = arith.addi %scan3A_7, %scan3A_8 : i32
    %scan3A_10 = arith.constant 1 : i32
    %scan3A_11 = scf.for %scan3A_68 = %scan3A_7 to %scan3A_9 step %scan3A_10 iter_args(%scan3A_69 = %scan3A) -> (i32)  : i32 {
      %broadcast_in_dim3A = arith.constant 0.000000e+00 : f32
      %broadcast_in_dim3A_70 = vector.broadcast %broadcast_in_dim3A : f32 to vector<16xf32>
      %swap3A = arith.index_cast %scan3A_68 : i32 to index
      %swap3A_71 = arith.constant 0 : index
      %swap3A_72 = tpu.vector_load %arg8[%swap3A, %swap3A_71] {strides = array<i32>} : memref<64x64xf32, #tpu.memory_space<vmem>>, vector<1x16xf32>,
      %swap3A_73 = vector.shape_cast %swap3A_72 : vector<1x16xf32> to vector<16xf32>
      %swap3A_74 = vector.shape_cast %broadcast_in_dim3A_70 : vector<16xf32> to vector<1x16xf32>
      tpu.vector_store %arg8[%swap3A, %swap3A_71], %swap3A_74 {strides = array<i32>} : memref<64x64xf32, #tpu.memory_space<vmem>>, vector<1x16xf32>,
      %broadcast_in_dim3A_75 = arith.constant 0.000000e+00 : f32
      %broadcast_in_dim3A_76 = vector.broadcast %broadcast_in_dim3A_75 : f32 to vector<16xf32>
      %swap3A_77 = arith.index_cast %scan3A_68 : i32 to index
      %swap3A_78 = arith.constant 16 : index
      %swap3A_79 = tpu.vector_load %arg8[%swap3A_77, %swap3A_78] {strides = array<i32>} : memref<64x64xf32, #tpu.memory_space<vmem>>, vector<1x16xf32>,
      %swap3A_80 = vector.shape_cast %swap3A_79 : vector<1x16xf32> to vector<16xf32>
      %swap3A_81 = vector.shape_cast %broadcast_in_dim3A_76 : vector<16xf32> to vector<1x16xf32>
      tpu.vector_store %arg8[%swap3A_77, %swap3A_78], %swap3A_81 {strides = array<i32>} : memref<64x64xf32, #tpu.memory_space<vmem>>, vector<1x16xf32>,
      %broadcast_in_dim3A_82 = arith.constant 0.000000e+00 : f32
      %broadcast_in_dim3A_83 = vector.broadcast %broadcast_in_dim3A_82 : f32 to vector<16xf32>
      %swap3A_84 = arith.index_cast %scan3A_68 : i32 to index
      %swap3A_85 = arith.constant 32 : index
      %swap3A_86 = tpu.vector_load %arg8[%swap3A_84, %swap3A_85] {strides = array<i32>} : memref<64x64xf32, #tpu.memory_space<vmem>>, vector<1x16xf32>,
      %swap3A_87 = vector.shape_cast %swap3A_86 : vector<1x16xf32> to vector<16xf32>
      %swap3A_88 = vector.shape_cast %broadcast_in_dim3A_83 : vector<16xf32> to vector<1x16xf32>
      tpu.vector_store %arg8[%swap3A_84, %swap3A_85], %swap3A_88 {strides = array<i32>} : memref<64x64xf32, #tpu.memory_space<vmem>>, vector<1x16xf32>,
      %broadcast_in_dim3A_89 = arith.constant 0.000000e+00 : f32
      %broadcast_in_dim3A_90 = vector.broadcast %broadcast_in_dim3A_89 : f32 to vector<16xf32>
      %swap3A_91 = arith.index_cast %scan3A_68 : i32 to index
      %swap3A_92 = arith.constant 48 : index
      %swap3A_93 = tpu.vector_load %arg8[%swap3A_91, %swap3A_92] {strides = array<i32>} : memref<64x64xf32, #tpu.memory_space<vmem>>, vector<1x16xf32>,
      %swap3A_94 = vector.shape_cast %swap3A_93 : vector<1x16xf32> to vector<16xf32>
      %swap3A_95 = vector.shape_cast %broadcast_in_dim3A_90 : vector<16xf32> to vector<1x16xf32>
      tpu.vector_store %arg8[%swap3A_91, %swap3A_92], %swap3A_95 {strides = array<i32>} : memref<64x64xf32, #tpu.memory_space<vmem>>, vector<1x16xf32>,
      %scan3A_96 = arith.constant 0 : i32
      scf.yield %scan3A_96 : i32
    }
    %scan3A_12 = arith.constant 64 : i32
    %scan3A_13 = arith.constant 0 : i32
    %scan3A_14 = arith.constant 0 : i32
    %scan3A_15 = arith.constant 10 : i32
    %scan3A_16 = arith.addi %scan3A_14, %scan3A_15 : i32
    %scan3A_17 = arith.constant 1 : i32
    %scan3A_18 = scf.for %scan3A_68 = %scan3A_14 to %scan3A_16 step %scan3A_17 iter_args(%scan3A_69 = %scan3A_13) -> (i32)  : i32 {
      %mul3A_70 = arith.constant 640 : i32
      %mul3A_71 = arith.muli %arg1, %mul3A_70 : i32
      %mul3A_72 = arith.constant 64 : i32
      %mul3A_73 = arith.muli %scan3A_68, %mul3A_72 : i32
      %add3A_74 = arith.addi %mul3A_71, %mul3A_73 : i32
      "tpu.region"() ({
        %run_scoped3A_76 = tpu.sem_alloc : memref<!tpu.dma_semaphore, #tpu.memory_space<semaphore_mem>>
        %dma_start3A_77 = arith.constant 0 : i32
        %dma_start3A_78 = tpu.memref_slice %arg9[%add3A_74, %dma_start3A_77] : memref<10240x64xf32, #tpu.memory_space<vmem_shared>> -> memref<64x64xf32, #tpu.memory_space<vmem_shared>>
        %dma_start3A_79 = arith.constant 0 : i32
        %dma_start3A_80 = tpu.memref_slice %arg9[%add3A_74, %dma_start3A_79] : memref<10240x64xf32, #tpu.memory_space<vmem_shared>> -> memref<64x64xf32, #tpu.memory_space<vmem_shared>>
        tpu.enqueue_dma source(%arg8 : memref<64x64xf32, #tpu.memory_space<vmem>>) target(%dma_start3A_80 : memref<64x64xf32, #tpu.memory_space<vmem_shared>>) target_semaphore(%run_scoped3A_76 : memref<!tpu.dma_semaphore, #tpu.memory_space<semaphore_mem>>)
        %dma_wait3A_81 = arith.constant 0 : i32
        %dma_wait3A_82 = tpu.memref_slice %arg9[%add3A_74, %dma_wait3A_81] : memref<10240x64xf32, #tpu.memory_space<vmem_shared>> -> memref<64x64xf32, #tpu.memory_space<vmem_shared>>
        %dma_wait3A_83 = arith.constant 0 : i32
        %dma_wait3A_84 = tpu.memref_slice %arg9[%add3A_74, %dma_wait3A_83] : memref<10240x64xf32, #tpu.memory_space<vmem_shared>> -> memref<64x64xf32, #tpu.memory_space<vmem_shared>>
        tpu.wait_dma2 semaphore(%run_scoped3A_76 : memref<!tpu.dma_semaphore, #tpu.memory_space<semaphore_mem>>) src(%arg8 : memref<64x64xf32, #tpu.memory_space<vmem>>) dst(%dma_wait3A_84 : memref<64x64xf32, #tpu.memory_space<vmem_shared>>)
        tpu.yield
      }) : () -> ()
      %scan3A_75 = arith.constant 0 : i32
      scf.yield %scan3A_75 : i32
    }
    %scan3A_19 = arith.constant 10 : i32
    %dma_wait3A = arith.constant 0 : i32
    %dma_wait3A_20 = tpu.memref_slice %arg2[%dma_wait3A, %mul3A_2] : memref<2x320000xi32, #tpu.memory_space<hbm>> -> memref<1x10000xi32, #tpu.memory_space<hbm>>
    %dma_wait3A_21 = tpu.memref_squeeze %dma_wait3A_20 : memref<1x10000xi32, #tpu.memory_space<hbm>> -> memref<10000xi32, #tpu.memory_space<hbm>>
    %dma_wait3A_22 = tpu.memref_slice %arg2[%dma_wait3A, %mul3A_2] : memref<2x320000xi32, #tpu.memory_space<hbm>> -> memref<1x10000xi32, #tpu.memory_space<hbm>>
    %dma_wait3A_23 = tpu.memref_squeeze %dma_wait3A_22 : memref<1x10000xi32, #tpu.memory_space<hbm>> -> memref<10000xi32, #tpu.memory_space<hbm>>
    tpu.wait_dma2 semaphore(%arg28 : memref<!tpu.dma_semaphore, #tpu.memory_space<semaphore_mem>>) src(%dma_wait3A_23 : memref<10000xi32, #tpu.memory_space<hbm>>) dst(%arg5 : memref<10000xi32, #tpu.memory_space<vmem>>)
    %barrier3A = arith.constant 0 : index
    tpu.barrier barrier_id(%barrier3A)
    %scan3A_24 = arith.constant 0 : i32
    %scan3A_25 = arith.constant 0 : i32
    %scan3A_26 = arith.constant 13 : i32
    %scan3A_27 = arith.addi %scan3A_25, %scan3A_26 : i32
    %scan3A_28 = arith.constant 1 : i32
    %scan3A_29 = scf.for %scan3A_68 = %scan3A_25 to %scan3A_27 step %scan3A_28 iter_args(%scan3A_69 = %scan3A_24) -> (i32)  : i32 {
      %mul3A_70 = arith.constant 6 : i32
      %mul3A_71 = arith.muli %mul3A_70, %scan3A_68 : i32
      %add3A_72 = arith.constant 0 : i32
      %add3A_73 = arith.addi %mul3A_71, %add3A_72 : i32
      %mul3A_74 = arith.constant 128 : i32
      %mul3A_75 = arith.muli %add3A_73, %mul3A_74 : i32
      %gt3A = arith.constant 0 : i32
      %gt3A_76 = arith.cmpi sgt, %scan3A_68, %gt3A : i32
      %convert_element_type3A = arith.extui %gt3A_76 : i1 to i32
      %cond3A = arith.constant 0 : i32
      %cond3A_77 = arith.cmpi ne, %convert_element_type3A, %cond3A : i32
      scf.if %cond3A_77 {
        %dma_wait3A_266 = arith.constant 0 : i32
        %dma_wait3A_267 = arith.constant 0 : i32
        %dma_wait3A_268 = tpu.memref_slice %arg9[%dma_wait3A_266, %dma_wait3A_267] : memref<10240x64xf32, #tpu.memory_space<vmem_shared>> -> memref<10240x64xf32, #tpu.memory_space<vmem_shared>>
        tpu.wait_indirect_dma semaphore(%arg34 : memref<!tpu.dma_semaphore, #tpu.memory_space<semaphore_mem>>) src(%arg16 : memref<128x64xf32, #tpu.memory_space<vmem>>) dst(%dma_wait3A_268 : memref<10240x64xf32, #tpu.memory_space<vmem_shared>>)
      } else {
      }
      %add3A_78 = arith.addi %mul3A_2, %mul3A_75 : i32
      %dma_start3A_79 = arith.constant 1 : i32
      %dma_start3A_80 = tpu.memref_slice %arg2[%dma_start3A_79, %add3A_78] : memref<2x320000xi32, #tpu.memory_space<hbm>> -> memref<1x128xi32, #tpu.memory_space<hbm>>
      %dma_start3A_81 = tpu.memref_squeeze %dma_start3A_80 : memref<1x128xi32, #tpu.memory_space<hbm>> -> memref<128xi32, #tpu.memory_space<hbm>>
      %dma_start3A_82 = tpu.memref_slice %arg2[%dma_start3A_79, %add3A_78] : memref<2x320000xi32, #tpu.memory_space<hbm>> -> memref<1x128xi32, #tpu.memory_space<hbm>>
      %dma_start3A_83 = tpu.memref_squeeze %dma_start3A_82 : memref<1x128xi32, #tpu.memory_space<hbm>> -> memref<128xi32, #tpu.memory_space<hbm>>
      tpu.enqueue_dma source(%dma_start3A_83 : memref<128xi32, #tpu.memory_space<hbm>>) target(%arg10 : memref<128xi32, #tpu.memory_space<vmem>>) target_semaphore(%arg22 : memref<!tpu.dma_semaphore, #tpu.memory_space<semaphore_mem>>)
      %dma_start3A_84 = tpu.memref_slice %arg5[%mul3A_75] : memref<10000xi32, #tpu.memory_space<vmem>> -> memref<128xi32, #tpu.memory_space<vmem>>
      %dma_start3A_85 = arith.constant 0 : i32
      %dma_start3A_86 = arith.constant 0 : i32
      %dma_start3A_87 = tpu.memref_slice %arg3[%dma_start3A_85, %dma_start3A_86] : memref<10000x64xf32, #tpu.memory_space<hbm>> -> memref<10000x64xf32, #tpu.memory_space<hbm>>
      tpu.enqueue_indirect_dma source(%dma_start3A_87 : memref<10000x64xf32, #tpu.memory_space<hbm>>) target(%arg16 : memref<128x64xf32, #tpu.memory_space<vmem>>) offsets(%dma_start3A_84 : memref<128xi32, #tpu.memory_space<vmem>>) semaphore(%arg28 : memref<!tpu.dma_semaphore, #tpu.memory_space<semaphore_mem>>)
      %mul3A_88 = arith.constant 6 : i32
      %mul3A_89 = arith.muli %mul3A_88, %scan3A_68 : i32
      %add3A_90 = arith.constant 1 : i32
      %add3A_91 = arith.addi %mul3A_89, %add3A_90 : i32
      %mul3A_92 = arith.constant 128 : i32
      %mul3A_93 = arith.muli %add3A_91, %mul3A_92 : i32
      %gt3A_94 = arith.constant 0 : i32
      %gt3A_95 = arith.cmpi sgt, %scan3A_68, %gt3A_94 : i32
      %convert_element_type3A_96 = arith.extui %gt3A_95 : i1 to i32
      %cond3A_97 = arith.constant 0 : i32
      %cond3A_98 = arith.cmpi ne, %convert_element_type3A_96, %cond3A_97 : i32
      scf.if %cond3A_98 {
        %dma_wait3A_266 = arith.constant 0 : i32
        %dma_wait3A_267 = arith.constant 0 : i32
        %dma_wait3A_268 = tpu.memref_slice %arg9[%dma_wait3A_266, %dma_wait3A_267] : memref<10240x64xf32, #tpu.memory_space<vmem_shared>> -> memref<10240x64xf32, #tpu.memory_space<vmem_shared>>
        tpu.wait_indirect_dma semaphore(%arg35 : memref<!tpu.dma_semaphore, #tpu.memory_space<semaphore_mem>>) src(%arg17 : memref<128x64xf32, #tpu.memory_space<vmem>>) dst(%dma_wait3A_268 : memref<10240x64xf32, #tpu.memory_space<vmem_shared>>)
      } else {
      }
      %add3A_99 = arith.addi %mul3A_2, %mul3A_93 : i32
      %dma_start3A_100 = arith.constant 1 : i32
      %dma_start3A_101 = tpu.memref_slice %arg2[%dma_start3A_100, %add3A_99] : memref<2x320000xi32, #tpu.memory_space<hbm>> -> memref<1x128xi32, #tpu.memory_space<hbm>>
      %dma_start3A_102 = tpu.memref_squeeze %dma_start3A_101 : memref<1x128xi32, #tpu.memory_space<hbm>> -> memref<128xi32, #tpu.memory_space<hbm>>
      %dma_start3A_103 = tpu.memref_slice %arg2[%dma_start3A_100, %add3A_99] : memref<2x320000xi32, #tpu.memory_space<hbm>> -> memref<1x128xi32, #tpu.memory_space<hbm>>
      %dma_start3A_104 = tpu.memref_squeeze %dma_start3A_103 : memref<1x128xi32, #tpu.memory_space<hbm>> -> memref<128xi32, #tpu.memory_space<hbm>>
      tpu.enqueue_dma source(%dma_start3A_104 : memref<128xi32, #tpu.memory_space<hbm>>) target(%arg11 : memref<128xi32, #tpu.memory_space<vmem>>) target_semaphore(%arg23 : memref<!tpu.dma_semaphore, #tpu.memory_space<semaphore_mem>>)
      %dma_start3A_105 = tpu.memref_slice %arg5[%mul3A_93] : memref<10000xi32, #tpu.memory_space<vmem>> -> memref<128xi32, #tpu.memory_space<vmem>>
      %dma_start3A_106 = arith.constant 0 : i32
      %dma_start3A_107 = arith.constant 0 : i32
      %dma_start3A_108 = tpu.memref_slice %arg3[%dma_start3A_106, %dma_start3A_107] : memref<10000x64xf32, #tpu.memory_space<hbm>> -> memref<10000x64xf32, #tpu.memory_space<hbm>>
      tpu.enqueue_indirect_dma source(%dma_start3A_108 : memref<10000x64xf32, #tpu.memory_space<hbm>>) target(%arg17 : memref<128x64xf32, #tpu.memory_space<vmem>>) offsets(%dma_start3A_105 : memref<128xi32, #tpu.memory_space<vmem>>) semaphore(%arg29 : memref<!tpu.dma_semaphore, #tpu.memory_space<semaphore_mem>>)
      %mul3A_109 = arith.constant 6 : i32
      %mul3A_110 = arith.muli %mul3A_109, %scan3A_68 : i32
      %add3A_111 = arith.constant 2 : i32
      %add3A_112 = arith.addi %mul3A_110, %add3A_111 : i32
      %mul3A_113 = arith.constant 128 : i32
      %mul3A_114 = arith.muli %add3A_112, %mul3A_113 : i32
      %gt3A_115 = arith.constant 0 : i32
      %gt3A_116 = arith.cmpi sgt, %scan3A_68, %gt3A_115 : i32
      %convert_element_type3A_117 = arith.extui %gt3A_116 : i1 to i32
      %cond3A_118 = arith.constant 0 : i32
      %cond3A_119 = arith.cmpi ne, %convert_element_type3A_117, %cond3A_118 : i32
      scf.if %cond3A_119 {
        %dma_wait3A_266 = arith.constant 0 : i32
        %dma_wait3A_267 = arith.constant 0 : i32
        %dma_wait3A_268 = tpu.memref_slice %arg9[%dma_wait3A_266, %dma_wait3A_267] : memref<10240x64xf32, #tpu.memory_space<vmem_shared>> -> memref<10240x64xf32, #tpu.memory_space<vmem_shared>>
        tpu.wait_indirect_dma semaphore(%arg36 : memref<!tpu.dma_semaphore, #tpu.memory_space<semaphore_mem>>) src(%arg18 : memref<128x64xf32, #tpu.memory_space<vmem>>) dst(%dma_wait3A_268 : memref<10240x64xf32, #tpu.memory_space<vmem_shared>>)
      } else {
      }
      %add3A_120 = arith.addi %mul3A_2, %mul3A_114 : i32
      %dma_start3A_121 = arith.constant 1 : i32
      %dma_start3A_122 = tpu.memref_slice %arg2[%dma_start3A_121, %add3A_120] : memref<2x320000xi32, #tpu.memory_space<hbm>> -> memref<1x128xi32, #tpu.memory_space<hbm>>
      %dma_start3A_123 = tpu.memref_squeeze %dma_start3A_122 : memref<1x128xi32, #tpu.memory_space<hbm>> -> memref<128xi32, #tpu.memory_space<hbm>>
      %dma_start3A_124 = tpu.memref_slice %arg2[%dma_start3A_121, %add3A_120] : memref<2x320000xi32, #tpu.memory_space<hbm>> -> memref<1x128xi32, #tpu.memory_space<hbm>>
      %dma_start3A_125 = tpu.memref_squeeze %dma_start3A_124 : memref<1x128xi32, #tpu.memory_space<hbm>> -> memref<128xi32, #tpu.memory_space<hbm>>
      tpu.enqueue_dma source(%dma_start3A_125 : memref<128xi32, #tpu.memory_space<hbm>>) target(%arg12 : memref<128xi32, #tpu.memory_space<vmem>>) target_semaphore(%arg24 : memref<!tpu.dma_semaphore, #tpu.memory_space<semaphore_mem>>)
      %dma_start3A_126 = tpu.memref_slice %arg5[%mul3A_114] : memref<10000xi32, #tpu.memory_space<vmem>> -> memref<128xi32, #tpu.memory_space<vmem>>
      %dma_start3A_127 = arith.constant 0 : i32
      %dma_start3A_128 = arith.constant 0 : i32
      %dma_start3A_129 = tpu.memref_slice %arg3[%dma_start3A_127, %dma_start3A_128] : memref<10000x64xf32, #tpu.memory_space<hbm>> -> memref<10000x64xf32, #tpu.memory_space<hbm>>
      tpu.enqueue_indirect_dma source(%dma_start3A_129 : memref<10000x64xf32, #tpu.memory_space<hbm>>) target(%arg18 : memref<128x64xf32, #tpu.memory_space<vmem>>) offsets(%dma_start3A_126 : memref<128xi32, #tpu.memory_space<vmem>>) semaphore(%arg30 : memref<!tpu.dma_semaphore, #tpu.memory_space<semaphore_mem>>)
      %mul3A_130 = arith.constant 6 : i32
      %mul3A_131 = arith.muli %mul3A_130, %scan3A_68 : i32
      %add3A_132 = arith.constant 3 : i32
      %add3A_133 = arith.addi %mul3A_131, %add3A_132 : i32
      %mul3A_134 = arith.constant 128 : i32
      %mul3A_135 = arith.muli %add3A_133, %mul3A_134 : i32
      %gt3A_136 = arith.constant 0 : i32
      %gt3A_137 = arith.cmpi sgt, %scan3A_68, %gt3A_136 : i32
      %convert_element_type3A_138 = arith.extui %gt3A_137 : i1 to i32
      %cond3A_139 = arith.constant 0 : i32
      %cond3A_140 = arith.cmpi ne, %convert_element_type3A_138, %cond3A_139 : i32
      scf.if %cond3A_140 {
        %dma_wait3A_266 = arith.constant 0 : i32
        %dma_wait3A_267 = arith.constant 0 : i32
        %dma_wait3A_268 = tpu.memref_slice %arg9[%dma_wait3A_266, %dma_wait3A_267] : memref<10240x64xf32, #tpu.memory_space<vmem_shared>> -> memref<10240x64xf32, #tpu.memory_space<vmem_shared>>
        tpu.wait_indirect_dma semaphore(%arg37 : memref<!tpu.dma_semaphore, #tpu.memory_space<semaphore_mem>>) src(%arg19 : memref<128x64xf32, #tpu.memory_space<vmem>>) dst(%dma_wait3A_268 : memref<10240x64xf32, #tpu.memory_space<vmem_shared>>)
      } else {
      }
      %add3A_141 = arith.addi %mul3A_2, %mul3A_135 : i32
      %dma_start3A_142 = arith.constant 1 : i32
      %dma_start3A_143 = tpu.memref_slice %arg2[%dma_start3A_142, %add3A_141] : memref<2x320000xi32, #tpu.memory_space<hbm>> -> memref<1x128xi32, #tpu.memory_space<hbm>>
      %dma_start3A_144 = tpu.memref_squeeze %dma_start3A_143 : memref<1x128xi32, #tpu.memory_space<hbm>> -> memref<128xi32, #tpu.memory_space<hbm>>
      %dma_start3A_145 = tpu.memref_slice %arg2[%dma_start3A_142, %add3A_141] : memref<2x320000xi32, #tpu.memory_space<hbm>> -> memref<1x128xi32, #tpu.memory_space<hbm>>
      %dma_start3A_146 = tpu.memref_squeeze %dma_start3A_145 : memref<1x128xi32, #tpu.memory_space<hbm>> -> memref<128xi32, #tpu.memory_space<hbm>>
      tpu.enqueue_dma source(%dma_start3A_146 : memref<128xi32, #tpu.memory_space<hbm>>) target(%arg13 : memref<128xi32, #tpu.memory_space<vmem>>) target_semaphore(%arg25 : memref<!tpu.dma_semaphore, #tpu.memory_space<semaphore_mem>>)
      %dma_start3A_147 = tpu.memref_slice %arg5[%mul3A_135] : memref<10000xi32, #tpu.memory_space<vmem>> -> memref<128xi32, #tpu.memory_space<vmem>>
      %dma_start3A_148 = arith.constant 0 : i32
      %dma_start3A_149 = arith.constant 0 : i32
      %dma_start3A_150 = tpu.memref_slice %arg3[%dma_start3A_148, %dma_start3A_149] : memref<10000x64xf32, #tpu.memory_space<hbm>> -> memref<10000x64xf32, #tpu.memory_space<hbm>>
      tpu.enqueue_indirect_dma source(%dma_start3A_150 : memref<10000x64xf32, #tpu.memory_space<hbm>>) target(%arg19 : memref<128x64xf32, #tpu.memory_space<vmem>>) offsets(%dma_start3A_147 : memref<128xi32, #tpu.memory_space<vmem>>) semaphore(%arg31 : memref<!tpu.dma_semaphore, #tpu.memory_space<semaphore_mem>>)
      %mul3A_151 = arith.constant 6 : i32
      %mul3A_152 = arith.muli %mul3A_151, %scan3A_68 : i32
      %add3A_153 = arith.constant 4 : i32
      %add3A_154 = arith.addi %mul3A_152, %add3A_153 : i32
      %mul3A_155 = arith.constant 128 : i32
      %mul3A_156 = arith.muli %add3A_154, %mul3A_155 : i32
      %gt3A_157 = arith.constant 0 : i32
      %gt3A_158 = arith.cmpi sgt, %scan3A_68, %gt3A_157 : i32
      %convert_element_type3A_159 = arith.extui %gt3A_158 : i1 to i32
      %cond3A_160 = arith.constant 0 : i32
      %cond3A_161 = arith.cmpi ne, %convert_element_type3A_159, %cond3A_160 : i32
      scf.if %cond3A_161 {
        %dma_wait3A_266 = arith.constant 0 : i32
        %dma_wait3A_267 = arith.constant 0 : i32
        %dma_wait3A_268 = tpu.memref_slice %arg9[%dma_wait3A_266, %dma_wait3A_267] : memref<10240x64xf32, #tpu.memory_space<vmem_shared>> -> memref<10240x64xf32, #tpu.memory_space<vmem_shared>>
        tpu.wait_indirect_dma semaphore(%arg38 : memref<!tpu.dma_semaphore, #tpu.memory_space<semaphore_mem>>) src(%arg20 : memref<128x64xf32, #tpu.memory_space<vmem>>) dst(%dma_wait3A_268 : memref<10240x64xf32, #tpu.memory_space<vmem_shared>>)
      } else {
      }
      %add3A_162 = arith.addi %mul3A_2, %mul3A_156 : i32
      %dma_start3A_163 = arith.constant 1 : i32
      %dma_start3A_164 = tpu.memref_slice %arg2[%dma_start3A_163, %add3A_162] : memref<2x320000xi32, #tpu.memory_space<hbm>> -> memref<1x128xi32, #tpu.memory_space<hbm>>
      %dma_start3A_165 = tpu.memref_squeeze %dma_start3A_164 : memref<1x128xi32, #tpu.memory_space<hbm>> -> memref<128xi32, #tpu.memory_space<hbm>>
      %dma_start3A_166 = tpu.memref_slice %arg2[%dma_start3A_163, %add3A_162] : memref<2x320000xi32, #tpu.memory_space<hbm>> -> memref<1x128xi32, #tpu.memory_space<hbm>>
      %dma_start3A_167 = tpu.memref_squeeze %dma_start3A_166 : memref<1x128xi32, #tpu.memory_space<hbm>> -> memref<128xi32, #tpu.memory_space<hbm>>
      tpu.enqueue_dma source(%dma_start3A_167 : memref<128xi32, #tpu.memory_space<hbm>>) target(%arg14 : memref<128xi32, #tpu.memory_space<vmem>>) target_semaphore(%arg26 : memref<!tpu.dma_semaphore, #tpu.memory_space<semaphore_mem>>)
      %dma_start3A_168 = tpu.memref_slice %arg5[%mul3A_156] : memref<10000xi32, #tpu.memory_space<vmem>> -> memref<128xi32, #tpu.memory_space<vmem>>
      %dma_start3A_169 = arith.constant 0 : i32
      %dma_start3A_170 = arith.constant 0 : i32
      %dma_start3A_171 = tpu.memref_slice %arg3[%dma_start3A_169, %dma_start3A_170] : memref<10000x64xf32, #tpu.memory_space<hbm>> -> memref<10000x64xf32, #tpu.memory_space<hbm>>
      tpu.enqueue_indirect_dma source(%dma_start3A_171 : memref<10000x64xf32, #tpu.memory_space<hbm>>) target(%arg20 : memref<128x64xf32, #tpu.memory_space<vmem>>) offsets(%dma_start3A_168 : memref<128xi32, #tpu.memory_space<vmem>>) semaphore(%arg32 : memref<!tpu.dma_semaphore, #tpu.memory_space<semaphore_mem>>)
      %mul3A_172 = arith.constant 6 : i32
      %mul3A_173 = arith.muli %mul3A_172, %scan3A_68 : i32
      %add3A_174 = arith.constant 5 : i32
      %add3A_175 = arith.addi %mul3A_173, %add3A_174 : i32
      %mul3A_176 = arith.constant 128 : i32
      %mul3A_177 = arith.muli %add3A_175, %mul3A_176 : i32
      %gt3A_178 = arith.constant 0 : i32
      %gt3A_179 = arith.cmpi sgt, %scan3A_68, %gt3A_178 : i32
      %convert_element_type3A_180 = arith.extui %gt3A_179 : i1 to i32
      %cond3A_181 = arith.constant 0 : i32
      %cond3A_182 = arith.cmpi ne, %convert_element_type3A_180, %cond3A_181 : i32
      scf.if %cond3A_182 {
        %dma_wait3A_266 = arith.constant 0 : i32
        %dma_wait3A_267 = arith.constant 0 : i32
        %dma_wait3A_268 = tpu.memref_slice %arg9[%dma_wait3A_266, %dma_wait3A_267] : memref<10240x64xf32, #tpu.memory_space<vmem_shared>> -> memref<10240x64xf32, #tpu.memory_space<vmem_shared>>
        tpu.wait_indirect_dma semaphore(%arg39 : memref<!tpu.dma_semaphore, #tpu.memory_space<semaphore_mem>>) src(%arg21 : memref<128x64xf32, #tpu.memory_space<vmem>>) dst(%dma_wait3A_268 : memref<10240x64xf32, #tpu.memory_space<vmem_shared>>)
      } else {
      }
      %add3A_183 = arith.addi %mul3A_2, %mul3A_177 : i32
      %dma_start3A_184 = arith.constant 1 : i32
      %dma_start3A_185 = tpu.memref_slice %arg2[%dma_start3A_184, %add3A_183] : memref<2x320000xi32, #tpu.memory_space<hbm>> -> memref<1x128xi32, #tpu.memory_space<hbm>>
      %dma_start3A_186 = tpu.memref_squeeze %dma_start3A_185 : memref<1x128xi32, #tpu.memory_space<hbm>> -> memref<128xi32, #tpu.memory_space<hbm>>
      %dma_start3A_187 = tpu.memref_slice %arg2[%dma_start3A_184, %add3A_183] : memref<2x320000xi32, #tpu.memory_space<hbm>> -> memref<1x128xi32, #tpu.memory_space<hbm>>
      %dma_start3A_188 = tpu.memref_squeeze %dma_start3A_187 : memref<1x128xi32, #tpu.memory_space<hbm>> -> memref<128xi32, #tpu.memory_space<hbm>>
      tpu.enqueue_dma source(%dma_start3A_188 : memref<128xi32, #tpu.memory_space<hbm>>) target(%arg15 : memref<128xi32, #tpu.memory_space<vmem>>) target_semaphore(%arg27 : memref<!tpu.dma_semaphore, #tpu.memory_space<semaphore_mem>>)
      %dma_start3A_189 = tpu.memref_slice %arg5[%mul3A_177] : memref<10000xi32, #tpu.memory_space<vmem>> -> memref<128xi32, #tpu.memory_space<vmem>>
      %dma_start3A_190 = arith.constant 0 : i32
      %dma_start3A_191 = arith.constant 0 : i32
      %dma_start3A_192 = tpu.memref_slice %arg3[%dma_start3A_190, %dma_start3A_191] : memref<10000x64xf32, #tpu.memory_space<hbm>> -> memref<10000x64xf32, #tpu.memory_space<hbm>>
      tpu.enqueue_indirect_dma source(%dma_start3A_192 : memref<10000x64xf32, #tpu.memory_space<hbm>>) target(%arg21 : memref<128x64xf32, #tpu.memory_space<vmem>>) offsets(%dma_start3A_189 : memref<128xi32, #tpu.memory_space<vmem>>) semaphore(%arg33 : memref<!tpu.dma_semaphore, #tpu.memory_space<semaphore_mem>>)
      %dma_wait3A_193 = arith.constant 1 : i32
      %dma_wait3A_194 = tpu.memref_slice %arg2[%dma_wait3A_193, %add3A_78] : memref<2x320000xi32, #tpu.memory_space<hbm>> -> memref<1x128xi32, #tpu.memory_space<hbm>>
      %dma_wait3A_195 = tpu.memref_squeeze %dma_wait3A_194 : memref<1x128xi32, #tpu.memory_space<hbm>> -> memref<128xi32, #tpu.memory_space<hbm>>
      %dma_wait3A_196 = tpu.memref_slice %arg2[%dma_wait3A_193, %add3A_78] : memref<2x320000xi32, #tpu.memory_space<hbm>> -> memref<1x128xi32, #tpu.memory_space<hbm>>
      %dma_wait3A_197 = tpu.memref_squeeze %dma_wait3A_196 : memref<1x128xi32, #tpu.memory_space<hbm>> -> memref<128xi32, #tpu.memory_space<hbm>>
      tpu.wait_dma2 semaphore(%arg22 : memref<!tpu.dma_semaphore, #tpu.memory_space<semaphore_mem>>) src(%dma_wait3A_197 : memref<128xi32, #tpu.memory_space<hbm>>) dst(%arg10 : memref<128xi32, #tpu.memory_space<vmem>>)
      %dma_wait3A_198 = tpu.memref_slice %arg5[%mul3A_75] : memref<10000xi32, #tpu.memory_space<vmem>> -> memref<128xi32, #tpu.memory_space<vmem>>
      %dma_wait3A_199 = arith.constant 0 : i32
      %dma_wait3A_200 = arith.constant 0 : i32
      %dma_wait3A_201 = tpu.memref_slice %arg3[%dma_wait3A_199, %dma_wait3A_200] : memref<10000x64xf32, #tpu.memory_space<hbm>> -> memref<10000x64xf32, #tpu.memory_space<hbm>>
      tpu.wait_indirect_dma semaphore(%arg28 : memref<!tpu.dma_semaphore, #tpu.memory_space<semaphore_mem>>) src(%dma_wait3A_201 : memref<10000x64xf32, #tpu.memory_space<hbm>>) dst(%arg16 : memref<128x64xf32, #tpu.memory_space<vmem>>)
      %dma_start3A_202 = arith.constant 0 : i32
      %dma_start3A_203 = arith.constant 0 : i32
      %dma_start3A_204 = tpu.memref_slice %arg9[%dma_start3A_202, %dma_start3A_203] : memref<10240x64xf32, #tpu.memory_space<vmem_shared>> -> memref<10240x64xf32, #tpu.memory_space<vmem_shared>>
      tpu.enqueue_indirect_dma source(%arg16 : memref<128x64xf32, #tpu.memory_space<vmem>>) target(%dma_start3A_204 : memref<10240x64xf32, #tpu.memory_space<vmem_shared>>) offsets(%arg10 : memref<128xi32, #tpu.memory_space<vmem>>) semaphore(%arg34 : memref<!tpu.dma_semaphore, #tpu.memory_space<semaphore_mem>>) {add = true}
      %dma_wait3A_205 = arith.constant 1 : i32
      %dma_wait3A_206 = tpu.memref_slice %arg2[%dma_wait3A_205, %add3A_99] : memref<2x320000xi32, #tpu.memory_space<hbm>> -> memref<1x128xi32, #tpu.memory_space<hbm>>
      %dma_wait3A_207 = tpu.memref_squeeze %dma_wait3A_206 : memref<1x128xi32, #tpu.memory_space<hbm>> -> memref<128xi32, #tpu.memory_space<hbm>>
      %dma_wait3A_208 = tpu.memref_slice %arg2[%dma_wait3A_205, %add3A_99] : memref<2x320000xi32, #tpu.memory_space<hbm>> -> memref<1x128xi32, #tpu.memory_space<hbm>>
      %dma_wait3A_209 = tpu.memref_squeeze %dma_wait3A_208 : memref<1x128xi32, #tpu.memory_space<hbm>> -> memref<128xi32, #tpu.memory_space<hbm>>
      tpu.wait_dma2 semaphore(%arg23 : memref<!tpu.dma_semaphore, #tpu.memory_space<semaphore_mem>>) src(%dma_wait3A_209 : memref<128xi32, #tpu.memory_space<hbm>>) dst(%arg11 : memref<128xi32, #tpu.memory_space<vmem>>)
      %dma_wait3A_210 = tpu.memref_slice %arg5[%mul3A_93] : memref<10000xi32, #tpu.memory_space<vmem>> -> memref<128xi32, #tpu.memory_space<vmem>>
      %dma_wait3A_211 = arith.constant 0 : i32
      %dma_wait3A_212 = arith.constant 0 : i32
      %dma_wait3A_213 = tpu.memref_slice %arg3[%dma_wait3A_211, %dma_wait3A_212] : memref<10000x64xf32, #tpu.memory_space<hbm>> -> memref<10000x64xf32, #tpu.memory_space<hbm>>
      tpu.wait_indirect_dma semaphore(%arg29 : memref<!tpu.dma_semaphore, #tpu.memory_space<semaphore_mem>>) src(%dma_wait3A_213 : memref<10000x64xf32, #tpu.memory_space<hbm>>) dst(%arg17 : memref<128x64xf32, #tpu.memory_space<vmem>>)
      %dma_start3A_214 = arith.constant 0 : i32
      %dma_start3A_215 = arith.constant 0 : i32
      %dma_start3A_216 = tpu.memref_slice %arg9[%dma_start3A_214, %dma_start3A_215] : memref<10240x64xf32, #tpu.memory_space<vmem_shared>> -> memref<10240x64xf32, #tpu.memory_space<vmem_shared>>
      tpu.enqueue_indirect_dma source(%arg17 : memref<128x64xf32, #tpu.memory_space<vmem>>) target(%dma_start3A_216 : memref<10240x64xf32, #tpu.memory_space<vmem_shared>>) offsets(%arg11 : memref<128xi32, #tpu.memory_space<vmem>>) semaphore(%arg35 : memref<!tpu.dma_semaphore, #tpu.memory_space<semaphore_mem>>) {add = true}
      %dma_wait3A_217 = arith.constant 1 : i32
      %dma_wait3A_218 = tpu.memref_slice %arg2[%dma_wait3A_217, %add3A_120] : memref<2x320000xi32, #tpu.memory_space<hbm>> -> memref<1x128xi32, #tpu.memory_space<hbm>>
      %dma_wait3A_219 = tpu.memref_squeeze %dma_wait3A_218 : memref<1x128xi32, #tpu.memory_space<hbm>> -> memref<128xi32, #tpu.memory_space<hbm>>
      %dma_wait3A_220 = tpu.memref_slice %arg2[%dma_wait3A_217, %add3A_120] : memref<2x320000xi32, #tpu.memory_space<hbm>> -> memref<1x128xi32, #tpu.memory_space<hbm>>
      %dma_wait3A_221 = tpu.memref_squeeze %dma_wait3A_220 : memref<1x128xi32, #tpu.memory_space<hbm>> -> memref<128xi32, #tpu.memory_space<hbm>>
      tpu.wait_dma2 semaphore(%arg24 : memref<!tpu.dma_semaphore, #tpu.memory_space<semaphore_mem>>) src(%dma_wait3A_221 : memref<128xi32, #tpu.memory_space<hbm>>) dst(%arg12 : memref<128xi32, #tpu.memory_space<vmem>>)
      %dma_wait3A_222 = tpu.memref_slice %arg5[%mul3A_114] : memref<10000xi32, #tpu.memory_space<vmem>> -> memref<128xi32, #tpu.memory_space<vmem>>
      %dma_wait3A_223 = arith.constant 0 : i32
      %dma_wait3A_224 = arith.constant 0 : i32
      %dma_wait3A_225 = tpu.memref_slice %arg3[%dma_wait3A_223, %dma_wait3A_224] : memref<10000x64xf32, #tpu.memory_space<hbm>> -> memref<10000x64xf32, #tpu.memory_space<hbm>>
      tpu.wait_indirect_dma semaphore(%arg30 : memref<!tpu.dma_semaphore, #tpu.memory_space<semaphore_mem>>) src(%dma_wait3A_225 : memref<10000x64xf32, #tpu.memory_space<hbm>>) dst(%arg18 : memref<128x64xf32, #tpu.memory_space<vmem>>)
      %dma_start3A_226 = arith.constant 0 : i32
      %dma_start3A_227 = arith.constant 0 : i32
      %dma_start3A_228 = tpu.memref_slice %arg9[%dma_start3A_226, %dma_start3A_227] : memref<10240x64xf32, #tpu.memory_space<vmem_shared>> -> memref<10240x64xf32, #tpu.memory_space<vmem_shared>>
      tpu.enqueue_indirect_dma source(%arg18 : memref<128x64xf32, #tpu.memory_space<vmem>>) target(%dma_start3A_228 : memref<10240x64xf32, #tpu.memory_space<vmem_shared>>) offsets(%arg12 : memref<128xi32, #tpu.memory_space<vmem>>) semaphore(%arg36 : memref<!tpu.dma_semaphore, #tpu.memory_space<semaphore_mem>>) {add = true}
      %dma_wait3A_229 = arith.constant 1 : i32
      %dma_wait3A_230 = tpu.memref_slice %arg2[%dma_wait3A_229, %add3A_141] : memref<2x320000xi32, #tpu.memory_space<hbm>> -> memref<1x128xi32, #tpu.memory_space<hbm>>
      %dma_wait3A_231 = tpu.memref_squeeze %dma_wait3A_230 : memref<1x128xi32, #tpu.memory_space<hbm>> -> memref<128xi32, #tpu.memory_space<hbm>>
      %dma_wait3A_232 = tpu.memref_slice %arg2[%dma_wait3A_229, %add3A_141] : memref<2x320000xi32, #tpu.memory_space<hbm>> -> memref<1x128xi32, #tpu.memory_space<hbm>>
      %dma_wait3A_233 = tpu.memref_squeeze %dma_wait3A_232 : memref<1x128xi32, #tpu.memory_space<hbm>> -> memref<128xi32, #tpu.memory_space<hbm>>
      tpu.wait_dma2 semaphore(%arg25 : memref<!tpu.dma_semaphore, #tpu.memory_space<semaphore_mem>>) src(%dma_wait3A_233 : memref<128xi32, #tpu.memory_space<hbm>>) dst(%arg13 : memref<128xi32, #tpu.memory_space<vmem>>)
      %dma_wait3A_234 = tpu.memref_slice %arg5[%mul3A_135] : memref<10000xi32, #tpu.memory_space<vmem>> -> memref<128xi32, #tpu.memory_space<vmem>>
      %dma_wait3A_235 = arith.constant 0 : i32
      %dma_wait3A_236 = arith.constant 0 : i32
      %dma_wait3A_237 = tpu.memref_slice %arg3[%dma_wait3A_235, %dma_wait3A_236] : memref<10000x64xf32, #tpu.memory_space<hbm>> -> memref<10000x64xf32, #tpu.memory_space<hbm>>
      tpu.wait_indirect_dma semaphore(%arg31 : memref<!tpu.dma_semaphore, #tpu.memory_space<semaphore_mem>>) src(%dma_wait3A_237 : memref<10000x64xf32, #tpu.memory_space<hbm>>) dst(%arg19 : memref<128x64xf32, #tpu.memory_space<vmem>>)
      %dma_start3A_238 = arith.constant 0 : i32
      %dma_start3A_239 = arith.constant 0 : i32
      %dma_start3A_240 = tpu.memref_slice %arg9[%dma_start3A_238, %dma_start3A_239] : memref<10240x64xf32, #tpu.memory_space<vmem_shared>> -> memref<10240x64xf32, #tpu.memory_space<vmem_shared>>
      tpu.enqueue_indirect_dma source(%arg19 : memref<128x64xf32, #tpu.memory_space<vmem>>) target(%dma_start3A_240 : memref<10240x64xf32, #tpu.memory_space<vmem_shared>>) offsets(%arg13 : memref<128xi32, #tpu.memory_space<vmem>>) semaphore(%arg37 : memref<!tpu.dma_semaphore, #tpu.memory_space<semaphore_mem>>) {add = true}
      %dma_wait3A_241 = arith.constant 1 : i32
      %dma_wait3A_242 = tpu.memref_slice %arg2[%dma_wait3A_241, %add3A_162] : memref<2x320000xi32, #tpu.memory_space<hbm>> -> memref<1x128xi32, #tpu.memory_space<hbm>>
      %dma_wait3A_243 = tpu.memref_squeeze %dma_wait3A_242 : memref<1x128xi32, #tpu.memory_space<hbm>> -> memref<128xi32, #tpu.memory_space<hbm>>
      %dma_wait3A_244 = tpu.memref_slice %arg2[%dma_wait3A_241, %add3A_162] : memref<2x320000xi32, #tpu.memory_space<hbm>> -> memref<1x128xi32, #tpu.memory_space<hbm>>
      %dma_wait3A_245 = tpu.memref_squeeze %dma_wait3A_244 : memref<1x128xi32, #tpu.memory_space<hbm>> -> memref<128xi32, #tpu.memory_space<hbm>>
      tpu.wait_dma2 semaphore(%arg26 : memref<!tpu.dma_semaphore, #tpu.memory_space<semaphore_mem>>) src(%dma_wait3A_245 : memref<128xi32, #tpu.memory_space<hbm>>) dst(%arg14 : memref<128xi32, #tpu.memory_space<vmem>>)
      %dma_wait3A_246 = tpu.memref_slice %arg5[%mul3A_156] : memref<10000xi32, #tpu.memory_space<vmem>> -> memref<128xi32, #tpu.memory_space<vmem>>
      %dma_wait3A_247 = arith.constant 0 : i32
      %dma_wait3A_248 = arith.constant 0 : i32
      %dma_wait3A_249 = tpu.memref_slice %arg3[%dma_wait3A_247, %dma_wait3A_248] : memref<10000x64xf32, #tpu.memory_space<hbm>> -> memref<10000x64xf32, #tpu.memory_space<hbm>>
      tpu.wait_indirect_dma semaphore(%arg32 : memref<!tpu.dma_semaphore, #tpu.memory_space<semaphore_mem>>) src(%dma_wait3A_249 : memref<10000x64xf32, #tpu.memory_space<hbm>>) dst(%arg20 : memref<128x64xf32, #tpu.memory_space<vmem>>)
      %dma_start3A_250 = arith.constant 0 : i32
      %dma_start3A_251 = arith.constant 0 : i32
      %dma_start3A_252 = tpu.memref_slice %arg9[%dma_start3A_250, %dma_start3A_251] : memref<10240x64xf32, #tpu.memory_space<vmem_shared>> -> memref<10240x64xf32, #tpu.memory_space<vmem_shared>>
      tpu.enqueue_indirect_dma source(%arg20 : memref<128x64xf32, #tpu.memory_space<vmem>>) target(%dma_start3A_252 : memref<10240x64xf32, #tpu.memory_space<vmem_shared>>) offsets(%arg14 : memref<128xi32, #tpu.memory_space<vmem>>) semaphore(%arg38 : memref<!tpu.dma_semaphore, #tpu.memory_space<semaphore_mem>>) {add = true}
      %dma_wait3A_253 = arith.constant 1 : i32
      %dma_wait3A_254 = tpu.memref_slice %arg2[%dma_wait3A_253, %add3A_183] : memref<2x320000xi32, #tpu.memory_space<hbm>> -> memref<1x128xi32, #tpu.memory_space<hbm>>
      %dma_wait3A_255 = tpu.memref_squeeze %dma_wait3A_254 : memref<1x128xi32, #tpu.memory_space<hbm>> -> memref<128xi32, #tpu.memory_space<hbm>>
      %dma_wait3A_256 = tpu.memref_slice %arg2[%dma_wait3A_253, %add3A_183] : memref<2x320000xi32, #tpu.memory_space<hbm>> -> memref<1x128xi32, #tpu.memory_space<hbm>>
      %dma_wait3A_257 = tpu.memref_squeeze %dma_wait3A_256 : memref<1x128xi32, #tpu.memory_space<hbm>> -> memref<128xi32, #tpu.memory_space<hbm>>
      tpu.wait_dma2 semaphore(%arg27 : memref<!tpu.dma_semaphore, #tpu.memory_space<semaphore_mem>>) src(%dma_wait3A_257 : memref<128xi32, #tpu.memory_space<hbm>>) dst(%arg15 : memref<128xi32, #tpu.memory_space<vmem>>)
      %dma_wait3A_258 = tpu.memref_slice %arg5[%mul3A_177] : memref<10000xi32, #tpu.memory_space<vmem>> -> memref<128xi32, #tpu.memory_space<vmem>>
      %dma_wait3A_259 = arith.constant 0 : i32
      %dma_wait3A_260 = arith.constant 0 : i32
      %dma_wait3A_261 = tpu.memref_slice %arg3[%dma_wait3A_259, %dma_wait3A_260] : memref<10000x64xf32, #tpu.memory_space<hbm>> -> memref<10000x64xf32, #tpu.memory_space<hbm>>
      tpu.wait_indirect_dma semaphore(%arg33 : memref<!tpu.dma_semaphore, #tpu.memory_space<semaphore_mem>>) src(%dma_wait3A_261 : memref<10000x64xf32, #tpu.memory_space<hbm>>) dst(%arg21 : memref<128x64xf32, #tpu.memory_space<vmem>>)
      %dma_start3A_262 = arith.constant 0 : i32
      %dma_start3A_263 = arith.constant 0 : i32
      %dma_start3A_264 = tpu.memref_slice %arg9[%dma_start3A_262, %dma_start3A_263] : memref<10240x64xf32, #tpu.memory_space<vmem_shared>> -> memref<10240x64xf32, #tpu.memory_space<vmem_shared>>
      tpu.enqueue_indirect_dma source(%arg21 : memref<128x64xf32, #tpu.memory_space<vmem>>) target(%dma_start3A_264 : memref<10240x64xf32, #tpu.memory_space<vmem_shared>>) offsets(%arg15 : memref<128xi32, #tpu.memory_space<vmem>>) semaphore(%arg39 : memref<!tpu.dma_semaphore, #tpu.memory_space<semaphore_mem>>) {add = true}
      %scan3A_265 = arith.constant 0 : i32
      scf.yield %scan3A_265 : i32
    }
    %scan3A_30 = arith.constant 13 : i32
    %dma_wait3A_31 = arith.constant 0 : i32
    %dma_wait3A_32 = arith.constant 0 : i32
    %dma_wait3A_33 = tpu.memref_slice %arg9[%dma_wait3A_31, %dma_wait3A_32] : memref<10240x64xf32, #tpu.memory_space<vmem_shared>> -> memref<10240x64xf32, #tpu.memory_space<vmem_shared>>
    tpu.wait_indirect_dma semaphore(%arg34 : memref<!tpu.dma_semaphore, #tpu.memory_space<semaphore_mem>>) src(%arg16 : memref<128x64xf32, #tpu.memory_space<vmem>>) dst(%dma_wait3A_33 : memref<10240x64xf32, #tpu.memory_space<vmem_shared>>)
    %dma_wait3A_34 = arith.constant 0 : i32
    %dma_wait3A_35 = arith.constant 0 : i32
    %dma_wait3A_36 = tpu.memref_slice %arg9[%dma_wait3A_34, %dma_wait3A_35] : memref<10240x64xf32, #tpu.memory_space<vmem_shared>> -> memref<10240x64xf32, #tpu.memory_space<vmem_shared>>
    tpu.wait_indirect_dma semaphore(%arg35 : memref<!tpu.dma_semaphore, #tpu.memory_space<semaphore_mem>>) src(%arg17 : memref<128x64xf32, #tpu.memory_space<vmem>>) dst(%dma_wait3A_36 : memref<10240x64xf32, #tpu.memory_space<vmem_shared>>)
    %dma_wait3A_37 = arith.constant 0 : i32
    %dma_wait3A_38 = arith.constant 0 : i32
    %dma_wait3A_39 = tpu.memref_slice %arg9[%dma_wait3A_37, %dma_wait3A_38] : memref<10240x64xf32, #tpu.memory_space<vmem_shared>> -> memref<10240x64xf32, #tpu.memory_space<vmem_shared>>
    tpu.wait_indirect_dma semaphore(%arg36 : memref<!tpu.dma_semaphore, #tpu.memory_space<semaphore_mem>>) src(%arg18 : memref<128x64xf32, #tpu.memory_space<vmem>>) dst(%dma_wait3A_39 : memref<10240x64xf32, #tpu.memory_space<vmem_shared>>)
    %dma_wait3A_40 = arith.constant 0 : i32
    %dma_wait3A_41 = arith.constant 0 : i32
    %dma_wait3A_42 = tpu.memref_slice %arg9[%dma_wait3A_40, %dma_wait3A_41] : memref<10240x64xf32, #tpu.memory_space<vmem_shared>> -> memref<10240x64xf32, #tpu.memory_space<vmem_shared>>
    tpu.wait_indirect_dma semaphore(%arg37 : memref<!tpu.dma_semaphore, #tpu.memory_space<semaphore_mem>>) src(%arg19 : memref<128x64xf32, #tpu.memory_space<vmem>>) dst(%dma_wait3A_42 : memref<10240x64xf32, #tpu.memory_space<vmem_shared>>)
    %dma_wait3A_43 = arith.constant 0 : i32
    %dma_wait3A_44 = arith.constant 0 : i32
    %dma_wait3A_45 = tpu.memref_slice %arg9[%dma_wait3A_43, %dma_wait3A_44] : memref<10240x64xf32, #tpu.memory_space<vmem_shared>> -> memref<10240x64xf32, #tpu.memory_space<vmem_shared>>
    tpu.wait_indirect_dma semaphore(%arg38 : memref<!tpu.dma_semaphore, #tpu.memory_space<semaphore_mem>>) src(%arg20 : memref<128x64xf32, #tpu.memory_space<vmem>>) dst(%dma_wait3A_45 : memref<10240x64xf32, #tpu.memory_space<vmem_shared>>)
    %dma_wait3A_46 = arith.constant 0 : i32
    %dma_wait3A_47 = arith.constant 0 : i32
    %dma_wait3A_48 = tpu.memref_slice %arg9[%dma_wait3A_46, %dma_wait3A_47] : memref<10240x64xf32, #tpu.memory_space<vmem_shared>> -> memref<10240x64xf32, #tpu.memory_space<vmem_shared>>
    tpu.wait_indirect_dma semaphore(%arg39 : memref<!tpu.dma_semaphore, #tpu.memory_space<semaphore_mem>>) src(%arg21 : memref<128x64xf32, #tpu.memory_space<vmem>>) dst(%dma_wait3A_48 : memref<10240x64xf32, #tpu.memory_space<vmem_shared>>)
    %add3A_49 = arith.constant 9984 : i32
    %add3A_50 = arith.addi %mul3A_2, %add3A_49 : i32
    %run_scoped3A = arith.constant 1 : i32
    "tpu.region"() ({
      %run_scoped3A_68 = tpu.sem_alloc : memref<!tpu.dma_semaphore, #tpu.memory_space<semaphore_mem>>
      %dma_start3A_69 = tpu.memref_slice %arg2[%run_scoped3A, %add3A_50] : memref<2x320000xi32, #tpu.memory_space<hbm>> -> memref<1x16xi32, #tpu.memory_space<hbm>>
      %dma_start3A_70 = tpu.memref_squeeze %dma_start3A_69 : memref<1x16xi32, #tpu.memory_space<hbm>> -> memref<16xi32, #tpu.memory_space<hbm>>
      %dma_start3A_71 = tpu.memref_slice %arg2[%run_scoped3A, %add3A_50] : memref<2x320000xi32, #tpu.memory_space<hbm>> -> memref<1x16xi32, #tpu.memory_space<hbm>>
      %dma_start3A_72 = tpu.memref_squeeze %dma_start3A_71 : memref<1x16xi32, #tpu.memory_space<hbm>> -> memref<16xi32, #tpu.memory_space<hbm>>
      tpu.enqueue_dma source(%dma_start3A_72 : memref<16xi32, #tpu.memory_space<hbm>>) target(%arg6 : memref<16xi32, #tpu.memory_space<vmem>>) target_semaphore(%run_scoped3A_68 : memref<!tpu.dma_semaphore, #tpu.memory_space<semaphore_mem>>)
      %dma_wait3A_73 = tpu.memref_slice %arg2[%run_scoped3A, %add3A_50] : memref<2x320000xi32, #tpu.memory_space<hbm>> -> memref<1x16xi32, #tpu.memory_space<hbm>>
      %dma_wait3A_74 = tpu.memref_squeeze %dma_wait3A_73 : memref<1x16xi32, #tpu.memory_space<hbm>> -> memref<16xi32, #tpu.memory_space<hbm>>
      %dma_wait3A_75 = tpu.memref_slice %arg2[%run_scoped3A, %add3A_50] : memref<2x320000xi32, #tpu.memory_space<hbm>> -> memref<1x16xi32, #tpu.memory_space<hbm>>
      %dma_wait3A_76 = tpu.memref_squeeze %dma_wait3A_75 : memref<1x16xi32, #tpu.memory_space<hbm>> -> memref<16xi32, #tpu.memory_space<hbm>>
      tpu.wait_dma2 semaphore(%run_scoped3A_68 : memref<!tpu.dma_semaphore, #tpu.memory_space<semaphore_mem>>) src(%dma_wait3A_76 : memref<16xi32, #tpu.memory_space<hbm>>) dst(%arg6 : memref<16xi32, #tpu.memory_space<vmem>>)
      tpu.yield
    }) : () -> ()
    %dma_start3A_51 = arith.constant 9984 : i32
    %dma_start3A_52 = tpu.memref_slice %arg5[%dma_start3A_51] : memref<10000xi32, #tpu.memory_space<vmem>> -> memref<16xi32, #tpu.memory_space<vmem>>
    %dma_start3A_53 = arith.constant 0 : i32
    %dma_start3A_54 = arith.constant 0 : i32
    %dma_start3A_55 = tpu.memref_slice %arg3[%dma_start3A_53, %dma_start3A_54] : memref<10000x64xf32, #tpu.memory_space<hbm>> -> memref<10000x64xf32, #tpu.memory_space<hbm>>
    tpu.enqueue_indirect_dma source(%dma_start3A_55 : memref<10000x64xf32, #tpu.memory_space<hbm>>) target(%arg7 : memref<16x64xf32, #tpu.memory_space<vmem>>) offsets(%dma_start3A_52 : memref<16xi32, #tpu.memory_space<vmem>>) semaphore(%arg28 : memref<!tpu.dma_semaphore, #tpu.memory_space<semaphore_mem>>)
    %dma_wait3A_56 = arith.constant 9984 : i32
    %dma_wait3A_57 = tpu.memref_slice %arg5[%dma_wait3A_56] : memref<10000xi32, #tpu.memory_space<vmem>> -> memref<16xi32, #tpu.memory_space<vmem>>
    %dma_wait3A_58 = arith.constant 0 : i32
    %dma_wait3A_59 = arith.constant 0 : i32
    %dma_wait3A_60 = tpu.memref_slice %arg3[%dma_wait3A_58, %dma_wait3A_59] : memref<10000x64xf32, #tpu.memory_space<hbm>> -> memref<10000x64xf32, #tpu.memory_space<hbm>>
    tpu.wait_indirect_dma semaphore(%arg28 : memref<!tpu.dma_semaphore, #tpu.memory_space<semaphore_mem>>) src(%dma_wait3A_60 : memref<10000x64xf32, #tpu.memory_space<hbm>>) dst(%arg7 : memref<16x64xf32, #tpu.memory_space<vmem>>)
    "tpu.region"() ({
      %run_scoped3A_68 = tpu.sem_alloc : memref<!tpu.dma_semaphore, #tpu.memory_space<semaphore_mem>>
      %dma_start3A_69 = arith.constant 0 : i32
      %dma_start3A_70 = arith.constant 0 : i32
      %dma_start3A_71 = tpu.memref_slice %arg9[%dma_start3A_69, %dma_start3A_70] : memref<10240x64xf32, #tpu.memory_space<vmem_shared>> -> memref<10240x64xf32, #tpu.memory_space<vmem_shared>>
      tpu.enqueue_indirect_dma source(%arg7 : memref<16x64xf32, #tpu.memory_space<vmem>>) target(%dma_start3A_71 : memref<10240x64xf32, #tpu.memory_space<vmem_shared>>) offsets(%arg6 : memref<16xi32, #tpu.memory_space<vmem>>) semaphore(%run_scoped3A_68 : memref<!tpu.dma_semaphore, #tpu.memory_space<semaphore_mem>>) {add = true}
      %dma_wait3A_72 = arith.constant 0 : i32
      %dma_wait3A_73 = arith.constant 0 : i32
      %dma_wait3A_74 = tpu.memref_slice %arg9[%dma_wait3A_72, %dma_wait3A_73] : memref<10240x64xf32, #tpu.memory_space<vmem_shared>> -> memref<10240x64xf32, #tpu.memory_space<vmem_shared>>
      tpu.wait_indirect_dma semaphore(%run_scoped3A_68 : memref<!tpu.dma_semaphore, #tpu.memory_space<semaphore_mem>>) src(%arg7 : memref<16x64xf32, #tpu.memory_space<vmem>>) dst(%dma_wait3A_74 : memref<10240x64xf32, #tpu.memory_space<vmem_shared>>)
      tpu.yield
    }) : () -> ()
    %barrier3A_61 = arith.constant 0 : index
    tpu.barrier barrier_id(%barrier3A_61)
    %mul3A_62 = arith.constant 640 : i32
    %mul3A_63 = arith.muli %arg1, %mul3A_62 : i32
    %mul3A_64 = arith.constant 640 : i32
    %mul3A_65 = arith.muli %arg1, %mul3A_64 : i32
    %mul3A_66 = arith.constant 64 : i32
    %mul3A_67 = arith.muli %arg0, %mul3A_66 : i32
    "tpu.region"() ({
      %run_scoped3A_68 = tpu.sem_alloc : memref<!tpu.dma_semaphore, #tpu.memory_space<semaphore_mem>>
      %dma_start3A_69 = tpu.memref_slice %arg4[%mul3A_65, %mul3A_67] : memref<10240x128xf32, #tpu.memory_space<hbm>> -> memref<640x64xf32, #tpu.memory_space<hbm>>
      %dma_start3A_70 = arith.constant 0 : i32
      %dma_start3A_71 = tpu.memref_slice %arg9[%mul3A_63, %dma_start3A_70] : memref<10240x64xf32, #tpu.memory_space<vmem_shared>> -> memref<640x64xf32, #tpu.memory_space<vmem_shared>>
      tpu.enqueue_dma source(%dma_start3A_71 : memref<640x64xf32, #tpu.memory_space<vmem_shared>>) target(%dma_start3A_69 : memref<640x64xf32, #tpu.memory_space<hbm>>) target_semaphore(%run_scoped3A_68 : memref<!tpu.dma_semaphore, #tpu.memory_space<semaphore_mem>>)
      %dma_wait3A_72 = tpu.memref_slice %arg4[%mul3A_65, %mul3A_67] : memref<10240x128xf32, #tpu.memory_space<hbm>> -> memref<640x64xf32, #tpu.memory_space<hbm>>
      %dma_wait3A_73 = arith.constant 0 : i32
      %dma_wait3A_74 = tpu.memref_slice %arg9[%mul3A_63, %dma_wait3A_73] : memref<10240x64xf32, #tpu.memory_space<vmem_shared>> -> memref<640x64xf32, #tpu.memory_space<vmem_shared>>
      tpu.wait_dma2 semaphore(%run_scoped3A_68 : memref<!tpu.dma_semaphore, #tpu.memory_space<semaphore_mem>>) src(%dma_wait3A_74 : memref<640x64xf32, #tpu.memory_space<vmem_shared>>) dst(%dma_wait3A_72 : memref<640x64xf32, #tpu.memory_space<hbm>>)
      tpu.yield
    }) : () -> ()
    return
  }
}

module attributes {stable_mosaic.version = 14 : i64} {
  func.func @body(%arg0: memref<10000x64xf32, #tpu.memory_space<vmem>>, %arg1: memref<2x2x10240xf32, #tpu.memory_space<vmem>>, %arg2: memref<10000x64xf32, #tpu.memory_space<vmem>>, %arg3: memref<10240x2xf32, #tpu.memory_space<vmem>>) attributes {dimension_semantics = [], scalar_prefetch = 0 : i64, scratch_operands = 0 : i64, tpu.core_type = #tpu.core_type<tc>} {
    %get3A = arith.constant 0 : index
    %get3A_0 = arith.constant 0 : index
    %get3A_1 = arith.constant 0 : index
    %get3A_2 = vector.load %arg1[%get3A, %get3A_0, %get3A_1] : memref<2x2x10240xf32, #tpu.memory_space<vmem>>, vector<1x2x10240xf32>
    %get3A_3 = vector.shape_cast %get3A_2 : vector<1x2x10240xf32> to vector<2x10240xf32>
    %get3A_4 = arith.constant 1 : index
    %get3A_5 = arith.constant 0 : index
    %get3A_6 = arith.constant 0 : index
    %get3A_7 = vector.load %arg1[%get3A_4, %get3A_5, %get3A_6] : memref<2x2x10240xf32, #tpu.memory_space<vmem>>, vector<1x2x10240xf32>
    %get3A_8 = vector.shape_cast %get3A_7 : vector<1x2x10240xf32> to vector<2x10240xf32>
    %add3A = arith.addf %get3A_3, %get3A_8 : vector<2x10240xf32>
    %max3A = arith.constant 1.000000e+00 : f32
    %max3A_9 = vector.broadcast %max3A : f32 to vector<2x10240xf32>
    %max3A_10 = arith.maximumf %add3A, %max3A_9 : vector<2x10240xf32>
    %sqrt3A = math.sqrt %max3A_10 : vector<2x10240xf32>
    %div3A = arith.constant 1.000000e+00 : f32
    %div3A_11 = vector.broadcast %div3A : f32 to vector<2x10240xf32>
    %div3A_12 = arith.divf %div3A_11, %sqrt3A : vector<2x10240xf32>
    %transpose3A = tpu.transpose %div3A_12, [1, 0] : vector<2x10240xf32> -> vector<10240x2xf32>
    %swap3A = arith.constant 0 : index
    %swap3A_13 = arith.constant 0 : index
    %swap3A_14 = vector.load %arg3[%swap3A, %swap3A_13] : memref<10240x2xf32, #tpu.memory_space<vmem>>, vector<10240x2xf32>
    tpu.vector_store %arg3[%swap3A, %swap3A_13], %transpose3A {strides = array<i32>} : memref<10240x2xf32, #tpu.memory_space<vmem>>, vector<10240x2xf32>,
    %get3A_15 = arith.constant 0 : index
    %get3A_16 = arith.constant 0 : index
    %get3A_17 = vector.load %arg0[%get3A_15, %get3A_16] : memref<10000x64xf32, #tpu.memory_space<vmem>>, vector<10000x64xf32>
    %slice3A = vector.extract_strided_slice %transpose3A {offsets = [0, 1], sizes = [10000, 1], strides = [1, 1]} : vector<10240x2xf32> to vector<10000x1xf32>
    %mul3A = vector.broadcast %slice3A : vector<10000x1xf32> to vector<10000x64xf32>
    %mul3A_18 = arith.mulf %get3A_17, %mul3A : vector<10000x64xf32>
    %swap3A_19 = arith.constant 0 : index
    %swap3A_20 = arith.constant 0 : index
    %swap3A_21 = vector.load %arg2[%swap3A_19, %swap3A_20] : memref<10000x64xf32, #tpu.memory_space<vmem>>, vector<10000x64xf32>
    tpu.vector_store %arg2[%swap3A_19, %swap3A_20], %mul3A_18 {strides = array<i32>} : memref<10000x64xf32, #tpu.memory_space<vmem>>, vector<10000x64xf32>,
    return
  }
}

module attributes {stable_mosaic.version = 14 : i64} {
  func.func @body(%arg0: i32, %arg1: memref<2000x128xf32, #tpu.memory_space<vmem>>, %arg2: memref<2000x128xf32, #tpu.memory_space<vmem>>, %arg3: memref<128x64xf32, #tpu.memory_space<vmem>>, %arg4: memref<1x64xf32, #tpu.memory_space<vmem>>, %arg5: memref<128x64xf32, #tpu.memory_space<vmem>>, %arg6: memref<1x64xf32, #tpu.memory_space<vmem>>, %arg7: memref<128x64xf32, #tpu.memory_space<vmem>>, %arg8: memref<2000x64xf32, #tpu.memory_space<vmem>>) attributes {dimension_semantics = [#tpu.dimension_semantics<arbitrary>], iteration_bounds = array<i64: 5>, scalar_prefetch = 0 : i64, scratch_operands = 0 : i64, tpu.core_type = #tpu.core_type<tc>, window_params = [{transform_indices = @transform_0, window_bounds = array<i64: 2000, 128>}, {transform_indices = @transform_1, window_bounds = array<i64: 2000, 128>}, {pipeline_mode = #tpu.pipeline_mode<synchronous>, transform_indices = @transform_2, window_bounds = array<i64: 128, 64>}, {pipeline_mode = #tpu.pipeline_mode<synchronous>, transform_indices = @transform_3, window_bounds = array<i64: 1, 64>}, {pipeline_mode = #tpu.pipeline_mode<synchronous>, transform_indices = @transform_4, window_bounds = array<i64: 128, 64>}, {pipeline_mode = #tpu.pipeline_mode<synchronous>, transform_indices = @transform_5, window_bounds = array<i64: 1, 64>}, {pipeline_mode = #tpu.pipeline_mode<synchronous>, transform_indices = @transform_6, window_bounds = array<i64: 128, 64>}, {transform_indices = @transform_7, window_bounds = array<i64: 2000, 64>}]} {
    %get3A = arith.constant 0 : index
    %get3A_0 = arith.constant 0 : index
    %get3A_1 = vector.load %arg1[%get3A, %get3A_0] : memref<2000x128xf32, #tpu.memory_space<vmem>>, vector<2000x128xf32>
    %get3A_2 = arith.constant 0 : index
    %get3A_3 = arith.constant 0 : index
    %get3A_4 = vector.load %arg3[%get3A_2, %get3A_3] : memref<128x64xf32, #tpu.memory_space<vmem>>, vector<128x64xf32>
    %dot_general3A = arith.constant dense<0.000000e+00> : vector<2000x64xf32>
    %dot_general3A_5 = tpu.matmul %get3A_1, %get3A_4, %dot_general3A {dimension_numbers = #tpu.dot_dimension_numbers<[1], [0], [0], [1], [0, 0, 1, 1], [], []>, transpose_lhs_hint = false} : vector<2000x128xf32>, vector<128x64xf32>, vector<2000x64xf32> -> vector<2000x64xf32>
    %get3A_6 = arith.constant 0 : index
    %get3A_7 = arith.constant 0 : index
    %get3A_8 = vector.load %arg4[%get3A_6, %get3A_7] : memref<1x64xf32, #tpu.memory_space<vmem>>, vector<1x64xf32>
    %add3A = vector.broadcast %get3A_8 : vector<1x64xf32> to vector<2000x64xf32>
    %add3A_9 = arith.addf %dot_general3A_5, %add3A : vector<2000x64xf32>
    %max3A = arith.constant 0.000000e+00 : f32
    %max3A_10 = vector.broadcast %max3A : f32 to vector<2000x64xf32>
    %max3A_11 = arith.maximumf %add3A_9, %max3A_10 : vector<2000x64xf32>
    %get3A_12 = arith.constant 0 : index
    %get3A_13 = arith.constant 0 : index
    %get3A_14 = vector.load %arg2[%get3A_12, %get3A_13] : memref<2000x128xf32, #tpu.memory_space<vmem>>, vector<2000x128xf32>
    %get3A_15 = arith.constant 0 : index
    %get3A_16 = arith.constant 0 : index
    %get3A_17 = vector.load %arg5[%get3A_15, %get3A_16] : memref<128x64xf32, #tpu.memory_space<vmem>>, vector<128x64xf32>
    %dot_general3A_18 = arith.constant dense<0.000000e+00> : vector<2000x64xf32>
    %dot_general3A_19 = tpu.matmul %get3A_14, %get3A_17, %dot_general3A_18 {dimension_numbers = #tpu.dot_dimension_numbers<[1], [0], [0], [1], [0, 0, 1, 1], [], []>, transpose_lhs_hint = false} : vector<2000x128xf32>, vector<128x64xf32>, vector<2000x64xf32> -> vector<2000x64xf32>
    %get3A_20 = arith.constant 0 : index
    %get3A_21 = arith.constant 0 : index
    %get3A_22 = vector.load %arg6[%get3A_20, %get3A_21] : memref<1x64xf32, #tpu.memory_space<vmem>>, vector<1x64xf32>
    %add3A_23 = vector.broadcast %get3A_22 : vector<1x64xf32> to vector<2000x64xf32>
    %add3A_24 = arith.addf %dot_general3A_19, %add3A_23 : vector<2000x64xf32>
    %max3A_25 = arith.constant 0.000000e+00 : f32
    %max3A_26 = vector.broadcast %max3A_25 : f32 to vector<2000x64xf32>
    %max3A_27 = arith.maximumf %add3A_24, %max3A_26 : vector<2000x64xf32>
    %concatenate3A = tpu.concatenate %max3A_11, %max3A_27 in 1 : vector<2000x64xf32>, vector<2000x64xf32> -> vector<2000x128xf32>
    %get3A_28 = arith.constant 0 : index
    %get3A_29 = arith.constant 0 : index
    %get3A_30 = vector.load %arg7[%get3A_28, %get3A_29] : memref<128x64xf32, #tpu.memory_space<vmem>>, vector<128x64xf32>
    %dot_general3A_31 = arith.constant dense<0.000000e+00> : vector<2000x64xf32>
    %dot_general3A_32 = tpu.matmul %concatenate3A, %get3A_30, %dot_general3A_31 {dimension_numbers = #tpu.dot_dimension_numbers<[1], [0], [0], [1], [0, 0, 1, 1], [], []>, transpose_lhs_hint = false} : vector<2000x128xf32>, vector<128x64xf32>, vector<2000x64xf32> -> vector<2000x64xf32>
    %swap3A = arith.constant 0 : index
    %swap3A_33 = arith.constant 0 : index
    %swap3A_34 = vector.load %arg8[%swap3A, %swap3A_33] : memref<2000x64xf32, #tpu.memory_space<vmem>>, vector<2000x64xf32>
    tpu.vector_store %arg8[%swap3A, %swap3A_33], %dot_general3A_32 {strides = array<i32>} : memref<2000x64xf32, #tpu.memory_space<vmem>>, vector<2000x64xf32>,
    return
  }
  func.func @transform_0(%arg0: i32) -> (i32, i32) {
    %c0_i32 = arith.constant 0 : i32
    %c0_i32_0 = arith.constant 0 : i32
    return %arg0, %c0_i32 : i32, i32
  }
  func.func @transform_1(%arg0: i32) -> (i32, i32) {
    %c0_i32 = arith.constant 0 : i32
    %c0_i32_0 = arith.constant 0 : i32
    return %arg0, %c0_i32 : i32, i32
  }
  func.func @transform_2(%arg0: i32) -> (i32, i32) {
    %c0_i32 = arith.constant 0 : i32
    %c0_i32_0 = arith.constant 0 : i32
    %c0_i32_1 = arith.constant 0 : i32
    return %c0_i32, %c0_i32_0 : i32, i32
  }
  func.func @transform_3(%arg0: i32) -> (i32, i32) {
    %c0_i32 = arith.constant 0 : i32
    %c0_i32_0 = arith.constant 0 : i32
    %c0_i32_1 = arith.constant 0 : i32
    return %c0_i32, %c0_i32_0 : i32, i32
  }
  func.func @transform_4(%arg0: i32) -> (i32, i32) {
    %c0_i32 = arith.constant 0 : i32
    %c0_i32_0 = arith.constant 0 : i32
    %c0_i32_1 = arith.constant 0 : i32
    return %c0_i32, %c0_i32_0 : i32, i32
  }
  func.func @transform_5(%arg0: i32) -> (i32, i32) {
    %c0_i32 = arith.constant 0 : i32
    %c0_i32_0 = arith.constant 0 : i32
    %c0_i32_1 = arith.constant 0 : i32
    return %c0_i32, %c0_i32_0 : i32, i32
  }
  func.func @transform_6(%arg0: i32) -> (i32, i32) {
    %c0_i32 = arith.constant 0 : i32
    %c0_i32_0 = arith.constant 0 : i32
    %c0_i32_1 = arith.constant 0 : i32
    return %c0_i32, %c0_i32_0 : i32, i32
  }
  func.func @transform_7(%arg0: i32) -> (i32, i32) {
    %c0_i32 = arith.constant 0 : i32
    %c0_i32_0 = arith.constant 0 : i32
    return %arg0, %c0_i32 : i32, i32
  }
}

module attributes {stable_mosaic.version = 14 : i64} {
  func.func @body(%arg0: i32, %arg1: memref<2000x128xf32, #tpu.memory_space<vmem>>, %arg2: memref<2000x2xf32, #tpu.memory_space<vmem>>, %arg3: memref<1x64xf32, #tpu.memory_space<vmem>>, %arg4: memref<64x64xf32, #tpu.memory_space<vmem>>, %arg5: memref<2000x64xf32, #tpu.memory_space<vmem>>) attributes {dimension_semantics = [#tpu.dimension_semantics<arbitrary>], iteration_bounds = array<i64: 5>, scalar_prefetch = 0 : i64, scratch_operands = 0 : i64, tpu.core_type = #tpu.core_type<tc>, window_params = [{transform_indices = @transform_0, window_bounds = array<i64: 2000, 128>}, {transform_indices = @transform_1, window_bounds = array<i64: 2000, 2>}, {pipeline_mode = #tpu.pipeline_mode<synchronous>, transform_indices = @transform_2, window_bounds = array<i64: 1, 64>}, {pipeline_mode = #tpu.pipeline_mode<synchronous>, transform_indices = @transform_3, window_bounds = array<i64: 64, 64>}, {transform_indices = @transform_4, window_bounds = array<i64: 2000, 64>}]} {
    %get3A = arith.constant 0 : index
    %get3A_0 = arith.constant 0 : index
    %get3A_1 = vector.load %arg1[%get3A, %get3A_0] : memref<2000x128xf32, #tpu.memory_space<vmem>>, vector<2000x64xf32>
    %get3A_2 = arith.constant 0 : index
    %get3A_3 = arith.constant 64 : index
    %get3A_4 = vector.load %arg1[%get3A_2, %get3A_3] : memref<2000x128xf32, #tpu.memory_space<vmem>>, vector<2000x64xf32>
    %add3A = arith.addf %get3A_1, %get3A_4 : vector<2000x64xf32>
    %get3A_5 = arith.constant 0 : index
    %get3A_6 = arith.constant 0 : index
    %get3A_7 = vector.load %arg2[%get3A_5, %get3A_6] : memref<2000x2xf32, #tpu.memory_space<vmem>>, vector<2000x2xf32>
    %slice3A = vector.extract_strided_slice %get3A_7 {offsets = [0, 0], sizes = [2000, 1], strides = [1, 1]} : vector<2000x2xf32> to vector<2000x1xf32>
    %mul3A = vector.broadcast %slice3A : vector<2000x1xf32> to vector<2000x64xf32>
    %mul3A_8 = arith.mulf %add3A, %mul3A : vector<2000x64xf32>
    %get3A_9 = arith.constant 0 : index
    %get3A_10 = arith.constant 0 : index
    %get3A_11 = vector.load %arg3[%get3A_9, %get3A_10] : memref<1x64xf32, #tpu.memory_space<vmem>>, vector<1x64xf32>
    %add3A_12 = vector.broadcast %get3A_11 : vector<1x64xf32> to vector<2000x64xf32>
    %add3A_13 = arith.addf %mul3A_8, %add3A_12 : vector<2000x64xf32>
    %max3A = arith.constant 0.000000e+00 : f32
    %max3A_14 = vector.broadcast %max3A : f32 to vector<2000x64xf32>
    %max3A_15 = arith.maximumf %add3A_13, %max3A_14 : vector<2000x64xf32>
    %get3A_16 = arith.constant 0 : index
    %get3A_17 = arith.constant 0 : index
    %get3A_18 = vector.load %arg4[%get3A_16, %get3A_17] : memref<64x64xf32, #tpu.memory_space<vmem>>, vector<64x64xf32>
    %dot_general3A = arith.constant dense<0.000000e+00> : vector<2000x64xf32>
    %dot_general3A_19 = tpu.matmul %max3A_15, %get3A_18, %dot_general3A {dimension_numbers = #tpu.dot_dimension_numbers<[1], [0], [0], [1], [0, 0, 1, 1], [], []>, transpose_lhs_hint = false} : vector<2000x64xf32>, vector<64x64xf32>, vector<2000x64xf32> -> vector<2000x64xf32>
    %slice3A_20 = vector.extract_strided_slice %get3A_7 {offsets = [0, 1], sizes = [2000, 1], strides = [1, 1]} : vector<2000x2xf32> to vector<2000x1xf32>
    %mul3A_21 = vector.broadcast %slice3A_20 : vector<2000x1xf32> to vector<2000x64xf32>
    %mul3A_22 = arith.mulf %dot_general3A_19, %mul3A_21 : vector<2000x64xf32>
    %swap3A = arith.constant 0 : index
    %swap3A_23 = arith.constant 0 : index
    %swap3A_24 = vector.load %arg5[%swap3A, %swap3A_23] : memref<2000x64xf32, #tpu.memory_space<vmem>>, vector<2000x64xf32>
    tpu.vector_store %arg5[%swap3A, %swap3A_23], %mul3A_22 {strides = array<i32>} : memref<2000x64xf32, #tpu.memory_space<vmem>>, vector<2000x64xf32>,
    return
  }
  func.func @transform_0(%arg0: i32) -> (i32, i32) {
    %c0_i32 = arith.constant 0 : i32
    %c0_i32_0 = arith.constant 0 : i32
    return %arg0, %c0_i32 : i32, i32
  }
  func.func @transform_1(%arg0: i32) -> (i32, i32) {
    %c0_i32 = arith.constant 0 : i32
    %c0_i32_0 = arith.constant 0 : i32
    return %arg0, %c0_i32 : i32, i32
  }
  func.func @transform_2(%arg0: i32) -> (i32, i32) {
    %c0_i32 = arith.constant 0 : i32
    %c0_i32_0 = arith.constant 0 : i32
    %c0_i32_1 = arith.constant 0 : i32
    return %c0_i32, %c0_i32_0 : i32, i32
  }
  func.func @transform_3(%arg0: i32) -> (i32, i32) {
    %c0_i32 = arith.constant 0 : i32
    %c0_i32_0 = arith.constant 0 : i32
    %c0_i32_1 = arith.constant 0 : i32
    return %c0_i32, %c0_i32_0 : i32, i32
  }
  func.func @transform_4(%arg0: i32) -> (i32, i32) {
    %c0_i32 = arith.constant 0 : i32
    %c0_i32_0 = arith.constant 0 : i32
    return %arg0, %c0_i32 : i32, i32
  }
}

module attributes {stable_mosaic.version = 14 : i64} {
  func.func @body(%arg0: i32, %arg1: memref<2000x128xf32, #tpu.memory_space<vmem>>, %arg2: memref<2000x2xf32, #tpu.memory_space<vmem>>, %arg3: memref<1x64xf32, #tpu.memory_space<vmem>>, %arg4: memref<64x40xf32, #tpu.memory_space<vmem>>, %arg5: memref<1x40xf32, #tpu.memory_space<vmem>>, %arg6: memref<2000x40xf32, #tpu.memory_space<vmem>>) attributes {dimension_semantics = [#tpu.dimension_semantics<arbitrary>], iteration_bounds = array<i64: 5>, scalar_prefetch = 0 : i64, scratch_operands = 0 : i64, tpu.core_type = #tpu.core_type<tc>, window_params = [{transform_indices = @transform_0, window_bounds = array<i64: 2000, 128>}, {transform_indices = @transform_1, window_bounds = array<i64: 2000, 2>}, {pipeline_mode = #tpu.pipeline_mode<synchronous>, transform_indices = @transform_2, window_bounds = array<i64: 1, 64>}, {pipeline_mode = #tpu.pipeline_mode<synchronous>, transform_indices = @transform_3, window_bounds = array<i64: 64, 40>}, {pipeline_mode = #tpu.pipeline_mode<synchronous>, transform_indices = @transform_4, window_bounds = array<i64: 1, 40>}, {transform_indices = @transform_5, window_bounds = array<i64: 2000, 40>}]} {
    %get3A = arith.constant 0 : index
    %get3A_0 = arith.constant 0 : index
    %get3A_1 = vector.load %arg1[%get3A, %get3A_0] : memref<2000x128xf32, #tpu.memory_space<vmem>>, vector<2000x64xf32>
    %get3A_2 = arith.constant 0 : index
    %get3A_3 = arith.constant 64 : index
    %get3A_4 = vector.load %arg1[%get3A_2, %get3A_3] : memref<2000x128xf32, #tpu.memory_space<vmem>>, vector<2000x64xf32>
    %add3A = arith.addf %get3A_1, %get3A_4 : vector<2000x64xf32>
    %get3A_5 = arith.constant 0 : index
    %get3A_6 = arith.constant 0 : index
    %get3A_7 = vector.load %arg2[%get3A_5, %get3A_6] : memref<2000x2xf32, #tpu.memory_space<vmem>>, vector<2000x2xf32>
    %slice3A = vector.extract_strided_slice %get3A_7 {offsets = [0, 0], sizes = [2000, 1], strides = [1, 1]} : vector<2000x2xf32> to vector<2000x1xf32>
    %mul3A = vector.broadcast %slice3A : vector<2000x1xf32> to vector<2000x64xf32>
    %mul3A_8 = arith.mulf %add3A, %mul3A : vector<2000x64xf32>
    %get3A_9 = arith.constant 0 : index
    %get3A_10 = arith.constant 0 : index
    %get3A_11 = vector.load %arg3[%get3A_9, %get3A_10] : memref<1x64xf32, #tpu.memory_space<vmem>>, vector<1x64xf32>
    %add3A_12 = vector.broadcast %get3A_11 : vector<1x64xf32> to vector<2000x64xf32>
    %add3A_13 = arith.addf %mul3A_8, %add3A_12 : vector<2000x64xf32>
    %max3A = arith.constant 0.000000e+00 : f32
    %max3A_14 = vector.broadcast %max3A : f32 to vector<2000x64xf32>
    %max3A_15 = arith.maximumf %add3A_13, %max3A_14 : vector<2000x64xf32>
    %get3A_16 = arith.constant 0 : index
    %get3A_17 = arith.constant 0 : index
    %get3A_18 = vector.load %arg4[%get3A_16, %get3A_17] : memref<64x40xf32, #tpu.memory_space<vmem>>, vector<64x40xf32>
    %dot_general3A = arith.constant dense<0.000000e+00> : vector<2000x40xf32>
    %dot_general3A_19 = tpu.matmul %max3A_15, %get3A_18, %dot_general3A {dimension_numbers = #tpu.dot_dimension_numbers<[1], [0], [0], [1], [0, 0, 1, 1], [], []>, transpose_lhs_hint = false} : vector<2000x64xf32>, vector<64x40xf32>, vector<2000x40xf32> -> vector<2000x40xf32>
    %get3A_20 = arith.constant 0 : index
    %get3A_21 = arith.constant 0 : index
    %get3A_22 = vector.load %arg5[%get3A_20, %get3A_21] : memref<1x40xf32, #tpu.memory_space<vmem>>, vector<1x40xf32>
    %add3A_23 = vector.broadcast %get3A_22 : vector<1x40xf32> to vector<2000x40xf32>
    %add3A_24 = arith.addf %dot_general3A_19, %add3A_23 : vector<2000x40xf32>
    %swap3A = arith.constant 0 : index
    %swap3A_25 = arith.constant 0 : index
    %swap3A_26 = vector.load %arg6[%swap3A, %swap3A_25] : memref<2000x40xf32, #tpu.memory_space<vmem>>, vector<2000x40xf32>
    tpu.vector_store %arg6[%swap3A, %swap3A_25], %add3A_24 {strides = array<i32>} : memref<2000x40xf32, #tpu.memory_space<vmem>>, vector<2000x40xf32>,
    return
  }
  func.func @transform_0(%arg0: i32) -> (i32, i32) {
    %c0_i32 = arith.constant 0 : i32
    %c0_i32_0 = arith.constant 0 : i32
    return %arg0, %c0_i32 : i32, i32
  }
  func.func @transform_1(%arg0: i32) -> (i32, i32) {
    %c0_i32 = arith.constant 0 : i32
    %c0_i32_0 = arith.constant 0 : i32
    return %arg0, %c0_i32 : i32, i32
  }
  func.func @transform_2(%arg0: i32) -> (i32, i32) {
    %c0_i32 = arith.constant 0 : i32
    %c0_i32_0 = arith.constant 0 : i32
    %c0_i32_1 = arith.constant 0 : i32
    return %c0_i32, %c0_i32_0 : i32, i32
  }
  func.func @transform_3(%arg0: i32) -> (i32, i32) {
    %c0_i32 = arith.constant 0 : i32
    %c0_i32_0 = arith.constant 0 : i32
    %c0_i32_1 = arith.constant 0 : i32
    return %c0_i32, %c0_i32_0 : i32, i32
  }
  func.func @transform_4(%arg0: i32) -> (i32, i32) {
    %c0_i32 = arith.constant 0 : i32
    %c0_i32_0 = arith.constant 0 : i32
    %c0_i32_1 = arith.constant 0 : i32
    return %c0_i32, %c0_i32_0 : i32, i32
  }
  func.func @transform_5(%arg0: i32) -> (i32, i32) {
    %c0_i32 = arith.constant 0 : i32
    %c0_i32_0 = arith.constant 0 : i32
    return %arg0, %c0_i32 : i32, i32
  }
}

</mosaic_0001>

<sc_bundles>
// kernel: kernel.12.cloned.1.call-start
scs
__scs_entry_jumppad:
0x0: {  	(pc) =	sbr.rel $0x88, $3  }
0x1: {  	(tag) =	ssettag $0x0;
	lr =	simm.s32 $0x1  }
0x2: {  	[smem:$0x3F94] =	sst lr;
	_ =	strace $0xD0000000  }
0x3: {  	_ = 	snop  }
0x4: {  	_ = 	snop  }
0x5: {  	_ = 	snop  }
0x6: {  	_ = 	snop  }
0x7: {  	_ = 	snop  }
__scs_overlays_trampoline_lowered:
0x8: {  	[smem:$0x3FA3] =	sst s0  }
0x9: {  	[smem:$0x3FA4] =	sst s1  }
0xa: {  	[smem:$0x3FA5] =	sst s2  }
0xb: {  	[smem:$0x3FA6] =	sst s3  }
0xc: {  	[smem:$0x3FA7] =	sst s4  }
0xd: {  	[smem:$0x3FA8] =	sst s5  }
0xe: {  	[smem:$0x3FA9] =	sst s6  }
0xf: {  	[smem:$0x3FAA] =	sst s7  }
0x10: {  	[smem:$0x3FAB] =	sst s8  }
0x11: {  	[smem:$0x3FAC] =	sst s9;
	s0 =	simm.s32 @!p0 $0x0  }
0x12: {  	s1 =	sld [smem:$0x3F92];
	s0 =	simm.s32 @p0 $0x1  }
0x13: {  	[smem:$0x3FAD] =	sst s0;
	s0 =	simm.s32 @!p1 $0x0  }
0x14: {  	s2 =	sld [smem:$0x3F91];
	s0 =	simm.s32 @p1 $0x1  }
0x15: {  	[smem:$0x3FAE] =	sst s0;
	s0 =	simm.s32 @!p2 $0x0  }
0x16: {  	s3 =	sld [smem:$0x3FDB];
	s0 =	simm.s32 @p2 $0x1  }
0x17: {  	s4 =	simm.s32 $0x1BF5;
	[smem:$0x3FB0] =	sst s0  }
0x18: {  	s0 =	sld [smem:$0x3F93];
	_ =	swait.ge [sflag:s4], $0x0  }
0x19: {  	s7 =	sld [smem:$0x3F94]  }
0x1a: {  	s8 =	sadd.s32 $0xFFFFE003, lr  }
0x1b: {  	s9 =	sadd.s32 $0xFFFFFEF7, lr;
	s5 =	simm.s32 $0xFFFFFFFF;
	p2 =	slt.u32 s8, $0xFFFFF086  }
0x1c: {  	p1 =	slt.u32 s9, $0xF7A;
	s5 =	simm.s32 @!p2 $0x0  }
0x1d: {  	s5 =	simm.s32 @p1 $0x1;
	p0 =	seq.s32 s7, s2  }
0x1e: {  	s7 =	smul.u32 @!p0 $0xF7A, s2;
	p2 =	seq.s32 @!p0 s5, $0x0  }
0x1f: {  	s9 =	smul.u32 $0xF7A, s1;
	s8 =	simm.s32 @!p0 $0x1BF5;
	p2 =	por !p2, p0  }
0x20: {  	[sflag:s8] =	ssyncset.s32 @!p0 $0xFFFFF086;
	s6 =	sadd.s32 @!p0 s3, s7;
	s7 =	simm.s32 @!p0 $0x108  }
0x21: {  	s3 =	sadd.s32 s3, s9;
	s6 =	sadd.s32 @!p0 $0x88, s6;
	s7 =	simm.s32 @p2 $0x1082  }
0x22: {  	[simem:s7], [sflag:s8] =	dma.local @!p0 [hbm:s6], $0xF7A  }
0x23: {  	s9 =	sor.u32 $0xD0000000, s2;
	s6 =	simm.s32 $0x108;
	_ =	swait.ge @!p0 [sflag:s8], $0x0  }
0x24: {  	s3 =	sadd.s32 $0x88, s3;
	s6 =	simm.s32 @!p1 $0x1082;
	[sflag:s4] =	ssyncset.s32 $0xFFFFF086  }
0x25: {  	[simem:s6], [sflag:s4] =	dma.local [hbm:s3], $0xF7A  }
0x26: {  	[smem:$0x3F94] =	sst s1;
	(tag) =	ssettag s2;
	_ =	strace s9  }
0x27: {  	s1 =	sld [smem:$0x3FA4]  }
0x28: {  	s2 =	sld [smem:$0x3FA5]  }
0x29: {  	s4 =	sld [smem:$0x3FA7]  }
0x2a: {  	p0 =	seq.s32 s5, $0x0;
	s5 =	sld [smem:$0x3FA8]  }
0x2b: {  	s6 =	sld [smem:$0x3FA9]  }
0x2c: {  	s7 =	sld [smem:$0x3FAA]  }
0x2d: {  	s3 =	simm.s32 $0x108;
	s8 =	sld [smem:$0x3FAB]  }
0x2e: {  	s3 =	simm.s32 @!p0 $0x1082;
	s9 =	sld [smem:$0x3FAC]  }
0x2f: {  	lr =	sadd.s32 s0, s3;
	s0 =	sld [smem:$0x3FA3]  }
0x30: {  	s3 =	sld [smem:$0x3FA6]  }
0x31: {  	[smem:$0x3FAF] =	sst s10  }
0x32: {  	s10 =	sld [smem:$0x3FAD];
	_ =	sdelay $0x3  }
0x33: {  	p0 =	seq.s32 s10, $0x1;
	s10 =	sld [smem:$0x3FAF];
	_ =	sdelay $0x3  }
0x34: {  	[smem:$0x3FAF] =	sst s10  }
0x35: {  	s10 =	sld [smem:$0x3FAE];
	_ =	sdelay $0x3  }
0x36: {  	p1 =	seq.s32 s10, $0x1;
	s10 =	sld [smem:$0x3FAF];
	_ =	sdelay $0x3  }
0x37: {  	[smem:$0x3FAF] =	sst s10  }
0x38: {  	s10 =	sld [smem:$0x3FB0]  }
0x39: {  	_ = 	snop;
	(pc) =	sbr.ind lr, $3  }
0x3a: {  	_ = 	snop  }
0x3b: {  	_ = 	snop  }
0x3c: {  	p2 =	seq.s32 s10, $0x1;
	s10 =	sld [smem:$0x3FAF]  }
0x3d: {  	_ =	shalt  }
0x3e: {  	_ =	shalt  }
0x3f: {  	_ =	shalt  }
0x40: {  	_ =	shalt  }
0x41: {  	_ =	shalt  }
0x42: {  	_ =	shalt  }
0x43: {  	_ =	shalt  }
0x44: {  	_ =	shalt  }
0x45: {  	_ =	shalt  }
0x46: {  	_ =	shalt  }
0x47: {  	_ =	shalt  }
0x48: {  	_ =	shalt  }
0x49: {  	_ =	shalt  }
0x4a: {  	_ =	shalt  }
0x4b: {  	_ =	shalt  }
0x4c: {  	_ =	shalt  }
0x4d: {  	_ =	shalt  }
0x4e: {  	_ =	shalt  }
0x4f: {  	_ =	shalt  }
0x50: {  	_ =	shalt  }
0x51: {  	_ =	shalt  }
0x52: {  	_ =	shalt  }
0x53: {  	_ =	shalt  }
0x54: {  	_ =	shalt  }
0x55: {  	_ =	shalt  }
0x56: {  	_ =	shalt  }
0x57: {  	_ =	shalt  }
0x58: {  	_ =	shalt  }
0x59: {  	_ =	shalt  }
0x5a: {  	_ =	shalt  }
0x5b: {  	_ =	shalt  }
0x5c: {  	_ =	shalt  }
0x5d: {  	_ =	shalt  }
0x5e: {  	_ =	shalt  }
0x5f: {  	_ =	shalt  }
0x60: {  	_ =	shalt  }
0x61: {  	_ =	shalt  }
0x62: {  	_ =	shalt  }
0x63: {  	_ =	shalt  }
0x64: {  	_ =	shalt  }
0x65: {  	_ =	shalt  }
0x66: {  	_ =	shalt  }
0x67: {  	_ =	shalt  }
0x68: {  	_ =	shalt  }
0x69: {  	_ =	shalt  }
0x6a: {  	_ =	shalt  }
0x6b: {  	_ =	shalt  }
0x6c: {  	_ =	shalt  }
0x6d: {  	_ =	shalt  }
0x6e: {  	_ =	shalt  }
0x6f: {  	_ =	shalt  }
0x70: {  	_ =	shalt  }
0x71: {  	_ =	shalt  }
0x72: {  	_ =	shalt  }
0x73: {  	_ =	shalt  }
0x74: {  	_ =	shalt  }
0x75: {  	_ =	shalt  }
0x76: {  	_ =	shalt  }
0x77: {  	_ =	shalt  }
0x78: {  	_ =	shalt  }
0x79: {  	_ =	shalt  }
0x7a: {  	_ =	shalt  }
0x7b: {  	_ =	shalt  }
0x7c: {  	_ =	shalt  }
0x7d: {  	_ =	shalt  }
0x7e: {  	_ =	shalt  }
0x7f: {  	_ =	shalt  }
0x80: {  	_ =	shalt  }
0x81: {  	_ =	shalt  }
0x82: {  	_ =	shalt  }
0x83: {  	_ =	shalt  }
0x84: {  	_ =	shalt  }
0x85: {  	_ =	shalt  }
0x86: {  	_ =	shalt  }
0x87: {  	_ =	shalt  }
.Lfunc_end0:
.L_simem_size_0:
called_computation.1_lowered:
.L_overlay_start_0:
0x88: {  	s2 =	sld [smem:$0x3FD9]  }
0x89: {  	s3 =	sld [smem:$0x3FFE];
	_ =	sdelay $0x1  }
0x8a: {  	s1 =	srdreg.scid  }
0x8b: {  	s0 =	sand.u32 $0x1, s1  }
0x8c: {  	s16 =	sshll.u32 s0, $0xA;
	s2 =	sadd.s32 s3, s2  }
0x8d: {  	s2 =	sadd.s32 s2, s16  }
0x8e: {  	[smem:$0x3FBB] =	sst s2  }
0x8f: {  	_ = 	snop  }
0x90: {  	(tm) =	ssettm $0x1  }
0x91: {  	s17 =	sld [smem:$0x3FFB];
	_ =	sdelay $0x3  }
0x92: {  	_ =	strace s17  }
0x93: {  	s2 =	sld [smem:$0x3FFC];
	_ =	sdelay $0x3  }
0x94: {  	_ =	strace s2  }
0x95: {  	s2 =	sld [smem:$0x3FFD];
	_ =	sdelay $0x3  }
0x96: {  	_ =	strace s2  }
0x97: {  	_ =	strace $0x8FFFFFFF  }
0x98: {  	s18 =	sld [smem:$0x3FDB];
	_ =	sdelay $0x1  }
0x99: {  	s19 =	simm.s32 $_scs_section_size  }
0x9a: {  	s4 =	simm.s32 $_size__tile_overlayer_lowered;
	s5 =	simm.s32 $_tile_overlayer_lowered  }
0x9b: {  	s22 =	simm.s32 $0x1BFF;
	s21 =	sshll.u32 s5, $0x1;
	s2 =	sadd.s32 s19, s18  }
0x9c: {  	s6 =	simm.s32 $0x0;
	s20 =	sshll.u32 s4, $0x1;
	s4 =	sadd.s32 s21, s2  }
0x9d: {  	[timem:s6], [sflag:s22] =	dma.local [hbm:s4], s20  }
0x9e: {  	_ =	swait.ge [sflag:s22], s20  }
0x9f: {  	s3 =	ssub.s32 $0x0, s20;
	[sflag:s22] =	ssyncset.done $0x0  }
0xa0: {  	[sflag:s22] =	ssyncadd.s32 s3;
	_ =	sdelay $0x1  }
0xa1: {  	s23 =	simm.s32 $0x1B8B  }
0xa2: {  	_ =	swait.ge [sflag:s23], $0x1  }
0xa3: {  	[sflag:s23] =	ssyncset.done $0x0  }
0xa4: {  	s25 =	simm.s32 $0x1B8E;
	s24 =	sld [smem:$0x3FFE];
	[sflag:s23] =	ssyncadd.s32 $0xFFFFFFFF  }
0xa5: {  	s26 =	simm.s32 $execute0_lowered;
	[smem:$0x3FD2] =	sst s25  }
0xa6: {  	s4 =	sshll.u32 s26, $0x1;
	_ =	strace $0x80000049;
	[dreg:$0x1] =	wrdreg $0xFFFFFFFF  }
0xa7: {  	s28 =	simm.s32 $_size_execute0_lowered;
	s2 =	sadd.s32 s2, s4;
	[dreg:$0x0] =	wrdreg $0x0  }
0xa8: {  	s4 =	sshll.u32 s28, $0x1;
	[dreg:$0x2] =	wrdreg s2  }
0xa9: {  	[dreg:$0x3] =	wrdreg s4  }
0xaa: {  	[dreg:$0x4] =	wrdreg $0xC0  }
0xab: {  	_ =	task [dreg:s6], $0x5FFFF  }
0xac: {  	[dreg:$0x1] =	wrdreg $0xFFFFFFFF  }
0xad: {  	[dreg:$0x0] =	wrdreg $0x60  }
0xae: {  	[dreg:$0x2] =	wrdreg s24  }
0xaf: {  	[dreg:$0x3] =	wrdreg $0x3B200  }
0xb0: {  	[dreg:$0x4] =	wrdreg $0x9  }
0xb1: {  	_ =	task.clear_ibuf [dreg:s6], $0x5FFFF;
	_ =	strace $0x90000049  }
0xb2: {  	s29 =	simm.s32 $0x9;
	_ =	strace $0x8000004B  }
0xb3: {  	_ =	swait.ge [sflag:s29], $0x1  }
0xb4: {  	[sflag:s29] =	ssyncadd.s32 $0xFFFFFFFF  }
0xb5: {  	_ =	strace $0x9000004B  }
0xb6: {  	_ =	sfence  }
0xb7: {  	s30 =	sld [smem:$0x0];
	_ =	sdelay $0x2  }
0xb8: {  	s31 =	sshll.u32 s1, $0xD;
	s1 =	sshrl.u32 s1, $0x2  }
0xb9: {  	s3 =	sand.u32 $0x4000, s31;
	s1 =	sadd.s32 s1, s30  }
0xba: {  	s0 =	sor.u32 s3, s0;
	s1 =	sshll.u32 s1, $0x11  }
0xbb: {  	s0 =	sor.u32 s1, s0  }
0xbc: {  	s0 =	sadd.s32 $0x8F2B, s0  }
0xbd: {  	[sflag:s0] =	ssyncadd.remote.s32 $0x1  }
0xbe: {  	_ =	sfence.sel $0xFFFF  }
0xbf: {  	[dreg:$0x0] =	wrdreg $0xFFFFFFFF;
	(pc) =	sbr.abs _section_cstart, $3  }
0xc0: {  	[dreg:$0x1] =	wrdreg $0xFFFFFFFF  }
0xc1: {  	_ =	task.clear_ibuf [dreg:s6], $0x2FFFF;
	_ =	strace $0x9FFFFFFF  }
0xc2: {  	(tm) =	ssettm $0x7FFFFFFF  }
0xc3: {  	_ =	shalt  }
tec
execute0_lowered:
.L_overlay_start_1:
0x0: {  	(tag) =	ssettag $0x1  }
0x1: {  	s0 =	rddreg [dreg:$0x0]  }
0x2: {  	s2 =	rddreg [dreg:$0x1]  }
0x3: {  	s1 =	srdreg.scid;
	s3 =	simm.s32 $0x0;
	s10 =	stileid.u32  }
0x4: {  	s28 =	simm.s32 $0xFE20;
	s30 =	simm.s32 $0x1;
	s31 =	simm.s32 $0xC  }
0x5: {  	s29 =	simm.s32 $0x7;
	s1 =	sand.u32 $0x1, s1;
	s4 =	smul.u32 $0x14000, s10  }
0x6: {  	[smem:$0x7FF] =	sst s3;
	s7 =	sadd.s32 $0x3000, s0;
	s9 =	smul.u32 $0x28000, s10  }
0x7: {  	s25 =	smul.u32 $0x2710, s10;
	s5 =	sshll.u32 s1, $0x4;
	s6 =	sshll.u32 s1, $0x6  }
0x8: {  	_ =	strace $0x8000004A;
	s8 =	ssub.s32 $0x2, s1;
	s4 =	sor.u32 s6, s4  }
0x9: {  	s23 =	sshrl.u32 s8, $0x1;
	s24 =	sshrl.u32 s9, $0x2;
	s6 =	sshrl.u32 s4, $0x3  }
0xa: {  	s4 =	sadd.s32 $0x16A00, s0;
	s22 =	sadd.s32 s24, s2;
	s0 =	sadd.s32 s6, s0  }
0xb: {  	s6 =	ssub.s32 s8, s23;
	s8 =	sadd.s32 $0x2000, s22;
	[dreg:$0xa] =	wrdreg s22  }
0xc: {  	s1 =	smul.u32 $0x27100, s1;
	s9 =	sadd.s32 $0x3000, s22;
	[dreg:$0xf] =	wrdreg s8  }
0xd: {  	s5 =	sor.u32 s10, s5;
	s10 =	sadd.s32 $0x4000, s22;
	[dreg:$0x10] =	wrdreg s9  }
0xe: {  	s5 =	smul.u32 $0x2710, s5;
	s11 =	sadd.s32 $0x5000, s22;
	[dreg:$0x11] =	wrdreg s10  }
0xf: {  	s12 =	sadd.s32 $0x6000, s22;
	s14 =	sadd.s32 $0x7000, s22;
	[dreg:$0x12] =	wrdreg s11  }
0x10: {  	s5 =	sshrl.u32 s5, $0x3;
	s0 =	sadd.s32 $0x2A400, s0;
	[dreg:$0x13] =	wrdreg s12  }
0x11: {  	s26 =	smax.u32 s6, $0x1;
	s6 =	sadd.s32 $0x1000, s22;
	[dreg:$0x14] =	wrdreg s14  }
0x12: {  	s12 =	simm.s32 $0x8;
	s14 =	simm.s32 $0x4;
	[dreg:$0xc] =	wrdreg s0  }
0x13: {  	s8 =	simm.s32 $0x9;
	s5 =	sadd.s32 s7, s5;
	[dreg:$0xd] =	wrdreg s26  }
0x14: {  	[dreg:$0xe] =	wrdreg s6;
	s0 =	sadd.s32 s25, s1;
	s25 =	sadd.s32 $0x8000, s22  }
0x15: {  	s26 =	sadd.s32 $0x9000, s22;
	[dreg:$0x9] =	wrdreg s5;
	s5 =	sadd.s32 $0xA120, s5  }
0x16: {  	s13 =	sadd.s32 $0x4E200, s0;
	s15 =	sadd.s32 $0x4E480, s0;
	s16 =	sadd.s32 $0x4E400, s0  }
0x17: {  	s20 =	sadd.s32 $0x4E380, s0;
	s23 =	sadd.s32 $0x4E300, s0;
	[dreg:$0x15] =	wrdreg s25  }
0x18: {  	s0 =	sadd.s32 $0x4E280, s0;
	[dreg:$0x16] =	wrdreg s26;
	s25 =	simm.s32 $0xDB20  }
0x19: {  	s26 =	simm.s32 $0xDE20;
	[dreg:$0xb] =	wrdreg s5;
	s1 =	sshrl.u32 s13, $0x3  }
0x1a: {  	s5 =	sshrl.u32 s15, $0x3;
	s18 =	sshrl.u32 s16, $0x3;
	s21 =	sshrl.u32 s20, $0x3  }
0x1b: {  	s0 =	sshrl.u32 s0, $0x3;
	s16 =	simm.s32 $0x5;
	s1 =	sadd.s32 s1, s7  }
0x1c: {  	s17 =	sadd.s32 s5, s7;
	s19 =	sadd.s32 s18, s7;
	[dreg:$0x3] =	wrdreg s1  }
0x1d: {  	s5 =	sshrl.u32 s23, $0x3;
	s0 =	sadd.s32 s0, s7;
	[dreg:$0x4] =	wrdreg s17  }
0x1e: {  	s23 =	simm.s32 $0x80;
	s18 =	simm.s32 $0x6;
	[dreg:$0x5] =	wrdreg s19  }
0x1f: {  	s1 =	sadd.s32 s21, s7;
	s24 =	sadd.s32 s5, s7;
	[dreg:$0x8] =	wrdreg s0  }
0x20: {  	s0 =	simm.s32 $0x7;
	s7 =	simm.s32 $0xA;
	s5 =	simm.s32 $0xB  }
0x21: {  	s17 =	simm.s32 $0x6;
	s21 =	simm.s32 $0x5;
	[dreg:$0x6] =	wrdreg s1  }
0x22: {  	v0 =	vimm.f32 $0.0e+00;
	[dreg:$0x7] =	wrdreg s24;
	s24 =	simm.s32 $0x13;
	s1 =	simm.s32 $0x0  }
.LBB2_1:
0x23: {  	s6 =	rddreg [dreg:$0x9]  }
0x24: {  	[tilespmem:s3], [sflag:$0x7] =	stream.linear.gather [hbm4b:s6+s3], $0x2710, $0x38;
	[tilespmem:$0x19E20] =	vst v63  }
0x25: {  	[dreg:$0x17] =	wrdreg s1;
	s19 =	simm.s32 $0x100;
	s6 =	simm.s32 $0x0  }
.LBB2_2:
0x26: {  	p0 =	sne.s32 s19, $0x3F00;
	[tilespmem:s6+$0x2B50] =	vst v0;
	s20 =	smov.u32 s19;
	s19 =	sadd.s32 $0x100, s19  }
.Ltmp0:
0x27: {  	[tilespmem:s6+$0x2B40] =	vst v0;
	(pc) =	sbr.rel @p0 .LBB2_2-.Ltmp0, $3  }
0x28: {  	[tilespmem:s6+$0x2B20] =	vst v0  }
0x29: {  	[tilespmem:s6+$0x2B30] =	vst v0;
	_ =	sdelay $0x1  }
0x2a: {  	s6 =	sshra.s32 s20, $0x2  }
0x2b: {  	[tilespmem:s6+$0x2B50] =	vst v0  }
0x2c: {  	[tilespmem:s6+$0x2B40] =	vst v0  }
0x2d: {  	[tilespmem:s6+$0x2B20] =	vst v0  }
0x2e: {  	[tilespmem:s6+$0x2B30] =	vst v0;
	s19 =	simm.s32 $0x2B20  }
0x2f: {  	[spmem:s22] =	stream.linear.scatter [tilespmem:s19], [sflag:$0x13], $0x1000, $0x38;
	[tilespmem:$0x19E20] =	vst v63  }
0x30: {  	_ =	swait.ge [sflag:s24], $0x1000  }
0x31: {  	[sflag:s24] =	ssyncset.done $0x0  }
0x32: {  	s13 =	rddreg [dreg:$0xe];
	[sflag:s24] =	ssyncadd.s32 $0xFFFFF000  }
0x33: {  	[spmem:s13] =	stream.linear.scatter [tilespmem:s19], [sflag:$0x13], $0x1000, $0x38;
	[tilespmem:$0x19E20] =	vst v63  }
0x34: {  	_ =	swait.ge [sflag:s24], $0x1000  }
0x35: {  	[sflag:s24] =	ssyncset.done $0x0  }
0x36: {  	s15 =	rddreg [dreg:$0xf];
	[sflag:s24] =	ssyncadd.s32 $0xFFFFF000  }
0x37: {  	[spmem:s15] =	stream.linear.scatter [tilespmem:s19], [sflag:$0x13], $0x1000, $0x38;
	[tilespmem:$0x19E20] =	vst v63  }
0x38: {  	_ =	swait.ge [sflag:s24], $0x1000  }
0x39: {  	[sflag:s24] =	ssyncset.done $0x0  }
0x3a: {  	s20 =	rddreg [dreg:$0x10];
	[sflag:s24] =	ssyncadd.s32 $0xFFFFF000  }
0x3b: {  	[spmem:s20] =	stream.linear.scatter [tilespmem:s19], [sflag:$0x13], $0x1000, $0x38;
	[tilespmem:$0x19E20] =	vst v63  }
0x3c: {  	_ =	swait.ge [sflag:s24], $0x1000  }
0x3d: {  	[sflag:s24] =	ssyncset.done $0x0  }
0x3e: {  	s22 =	rddreg [dreg:$0x11];
	[sflag:s24] =	ssyncadd.s32 $0xFFFFF000  }
0x3f: {  	[spmem:s22] =	stream.linear.scatter [tilespmem:s19], [sflag:$0x13], $0x1000, $0x38;
	[tilespmem:$0x19E20] =	vst v63  }
0x40: {  	_ =	swait.ge [sflag:s24], $0x1000  }
0x41: {  	[sflag:s24] =	ssyncset.done $0x0  }
0x42: {  	s1 =	rddreg [dreg:$0x12];
	[sflag:s24] =	ssyncadd.s32 $0xFFFFF000  }
0x43: {  	[spmem:s1] =	stream.linear.scatter [tilespmem:s19], [sflag:$0x13], $0x1000, $0x38;
	[tilespmem:$0x19E20] =	vst v63  }
0x44: {  	_ =	swait.ge [sflag:s24], $0x1000  }
0x45: {  	[sflag:s24] =	ssyncset.done $0x0  }
0x46: {  	s9 =	rddreg [dreg:$0x13];
	[sflag:s24] =	ssyncadd.s32 $0xFFFFF000  }
0x47: {  	[spmem:s9] =	stream.linear.scatter [tilespmem:s19], [sflag:$0x13], $0x1000, $0x38;
	[tilespmem:$0x19E20] =	vst v63  }
0x48: {  	_ =	swait.ge [sflag:s24], $0x1000  }
0x49: {  	[sflag:s24] =	ssyncset.done $0x0  }
0x4a: {  	s10 =	rddreg [dreg:$0x14];
	[sflag:s24] =	ssyncadd.s32 $0xFFFFF000  }
0x4b: {  	[spmem:s10] =	stream.linear.scatter [tilespmem:s19], [sflag:$0x13], $0x1000, $0x38;
	[tilespmem:$0x19E20] =	vst v63  }
0x4c: {  	_ =	swait.ge [sflag:s24], $0x1000  }
0x4d: {  	[sflag:s24] =	ssyncset.done $0x0  }
0x4e: {  	s11 =	rddreg [dreg:$0x15];
	[sflag:s24] =	ssyncadd.s32 $0xFFFFF000  }
0x4f: {  	[spmem:s11] =	stream.linear.scatter [tilespmem:s19], [sflag:$0x13], $0x1000, $0x38;
	[tilespmem:$0x19E20] =	vst v63  }
0x50: {  	_ =	swait.ge [sflag:s24], $0x1000  }
0x51: {  	[sflag:s24] =	ssyncset.done $0x0  }
0x52: {  	s13 =	rddreg [dreg:$0x16];
	[sflag:s24] =	ssyncadd.s32 $0xFFFFF000  }
0x53: {  	[spmem:s13] =	stream.linear.scatter [tilespmem:s19], [sflag:$0x13], $0x1000, $0x38;
	[tilespmem:$0x19E20] =	vst v63  }
0x54: {  	_ =	swait.ge [sflag:s24], $0x1000  }
0x55: {  	[sflag:s24] =	ssyncset.done $0x0  }
0x56: {  	[sflag:s24] =	ssyncadd.s32 $0xFFFFF000  }
0x57: {  	_ =	swait.ge [sflag:s0], $0x2710  }
0x58: {  	[sflag:s0] =	ssyncset.done $0x0  }
0x59: {  	p0 =	por $0x1, $0x1;
	[sflag:s0] =	ssyncadd.s32 $0xFFFFD8F0  }
0x5a: {  	s6 =	simm.s32 @!p0 $0xD;
	[bflag:$0x0] =	sbarrier.arrive $0xFFFF  }
0x5b: {  	_ =	swait.ge @!p0 [sflag:s6], $0x2000  }
0x5c: {  	s15 =	rddreg [dreg:$0x3];
	[sflag:s6] =	ssyncset.done @!p0 $0x0  }
0x5d: {  	[sflag:s6] =	ssyncadd.s32 @!p0 $0xFFFFE000;
	s19 =	sadd.s32 $0x0, s15  }
0x5e: {  	[tilespmem:s25], [sflag:$0x1] =	stream.linear.gather [hbm4b:s19+s3], $0x80, $0x38;
	[tilespmem:$0x19E20] =	vst v63  }
0x5f: {  	s20 =	simm.s32 $0x0;
	s19 =	simm.s32 @!p0 $0xE  }
0x60: {  	[tilespmem:s26], [sflag:$0x7] =	stream.indirect.gather [hbm4b:s4+s23], $0x40, s20, s23, $0xb8;
	[tilespmem:$0x19E20] =	vst v63  }
0x61: {  	_ =	swait.ge @!p0 [sflag:s19], $0x2000  }
0x62: {  	s22 =	rddreg [dreg:$0x8];
	[sflag:s19] =	ssyncset.done @!p0 $0x0  }
0x63: {  	s20 =	simm.s32 $0xDBA0;
	[sflag:s19] =	ssyncadd.s32 @!p0 $0xFFFFE000;
	s6 =	sadd.s32 $0x0, s22  }
0x64: {  	[tilespmem:s20], [sflag:$0x2] =	stream.linear.gather [hbm4b:s6+s3], $0x80, $0x38;
	[tilespmem:$0x19E20] =	vst v63  }
0x65: {  	s24 =	simm.s32 $0x80;
	s19 =	simm.s32 @!p0 $0xF  }
0x66: {  	[tilespmem:s28], [sflag:$0x8] =	stream.indirect.gather [hbm4b:s4+s23], $0x40, s24, s23, $0xb8;
	[tilespmem:$0x19E20] =	vst v63  }
0x67: {  	_ =	swait.ge @!p0 [sflag:s19], $0x2000  }
0x68: {  	s0 =	rddreg [dreg:$0x7];
	[sflag:s19] =	ssyncset.done @!p0 $0x0  }
0x69: {  	s22 =	simm.s32 $0xDC20;
	[sflag:s19] =	ssyncadd.s32 @!p0 $0xFFFFE000;
	s6 =	sadd.s32 $0x0, s0  }
0x6a: {  	[tilespmem:s22], [sflag:$0x3] =	stream.linear.gather [hbm4b:s6+s3], $0x80, $0x38;
	[tilespmem:$0x19E20] =	vst v63  }
0x6b: {  	s1 =	simm.s32 $0x100;
	s10 =	simm.s32 $0x11E20;
	s19 =	simm.s32 @!p0 $0x10  }
0x6c: {  	[tilespmem:s10], [sflag:$0x9] =	stream.indirect.gather [hbm4b:s4+s23], $0x40, s1, s23, $0xb8;
	[tilespmem:$0x19E20] =	vst v63  }
0x6d: {  	_ =	swait.ge @!p0 [sflag:s19], $0x2000  }
0x6e: {  	s9 =	rddreg [dreg:$0x6];
	[sflag:s19] =	ssyncset.done @!p0 $0x0  }
0x6f: {  	[sflag:s19] =	ssyncadd.s32 @!p0 $0xFFFFE000;
	s6 =	sadd.s32 $0x0, s9;
	s9 =	simm.s32 $0xDCA0  }
0x70: {  	[tilespmem:s9], [sflag:$0x4] =	stream.linear.gather [hbm4b:s6+s3], $0x80, $0x38;
	[tilespmem:$0x19E20] =	vst v63  }
0x71: {  	s11 =	simm.s32 $0x180;
	s13 =	simm.s32 $0x13E20;
	s19 =	simm.s32 @!p0 $0x11  }
0x72: {  	[tilespmem:s13], [sflag:$0xA] =	stream.indirect.gather [hbm4b:s4+s23], $0x40, s11, s23, $0xb8;
	[tilespmem:$0x19E20] =	vst v63  }
0x73: {  	_ =	swait.ge @!p0 [sflag:s19], $0x2000  }
0x74: {  	s15 =	rddreg [dreg:$0x5];
	[sflag:s19] =	ssyncset.done @!p0 $0x0  }
0x75: {  	s11 =	simm.s32 $0xDD20;
	[sflag:s19] =	ssyncadd.s32 @!p0 $0xFFFFE000;
	s6 =	sadd.s32 $0x0, s15  }
0x76: {  	[tilespmem:s11], [sflag:$0x5] =	stream.linear.gather [hbm4b:s6+s3], $0x80, $0x38;
	[tilespmem:$0x19E20] =	vst v63  }
0x77: {  	s24 =	simm.s32 $0x200;
	s19 =	simm.s32 @!p0 $0x12;
	s15 =	simm.s32 $0x15E20  }
0x78: {  	[tilespmem:s15], [sflag:$0xB] =	stream.indirect.gather [hbm4b:s4+s23], $0x40, s24, s23, $0xb8;
	[tilespmem:$0x19E20] =	vst v63  }
0x79: {  	_ =	swait.ge @!p0 [sflag:s19], $0x2000  }
0x7a: {  	s0 =	rddreg [dreg:$0x4];
	[sflag:s19] =	ssyncset.done @!p0 $0x0  }
0x7b: {  	s1 =	simm.s32 $0xDDA0;
	[sflag:s19] =	ssyncadd.s32 @!p0 $0xFFFFE000;
	s6 =	sadd.s32 $0x0, s0  }
0x7c: {  	[tilespmem:s1], [sflag:$0x6] =	stream.linear.gather [hbm4b:s6+s3], $0x80, $0x38;
	[tilespmem:$0x19E20] =	vst v63  }
0x7d: {  	s24 =	simm.s32 $0x17E20;
	s19 =	simm.s32 $0x280  }
0x7e: {  	[tilespmem:s24], [sflag:$0xC] =	stream.indirect.gather [hbm4b:s4+s23], $0x40, s19, s23, $0xb8;
	[tilespmem:$0x19E20] =	vst v63  }
0x7f: {  	_ =	swait.ge [sflag:s30], $0x80  }
0x80: {  	[sflag:s30] =	ssyncset.done $0x0  }
0x81: {  	[sflag:s30] =	ssyncadd.s32 $0xFFFFFF80  }
0x82: {  	_ =	swait.ge [sflag:s29], $0x2000  }
0x83: {  	[sflag:s29] =	ssyncset.done $0x0  }
0x84: {  	s1 =	simm.s32 $0x2;
	[sflag:s29] =	ssyncadd.s32 $0xFFFFE000  }
0x85: {  	[spmem:s2] =	stream.indirect.scatter.add.f32 [tilespmem:s26], [sflag:$0xD], $0x40, s25, s23, $0xb8;
	[tilespmem:$0x19E20] =	vst v63  }
0x86: {  	_ =	swait.ge [sflag:s1], $0x80  }
0x87: {  	[sflag:s1] =	ssyncset.done $0x0  }
0x88: {  	[sflag:s1] =	ssyncadd.s32 $0xFFFFFF80  }
0x89: {  	_ =	swait.ge [sflag:s12], $0x2000  }
0x8a: {  	[sflag:s12] =	ssyncset.done $0x0  }
0x8b: {  	s0 =	simm.s32 $0x3;
	[sflag:s12] =	ssyncadd.s32 $0xFFFFE000  }
0x8c: {  	[spmem:s2] =	stream.indirect.scatter.add.f32 [tilespmem:s28], [sflag:$0xE], $0x40, s20, s23, $0xb8;
	[tilespmem:$0x19E20] =	vst v63  }
0x8d: {  	_ =	swait.ge [sflag:s0], $0x80  }
0x8e: {  	[sflag:s0] =	ssyncset.done $0x0  }
0x8f: {  	[sflag:s0] =	ssyncadd.s32 $0xFFFFFF80  }
0x90: {  	_ =	swait.ge [sflag:s8], $0x2000  }
0x91: {  	[sflag:s8] =	ssyncset.done $0x0  }
0x92: {  	[sflag:s8] =	ssyncadd.s32 $0xFFFFE000  }
0x93: {  	[spmem:s2] =	stream.indirect.scatter.add.f32 [tilespmem:s10], [sflag:$0xF], $0x40, s22, s23, $0xb8;
	[tilespmem:$0x19E20] =	vst v63  }
0x94: {  	_ =	swait.ge [sflag:s14], $0x80  }
0x95: {  	[sflag:s14] =	ssyncset.done $0x0  }
0x96: {  	[sflag:s14] =	ssyncadd.s32 $0xFFFFFF80  }
0x97: {  	_ =	swait.ge [sflag:s7], $0x2000  }
0x98: {  	[sflag:s7] =	ssyncset.done $0x0  }
0x99: {  	[sflag:s7] =	ssyncadd.s32 $0xFFFFE000  }
0x9a: {  	[spmem:s2] =	stream.indirect.scatter.add.f32 [tilespmem:s13], [sflag:$0x10], $0x40, s9, s23, $0xb8;
	[tilespmem:$0x19E20] =	vst v63  }
0x9b: {  	_ =	swait.ge [sflag:s16], $0x80  }
0x9c: {  	[sflag:s16] =	ssyncset.done $0x0  }
0x9d: {  	[sflag:s16] =	ssyncadd.s32 $0xFFFFFF80  }
0x9e: {  	_ =	swait.ge [sflag:s5], $0x2000  }
0x9f: {  	[sflag:s5] =	ssyncset.done $0x0  }
0xa0: {  	[sflag:s5] =	ssyncadd.s32 $0xFFFFE000  }
0xa1: {  	[spmem:s2] =	stream.indirect.scatter.add.f32 [tilespmem:s15], [sflag:$0x11], $0x40, s11, s23, $0xb8;
	[tilespmem:$0x19E20] =	vst v63  }
0xa2: {  	p1 =	por $0x0, $0x0;
	_ =	swait.ge [sflag:s17], $0x80  }
0xa3: {  	s6 =	simm.s32 $0x580;
	s19 =	simm.s32 $0x60;
	[sflag:s17] =	ssyncset.done $0x0  }
0xa4: {  	s30 =	simm.s32 $0x1;
	s12 =	simm.s32 $0x8;
	[sflag:s17] =	ssyncadd.s32 $0xFFFFFF80  }
0xa5: {  	s20 =	simm.s32 $0xC0;
	s7 =	simm.s32 $0xA;
	_ =	swait.ge [sflag:s31], $0x2000  }
0xa6: {  	s15 =	simm.s32 $0x4;
	s17 =	simm.s32 $0xB;
	[sflag:s31] =	ssyncset.done $0x0  }
.LBB2_4:
0xa7: {  	s24 =	simm.s32 @!p1 $0xD  }
0xa8: {  	[sflag:s31] =	ssyncadd.s32 $0xFFFFE000;
	s14 =	simm.s32 $0xDDA0;
	s5 =	simm.s32 $0x17E20  }
0xa9: {  	[spmem:s2] =	stream.indirect.scatter.add.f32 [tilespmem:s5], [sflag:$0x12], $0x40, s14, s23, $0xb8;
	[tilespmem:$0x19E20] =	vst v63  }
0xaa: {  	_ =	swait.ge @!p1 [sflag:s24], $0x2000  }
0xab: {  	[sflag:s24] =	ssyncset.done @!p1 $0x0;
	s25 =	rddreg [dreg:$0x3]  }
0xac: {  	s26 =	simm.s32 $0xDB20;
	[sflag:s24] =	ssyncadd.s32 @!p1 $0xFFFFE000;
	s25 =	sadd.s32 s19, s25  }
0xad: {  	[tilespmem:s26], [sflag:$0x1] =	stream.linear.gather [hbm4b:s25+s3], $0x80, $0x38;
	[tilespmem:$0x19E20] =	vst v63  }
0xae: {  	s9 =	sadd.s32 $0xFFFFFD80, s6;
	s26 =	simm.s32 $0xDE20;
	s25 =	simm.s32 @!p1 $0xE  }
0xaf: {  	[tilespmem:s26], [sflag:$0x7] =	stream.indirect.gather [hbm4b:s4+s23], $0x40, s9, s23, $0xb8;
	[tilespmem:$0x19E20] =	vst v63  }
0xb0: {  	_ =	swait.ge @!p1 [sflag:s25], $0x2000  }
0xb1: {  	s10 =	rddreg [dreg:$0x8];
	[sflag:s25] =	ssyncset.done @!p1 $0x0  }
0xb2: {  	s28 =	simm.s32 $0xDBA0;
	[sflag:s25] =	ssyncadd.s32 @!p1 $0xFFFFE000;
	s24 =	sadd.s32 s19, s10  }
0xb3: {  	[tilespmem:s28], [sflag:$0x2] =	stream.linear.gather [hbm4b:s24+s3], $0x80, $0x38;
	[tilespmem:$0x19E20] =	vst v63  }
0xb4: {  	s11 =	sadd.s32 $0xFFFFFE00, s6;
	s25 =	simm.s32 @!p1 $0xF;
	s28 =	simm.s32 $0xFE20  }
0xb5: {  	[tilespmem:s28], [sflag:$0x8] =	stream.indirect.gather [hbm4b:s4+s23], $0x40, s11, s23, $0xb8;
	[tilespmem:$0x19E20] =	vst v63  }
0xb6: {  	_ =	swait.ge @!p1 [sflag:s25], $0x2000  }
0xb7: {  	s13 =	rddreg [dreg:$0x7];
	[sflag:s25] =	ssyncset.done @!p1 $0x0  }
0xb8: {  	s31 =	simm.s32 $0xDC20;
	[sflag:s25] =	ssyncadd.s32 @!p1 $0xFFFFE000;
	s24 =	sadd.s32 s19, s13  }
0xb9: {  	[tilespmem:s31], [sflag:$0x3] =	stream.linear.gather [hbm4b:s24+s3], $0x80, $0x38;
	[tilespmem:$0x19E20] =	vst v63  }
0xba: {  	s16 =	sadd.s32 $0xFFFFFE80, s6;
	s10 =	simm.s32 $0x11E20;
	s25 =	simm.s32 @!p1 $0x10  }
0xbb: {  	[tilespmem:s10], [sflag:$0x9] =	stream.indirect.gather [hbm4b:s4+s23], $0x40, s16, s23, $0xb8;
	[tilespmem:$0x19E20] =	vst v63  }
0xbc: {  	_ =	swait.ge @!p1 [sflag:s25], $0x2000  }
0xbd: {  	s9 =	rddreg [dreg:$0x6];
	[sflag:s25] =	ssyncset.done @!p1 $0x0  }
0xbe: {  	[sflag:s25] =	ssyncadd.s32 @!p1 $0xFFFFE000;
	s24 =	sadd.s32 s19, s9;
	s9 =	simm.s32 $0xDCA0  }
0xbf: {  	[tilespmem:s9], [sflag:$0x4] =	stream.linear.gather [hbm4b:s24+s3], $0x80, $0x38;
	[tilespmem:$0x19E20] =	vst v63  }
0xc0: {  	s11 =	sadd.s32 $0xFFFFFF00, s6;
	s13 =	simm.s32 $0x13E20;
	s25 =	simm.s32 @!p1 $0x11  }
0xc1: {  	[tilespmem:s13], [sflag:$0xA] =	stream.indirect.gather [hbm4b:s4+s23], $0x40, s11, s23, $0xb8;
	[tilespmem:$0x19E20] =	vst v63  }
0xc2: {  	_ =	swait.ge @!p1 [sflag:s25], $0x2000  }
0xc3: {  	s16 =	rddreg [dreg:$0x5];
	[sflag:s25] =	ssyncset.done @!p1 $0x0  }
0xc4: {  	s11 =	simm.s32 $0xDD20;
	[sflag:s25] =	ssyncadd.s32 @!p1 $0xFFFFE000;
	s24 =	sadd.s32 s19, s16  }
0xc5: {  	[tilespmem:s11], [sflag:$0x5] =	stream.linear.gather [hbm4b:s24+s3], $0x80, $0x38;
	[tilespmem:$0x19E20] =	vst v63  }
0xc6: {  	s25 =	simm.s32 @!p1 $0x12;
	s16 =	simm.s32 $0x15E20;
	s24 =	sadd.s32 $0xFFFFFF80, s6  }
0xc7: {  	[tilespmem:s16], [sflag:$0xB] =	stream.indirect.gather [hbm4b:s4+s23], $0x40, s24, s23, $0xb8;
	[tilespmem:$0x19E20] =	vst v63  }
0xc8: {  	_ =	swait.ge @!p1 [sflag:s25], $0x2000  }
0xc9: {  	s24 =	rddreg [dreg:$0x4];
	[sflag:s25] =	ssyncset.done @!p1 $0x0  }
0xca: {  	[sflag:s25] =	ssyncadd.s32 @!p1 $0xFFFFE000;
	s24 =	sadd.s32 s19, s24  }
0xcb: {  	[tilespmem:s14], [sflag:$0x6] =	stream.linear.gather [hbm4b:s24+s3], $0x80, $0x38;
	[tilespmem:$0x19E20] =	vst v63  }
0xcc: {  	_ = 	snop  }
0xcd: {  	[tilespmem:s5], [sflag:$0xC] =	stream.indirect.gather [hbm4b:s4+s23], $0x40, s6, s23, $0xb8;
	[tilespmem:$0x19E20] =	vst v63  }
0xce: {  	_ =	swait.ge [sflag:s30], $0x80  }
0xcf: {  	[sflag:s30] =	ssyncset.done $0x0  }
0xd0: {  	[sflag:s30] =	ssyncadd.s32 $0xFFFFFF80  }
0xd1: {  	_ =	swait.ge [sflag:s29], $0x2000  }
0xd2: {  	[sflag:s29] =	ssyncset.done $0x0  }
0xd3: {  	s25 =	simm.s32 $0xDB20;
	[sflag:s29] =	ssyncadd.s32 $0xFFFFE000  }
0xd4: {  	[spmem:s2] =	stream.indirect.scatter.add.f32 [tilespmem:s26], [sflag:$0xD], $0x40, s25, s23, $0xb8;
	[tilespmem:$0x19E20] =	vst v63  }
0xd5: {  	_ =	swait.ge [sflag:s1], $0x80  }
0xd6: {  	[sflag:s1] =	ssyncset.done $0x0  }
0xd7: {  	[sflag:s1] =	ssyncadd.s32 $0xFFFFFF80  }
0xd8: {  	_ =	swait.ge [sflag:s12], $0x2000  }
0xd9: {  	[sflag:s12] =	ssyncset.done $0x0  }
0xda: {  	s24 =	simm.s32 $0xDBA0;
	[sflag:s12] =	ssyncadd.s32 $0xFFFFE000  }
0xdb: {  	[spmem:s2] =	stream.indirect.scatter.add.f32 [tilespmem:s28], [sflag:$0xE], $0x40, s24, s23, $0xb8;
	[tilespmem:$0x19E20] =	vst v63  }
0xdc: {  	_ =	swait.ge [sflag:s0], $0x80  }
0xdd: {  	[sflag:s0] =	ssyncset.done $0x0  }
0xde: {  	[sflag:s0] =	ssyncadd.s32 $0xFFFFFF80  }
0xdf: {  	_ =	swait.ge [sflag:s8], $0x2000  }
0xe0: {  	[sflag:s8] =	ssyncset.done $0x0  }
0xe1: {  	[sflag:s8] =	ssyncadd.s32 $0xFFFFE000  }
0xe2: {  	[spmem:s2] =	stream.indirect.scatter.add.f32 [tilespmem:s10], [sflag:$0xF], $0x40, s31, s23, $0xb8;
	[tilespmem:$0x19E20] =	vst v63  }
0xe3: {  	_ =	swait.ge [sflag:s15], $0x80  }
0xe4: {  	[sflag:s15] =	ssyncset.done $0x0  }
0xe5: {  	[sflag:s15] =	ssyncadd.s32 $0xFFFFFF80  }
0xe6: {  	_ =	swait.ge [sflag:s7], $0x2000  }
0xe7: {  	[sflag:s7] =	ssyncset.done $0x0  }
0xe8: {  	[sflag:s7] =	ssyncadd.s32 $0xFFFFE000  }
0xe9: {  	[spmem:s2] =	stream.indirect.scatter.add.f32 [tilespmem:s13], [sflag:$0x10], $0x40, s9, s23, $0xb8;
	[tilespmem:$0x19E20] =	vst v63  }
0xea: {  	_ =	swait.ge [sflag:s21], $0x80  }
0xeb: {  	[sflag:s21] =	ssyncset.done $0x0  }
0xec: {  	[sflag:s21] =	ssyncadd.s32 $0xFFFFFF80  }
0xed: {  	_ =	swait.ge [sflag:s17], $0x2000  }
0xee: {  	s22 =	smov.u32 s20;
	s20 =	sadd.s32 $0x60, s20;
	[sflag:s17] =	ssyncset.done $0x0  }
0xef: {  	p0 =	sne.s32 s20, $0x4E0;
	[sflag:s17] =	ssyncadd.s32 $0xFFFFE000  }
0xf0: {  	[spmem:s2] =	stream.indirect.scatter.add.f32 [tilespmem:s16], [sflag:$0x11], $0x40, s11, s23, $0xb8;
	[tilespmem:$0x19E20] =	vst v63  }
.Ltmp1:
0xf1: {  	_ =	swait.ge [sflag:s18], $0x80;
	(pc) =	sbr.rel @p0 .LBB2_4-.Ltmp1, $4  }
0xf2: {  	[sflag:s18] =	ssyncset.done $0x0  }
0xf3: {  	s31 =	simm.s32 $0xC;
	[sflag:s18] =	ssyncadd.s32 $0xFFFFFF80  }
0xf4: {  	s19 =	smov.u32 s22;
	_ =	swait.ge [sflag:s31], $0x2000  }
0xf5: {  	p1 =	seq.s32 s19, $0x0;
	s6 =	sadd.s32 $0x300, s6;
	[sflag:s31] =	ssyncset.done $0x0  }
0xf6: {  	s20 =	simm.s32 @!p1 $0xD  }
0xf7: {  	[sflag:s31] =	ssyncadd.s32 $0xFFFFE000;
	s14 =	simm.s32 $0xDDA0;
	s5 =	simm.s32 $0x17E20  }
0xf8: {  	[spmem:s2] =	stream.indirect.scatter.add.f32 [tilespmem:s5], [sflag:$0x12], $0x40, s14, s23, $0xb8;
	[tilespmem:$0x19E20] =	vst v63  }
0xf9: {  	_ =	swait.ge @!p1 [sflag:s20], $0x2000  }
0xfa: {  	s22 =	rddreg [dreg:$0x3];
	[sflag:s20] =	ssyncset.done @!p1 $0x0  }
0xfb: {  	[sflag:s20] =	ssyncadd.s32 @!p1 $0xFFFFE000;
	s22 =	sadd.s32 s19, s22  }
0xfc: {  	[tilespmem:s25], [sflag:$0x1] =	stream.linear.gather [hbm4b:s22+s3], $0x80, $0x38;
	[tilespmem:$0x19E20] =	vst v63  }
0xfd: {  	s9 =	sadd.s32 $0xFFFFFD80, s6;
	s22 =	simm.s32 @!p1 $0xE  }
0xfe: {  	[tilespmem:s26], [sflag:$0x7] =	stream.indirect.gather [hbm4b:s4+s23], $0x40, s9, s23, $0xb8;
	[tilespmem:$0x19E20] =	vst v63  }
0xff: {  	_ =	swait.ge @!p1 [sflag:s22], $0x2000  }
0x100: {  	s10 =	rddreg [dreg:$0x8];
	[sflag:s22] =	ssyncset.done @!p1 $0x0  }
0x101: {  	[sflag:s22] =	ssyncadd.s32 @!p1 $0xFFFFE000;
	s20 =	sadd.s32 s19, s10  }
0x102: {  	[tilespmem:s24], [sflag:$0x2] =	stream.linear.gather [hbm4b:s20+s3], $0x80, $0x38;
	[tilespmem:$0x19E20] =	vst v63  }
0x103: {  	s11 =	sadd.s32 $0xFFFFFE00, s6;
	s22 =	simm.s32 @!p1 $0xF  }
0x104: {  	[tilespmem:s28], [sflag:$0x8] =	stream.indirect.gather [hbm4b:s4+s23], $0x40, s11, s23, $0xb8;
	[tilespmem:$0x19E20] =	vst v63  }
0x105: {  	_ =	swait.ge @!p1 [sflag:s22], $0x2000  }
0x106: {  	s13 =	rddreg [dreg:$0x7];
	[sflag:s22] =	ssyncset.done @!p1 $0x0  }
0x107: {  	s31 =	simm.s32 $0xDC20;
	[sflag:s22] =	ssyncadd.s32 @!p1 $0xFFFFE000;
	s20 =	sadd.s32 s19, s13  }
0x108: {  	[tilespmem:s31], [sflag:$0x3] =	stream.linear.gather [hbm4b:s20+s3], $0x80, $0x38;
	[tilespmem:$0x19E20] =	vst v63  }
0x109: {  	s16 =	sadd.s32 $0xFFFFFE80, s6;
	s10 =	simm.s32 $0x11E20;
	s22 =	simm.s32 @!p1 $0x10  }
0x10a: {  	[tilespmem:s10], [sflag:$0x9] =	stream.indirect.gather [hbm4b:s4+s23], $0x40, s16, s23, $0xb8;
	[tilespmem:$0x19E20] =	vst v63  }
0x10b: {  	_ =	swait.ge @!p1 [sflag:s22], $0x2000  }
0x10c: {  	s9 =	rddreg [dreg:$0x6];
	[sflag:s22] =	ssyncset.done @!p1 $0x0  }
0x10d: {  	[sflag:s22] =	ssyncadd.s32 @!p1 $0xFFFFE000;
	s20 =	sadd.s32 s19, s9;
	s9 =	simm.s32 $0xDCA0  }
0x10e: {  	[tilespmem:s9], [sflag:$0x4] =	stream.linear.gather [hbm4b:s20+s3], $0x80, $0x38;
	[tilespmem:$0x19E20] =	vst v63  }
0x10f: {  	s11 =	sadd.s32 $0xFFFFFF00, s6;
	s13 =	simm.s32 $0x13E20;
	s22 =	simm.s32 @!p1 $0x11  }
0x110: {  	[tilespmem:s13], [sflag:$0xA] =	stream.indirect.gather [hbm4b:s4+s23], $0x40, s11, s23, $0xb8;
	[tilespmem:$0x19E20] =	vst v63  }
0x111: {  	_ =	swait.ge @!p1 [sflag:s22], $0x2000  }
0x112: {  	s16 =	rddreg [dreg:$0x5];
	[sflag:s22] =	ssyncset.done @!p1 $0x0  }
0x113: {  	s11 =	simm.s32 $0xDD20;
	[sflag:s22] =	ssyncadd.s32 @!p1 $0xFFFFE000;
	s20 =	sadd.s32 s19, s16  }
0x114: {  	[tilespmem:s11], [sflag:$0x5] =	stream.linear.gather [hbm4b:s20+s3], $0x80, $0x38;
	[tilespmem:$0x19E20] =	vst v63  }
0x115: {  	s22 =	simm.s32 @!p1 $0x12;
	s16 =	simm.s32 $0x15E20;
	s20 =	sadd.s32 $0xFFFFFF80, s6  }
0x116: {  	[tilespmem:s16], [sflag:$0xB] =	stream.indirect.gather [hbm4b:s4+s23], $0x40, s20, s23, $0xb8;
	[tilespmem:$0x19E20] =	vst v63  }
0x117: {  	_ =	swait.ge @!p1 [sflag:s22], $0x2000  }
0x118: {  	s20 =	rddreg [dreg:$0x4];
	[sflag:s22] =	ssyncset.done @!p1 $0x0  }
0x119: {  	[sflag:s22] =	ssyncadd.s32 @!p1 $0xFFFFE000;
	s20 =	sadd.s32 s19, s20  }
0x11a: {  	[tilespmem:s14], [sflag:$0x6] =	stream.linear.gather [hbm4b:s20+s3], $0x80, $0x38;
	[tilespmem:$0x19E20] =	vst v63  }
0x11b: {  	_ = 	snop  }
0x11c: {  	[tilespmem:s5], [sflag:$0xC] =	stream.indirect.gather [hbm4b:s4+s23], $0x40, s6, s23, $0xb8;
	[tilespmem:$0x19E20] =	vst v63  }
0x11d: {  	_ =	swait.ge [sflag:s30], $0x80  }
0x11e: {  	[sflag:s30] =	ssyncset.done $0x0  }
0x11f: {  	[sflag:s30] =	ssyncadd.s32 $0xFFFFFF80  }
0x120: {  	_ =	swait.ge [sflag:s29], $0x2000  }
0x121: {  	[sflag:s29] =	ssyncset.done $0x0  }
0x122: {  	[sflag:s29] =	ssyncadd.s32 $0xFFFFE000  }
0x123: {  	[spmem:s2] =	stream.indirect.scatter.add.f32 [tilespmem:s26], [sflag:$0xD], $0x40, s25, s23, $0xb8;
	[tilespmem:$0x19E20] =	vst v63  }
0x124: {  	_ =	swait.ge [sflag:s1], $0x80  }
0x125: {  	[sflag:s1] =	ssyncset.done $0x0  }
0x126: {  	[sflag:s1] =	ssyncadd.s32 $0xFFFFFF80  }
0x127: {  	_ =	swait.ge [sflag:s12], $0x2000  }
0x128: {  	[sflag:s12] =	ssyncset.done $0x0  }
0x129: {  	[sflag:s12] =	ssyncadd.s32 $0xFFFFE000  }
0x12a: {  	[spmem:s2] =	stream.indirect.scatter.add.f32 [tilespmem:s28], [sflag:$0xE], $0x40, s24, s23, $0xb8;
	[tilespmem:$0x19E20] =	vst v63  }
0x12b: {  	_ =	swait.ge [sflag:s0], $0x80  }
0x12c: {  	[sflag:s0] =	ssyncset.done $0x0  }
0x12d: {  	[sflag:s0] =	ssyncadd.s32 $0xFFFFFF80  }
0x12e: {  	_ =	swait.ge [sflag:s8], $0x2000  }
0x12f: {  	[sflag:s8] =	ssyncset.done $0x0  }
0x130: {  	[sflag:s8] =	ssyncadd.s32 $0xFFFFE000  }
0x131: {  	[spmem:s2] =	stream.indirect.scatter.add.f32 [tilespmem:s10], [sflag:$0xF], $0x40, s31, s23, $0xb8;
	[tilespmem:$0x19E20] =	vst v63  }
0x132: {  	_ =	swait.ge [sflag:s15], $0x80  }
0x133: {  	[sflag:s15] =	ssyncset.done $0x0  }
0x134: {  	[sflag:s15] =	ssyncadd.s32 $0xFFFFFF80  }
0x135: {  	_ =	swait.ge [sflag:s7], $0x2000  }
0x136: {  	[sflag:s7] =	ssyncset.done $0x0  }
0x137: {  	[sflag:s7] =	ssyncadd.s32 $0xFFFFE000  }
0x138: {  	[spmem:s2] =	stream.indirect.scatter.add.f32 [tilespmem:s13], [sflag:$0x10], $0x40, s9, s23, $0xb8;
	[tilespmem:$0x19E20] =	vst v63  }
0x139: {  	_ =	swait.ge [sflag:s21], $0x80  }
0x13a: {  	[sflag:s21] =	ssyncset.done $0x0  }
0x13b: {  	[sflag:s21] =	ssyncadd.s32 $0xFFFFFF80  }
0x13c: {  	_ =	swait.ge [sflag:s17], $0x2000  }
0x13d: {  	[sflag:s17] =	ssyncset.done $0x0  }
0x13e: {  	[sflag:s17] =	ssyncadd.s32 $0xFFFFE000  }
0x13f: {  	[spmem:s2] =	stream.indirect.scatter.add.f32 [tilespmem:s16], [sflag:$0x11], $0x40, s11, s23, $0xb8;
	[tilespmem:$0x19E20] =	vst v63  }
0x140: {  	_ =	swait.ge [sflag:s18], $0x80  }
0x141: {  	[sflag:s18] =	ssyncset.done $0x0  }
0x142: {  	s31 =	simm.s32 $0xC;
	[sflag:s18] =	ssyncadd.s32 $0xFFFFFF80  }
0x143: {  	_ =	swait.ge [sflag:s31], $0x2000  }
0x144: {  	[sflag:s31] =	ssyncset.done $0x0  }
0x145: {  	s22 =	simm.s32 $0xD;
	[sflag:s31] =	ssyncadd.s32 $0xFFFFE000  }
0x146: {  	[spmem:s2] =	stream.indirect.scatter.add.f32 [tilespmem:s5], [sflag:$0x12], $0x40, s14, s23, $0xb8;
	[tilespmem:$0x19E20] =	vst v63  }
0x147: {  	_ =	swait.ge [sflag:s22], $0x2000  }
0x148: {  	[sflag:s22] =	ssyncset.done $0x0  }
0x149: {  	s24 =	simm.s32 $0xE;
	[sflag:s22] =	ssyncadd.s32 $0xFFFFE000  }
0x14a: {  	_ =	swait.ge [sflag:s24], $0x2000  }
0x14b: {  	[sflag:s24] =	ssyncset.done $0x0  }
0x14c: {  	s1 =	simm.s32 $0xF;
	[sflag:s24] =	ssyncadd.s32 $0xFFFFE000  }
0x14d: {  	_ =	swait.ge [sflag:s1], $0x2000  }
0x14e: {  	[sflag:s1] =	ssyncset.done $0x0  }
0x14f: {  	s5 =	simm.s32 $0x10;
	[sflag:s1] =	ssyncadd.s32 $0xFFFFE000  }
0x150: {  	_ =	swait.ge [sflag:s5], $0x2000  }
0x151: {  	[sflag:s5] =	ssyncset.done $0x0  }
0x152: {  	s7 =	simm.s32 $0x11;
	[sflag:s5] =	ssyncadd.s32 $0xFFFFE000  }
0x153: {  	_ =	swait.ge [sflag:s7], $0x2000  }
0x154: {  	[sflag:s7] =	ssyncset.done $0x0  }
0x155: {  	s9 =	simm.s32 $0x12;
	[sflag:s7] =	ssyncadd.s32 $0xFFFFE000  }
0x156: {  	_ =	swait.ge [sflag:s9], $0x2000  }
0x157: {  	s11 =	simm.s32 $0x2710;
	[sflag:s9] =	ssyncset.done $0x0  }
0x158: {  	s24 =	simm.s32 $0x13;
	s10 =	rddreg [dreg:$0xb];
	[sflag:s9] =	ssyncadd.s32 $0xFFFFE000  }
0x159: {  	[tilespmem:s11], [sflag:$0x13] =	stream.linear.gather [hbm4b:s10+s3], $0x10, $0x38;
	[tilespmem:$0x19E20] =	vst v63  }
0x15a: {  	_ =	swait.ge [sflag:s24], $0x10  }
0x15b: {  	[sflag:s24] =	ssyncset.done $0x0  }
0x15c: {  	s13 =	simm.s32 $0x2700;
	s14 =	simm.s32 $0x2720;
	[sflag:s24] =	ssyncadd.s32 $0xFFFFFFF0  }
0x15d: {  	[tilespmem:s14], [sflag:$0x7] =	stream.indirect.gather [hbm4b:s4+s5], $0x40, s13, s5, $0xb8;
	[tilespmem:$0x19E20] =	vst v63  }
0x15e: {  	_ =	swait.ge [sflag:s29], $0x400  }
0x15f: {  	[sflag:s29] =	ssyncset.done $0x0  }
0x160: {  	[sflag:s29] =	ssyncadd.s32 $0xFFFFFC00  }
0x161: {  	[spmem:s2] =	stream.indirect.scatter.add.f32 [tilespmem:s14], [sflag:$0x13], $0x40, s11, s5, $0xb8;
	[tilespmem:$0x19E20] =	vst v63  }
0x162: {  	_ =	swait.ge [sflag:s24], $0x400  }
0x163: {  	[sflag:s24] =	ssyncset.done $0x0  }
0x164: {  	[sflag:s24] =	ssyncadd.s32 $0xFFFFFC00  }
0x165: {  	s15 =	stileid.u32;
	[bflag:$0x0] =	sbarrier.arrive $0xFFFF  }
0x166: {  	s6 =	sshll.u32 s15, $0x6;
	s22 =	rddreg [dreg:$0xa]  }
0x167: {  	s6 =	sor.u32 $0x1C13, s6;
	s17 =	rddreg [dreg:$0xc];
	s16 =	sshrl.u32 s22, $0x3  }
0x168: {  	[hbm:s17@s5], [sflag:s6] =	dma.strided [spmem:s16@s12], $0x1400, s30, $0x8   }
0x169: {  	_ =	swait.ge [sflag:s24], $0x1400  }
0x16a: {  	s19 =	rddreg [dreg:$0x17]  }
0x16b: {  	s20 =	rddreg [dreg:$0xd];
	s1 =	sadd.s32 $0x1, s19  }
0x16c: {  	p0 =	sne.s32 s1, s20  }
.Ltmp2:
0x16d: {  	_ = 	snop;
	(pc) =	sbr.rel @p0 .LBB2_1-.Ltmp2, $4  }
0x16e: {  	s0 =	simm.s32 $0x7  }
0x16f: {  	s7 =	simm.s32 $0xA;
	s14 =	simm.s32 $0x4;
	s30 =	simm.s32 $0x1  }
0x170: {  	s12 =	simm.s32 $0x8;
	s16 =	simm.s32 $0x5;
	[sflag:s24] =	ssyncset.done $0x0  }
0x171: {  	s5 =	simm.s32 $0xB;
	s17 =	simm.s32 $0x6;
	[sflag:s24] =	ssyncadd.s32 $0xFFFFEC00  }
0x172: {  	_ =	sfence.sel $0x180000  }
0x173: {  	[bflag:$0x0] =	sbarrier.arrive $0xFFFF  }
0x174: {  	_ =	strace $0x9000004A  }
0x175: {  	s0 =	stileid.u32;
	[bflag:$0x2] =	sbarrier.arrive $0xFFFF  }
0x176: {  	p0 =	sne.s32 s0, $0x0;
	s0 =	rddreg [dreg:$0x2]  }
0x177: {  	s0 =	sadd.s32 @!p0 $0x100000, s0  }
0x178: {  	[sflag:s0] =	ssyncadd.tile.s32 @!p0 $0x1;
	_ =	shalt  }
.Lfunc_end2:
_tile_overlayer_lowered:
.L_overlay_start_2:
0x179: {  	(tag) =	ssettag $0x2  }
0x17a: {  	s0 =	rddreg [dreg:$0x0];
	s2 =	stileid.u32  }
0x17b: {  	s1 =	rddreg [dreg:$0x1];
	p0 =	sne.s32 s2, $0x0  }
0x17c: {  	s3 =	rddreg [dreg:$0x2];
	[bflag:$0x3] =	sbarrier.arrive $0xFFFF;
	s2 =	simm.s32 @!p0 $0x1C13  }
0x17d: {  	[timem:s3], [sflag:s2] =	dma.local @!p0 [hbm:s0], s1  }
0x17e: {  	s0 =	simm.s32 @!p0 $0x13  }
0x17f: {  	_ =	swait.ge @!p0 [sflag:s0], s1  }
0x180: {  	s1 =	ssub.s32 @!p0 $0x0, s1;
	[sflag:s0] =	ssyncset.done @!p0 $0x0  }
0x181: {  	[sflag:s0] =	ssyncadd.s32 @!p0 s1  }
0x182: {  	[bflag:$0x3] =	sbarrier.arrive $0xFFFF  }
0x183: {  	_ =	shalt  }

// kernel: kernel.15.cloned.1.call-start
scs
__scs_entry_jumppad:
0x0: {  	(pc) =	sbr.rel $0x88, $3  }
0x1: {  	(tag) =	ssettag $0x0;
	lr =	simm.s32 $0x1  }
0x2: {  	[smem:$0x3F94] =	sst lr;
	_ =	strace $0xD0000000  }
0x3: {  	_ = 	snop  }
0x4: {  	_ = 	snop  }
0x5: {  	_ = 	snop  }
0x6: {  	_ = 	snop  }
0x7: {  	_ = 	snop  }
__scs_overlays_trampoline_lowered:
0x8: {  	[smem:$0x3FA3] =	sst s0  }
0x9: {  	[smem:$0x3FA4] =	sst s1  }
0xa: {  	[smem:$0x3FA5] =	sst s2  }
0xb: {  	[smem:$0x3FA6] =	sst s3  }
0xc: {  	[smem:$0x3FA7] =	sst s4  }
0xd: {  	[smem:$0x3FA8] =	sst s5  }
0xe: {  	[smem:$0x3FA9] =	sst s6  }
0xf: {  	[smem:$0x3FAA] =	sst s7  }
0x10: {  	[smem:$0x3FAB] =	sst s8  }
0x11: {  	[smem:$0x3FAC] =	sst s9;
	s0 =	simm.s32 @!p0 $0x0  }
0x12: {  	s1 =	sld [smem:$0x3F92];
	s0 =	simm.s32 @p0 $0x1  }
0x13: {  	[smem:$0x3FAD] =	sst s0;
	s0 =	simm.s32 @!p1 $0x0  }
0x14: {  	s2 =	sld [smem:$0x3F91];
	s0 =	simm.s32 @p1 $0x1  }
0x15: {  	[smem:$0x3FAE] =	sst s0;
	s0 =	simm.s32 @!p2 $0x0  }
0x16: {  	s3 =	sld [smem:$0x3FDB];
	s0 =	simm.s32 @p2 $0x1  }
0x17: {  	s4 =	simm.s32 $0x1BF5;
	[smem:$0x3FB0] =	sst s0  }
0x18: {  	s0 =	sld [smem:$0x3F93];
	_ =	swait.ge [sflag:s4], $0x0  }
0x19: {  	s7 =	sld [smem:$0x3F94]  }
0x1a: {  	s8 =	sadd.s32 $0xFFFFE003, lr  }
0x1b: {  	s9 =	sadd.s32 $0xFFFFFEF7, lr;
	s5 =	simm.s32 $0xFFFFFFFF;
	p2 =	slt.u32 s8, $0xFFFFF086  }
0x1c: {  	p1 =	slt.u32 s9, $0xF7A;
	s5 =	simm.s32 @!p2 $0x0  }
0x1d: {  	s5 =	simm.s32 @p1 $0x1;
	p0 =	seq.s32 s7, s2  }
0x1e: {  	s7 =	smul.u32 @!p0 $0xF7A, s2;
	p2 =	seq.s32 @!p0 s5, $0x0  }
0x1f: {  	s9 =	smul.u32 $0xF7A, s1;
	s8 =	simm.s32 @!p0 $0x1BF5;
	p2 =	por !p2, p0  }
0x20: {  	[sflag:s8] =	ssyncset.s32 @!p0 $0xFFFFF086;
	s6 =	sadd.s32 @!p0 s3, s7;
	s7 =	simm.s32 @!p0 $0x108  }
0x21: {  	s3 =	sadd.s32 s3, s9;
	s6 =	sadd.s32 @!p0 $0x88, s6;
	s7 =	simm.s32 @p2 $0x1082  }
0x22: {  	[simem:s7], [sflag:s8] =	dma.local @!p0 [hbm:s6], $0xF7A  }
0x23: {  	s9 =	sor.u32 $0xD0000000, s2;
	s6 =	simm.s32 $0x108;
	_ =	swait.ge @!p0 [sflag:s8], $0x0  }
0x24: {  	s3 =	sadd.s32 $0x88, s3;
	s6 =	simm.s32 @!p1 $0x1082;
	[sflag:s4] =	ssyncset.s32 $0xFFFFF086  }
0x25: {  	[simem:s6], [sflag:s4] =	dma.local [hbm:s3], $0xF7A  }
0x26: {  	[smem:$0x3F94] =	sst s1;
	(tag) =	ssettag s2;
	_ =	strace s9  }
0x27: {  	s1 =	sld [smem:$0x3FA4]  }
0x28: {  	s2 =	sld [smem:$0x3FA5]  }
0x29: {  	s4 =	sld [smem:$0x3FA7]  }
0x2a: {  	p0 =	seq.s32 s5, $0x0;
	s5 =	sld [smem:$0x3FA8]  }
0x2b: {  	s6 =	sld [smem:$0x3FA9]  }
0x2c: {  	s7 =	sld [smem:$0x3FAA]  }
0x2d: {  	s3 =	simm.s32 $0x108;
	s8 =	sld [smem:$0x3FAB]  }
0x2e: {  	s3 =	simm.s32 @!p0 $0x1082;
	s9 =	sld [smem:$0x3FAC]  }
0x2f: {  	lr =	sadd.s32 s0, s3;
	s0 =	sld [smem:$0x3FA3]  }
0x30: {  	s3 =	sld [smem:$0x3FA6]  }
0x31: {  	[smem:$0x3FAF] =	sst s10  }
0x32: {  	s10 =	sld [smem:$0x3FAD];
	_ =	sdelay $0x3  }
0x33: {  	p0 =	seq.s32 s10, $0x1;
	s10 =	sld [smem:$0x3FAF];
	_ =	sdelay $0x3  }
0x34: {  	[smem:$0x3FAF] =	sst s10  }
0x35: {  	s10 =	sld [smem:$0x3FAE];
	_ =	sdelay $0x3  }
0x36: {  	p1 =	seq.s32 s10, $0x1;
	s10 =	sld [smem:$0x3FAF];
	_ =	sdelay $0x3  }
0x37: {  	[smem:$0x3FAF] =	sst s10  }
0x38: {  	s10 =	sld [smem:$0x3FB0]  }
0x39: {  	_ = 	snop;
	(pc) =	sbr.ind lr, $3  }
0x3a: {  	_ = 	snop  }
0x3b: {  	_ = 	snop  }
0x3c: {  	p2 =	seq.s32 s10, $0x1;
	s10 =	sld [smem:$0x3FAF]  }
0x3d: {  	_ =	shalt  }
0x3e: {  	_ =	shalt  }
0x3f: {  	_ =	shalt  }
0x40: {  	_ =	shalt  }
0x41: {  	_ =	shalt  }
0x42: {  	_ =	shalt  }
0x43: {  	_ =	shalt  }
0x44: {  	_ =	shalt  }
0x45: {  	_ =	shalt  }
0x46: {  	_ =	shalt  }
0x47: {  	_ =	shalt  }
0x48: {  	_ =	shalt  }
0x49: {  	_ =	shalt  }
0x4a: {  	_ =	shalt  }
0x4b: {  	_ =	shalt  }
0x4c: {  	_ =	shalt  }
0x4d: {  	_ =	shalt  }
0x4e: {  	_ =	shalt  }
0x4f: {  	_ =	shalt  }
0x50: {  	_ =	shalt  }
0x51: {  	_ =	shalt  }
0x52: {  	_ =	shalt  }
0x53: {  	_ =	shalt  }
0x54: {  	_ =	shalt  }
0x55: {  	_ =	shalt  }
0x56: {  	_ =	shalt  }
0x57: {  	_ =	shalt  }
0x58: {  	_ =	shalt  }
0x59: {  	_ =	shalt  }
0x5a: {  	_ =	shalt  }
0x5b: {  	_ =	shalt  }
0x5c: {  	_ =	shalt  }
0x5d: {  	_ =	shalt  }
0x5e: {  	_ =	shalt  }
0x5f: {  	_ =	shalt  }
0x60: {  	_ =	shalt  }
0x61: {  	_ =	shalt  }
0x62: {  	_ =	shalt  }
0x63: {  	_ =	shalt  }
0x64: {  	_ =	shalt  }
0x65: {  	_ =	shalt  }
0x66: {  	_ =	shalt  }
0x67: {  	_ =	shalt  }
0x68: {  	_ =	shalt  }
0x69: {  	_ =	shalt  }
0x6a: {  	_ =	shalt  }
0x6b: {  	_ =	shalt  }
0x6c: {  	_ =	shalt  }
0x6d: {  	_ =	shalt  }
0x6e: {  	_ =	shalt  }
0x6f: {  	_ =	shalt  }
0x70: {  	_ =	shalt  }
0x71: {  	_ =	shalt  }
0x72: {  	_ =	shalt  }
0x73: {  	_ =	shalt  }
0x74: {  	_ =	shalt  }
0x75: {  	_ =	shalt  }
0x76: {  	_ =	shalt  }
0x77: {  	_ =	shalt  }
0x78: {  	_ =	shalt  }
0x79: {  	_ =	shalt  }
0x7a: {  	_ =	shalt  }
0x7b: {  	_ =	shalt  }
0x7c: {  	_ =	shalt  }
0x7d: {  	_ =	shalt  }
0x7e: {  	_ =	shalt  }
0x7f: {  	_ =	shalt  }
0x80: {  	_ =	shalt  }
0x81: {  	_ =	shalt  }
0x82: {  	_ =	shalt  }
0x83: {  	_ =	shalt  }
0x84: {  	_ =	shalt  }
0x85: {  	_ =	shalt  }
0x86: {  	_ =	shalt  }
0x87: {  	_ =	shalt  }
.Lfunc_end0:
.L_simem_size_0:
called_computation.2_lowered:
.L_overlay_start_0:
0x88: {  	s2 =	sld [smem:$0x3FD9]  }
0x89: {  	s3 =	sld [smem:$0x3FFE];
	_ =	sdelay $0x1  }
0x8a: {  	s1 =	srdreg.scid  }
0x8b: {  	s0 =	sand.u32 $0x1, s1  }
0x8c: {  	s16 =	sshll.u32 s0, $0xA;
	s2 =	sadd.s32 s3, s2  }
0x8d: {  	s2 =	sadd.s32 s2, s16  }
0x8e: {  	[smem:$0x3FBB] =	sst s2  }
0x8f: {  	_ = 	snop  }
0x90: {  	(tm) =	ssettm $0x1  }
0x91: {  	s17 =	sld [smem:$0x3FFB];
	_ =	sdelay $0x3  }
0x92: {  	_ =	strace s17  }
0x93: {  	s2 =	sld [smem:$0x3FFC];
	_ =	sdelay $0x3  }
0x94: {  	_ =	strace s2  }
0x95: {  	s2 =	sld [smem:$0x3FFD];
	_ =	sdelay $0x3  }
0x96: {  	_ =	strace s2  }
0x97: {  	_ =	strace $0x8FFFFFFF  }
0x98: {  	s18 =	sld [smem:$0x3FDB];
	_ =	sdelay $0x1  }
0x99: {  	s19 =	simm.s32 $_scs_section_size  }
0x9a: {  	s4 =	simm.s32 $_size__tile_overlayer_lowered;
	s5 =	simm.s32 $_tile_overlayer_lowered  }
0x9b: {  	s22 =	simm.s32 $0x1BFF;
	s21 =	sshll.u32 s5, $0x1;
	s2 =	sadd.s32 s19, s18  }
0x9c: {  	s6 =	simm.s32 $0x0;
	s20 =	sshll.u32 s4, $0x1;
	s4 =	sadd.s32 s21, s2  }
0x9d: {  	[timem:s6], [sflag:s22] =	dma.local [hbm:s4], s20  }
0x9e: {  	_ =	swait.ge [sflag:s22], s20  }
0x9f: {  	s3 =	ssub.s32 $0x0, s20;
	[sflag:s22] =	ssyncset.done $0x0  }
0xa0: {  	[sflag:s22] =	ssyncadd.s32 s3;
	_ =	sdelay $0x1  }
0xa1: {  	s23 =	simm.s32 $0x1B8B  }
0xa2: {  	_ =	swait.ge [sflag:s23], $0x1  }
0xa3: {  	[sflag:s23] =	ssyncset.done $0x0  }
0xa4: {  	s25 =	simm.s32 $0x1B8E;
	s24 =	sld [smem:$0x3FFE];
	[sflag:s23] =	ssyncadd.s32 $0xFFFFFFFF  }
0xa5: {  	s26 =	simm.s32 $execute0_lowered;
	[smem:$0x3FD2] =	sst s25  }
0xa6: {  	s4 =	sshll.u32 s26, $0x1;
	_ =	strace $0x8000004C;
	[dreg:$0x1] =	wrdreg $0xFFFFFFFF  }
0xa7: {  	s28 =	simm.s32 $_size_execute0_lowered;
	s2 =	sadd.s32 s2, s4;
	[dreg:$0x0] =	wrdreg $0x0  }
0xa8: {  	s4 =	sshll.u32 s28, $0x1;
	[dreg:$0x2] =	wrdreg s2  }
0xa9: {  	[dreg:$0x3] =	wrdreg s4  }
0xaa: {  	[dreg:$0x4] =	wrdreg $0xC0  }
0xab: {  	_ =	task [dreg:s6], $0x5FFFF  }
0xac: {  	[dreg:$0x1] =	wrdreg $0xFFFFFFFF  }
0xad: {  	[dreg:$0x0] =	wrdreg $0x60  }
0xae: {  	[dreg:$0x2] =	wrdreg s24  }
0xaf: {  	[dreg:$0x3] =	wrdreg $0x3B200  }
0xb0: {  	[dreg:$0x4] =	wrdreg $0x9  }
0xb1: {  	_ =	task.clear_ibuf [dreg:s6], $0x5FFFF;
	_ =	strace $0x9000004C  }
0xb2: {  	s29 =	simm.s32 $0x9;
	_ =	strace $0x8000004E  }
0xb3: {  	_ =	swait.ge [sflag:s29], $0x1  }
0xb4: {  	[sflag:s29] =	ssyncadd.s32 $0xFFFFFFFF  }
0xb5: {  	_ =	strace $0x9000004E  }
0xb6: {  	_ =	sfence  }
0xb7: {  	s30 =	sld [smem:$0x0];
	_ =	sdelay $0x2  }
0xb8: {  	s31 =	sshll.u32 s1, $0xD;
	s1 =	sshrl.u32 s1, $0x2  }
0xb9: {  	s3 =	sand.u32 $0x4000, s31;
	s1 =	sadd.s32 s1, s30  }
0xba: {  	s0 =	sor.u32 s3, s0;
	s1 =	sshll.u32 s1, $0x11  }
0xbb: {  	s0 =	sor.u32 s1, s0  }
0xbc: {  	s0 =	sadd.s32 $0x8F2B, s0  }
0xbd: {  	[sflag:s0] =	ssyncadd.remote.s32 $0x1  }
0xbe: {  	_ =	sfence.sel $0xFFFF  }
0xbf: {  	[dreg:$0x0] =	wrdreg $0xFFFFFFFF;
	(pc) =	sbr.abs _section_cstart, $3  }
0xc0: {  	[dreg:$0x1] =	wrdreg $0xFFFFFFFF  }
0xc1: {  	_ =	task.clear_ibuf [dreg:s6], $0x2FFFF;
	_ =	strace $0x9FFFFFFF  }
0xc2: {  	(tm) =	ssettm $0x7FFFFFFF  }
0xc3: {  	_ =	shalt  }
tec
execute0_lowered:
.L_overlay_start_1:
0x0: {  	(tag) =	ssettag $0x1  }
0x1: {  	s0 =	rddreg [dreg:$0x0]  }
0x2: {  	s2 =	rddreg [dreg:$0x1]  }
0x3: {  	s1 =	srdreg.scid;
	s3 =	simm.s32 $0x0;
	s10 =	stileid.u32  }
0x4: {  	s28 =	simm.s32 $0xFE20;
	s30 =	simm.s32 $0x1;
	s31 =	simm.s32 $0xC  }
0x5: {  	s29 =	simm.s32 $0x7;
	s1 =	sand.u32 $0x1, s1;
	s4 =	smul.u32 $0x14000, s10  }
0x6: {  	[smem:$0x7FF] =	sst s3;
	s7 =	sadd.s32 $0x3000, s0;
	s9 =	smul.u32 $0x28000, s10  }
0x7: {  	s25 =	smul.u32 $0x2710, s10;
	s5 =	sshll.u32 s1, $0x4;
	s6 =	sshll.u32 s1, $0x6  }
0x8: {  	_ =	strace $0x8000004D;
	s8 =	ssub.s32 $0x2, s1;
	s4 =	sor.u32 s6, s4  }
0x9: {  	s23 =	sshrl.u32 s8, $0x1;
	s24 =	sshrl.u32 s9, $0x2;
	s6 =	sshrl.u32 s4, $0x3  }
0xa: {  	s4 =	sadd.s32 $0x16A00, s0;
	s22 =	sadd.s32 s24, s2;
	s0 =	sadd.s32 s6, s0  }
0xb: {  	s6 =	ssub.s32 s8, s23;
	s8 =	sadd.s32 $0x2000, s22;
	[dreg:$0xa] =	wrdreg s22  }
0xc: {  	s1 =	smul.u32 $0x27100, s1;
	s9 =	sadd.s32 $0x3000, s22;
	[dreg:$0xf] =	wrdreg s8  }
0xd: {  	s5 =	sor.u32 s10, s5;
	s10 =	sadd.s32 $0x4000, s22;
	[dreg:$0x10] =	wrdreg s9  }
0xe: {  	s5 =	smul.u32 $0x2710, s5;
	s11 =	sadd.s32 $0x5000, s22;
	[dreg:$0x11] =	wrdreg s10  }
0xf: {  	s12 =	sadd.s32 $0x6000, s22;
	s14 =	sadd.s32 $0x7000, s22;
	[dreg:$0x12] =	wrdreg s11  }
0x10: {  	s5 =	sshrl.u32 s5, $0x3;
	s0 =	sadd.s32 $0x2A400, s0;
	[dreg:$0x13] =	wrdreg s12  }
0x11: {  	s26 =	smax.u32 s6, $0x1;
	s6 =	sadd.s32 $0x1000, s22;
	[dreg:$0x14] =	wrdreg s14  }
0x12: {  	s12 =	simm.s32 $0x8;
	s14 =	simm.s32 $0x4;
	[dreg:$0xc] =	wrdreg s0  }
0x13: {  	s8 =	simm.s32 $0x9;
	s5 =	sadd.s32 s7, s5;
	[dreg:$0xd] =	wrdreg s26  }
0x14: {  	[dreg:$0xe] =	wrdreg s6;
	s0 =	sadd.s32 s25, s1;
	s25 =	sadd.s32 $0x8000, s22  }
0x15: {  	s26 =	sadd.s32 $0x9000, s22;
	[dreg:$0x9] =	wrdreg s5;
	s5 =	sadd.s32 $0xA120, s5  }
0x16: {  	s13 =	sadd.s32 $0x4E200, s0;
	s15 =	sadd.s32 $0x4E480, s0;
	s16 =	sadd.s32 $0x4E400, s0  }
0x17: {  	s20 =	sadd.s32 $0x4E380, s0;
	s23 =	sadd.s32 $0x4E300, s0;
	[dreg:$0x15] =	wrdreg s25  }
0x18: {  	s0 =	sadd.s32 $0x4E280, s0;
	[dreg:$0x16] =	wrdreg s26;
	s25 =	simm.s32 $0xDB20  }
0x19: {  	s26 =	simm.s32 $0xDE20;
	[dreg:$0xb] =	wrdreg s5;
	s1 =	sshrl.u32 s13, $0x3  }
0x1a: {  	s5 =	sshrl.u32 s15, $0x3;
	s18 =	sshrl.u32 s16, $0x3;
	s21 =	sshrl.u32 s20, $0x3  }
0x1b: {  	s0 =	sshrl.u32 s0, $0x3;
	s16 =	simm.s32 $0x5;
	s1 =	sadd.s32 s1, s7  }
0x1c: {  	s17 =	sadd.s32 s5, s7;
	s19 =	sadd.s32 s18, s7;
	[dreg:$0x3] =	wrdreg s1  }
0x1d: {  	s5 =	sshrl.u32 s23, $0x3;
	s0 =	sadd.s32 s0, s7;
	[dreg:$0x4] =	wrdreg s17  }
0x1e: {  	s23 =	simm.s32 $0x80;
	s18 =	simm.s32 $0x6;
	[dreg:$0x5] =	wrdreg s19  }
0x1f: {  	s1 =	sadd.s32 s21, s7;
	s24 =	sadd.s32 s5, s7;
	[dreg:$0x8] =	wrdreg s0  }
0x20: {  	s0 =	simm.s32 $0x7;
	s7 =	simm.s32 $0xA;
	s5 =	simm.s32 $0xB  }
0x21: {  	s17 =	simm.s32 $0x6;
	s21 =	simm.s32 $0x5;
	[dreg:$0x6] =	wrdreg s1  }
0x22: {  	v0 =	vimm.f32 $0.0e+00;
	[dreg:$0x7] =	wrdreg s24;
	s24 =	simm.s32 $0x13;
	s1 =	simm.s32 $0x0  }
.LBB2_1:
0x23: {  	s6 =	rddreg [dreg:$0x9]  }
0x24: {  	[tilespmem:s3], [sflag:$0x7] =	stream.linear.gather [hbm4b:s6+s3], $0x2710, $0x38;
	[tilespmem:$0x19E20] =	vst v63  }
0x25: {  	[dreg:$0x17] =	wrdreg s1;
	s19 =	simm.s32 $0x100;
	s6 =	simm.s32 $0x0  }
.LBB2_2:
0x26: {  	p0 =	sne.s32 s19, $0x3F00;
	[tilespmem:s6+$0x2B50] =	vst v0;
	s20 =	smov.u32 s19;
	s19 =	sadd.s32 $0x100, s19  }
.Ltmp0:
0x27: {  	[tilespmem:s6+$0x2B40] =	vst v0;
	(pc) =	sbr.rel @p0 .LBB2_2-.Ltmp0, $3  }
0x28: {  	[tilespmem:s6+$0x2B20] =	vst v0  }
0x29: {  	[tilespmem:s6+$0x2B30] =	vst v0;
	_ =	sdelay $0x1  }
0x2a: {  	s6 =	sshra.s32 s20, $0x2  }
0x2b: {  	[tilespmem:s6+$0x2B50] =	vst v0  }
0x2c: {  	[tilespmem:s6+$0x2B40] =	vst v0  }
0x2d: {  	[tilespmem:s6+$0x2B20] =	vst v0  }
0x2e: {  	[tilespmem:s6+$0x2B30] =	vst v0;
	s19 =	simm.s32 $0x2B20  }
0x2f: {  	[spmem:s22] =	stream.linear.scatter [tilespmem:s19], [sflag:$0x13], $0x1000, $0x38;
	[tilespmem:$0x19E20] =	vst v63  }
0x30: {  	_ =	swait.ge [sflag:s24], $0x1000  }
0x31: {  	[sflag:s24] =	ssyncset.done $0x0  }
0x32: {  	s13 =	rddreg [dreg:$0xe];
	[sflag:s24] =	ssyncadd.s32 $0xFFFFF000  }
0x33: {  	[spmem:s13] =	stream.linear.scatter [tilespmem:s19], [sflag:$0x13], $0x1000, $0x38;
	[tilespmem:$0x19E20] =	vst v63  }
0x34: {  	_ =	swait.ge [sflag:s24], $0x1000  }
0x35: {  	[sflag:s24] =	ssyncset.done $0x0  }
0x36: {  	s15 =	rddreg [dreg:$0xf];
	[sflag:s24] =	ssyncadd.s32 $0xFFFFF000  }
0x37: {  	[spmem:s15] =	stream.linear.scatter [tilespmem:s19], [sflag:$0x13], $0x1000, $0x38;
	[tilespmem:$0x19E20] =	vst v63  }
0x38: {  	_ =	swait.ge [sflag:s24], $0x1000  }
0x39: {  	[sflag:s24] =	ssyncset.done $0x0  }
0x3a: {  	s20 =	rddreg [dreg:$0x10];
	[sflag:s24] =	ssyncadd.s32 $0xFFFFF000  }
0x3b: {  	[spmem:s20] =	stream.linear.scatter [tilespmem:s19], [sflag:$0x13], $0x1000, $0x38;
	[tilespmem:$0x19E20] =	vst v63  }
0x3c: {  	_ =	swait.ge [sflag:s24], $0x1000  }
0x3d: {  	[sflag:s24] =	ssyncset.done $0x0  }
0x3e: {  	s22 =	rddreg [dreg:$0x11];
	[sflag:s24] =	ssyncadd.s32 $0xFFFFF000  }
0x3f: {  	[spmem:s22] =	stream.linear.scatter [tilespmem:s19], [sflag:$0x13], $0x1000, $0x38;
	[tilespmem:$0x19E20] =	vst v63  }
0x40: {  	_ =	swait.ge [sflag:s24], $0x1000  }
0x41: {  	[sflag:s24] =	ssyncset.done $0x0  }
0x42: {  	s1 =	rddreg [dreg:$0x12];
	[sflag:s24] =	ssyncadd.s32 $0xFFFFF000  }
0x43: {  	[spmem:s1] =	stream.linear.scatter [tilespmem:s19], [sflag:$0x13], $0x1000, $0x38;
	[tilespmem:$0x19E20] =	vst v63  }
0x44: {  	_ =	swait.ge [sflag:s24], $0x1000  }
0x45: {  	[sflag:s24] =	ssyncset.done $0x0  }
0x46: {  	s9 =	rddreg [dreg:$0x13];
	[sflag:s24] =	ssyncadd.s32 $0xFFFFF000  }
0x47: {  	[spmem:s9] =	stream.linear.scatter [tilespmem:s19], [sflag:$0x13], $0x1000, $0x38;
	[tilespmem:$0x19E20] =	vst v63  }
0x48: {  	_ =	swait.ge [sflag:s24], $0x1000  }
0x49: {  	[sflag:s24] =	ssyncset.done $0x0  }
0x4a: {  	s10 =	rddreg [dreg:$0x14];
	[sflag:s24] =	ssyncadd.s32 $0xFFFFF000  }
0x4b: {  	[spmem:s10] =	stream.linear.scatter [tilespmem:s19], [sflag:$0x13], $0x1000, $0x38;
	[tilespmem:$0x19E20] =	vst v63  }
0x4c: {  	_ =	swait.ge [sflag:s24], $0x1000  }
0x4d: {  	[sflag:s24] =	ssyncset.done $0x0  }
0x4e: {  	s11 =	rddreg [dreg:$0x15];
	[sflag:s24] =	ssyncadd.s32 $0xFFFFF000  }
0x4f: {  	[spmem:s11] =	stream.linear.scatter [tilespmem:s19], [sflag:$0x13], $0x1000, $0x38;
	[tilespmem:$0x19E20] =	vst v63  }
0x50: {  	_ =	swait.ge [sflag:s24], $0x1000  }
0x51: {  	[sflag:s24] =	ssyncset.done $0x0  }
0x52: {  	s13 =	rddreg [dreg:$0x16];
	[sflag:s24] =	ssyncadd.s32 $0xFFFFF000  }
0x53: {  	[spmem:s13] =	stream.linear.scatter [tilespmem:s19], [sflag:$0x13], $0x1000, $0x38;
	[tilespmem:$0x19E20] =	vst v63  }
0x54: {  	_ =	swait.ge [sflag:s24], $0x1000  }
0x55: {  	[sflag:s24] =	ssyncset.done $0x0  }
0x56: {  	[sflag:s24] =	ssyncadd.s32 $0xFFFFF000  }
0x57: {  	_ =	swait.ge [sflag:s0], $0x2710  }
0x58: {  	[sflag:s0] =	ssyncset.done $0x0  }
0x59: {  	p0 =	por $0x1, $0x1;
	[sflag:s0] =	ssyncadd.s32 $0xFFFFD8F0  }
0x5a: {  	s6 =	simm.s32 @!p0 $0xD;
	[bflag:$0x0] =	sbarrier.arrive $0xFFFF  }
0x5b: {  	_ =	swait.ge @!p0 [sflag:s6], $0x2000  }
0x5c: {  	s15 =	rddreg [dreg:$0x3];
	[sflag:s6] =	ssyncset.done @!p0 $0x0  }
0x5d: {  	[sflag:s6] =	ssyncadd.s32 @!p0 $0xFFFFE000;
	s19 =	sadd.s32 $0x0, s15  }
0x5e: {  	[tilespmem:s25], [sflag:$0x1] =	stream.linear.gather [hbm4b:s19+s3], $0x80, $0x38;
	[tilespmem:$0x19E20] =	vst v63  }
0x5f: {  	s20 =	simm.s32 $0x0;
	s19 =	simm.s32 @!p0 $0xE  }
0x60: {  	[tilespmem:s26], [sflag:$0x7] =	stream.indirect.gather [hbm4b:s4+s23], $0x40, s20, s23, $0xb8;
	[tilespmem:$0x19E20] =	vst v63  }
0x61: {  	_ =	swait.ge @!p0 [sflag:s19], $0x2000  }
0x62: {  	s22 =	rddreg [dreg:$0x8];
	[sflag:s19] =	ssyncset.done @!p0 $0x0  }
0x63: {  	s20 =	simm.s32 $0xDBA0;
	[sflag:s19] =	ssyncadd.s32 @!p0 $0xFFFFE000;
	s6 =	sadd.s32 $0x0, s22  }
0x64: {  	[tilespmem:s20], [sflag:$0x2] =	stream.linear.gather [hbm4b:s6+s3], $0x80, $0x38;
	[tilespmem:$0x19E20] =	vst v63  }
0x65: {  	s24 =	simm.s32 $0x80;
	s19 =	simm.s32 @!p0 $0xF  }
0x66: {  	[tilespmem:s28], [sflag:$0x8] =	stream.indirect.gather [hbm4b:s4+s23], $0x40, s24, s23, $0xb8;
	[tilespmem:$0x19E20] =	vst v63  }
0x67: {  	_ =	swait.ge @!p0 [sflag:s19], $0x2000  }
0x68: {  	s0 =	rddreg [dreg:$0x7];
	[sflag:s19] =	ssyncset.done @!p0 $0x0  }
0x69: {  	s22 =	simm.s32 $0xDC20;
	[sflag:s19] =	ssyncadd.s32 @!p0 $0xFFFFE000;
	s6 =	sadd.s32 $0x0, s0  }
0x6a: {  	[tilespmem:s22], [sflag:$0x3] =	stream.linear.gather [hbm4b:s6+s3], $0x80, $0x38;
	[tilespmem:$0x19E20] =	vst v63  }
0x6b: {  	s1 =	simm.s32 $0x100;
	s10 =	simm.s32 $0x11E20;
	s19 =	simm.s32 @!p0 $0x10  }
0x6c: {  	[tilespmem:s10], [sflag:$0x9] =	stream.indirect.gather [hbm4b:s4+s23], $0x40, s1, s23, $0xb8;
	[tilespmem:$0x19E20] =	vst v63  }
0x6d: {  	_ =	swait.ge @!p0 [sflag:s19], $0x2000  }
0x6e: {  	s9 =	rddreg [dreg:$0x6];
	[sflag:s19] =	ssyncset.done @!p0 $0x0  }
0x6f: {  	[sflag:s19] =	ssyncadd.s32 @!p0 $0xFFFFE000;
	s6 =	sadd.s32 $0x0, s9;
	s9 =	simm.s32 $0xDCA0  }
0x70: {  	[tilespmem:s9], [sflag:$0x4] =	stream.linear.gather [hbm4b:s6+s3], $0x80, $0x38;
	[tilespmem:$0x19E20] =	vst v63  }
0x71: {  	s11 =	simm.s32 $0x180;
	s13 =	simm.s32 $0x13E20;
	s19 =	simm.s32 @!p0 $0x11  }
0x72: {  	[tilespmem:s13], [sflag:$0xA] =	stream.indirect.gather [hbm4b:s4+s23], $0x40, s11, s23, $0xb8;
	[tilespmem:$0x19E20] =	vst v63  }
0x73: {  	_ =	swait.ge @!p0 [sflag:s19], $0x2000  }
0x74: {  	s15 =	rddreg [dreg:$0x5];
	[sflag:s19] =	ssyncset.done @!p0 $0x0  }
0x75: {  	s11 =	simm.s32 $0xDD20;
	[sflag:s19] =	ssyncadd.s32 @!p0 $0xFFFFE000;
	s6 =	sadd.s32 $0x0, s15  }
0x76: {  	[tilespmem:s11], [sflag:$0x5] =	stream.linear.gather [hbm4b:s6+s3], $0x80, $0x38;
	[tilespmem:$0x19E20] =	vst v63  }
0x77: {  	s24 =	simm.s32 $0x200;
	s19 =	simm.s32 @!p0 $0x12;
	s15 =	simm.s32 $0x15E20  }
0x78: {  	[tilespmem:s15], [sflag:$0xB] =	stream.indirect.gather [hbm4b:s4+s23], $0x40, s24, s23, $0xb8;
	[tilespmem:$0x19E20] =	vst v63  }
0x79: {  	_ =	swait.ge @!p0 [sflag:s19], $0x2000  }
0x7a: {  	s0 =	rddreg [dreg:$0x4];
	[sflag:s19] =	ssyncset.done @!p0 $0x0  }
0x7b: {  	s1 =	simm.s32 $0xDDA0;
	[sflag:s19] =	ssyncadd.s32 @!p0 $0xFFFFE000;
	s6 =	sadd.s32 $0x0, s0  }
0x7c: {  	[tilespmem:s1], [sflag:$0x6] =	stream.linear.gather [hbm4b:s6+s3], $0x80, $0x38;
	[tilespmem:$0x19E20] =	vst v63  }
0x7d: {  	s24 =	simm.s32 $0x17E20;
	s19 =	simm.s32 $0x280  }
0x7e: {  	[tilespmem:s24], [sflag:$0xC] =	stream.indirect.gather [hbm4b:s4+s23], $0x40, s19, s23, $0xb8;
	[tilespmem:$0x19E20] =	vst v63  }
0x7f: {  	_ =	swait.ge [sflag:s30], $0x80  }
0x80: {  	[sflag:s30] =	ssyncset.done $0x0  }
0x81: {  	[sflag:s30] =	ssyncadd.s32 $0xFFFFFF80  }
0x82: {  	_ =	swait.ge [sflag:s29], $0x2000  }
0x83: {  	[sflag:s29] =	ssyncset.done $0x0  }
0x84: {  	s1 =	simm.s32 $0x2;
	[sflag:s29] =	ssyncadd.s32 $0xFFFFE000  }
0x85: {  	[spmem:s2] =	stream.indirect.scatter.add.f32 [tilespmem:s26], [sflag:$0xD], $0x40, s25, s23, $0xb8;
	[tilespmem:$0x19E20] =	vst v63  }
0x86: {  	_ =	swait.ge [sflag:s1], $0x80  }
0x87: {  	[sflag:s1] =	ssyncset.done $0x0  }
0x88: {  	[sflag:s1] =	ssyncadd.s32 $0xFFFFFF80  }
0x89: {  	_ =	swait.ge [sflag:s12], $0x2000  }
0x8a: {  	[sflag:s12] =	ssyncset.done $0x0  }
0x8b: {  	s0 =	simm.s32 $0x3;
	[sflag:s12] =	ssyncadd.s32 $0xFFFFE000  }
0x8c: {  	[spmem:s2] =	stream.indirect.scatter.add.f32 [tilespmem:s28], [sflag:$0xE], $0x40, s20, s23, $0xb8;
	[tilespmem:$0x19E20] =	vst v63  }
0x8d: {  	_ =	swait.ge [sflag:s0], $0x80  }
0x8e: {  	[sflag:s0] =	ssyncset.done $0x0  }
0x8f: {  	[sflag:s0] =	ssyncadd.s32 $0xFFFFFF80  }
0x90: {  	_ =	swait.ge [sflag:s8], $0x2000  }
0x91: {  	[sflag:s8] =	ssyncset.done $0x0  }
0x92: {  	[sflag:s8] =	ssyncadd.s32 $0xFFFFE000  }
0x93: {  	[spmem:s2] =	stream.indirect.scatter.add.f32 [tilespmem:s10], [sflag:$0xF], $0x40, s22, s23, $0xb8;
	[tilespmem:$0x19E20] =	vst v63  }
0x94: {  	_ =	swait.ge [sflag:s14], $0x80  }
0x95: {  	[sflag:s14] =	ssyncset.done $0x0  }
0x96: {  	[sflag:s14] =	ssyncadd.s32 $0xFFFFFF80  }
0x97: {  	_ =	swait.ge [sflag:s7], $0x2000  }
0x98: {  	[sflag:s7] =	ssyncset.done $0x0  }
0x99: {  	[sflag:s7] =	ssyncadd.s32 $0xFFFFE000  }
0x9a: {  	[spmem:s2] =	stream.indirect.scatter.add.f32 [tilespmem:s13], [sflag:$0x10], $0x40, s9, s23, $0xb8;
	[tilespmem:$0x19E20] =	vst v63  }
0x9b: {  	_ =	swait.ge [sflag:s16], $0x80  }
0x9c: {  	[sflag:s16] =	ssyncset.done $0x0  }
0x9d: {  	[sflag:s16] =	ssyncadd.s32 $0xFFFFFF80  }
0x9e: {  	_ =	swait.ge [sflag:s5], $0x2000  }
0x9f: {  	[sflag:s5] =	ssyncset.done $0x0  }
0xa0: {  	[sflag:s5] =	ssyncadd.s32 $0xFFFFE000  }
0xa1: {  	[spmem:s2] =	stream.indirect.scatter.add.f32 [tilespmem:s15], [sflag:$0x11], $0x40, s11, s23, $0xb8;
	[tilespmem:$0x19E20] =	vst v63  }
0xa2: {  	p1 =	por $0x0, $0x0;
	_ =	swait.ge [sflag:s17], $0x80  }
0xa3: {  	s6 =	simm.s32 $0x580;
	s19 =	simm.s32 $0x60;
	[sflag:s17] =	ssyncset.done $0x0  }
0xa4: {  	s30 =	simm.s32 $0x1;
	s12 =	simm.s32 $0x8;
	[sflag:s17] =	ssyncadd.s32 $0xFFFFFF80  }
0xa5: {  	s20 =	simm.s32 $0xC0;
	s7 =	simm.s32 $0xA;
	_ =	swait.ge [sflag:s31], $0x2000  }
0xa6: {  	s15 =	simm.s32 $0x4;
	s17 =	simm.s32 $0xB;
	[sflag:s31] =	ssyncset.done $0x0  }
.LBB2_4:
0xa7: {  	s24 =	simm.s32 @!p1 $0xD  }
0xa8: {  	[sflag:s31] =	ssyncadd.s32 $0xFFFFE000;
	s14 =	simm.s32 $0xDDA0;
	s5 =	simm.s32 $0x17E20  }
0xa9: {  	[spmem:s2] =	stream.indirect.scatter.add.f32 [tilespmem:s5], [sflag:$0x12], $0x40, s14, s23, $0xb8;
	[tilespmem:$0x19E20] =	vst v63  }
0xaa: {  	_ =	swait.ge @!p1 [sflag:s24], $0x2000  }
0xab: {  	[sflag:s24] =	ssyncset.done @!p1 $0x0;
	s25 =	rddreg [dreg:$0x3]  }
0xac: {  	s26 =	simm.s32 $0xDB20;
	[sflag:s24] =	ssyncadd.s32 @!p1 $0xFFFFE000;
	s25 =	sadd.s32 s19, s25  }
0xad: {  	[tilespmem:s26], [sflag:$0x1] =	stream.linear.gather [hbm4b:s25+s3], $0x80, $0x38;
	[tilespmem:$0x19E20] =	vst v63  }
0xae: {  	s9 =	sadd.s32 $0xFFFFFD80, s6;
	s26 =	simm.s32 $0xDE20;
	s25 =	simm.s32 @!p1 $0xE  }
0xaf: {  	[tilespmem:s26], [sflag:$0x7] =	stream.indirect.gather [hbm4b:s4+s23], $0x40, s9, s23, $0xb8;
	[tilespmem:$0x19E20] =	vst v63  }
0xb0: {  	_ =	swait.ge @!p1 [sflag:s25], $0x2000  }
0xb1: {  	s10 =	rddreg [dreg:$0x8];
	[sflag:s25] =	ssyncset.done @!p1 $0x0  }
0xb2: {  	s28 =	simm.s32 $0xDBA0;
	[sflag:s25] =	ssyncadd.s32 @!p1 $0xFFFFE000;
	s24 =	sadd.s32 s19, s10  }
0xb3: {  	[tilespmem:s28], [sflag:$0x2] =	stream.linear.gather [hbm4b:s24+s3], $0x80, $0x38;
	[tilespmem:$0x19E20] =	vst v63  }
0xb4: {  	s11 =	sadd.s32 $0xFFFFFE00, s6;
	s25 =	simm.s32 @!p1 $0xF;
	s28 =	simm.s32 $0xFE20  }
0xb5: {  	[tilespmem:s28], [sflag:$0x8] =	stream.indirect.gather [hbm4b:s4+s23], $0x40, s11, s23, $0xb8;
	[tilespmem:$0x19E20] =	vst v63  }
0xb6: {  	_ =	swait.ge @!p1 [sflag:s25], $0x2000  }
0xb7: {  	s13 =	rddreg [dreg:$0x7];
	[sflag:s25] =	ssyncset.done @!p1 $0x0  }
0xb8: {  	s31 =	simm.s32 $0xDC20;
	[sflag:s25] =	ssyncadd.s32 @!p1 $0xFFFFE000;
	s24 =	sadd.s32 s19, s13  }
0xb9: {  	[tilespmem:s31], [sflag:$0x3] =	stream.linear.gather [hbm4b:s24+s3], $0x80, $0x38;
	[tilespmem:$0x19E20] =	vst v63  }
0xba: {  	s16 =	sadd.s32 $0xFFFFFE80, s6;
	s10 =	simm.s32 $0x11E20;
	s25 =	simm.s32 @!p1 $0x10  }
0xbb: {  	[tilespmem:s10], [sflag:$0x9] =	stream.indirect.gather [hbm4b:s4+s23], $0x40, s16, s23, $0xb8;
	[tilespmem:$0x19E20] =	vst v63  }
0xbc: {  	_ =	swait.ge @!p1 [sflag:s25], $0x2000  }
0xbd: {  	s9 =	rddreg [dreg:$0x6];
	[sflag:s25] =	ssyncset.done @!p1 $0x0  }
0xbe: {  	[sflag:s25] =	ssyncadd.s32 @!p1 $0xFFFFE000;
	s24 =	sadd.s32 s19, s9;
	s9 =	simm.s32 $0xDCA0  }
0xbf: {  	[tilespmem:s9], [sflag:$0x4] =	stream.linear.gather [hbm4b:s24+s3], $0x80, $0x38;
	[tilespmem:$0x19E20] =	vst v63  }
0xc0: {  	s11 =	sadd.s32 $0xFFFFFF00, s6;
	s13 =	simm.s32 $0x13E20;
	s25 =	simm.s32 @!p1 $0x11  }
0xc1: {  	[tilespmem:s13], [sflag:$0xA] =	stream.indirect.gather [hbm4b:s4+s23], $0x40, s11, s23, $0xb8;
	[tilespmem:$0x19E20] =	vst v63  }
0xc2: {  	_ =	swait.ge @!p1 [sflag:s25], $0x2000  }
0xc3: {  	s16 =	rddreg [dreg:$0x5];
	[sflag:s25] =	ssyncset.done @!p1 $0x0  }
0xc4: {  	s11 =	simm.s32 $0xDD20;
	[sflag:s25] =	ssyncadd.s32 @!p1 $0xFFFFE000;
	s24 =	sadd.s32 s19, s16  }
0xc5: {  	[tilespmem:s11], [sflag:$0x5] =	stream.linear.gather [hbm4b:s24+s3], $0x80, $0x38;
	[tilespmem:$0x19E20] =	vst v63  }
0xc6: {  	s25 =	simm.s32 @!p1 $0x12;
	s16 =	simm.s32 $0x15E20;
	s24 =	sadd.s32 $0xFFFFFF80, s6  }
0xc7: {  	[tilespmem:s16], [sflag:$0xB] =	stream.indirect.gather [hbm4b:s4+s23], $0x40, s24, s23, $0xb8;
	[tilespmem:$0x19E20] =	vst v63  }
0xc8: {  	_ =	swait.ge @!p1 [sflag:s25], $0x2000  }
0xc9: {  	s24 =	rddreg [dreg:$0x4];
	[sflag:s25] =	ssyncset.done @!p1 $0x0  }
0xca: {  	[sflag:s25] =	ssyncadd.s32 @!p1 $0xFFFFE000;
	s24 =	sadd.s32 s19, s24  }
0xcb: {  	[tilespmem:s14], [sflag:$0x6] =	stream.linear.gather [hbm4b:s24+s3], $0x80, $0x38;
	[tilespmem:$0x19E20] =	vst v63  }
0xcc: {  	_ = 	snop  }
0xcd: {  	[tilespmem:s5], [sflag:$0xC] =	stream.indirect.gather [hbm4b:s4+s23], $0x40, s6, s23, $0xb8;
	[tilespmem:$0x19E20] =	vst v63  }
0xce: {  	_ =	swait.ge [sflag:s30], $0x80  }
0xcf: {  	[sflag:s30] =	ssyncset.done $0x0  }
0xd0: {  	[sflag:s30] =	ssyncadd.s32 $0xFFFFFF80  }
0xd1: {  	_ =	swait.ge [sflag:s29], $0x2000  }
0xd2: {  	[sflag:s29] =	ssyncset.done $0x0  }
0xd3: {  	s25 =	simm.s32 $0xDB20;
	[sflag:s29] =	ssyncadd.s32 $0xFFFFE000  }
0xd4: {  	[spmem:s2] =	stream.indirect.scatter.add.f32 [tilespmem:s26], [sflag:$0xD], $0x40, s25, s23, $0xb8;
	[tilespmem:$0x19E20] =	vst v63  }
0xd5: {  	_ =	swait.ge [sflag:s1], $0x80  }
0xd6: {  	[sflag:s1] =	ssyncset.done $0x0  }
0xd7: {  	[sflag:s1] =	ssyncadd.s32 $0xFFFFFF80  }
0xd8: {  	_ =	swait.ge [sflag:s12], $0x2000  }
0xd9: {  	[sflag:s12] =	ssyncset.done $0x0  }
0xda: {  	s24 =	simm.s32 $0xDBA0;
	[sflag:s12] =	ssyncadd.s32 $0xFFFFE000  }
0xdb: {  	[spmem:s2] =	stream.indirect.scatter.add.f32 [tilespmem:s28], [sflag:$0xE], $0x40, s24, s23, $0xb8;
	[tilespmem:$0x19E20] =	vst v63  }
0xdc: {  	_ =	swait.ge [sflag:s0], $0x80  }
0xdd: {  	[sflag:s0] =	ssyncset.done $0x0  }
0xde: {  	[sflag:s0] =	ssyncadd.s32 $0xFFFFFF80  }
0xdf: {  	_ =	swait.ge [sflag:s8], $0x2000  }
0xe0: {  	[sflag:s8] =	ssyncset.done $0x0  }
0xe1: {  	[sflag:s8] =	ssyncadd.s32 $0xFFFFE000  }
0xe2: {  	[spmem:s2] =	stream.indirect.scatter.add.f32 [tilespmem:s10], [sflag:$0xF], $0x40, s31, s23, $0xb8;
	[tilespmem:$0x19E20] =	vst v63  }
0xe3: {  	_ =	swait.ge [sflag:s15], $0x80  }
0xe4: {  	[sflag:s15] =	ssyncset.done $0x0  }
0xe5: {  	[sflag:s15] =	ssyncadd.s32 $0xFFFFFF80  }
0xe6: {  	_ =	swait.ge [sflag:s7], $0x2000  }
0xe7: {  	[sflag:s7] =	ssyncset.done $0x0  }
0xe8: {  	[sflag:s7] =	ssyncadd.s32 $0xFFFFE000  }
0xe9: {  	[spmem:s2] =	stream.indirect.scatter.add.f32 [tilespmem:s13], [sflag:$0x10], $0x40, s9, s23, $0xb8;
	[tilespmem:$0x19E20] =	vst v63  }
0xea: {  	_ =	swait.ge [sflag:s21], $0x80  }
0xeb: {  	[sflag:s21] =	ssyncset.done $0x0  }
0xec: {  	[sflag:s21] =	ssyncadd.s32 $0xFFFFFF80  }
0xed: {  	_ =	swait.ge [sflag:s17], $0x2000  }
0xee: {  	s22 =	smov.u32 s20;
	s20 =	sadd.s32 $0x60, s20;
	[sflag:s17] =	ssyncset.done $0x0  }
0xef: {  	p0 =	sne.s32 s20, $0x4E0;
	[sflag:s17] =	ssyncadd.s32 $0xFFFFE000  }
0xf0: {  	[spmem:s2] =	stream.indirect.scatter.add.f32 [tilespmem:s16], [sflag:$0x11], $0x40, s11, s23, $0xb8;
	[tilespmem:$0x19E20] =	vst v63  }
.Ltmp1:
0xf1: {  	_ =	swait.ge [sflag:s18], $0x80;
	(pc) =	sbr.rel @p0 .LBB2_4-.Ltmp1, $4  }
0xf2: {  	[sflag:s18] =	ssyncset.done $0x0  }
0xf3: {  	s31 =	simm.s32 $0xC;
	[sflag:s18] =	ssyncadd.s32 $0xFFFFFF80  }
0xf4: {  	s19 =	smov.u32 s22;
	_ =	swait.ge [sflag:s31], $0x2000  }
0xf5: {  	p1 =	seq.s32 s19, $0x0;
	s6 =	sadd.s32 $0x300, s6;
	[sflag:s31] =	ssyncset.done $0x0  }
0xf6: {  	s20 =	simm.s32 @!p1 $0xD  }
0xf7: {  	[sflag:s31] =	ssyncadd.s32 $0xFFFFE000;
	s14 =	simm.s32 $0xDDA0;
	s5 =	simm.s32 $0x17E20  }
0xf8: {  	[spmem:s2] =	stream.indirect.scatter.add.f32 [tilespmem:s5], [sflag:$0x12], $0x40, s14, s23, $0xb8;
	[tilespmem:$0x19E20] =	vst v63  }
0xf9: {  	_ =	swait.ge @!p1 [sflag:s20], $0x2000  }
0xfa: {  	s22 =	rddreg [dreg:$0x3];
	[sflag:s20] =	ssyncset.done @!p1 $0x0  }
0xfb: {  	[sflag:s20] =	ssyncadd.s32 @!p1 $0xFFFFE000;
	s22 =	sadd.s32 s19, s22  }
0xfc: {  	[tilespmem:s25], [sflag:$0x1] =	stream.linear.gather [hbm4b:s22+s3], $0x80, $0x38;
	[tilespmem:$0x19E20] =	vst v63  }
0xfd: {  	s9 =	sadd.s32 $0xFFFFFD80, s6;
	s22 =	simm.s32 @!p1 $0xE  }
0xfe: {  	[tilespmem:s26], [sflag:$0x7] =	stream.indirect.gather [hbm4b:s4+s23], $0x40, s9, s23, $0xb8;
	[tilespmem:$0x19E20] =	vst v63  }
0xff: {  	_ =	swait.ge @!p1 [sflag:s22], $0x2000  }
0x100: {  	s10 =	rddreg [dreg:$0x8];
	[sflag:s22] =	ssyncset.done @!p1 $0x0  }
0x101: {  	[sflag:s22] =	ssyncadd.s32 @!p1 $0xFFFFE000;
	s20 =	sadd.s32 s19, s10  }
0x102: {  	[tilespmem:s24], [sflag:$0x2] =	stream.linear.gather [hbm4b:s20+s3], $0x80, $0x38;
	[tilespmem:$0x19E20] =	vst v63  }
0x103: {  	s11 =	sadd.s32 $0xFFFFFE00, s6;
	s22 =	simm.s32 @!p1 $0xF  }
0x104: {  	[tilespmem:s28], [sflag:$0x8] =	stream.indirect.gather [hbm4b:s4+s23], $0x40, s11, s23, $0xb8;
	[tilespmem:$0x19E20] =	vst v63  }
0x105: {  	_ =	swait.ge @!p1 [sflag:s22], $0x2000  }
0x106: {  	s13 =	rddreg [dreg:$0x7];
	[sflag:s22] =	ssyncset.done @!p1 $0x0  }
0x107: {  	s31 =	simm.s32 $0xDC20;
	[sflag:s22] =	ssyncadd.s32 @!p1 $0xFFFFE000;
	s20 =	sadd.s32 s19, s13  }
0x108: {  	[tilespmem:s31], [sflag:$0x3] =	stream.linear.gather [hbm4b:s20+s3], $0x80, $0x38;
	[tilespmem:$0x19E20] =	vst v63  }
0x109: {  	s16 =	sadd.s32 $0xFFFFFE80, s6;
	s10 =	simm.s32 $0x11E20;
	s22 =	simm.s32 @!p1 $0x10  }
0x10a: {  	[tilespmem:s10], [sflag:$0x9] =	stream.indirect.gather [hbm4b:s4+s23], $0x40, s16, s23, $0xb8;
	[tilespmem:$0x19E20] =	vst v63  }
0x10b: {  	_ =	swait.ge @!p1 [sflag:s22], $0x2000  }
0x10c: {  	s9 =	rddreg [dreg:$0x6];
	[sflag:s22] =	ssyncset.done @!p1 $0x0  }
0x10d: {  	[sflag:s22] =	ssyncadd.s32 @!p1 $0xFFFFE000;
	s20 =	sadd.s32 s19, s9;
	s9 =	simm.s32 $0xDCA0  }
0x10e: {  	[tilespmem:s9], [sflag:$0x4] =	stream.linear.gather [hbm4b:s20+s3], $0x80, $0x38;
	[tilespmem:$0x19E20] =	vst v63  }
0x10f: {  	s11 =	sadd.s32 $0xFFFFFF00, s6;
	s13 =	simm.s32 $0x13E20;
	s22 =	simm.s32 @!p1 $0x11  }
0x110: {  	[tilespmem:s13], [sflag:$0xA] =	stream.indirect.gather [hbm4b:s4+s23], $0x40, s11, s23, $0xb8;
	[tilespmem:$0x19E20] =	vst v63  }
0x111: {  	_ =	swait.ge @!p1 [sflag:s22], $0x2000  }
0x112: {  	s16 =	rddreg [dreg:$0x5];
	[sflag:s22] =	ssyncset.done @!p1 $0x0  }
0x113: {  	s11 =	simm.s32 $0xDD20;
	[sflag:s22] =	ssyncadd.s32 @!p1 $0xFFFFE000;
	s20 =	sadd.s32 s19, s16  }
0x114: {  	[tilespmem:s11], [sflag:$0x5] =	stream.linear.gather [hbm4b:s20+s3], $0x80, $0x38;
	[tilespmem:$0x19E20] =	vst v63  }
0x115: {  	s22 =	simm.s32 @!p1 $0x12;
	s16 =	simm.s32 $0x15E20;
	s20 =	sadd.s32 $0xFFFFFF80, s6  }
0x116: {  	[tilespmem:s16], [sflag:$0xB] =	stream.indirect.gather [hbm4b:s4+s23], $0x40, s20, s23, $0xb8;
	[tilespmem:$0x19E20] =	vst v63  }
0x117: {  	_ =	swait.ge @!p1 [sflag:s22], $0x2000  }
0x118: {  	s20 =	rddreg [dreg:$0x4];
	[sflag:s22] =	ssyncset.done @!p1 $0x0  }
0x119: {  	[sflag:s22] =	ssyncadd.s32 @!p1 $0xFFFFE000;
	s20 =	sadd.s32 s19, s20  }
0x11a: {  	[tilespmem:s14], [sflag:$0x6] =	stream.linear.gather [hbm4b:s20+s3], $0x80, $0x38;
	[tilespmem:$0x19E20] =	vst v63  }
0x11b: {  	_ = 	snop  }
0x11c: {  	[tilespmem:s5], [sflag:$0xC] =	stream.indirect.gather [hbm4b:s4+s23], $0x40, s6, s23, $0xb8;
	[tilespmem:$0x19E20] =	vst v63  }
0x11d: {  	_ =	swait.ge [sflag:s30], $0x80  }
0x11e: {  	[sflag:s30] =	ssyncset.done $0x0  }
0x11f: {  	[sflag:s30] =	ssyncadd.s32 $0xFFFFFF80  }
0x120: {  	_ =	swait.ge [sflag:s29], $0x2000  }
0x121: {  	[sflag:s29] =	ssyncset.done $0x0  }
0x122: {  	[sflag:s29] =	ssyncadd.s32 $0xFFFFE000  }
0x123: {  	[spmem:s2] =	stream.indirect.scatter.add.f32 [tilespmem:s26], [sflag:$0xD], $0x40, s25, s23, $0xb8;
	[tilespmem:$0x19E20] =	vst v63  }
0x124: {  	_ =	swait.ge [sflag:s1], $0x80  }
0x125: {  	[sflag:s1] =	ssyncset.done $0x0  }
0x126: {  	[sflag:s1] =	ssyncadd.s32 $0xFFFFFF80  }
0x127: {  	_ =	swait.ge [sflag:s12], $0x2000  }
0x128: {  	[sflag:s12] =	ssyncset.done $0x0  }
0x129: {  	[sflag:s12] =	ssyncadd.s32 $0xFFFFE000  }
0x12a: {  	[spmem:s2] =	stream.indirect.scatter.add.f32 [tilespmem:s28], [sflag:$0xE], $0x40, s24, s23, $0xb8;
	[tilespmem:$0x19E20] =	vst v63  }
0x12b: {  	_ =	swait.ge [sflag:s0], $0x80  }
0x12c: {  	[sflag:s0] =	ssyncset.done $0x0  }
0x12d: {  	[sflag:s0] =	ssyncadd.s32 $0xFFFFFF80  }
0x12e: {  	_ =	swait.ge [sflag:s8], $0x2000  }
0x12f: {  	[sflag:s8] =	ssyncset.done $0x0  }
0x130: {  	[sflag:s8] =	ssyncadd.s32 $0xFFFFE000  }
0x131: {  	[spmem:s2] =	stream.indirect.scatter.add.f32 [tilespmem:s10], [sflag:$0xF], $0x40, s31, s23, $0xb8;
	[tilespmem:$0x19E20] =	vst v63  }
0x132: {  	_ =	swait.ge [sflag:s15], $0x80  }
0x133: {  	[sflag:s15] =	ssyncset.done $0x0  }
0x134: {  	[sflag:s15] =	ssyncadd.s32 $0xFFFFFF80  }
0x135: {  	_ =	swait.ge [sflag:s7], $0x2000  }
0x136: {  	[sflag:s7] =	ssyncset.done $0x0  }
0x137: {  	[sflag:s7] =	ssyncadd.s32 $0xFFFFE000  }
0x138: {  	[spmem:s2] =	stream.indirect.scatter.add.f32 [tilespmem:s13], [sflag:$0x10], $0x40, s9, s23, $0xb8;
	[tilespmem:$0x19E20] =	vst v63  }
0x139: {  	_ =	swait.ge [sflag:s21], $0x80  }
0x13a: {  	[sflag:s21] =	ssyncset.done $0x0  }
0x13b: {  	[sflag:s21] =	ssyncadd.s32 $0xFFFFFF80  }
0x13c: {  	_ =	swait.ge [sflag:s17], $0x2000  }
0x13d: {  	[sflag:s17] =	ssyncset.done $0x0  }
0x13e: {  	[sflag:s17] =	ssyncadd.s32 $0xFFFFE000  }
0x13f: {  	[spmem:s2] =	stream.indirect.scatter.add.f32 [tilespmem:s16], [sflag:$0x11], $0x40, s11, s23, $0xb8;
	[tilespmem:$0x19E20] =	vst v63  }
0x140: {  	_ =	swait.ge [sflag:s18], $0x80  }
0x141: {  	[sflag:s18] =	ssyncset.done $0x0  }
0x142: {  	s31 =	simm.s32 $0xC;
	[sflag:s18] =	ssyncadd.s32 $0xFFFFFF80  }
0x143: {  	_ =	swait.ge [sflag:s31], $0x2000  }
0x144: {  	[sflag:s31] =	ssyncset.done $0x0  }
0x145: {  	s22 =	simm.s32 $0xD;
	[sflag:s31] =	ssyncadd.s32 $0xFFFFE000  }
0x146: {  	[spmem:s2] =	stream.indirect.scatter.add.f32 [tilespmem:s5], [sflag:$0x12], $0x40, s14, s23, $0xb8;
	[tilespmem:$0x19E20] =	vst v63  }
0x147: {  	_ =	swait.ge [sflag:s22], $0x2000  }
0x148: {  	[sflag:s22] =	ssyncset.done $0x0  }
0x149: {  	s24 =	simm.s32 $0xE;
	[sflag:s22] =	ssyncadd.s32 $0xFFFFE000  }
0x14a: {  	_ =	swait.ge [sflag:s24], $0x2000  }
0x14b: {  	[sflag:s24] =	ssyncset.done $0x0  }
0x14c: {  	s1 =	simm.s32 $0xF;
	[sflag:s24] =	ssyncadd.s32 $0xFFFFE000  }
0x14d: {  	_ =	swait.ge [sflag:s1], $0x2000  }
0x14e: {  	[sflag:s1] =	ssyncset.done $0x0  }
0x14f: {  	s5 =	simm.s32 $0x10;
	[sflag:s1] =	ssyncadd.s32 $0xFFFFE000  }
0x150: {  	_ =	swait.ge [sflag:s5], $0x2000  }
0x151: {  	[sflag:s5] =	ssyncset.done $0x0  }
0x152: {  	s7 =	simm.s32 $0x11;
	[sflag:s5] =	ssyncadd.s32 $0xFFFFE000  }
0x153: {  	_ =	swait.ge [sflag:s7], $0x2000  }
0x154: {  	[sflag:s7] =	ssyncset.done $0x0  }
0x155: {  	s9 =	simm.s32 $0x12;
	[sflag:s7] =	ssyncadd.s32 $0xFFFFE000  }
0x156: {  	_ =	swait.ge [sflag:s9], $0x2000  }
0x157: {  	s11 =	simm.s32 $0x2710;
	[sflag:s9] =	ssyncset.done $0x0  }
0x158: {  	s24 =	simm.s32 $0x13;
	s10 =	rddreg [dreg:$0xb];
	[sflag:s9] =	ssyncadd.s32 $0xFFFFE000  }
0x159: {  	[tilespmem:s11], [sflag:$0x13] =	stream.linear.gather [hbm4b:s10+s3], $0x10, $0x38;
	[tilespmem:$0x19E20] =	vst v63  }
0x15a: {  	_ =	swait.ge [sflag:s24], $0x10  }
0x15b: {  	[sflag:s24] =	ssyncset.done $0x0  }
0x15c: {  	s13 =	simm.s32 $0x2700;
	s14 =	simm.s32 $0x2720;
	[sflag:s24] =	ssyncadd.s32 $0xFFFFFFF0  }
0x15d: {  	[tilespmem:s14], [sflag:$0x7] =	stream.indirect.gather [hbm4b:s4+s5], $0x40, s13, s5, $0xb8;
	[tilespmem:$0x19E20] =	vst v63  }
0x15e: {  	_ =	swait.ge [sflag:s29], $0x400  }
0x15f: {  	[sflag:s29] =	ssyncset.done $0x0  }
0x160: {  	[sflag:s29] =	ssyncadd.s32 $0xFFFFFC00  }
0x161: {  	[spmem:s2] =	stream.indirect.scatter.add.f32 [tilespmem:s14], [sflag:$0x13], $0x40, s11, s5, $0xb8;
	[tilespmem:$0x19E20] =	vst v63  }
0x162: {  	_ =	swait.ge [sflag:s24], $0x400  }
0x163: {  	[sflag:s24] =	ssyncset.done $0x0  }
0x164: {  	[sflag:s24] =	ssyncadd.s32 $0xFFFFFC00  }
0x165: {  	s15 =	stileid.u32;
	[bflag:$0x0] =	sbarrier.arrive $0xFFFF  }
0x166: {  	s6 =	sshll.u32 s15, $0x6;
	s22 =	rddreg [dreg:$0xa]  }
0x167: {  	s6 =	sor.u32 $0x1C13, s6;
	s17 =	rddreg [dreg:$0xc];
	s16 =	sshrl.u32 s22, $0x3  }
0x168: {  	[hbm:s17@s5], [sflag:s6] =	dma.strided [spmem:s16@s12], $0x1400, s30, $0x8   }
0x169: {  	_ =	swait.ge [sflag:s24], $0x1400  }
0x16a: {  	s19 =	rddreg [dreg:$0x17]  }
0x16b: {  	s20 =	rddreg [dreg:$0xd];
	s1 =	sadd.s32 $0x1, s19  }
0x16c: {  	p0 =	sne.s32 s1, s20  }
.Ltmp2:
0x16d: {  	_ = 	snop;
	(pc) =	sbr.rel @p0 .LBB2_1-.Ltmp2, $4  }
0x16e: {  	s0 =	simm.s32 $0x7  }
0x16f: {  	s7 =	simm.s32 $0xA;
	s14 =	simm.s32 $0x4;
	s30 =	simm.s32 $0x1  }
0x170: {  	s12 =	simm.s32 $0x8;
	s16 =	simm.s32 $0x5;
	[sflag:s24] =	ssyncset.done $0x0  }
0x171: {  	s5 =	simm.s32 $0xB;
	s17 =	simm.s32 $0x6;
	[sflag:s24] =	ssyncadd.s32 $0xFFFFEC00  }
0x172: {  	_ =	sfence.sel $0x180000  }
0x173: {  	[bflag:$0x0] =	sbarrier.arrive $0xFFFF  }
0x174: {  	_ =	strace $0x9000004D  }
0x175: {  	s0 =	stileid.u32;
	[bflag:$0x2] =	sbarrier.arrive $0xFFFF  }
0x176: {  	p0 =	sne.s32 s0, $0x0;
	s0 =	rddreg [dreg:$0x2]  }
0x177: {  	s0 =	sadd.s32 @!p0 $0x100000, s0  }
0x178: {  	[sflag:s0] =	ssyncadd.tile.s32 @!p0 $0x1;
	_ =	shalt  }
.Lfunc_end2:
_tile_overlayer_lowered:
.L_overlay_start_2:
0x179: {  	(tag) =	ssettag $0x2  }
0x17a: {  	s0 =	rddreg [dreg:$0x0];
	s2 =	stileid.u32  }
0x17b: {  	s1 =	rddreg [dreg:$0x1];
	p0 =	sne.s32 s2, $0x0  }
0x17c: {  	s3 =	rddreg [dreg:$0x2];
	[bflag:$0x3] =	sbarrier.arrive $0xFFFF;
	s2 =	simm.s32 @!p0 $0x1C13  }
0x17d: {  	[timem:s3], [sflag:s2] =	dma.local @!p0 [hbm:s0], s1  }
0x17e: {  	s0 =	simm.s32 @!p0 $0x13  }
0x17f: {  	_ =	swait.ge @!p0 [sflag:s0], s1  }
0x180: {  	s1 =	ssub.s32 @!p0 $0x0, s1;
	[sflag:s0] =	ssyncset.done @!p0 $0x0  }
0x181: {  	[sflag:s0] =	ssyncadd.s32 @!p0 s1  }
0x182: {  	[bflag:$0x3] =	sbarrier.arrive $0xFFFF  }
0x183: {  	_ =	shalt  }

// kernel: kernel.9.cloned.1.call-start
scs
__scs_entry_jumppad:
0x0: {  	(pc) =	sbr.rel $0x88, $3  }
0x1: {  	(tag) =	ssettag $0x0;
	lr =	simm.s32 $0x1  }
0x2: {  	[smem:$0x3F94] =	sst lr;
	_ =	strace $0xD0000000  }
0x3: {  	_ = 	snop  }
0x4: {  	_ = 	snop  }
0x5: {  	_ = 	snop  }
0x6: {  	_ = 	snop  }
0x7: {  	_ = 	snop  }
__scs_overlays_trampoline_lowered:
0x8: {  	[smem:$0x3FA3] =	sst s0  }
0x9: {  	[smem:$0x3FA4] =	sst s1  }
0xa: {  	[smem:$0x3FA5] =	sst s2  }
0xb: {  	[smem:$0x3FA6] =	sst s3  }
0xc: {  	[smem:$0x3FA7] =	sst s4  }
0xd: {  	[smem:$0x3FA8] =	sst s5  }
0xe: {  	[smem:$0x3FA9] =	sst s6  }
0xf: {  	[smem:$0x3FAA] =	sst s7  }
0x10: {  	[smem:$0x3FAB] =	sst s8  }
0x11: {  	[smem:$0x3FAC] =	sst s9;
	s0 =	simm.s32 @!p0 $0x0  }
0x12: {  	s1 =	sld [smem:$0x3F92];
	s0 =	simm.s32 @p0 $0x1  }
0x13: {  	[smem:$0x3FAD] =	sst s0;
	s0 =	simm.s32 @!p1 $0x0  }
0x14: {  	s2 =	sld [smem:$0x3F91];
	s0 =	simm.s32 @p1 $0x1  }
0x15: {  	[smem:$0x3FAE] =	sst s0;
	s0 =	simm.s32 @!p2 $0x0  }
0x16: {  	s3 =	sld [smem:$0x3FDB];
	s0 =	simm.s32 @p2 $0x1  }
0x17: {  	s4 =	simm.s32 $0x1BF5;
	[smem:$0x3FB0] =	sst s0  }
0x18: {  	s0 =	sld [smem:$0x3F93];
	_ =	swait.ge [sflag:s4], $0x0  }
0x19: {  	s7 =	sld [smem:$0x3F94]  }
0x1a: {  	s8 =	sadd.s32 $0xFFFFE003, lr  }
0x1b: {  	s9 =	sadd.s32 $0xFFFFFEF7, lr;
	s5 =	simm.s32 $0xFFFFFFFF;
	p2 =	slt.u32 s8, $0xFFFFF086  }
0x1c: {  	p1 =	slt.u32 s9, $0xF7A;
	s5 =	simm.s32 @!p2 $0x0  }
0x1d: {  	s5 =	simm.s32 @p1 $0x1;
	p0 =	seq.s32 s7, s2  }
0x1e: {  	s7 =	smul.u32 @!p0 $0xF7A, s2;
	p2 =	seq.s32 @!p0 s5, $0x0  }
0x1f: {  	s9 =	smul.u32 $0xF7A, s1;
	s8 =	simm.s32 @!p0 $0x1BF5;
	p2 =	por !p2, p0  }
0x20: {  	[sflag:s8] =	ssyncset.s32 @!p0 $0xFFFFF086;
	s6 =	sadd.s32 @!p0 s3, s7;
	s7 =	simm.s32 @!p0 $0x108  }
0x21: {  	s3 =	sadd.s32 s3, s9;
	s6 =	sadd.s32 @!p0 $0x88, s6;
	s7 =	simm.s32 @p2 $0x1082  }
0x22: {  	[simem:s7], [sflag:s8] =	dma.local @!p0 [hbm:s6], $0xF7A  }
0x23: {  	s9 =	sor.u32 $0xD0000000, s2;
	s6 =	simm.s32 $0x108;
	_ =	swait.ge @!p0 [sflag:s8], $0x0  }
0x24: {  	s3 =	sadd.s32 $0x88, s3;
	s6 =	simm.s32 @!p1 $0x1082;
	[sflag:s4] =	ssyncset.s32 $0xFFFFF086  }
0x25: {  	[simem:s6], [sflag:s4] =	dma.local [hbm:s3], $0xF7A  }
0x26: {  	[smem:$0x3F94] =	sst s1;
	(tag) =	ssettag s2;
	_ =	strace s9  }
0x27: {  	s1 =	sld [smem:$0x3FA4]  }
0x28: {  	s2 =	sld [smem:$0x3FA5]  }
0x29: {  	s4 =	sld [smem:$0x3FA7]  }
0x2a: {  	p0 =	seq.s32 s5, $0x0;
	s5 =	sld [smem:$0x3FA8]  }
0x2b: {  	s6 =	sld [smem:$0x3FA9]  }
0x2c: {  	s7 =	sld [smem:$0x3FAA]  }
0x2d: {  	s3 =	simm.s32 $0x108;
	s8 =	sld [smem:$0x3FAB]  }
0x2e: {  	s3 =	simm.s32 @!p0 $0x1082;
	s9 =	sld [smem:$0x3FAC]  }
0x2f: {  	lr =	sadd.s32 s0, s3;
	s0 =	sld [smem:$0x3FA3]  }
0x30: {  	s3 =	sld [smem:$0x3FA6]  }
0x31: {  	[smem:$0x3FAF] =	sst s10  }
0x32: {  	s10 =	sld [smem:$0x3FAD];
	_ =	sdelay $0x3  }
0x33: {  	p0 =	seq.s32 s10, $0x1;
	s10 =	sld [smem:$0x3FAF];
	_ =	sdelay $0x3  }
0x34: {  	[smem:$0x3FAF] =	sst s10  }
0x35: {  	s10 =	sld [smem:$0x3FAE];
	_ =	sdelay $0x3  }
0x36: {  	p1 =	seq.s32 s10, $0x1;
	s10 =	sld [smem:$0x3FAF];
	_ =	sdelay $0x3  }
0x37: {  	[smem:$0x3FAF] =	sst s10  }
0x38: {  	s10 =	sld [smem:$0x3FB0]  }
0x39: {  	_ = 	snop;
	(pc) =	sbr.ind lr, $3  }
0x3a: {  	_ = 	snop  }
0x3b: {  	_ = 	snop  }
0x3c: {  	p2 =	seq.s32 s10, $0x1;
	s10 =	sld [smem:$0x3FAF]  }
0x3d: {  	_ =	shalt  }
0x3e: {  	_ =	shalt  }
0x3f: {  	_ =	shalt  }
0x40: {  	_ =	shalt  }
0x41: {  	_ =	shalt  }
0x42: {  	_ =	shalt  }
0x43: {  	_ =	shalt  }
0x44: {  	_ =	shalt  }
0x45: {  	_ =	shalt  }
0x46: {  	_ =	shalt  }
0x47: {  	_ =	shalt  }
0x48: {  	_ =	shalt  }
0x49: {  	_ =	shalt  }
0x4a: {  	_ =	shalt  }
0x4b: {  	_ =	shalt  }
0x4c: {  	_ =	shalt  }
0x4d: {  	_ =	shalt  }
0x4e: {  	_ =	shalt  }
0x4f: {  	_ =	shalt  }
0x50: {  	_ =	shalt  }
0x51: {  	_ =	shalt  }
0x52: {  	_ =	shalt  }
0x53: {  	_ =	shalt  }
0x54: {  	_ =	shalt  }
0x55: {  	_ =	shalt  }
0x56: {  	_ =	shalt  }
0x57: {  	_ =	shalt  }
0x58: {  	_ =	shalt  }
0x59: {  	_ =	shalt  }
0x5a: {  	_ =	shalt  }
0x5b: {  	_ =	shalt  }
0x5c: {  	_ =	shalt  }
0x5d: {  	_ =	shalt  }
0x5e: {  	_ =	shalt  }
0x5f: {  	_ =	shalt  }
0x60: {  	_ =	shalt  }
0x61: {  	_ =	shalt  }
0x62: {  	_ =	shalt  }
0x63: {  	_ =	shalt  }
0x64: {  	_ =	shalt  }
0x65: {  	_ =	shalt  }
0x66: {  	_ =	shalt  }
0x67: {  	_ =	shalt  }
0x68: {  	_ =	shalt  }
0x69: {  	_ =	shalt  }
0x6a: {  	_ =	shalt  }
0x6b: {  	_ =	shalt  }
0x6c: {  	_ =	shalt  }
0x6d: {  	_ =	shalt  }
0x6e: {  	_ =	shalt  }
0x6f: {  	_ =	shalt  }
0x70: {  	_ =	shalt  }
0x71: {  	_ =	shalt  }
0x72: {  	_ =	shalt  }
0x73: {  	_ =	shalt  }
0x74: {  	_ =	shalt  }
0x75: {  	_ =	shalt  }
0x76: {  	_ =	shalt  }
0x77: {  	_ =	shalt  }
0x78: {  	_ =	shalt  }
0x79: {  	_ =	shalt  }
0x7a: {  	_ =	shalt  }
0x7b: {  	_ =	shalt  }
0x7c: {  	_ =	shalt  }
0x7d: {  	_ =	shalt  }
0x7e: {  	_ =	shalt  }
0x7f: {  	_ =	shalt  }
0x80: {  	_ =	shalt  }
0x81: {  	_ =	shalt  }
0x82: {  	_ =	shalt  }
0x83: {  	_ =	shalt  }
0x84: {  	_ =	shalt  }
0x85: {  	_ =	shalt  }
0x86: {  	_ =	shalt  }
0x87: {  	_ =	shalt  }
.Lfunc_end0:
.L_simem_size_0:
called_computation_lowered:
.L_overlay_start_0:
0x88: {  	s2 =	sld [smem:$0x3FD9]  }
0x89: {  	s3 =	sld [smem:$0x3FFE];
	_ =	sdelay $0x1  }
0x8a: {  	s1 =	srdreg.scid  }
0x8b: {  	s0 =	sand.u32 $0x1, s1  }
0x8c: {  	s17 =	sshll.u32 s0, $0xA;
	s2 =	sadd.s32 s3, s2  }
0x8d: {  	s2 =	sadd.s32 s2, s17  }
0x8e: {  	[smem:$0x3FBB] =	sst s2  }
0x8f: {  	_ = 	snop  }
0x90: {  	s2 =	sld [smem:$0x3FD0];
	(tm) =	ssettm $0x1  }
0x91: {  	s18 =	sld [smem:$0x3FFB];
	_ =	sdelay $0x3  }
0x92: {  	_ =	strace s18  }
0x93: {  	s3 =	sld [smem:$0x3FFC];
	_ =	sdelay $0x3  }
0x94: {  	_ =	strace s3  }
0x95: {  	s3 =	sld [smem:$0x3FFD];
	_ =	sdelay $0x3  }
0x96: {  	_ =	strace s3  }
0x97: {  	_ =	strace $0x8FFFFFFF  }
0x98: {  	s19 =	sld [smem:$0x3FDB];
	_ =	sdelay $0x1  }
0x99: {  	s4 =	simm.s32 $_scs_section_size  }
0x9a: {  	s5 =	simm.s32 $_size__tile_overlayer_lowered;
	s6 =	simm.s32 $_tile_overlayer_lowered  }
0x9b: {  	s22 =	simm.s32 $0x1BFF;
	s21 =	sshll.u32 s6, $0x1;
	s3 =	sadd.s32 s4, s19  }
0x9c: {  	s7 =	simm.s32 $0x0;
	s20 =	sshll.u32 s5, $0x1;
	s5 =	sadd.s32 s21, s3  }
0x9d: {  	[timem:s7], [sflag:s22] =	dma.local [hbm:s5], s20  }
0x9e: {  	_ =	swait.ge [sflag:s22], s20  }
0x9f: {  	s4 =	ssub.s32 $0x0, s20;
	[sflag:s22] =	ssyncset.done $0x0  }
0xa0: {  	[sflag:s22] =	ssyncadd.s32 s4;
	_ =	sdelay $0x1  }
0xa1: {  	s23 =	simm.s32 $0x1B8B  }
0xa2: {  	_ =	swait.ge [sflag:s23], $0x1  }
0xa3: {  	[sflag:s23] =	ssyncset.done $0x0  }
0xa4: {  	s25 =	simm.s32 $0x1B8E;
	s24 =	sld [smem:$0x3FFE];
	[sflag:s23] =	ssyncadd.s32 $0xFFFFFFFF  }
0xa5: {  	s26 =	simm.s32 $execute0_lowered;
	[smem:$0x3FD2] =	sst s25  }
0xa6: {  	s5 =	sshll.u32 s26, $0x1;
	_ =	strace $0x80000046;
	[dreg:$0x1] =	wrdreg $0xFFFFFFFF  }
0xa7: {  	s28 =	simm.s32 $_size_execute0_lowered;
	s3 =	sadd.s32 s3, s5;
	[dreg:$0x0] =	wrdreg $0x0  }
0xa8: {  	s5 =	sshll.u32 s28, $0x1;
	[dreg:$0x2] =	wrdreg s3  }
0xa9: {  	[dreg:$0x3] =	wrdreg s5  }
0xaa: {  	[dreg:$0x4] =	wrdreg $0xC0  }
0xab: {  	_ =	task [dreg:s7], $0x5FFFF  }
0xac: {  	[dreg:$0x1] =	wrdreg $0xFFFFFFFF  }
0xad: {  	[dreg:$0x0] =	wrdreg $0x60  }
0xae: {  	[dreg:$0x2] =	wrdreg s24  }
0xaf: {  	[dreg:$0x3] =	wrdreg s2  }
0xb0: {  	[dreg:$0x4] =	wrdreg $0x3300  }
0xb1: {  	[dreg:$0x5] =	wrdreg $0x5B00  }
0xb2: {  	[dreg:$0x6] =	wrdreg $0x9  }
0xb3: {  	_ =	task.clear_ibuf [dreg:s7], $0x7FFFF;
	_ =	strace $0x90000046  }
0xb4: {  	s29 =	simm.s32 $0x9;
	_ =	strace $0x80000048  }
0xb5: {  	_ =	swait.ge [sflag:s29], $0x1  }
0xb6: {  	[sflag:s29] =	ssyncadd.s32 $0xFFFFFFFF  }
0xb7: {  	_ =	strace $0x90000048  }
0xb8: {  	_ =	sfence  }
0xb9: {  	s30 =	sld [smem:$0x0];
	_ =	sdelay $0x2  }
0xba: {  	s31 =	sshll.u32 s1, $0xD;
	s1 =	sshrl.u32 s1, $0x2  }
0xbb: {  	s3 =	sand.u32 $0x4000, s31;
	s1 =	sadd.s32 s1, s30  }
0xbc: {  	s0 =	sor.u32 s3, s0;
	s1 =	sshll.u32 s1, $0x11  }
0xbd: {  	s0 =	sor.u32 s1, s0  }
0xbe: {  	s0 =	sadd.s32 $0x8F2B, s0  }
0xbf: {  	[sflag:s0] =	ssyncadd.remote.s32 $0x1  }
0xc0: {  	_ =	sfence.sel $0xFFFF  }
0xc1: {  	[dreg:$0x0] =	wrdreg $0xFFFFFFFF;
	(pc) =	sbr.abs _section_cstart, $3  }
0xc2: {  	[dreg:$0x1] =	wrdreg $0xFFFFFFFF  }
0xc3: {  	_ =	task.clear_ibuf [dreg:s7], $0x2FFFF;
	_ =	strace $0x9FFFFFFF  }
0xc4: {  	(tm) =	ssettm $0x7FFFFFFF  }
0xc5: {  	_ =	shalt  }
tec
execute0_lowered:
.L_overlay_start_1:
0x0: {  	(tag) =	ssettag $0x1  }
0x1: {  	s1 =	rddreg [dreg:$0x0];
	s2 =	srdreg.scid  }
0x2: {  	s0 =	rddreg [dreg:$0x1];
	s11 =	stileid.u32  }
0x3: {  	s3 =	rddreg [dreg:$0x3];
	s28 =	simm.s32 $0x80;
	s29 =	simm.s32 $0x20  }
0x4: {  	s31 =	simm.s32 $0xDB0;
	s30 =	simm.s32 $0xD30;
	s5 =	sand.u32 $0x1, s2  }
0x5: {  	s2 =	rddreg [dreg:$0x2];
	s8 =	smul.u32 $0x280, s11;
	s1 =	sadd.s32 $0x3000, s1  }
0x6: {  	s4 =	sshll.u32 s5, $0x4;
	s7 =	ssub.s32 $0x2, s5;
	s10 =	smul.u32 $0x27100, s5  }
0x7: {  	s5 =	smul.u32 $0x5000, s5;
	s6 =	sor.u32 s11, s4;
	s4 =	simm.s32 $0x0  }
0x8: {  	s9 =	sshrl.u32 s7, $0x1;
	s11 =	smul.u32 $0x2710, s11;
	s14 =	sadd.s32 s8, s2  }
0x9: {  	s15 =	sadd.s32 s8, s3;
	s6 =	smul.u32 $0x2710, s6;
	[smem:$0x7FF] =	sst s4  }
0xa: {  	s7 =	ssub.s32 s7, s9;
	s5 =	sadd.s32 s8, s5;
	_ =	strace $0x80000047  }
0xb: {  	s9 =	sadd.s32 s11, s10;
	s5 =	sshrl.u32 s5, $0x3;
	[dreg:$0x11] =	wrdreg s14  }
0xc: {  	[dreg:$0x12] =	wrdreg s15;
	s6 =	sshrl.u32 s6, $0x3;
	s13 =	sadd.s32 $0x280, s9  }
0xd: {  	s16 =	sadd.s32 $0x4E480, s9;
	s17 =	sadd.s32 $0x200, s9;
	s21 =	sadd.s32 $0x4E400, s9  }
0xe: {  	s23 =	sadd.s32 $0x180, s9;
	s24 =	sadd.s32 $0x4E380, s9;
	s10 =	sadd.s32 $0x100, s9  }
0xf: {  	s5 =	sadd.s32 s0, s5;
	s0 =	simm.s32 $0x3;
	s6 =	sadd.s32 s1, s6  }
0x10: {  	s8 =	sshrl.u32 s16, $0x3;
	s19 =	sshrl.u32 s17, $0x3;
	s22 =	sshrl.u32 s21, $0x3  }
0x11: {  	s26 =	sshrl.u32 s24, $0x3;
	s11 =	sshrl.u32 s10, $0x3;
	s21 =	sshrl.u32 s9, $0x3  }
0x12: {  	[dreg:$0x15] =	wrdreg s5;
	s10 =	simm.s32 $0x5;
	s12 =	sadd.s32 $0x4E0, s6  }
0x13: {  	s6 =	sadd.s32 $0xA120, s6;
	s18 =	sadd.s32 s8, s1;
	[dreg:$0x13] =	wrdreg s12  }
0x14: {  	s20 =	sadd.s32 s19, s1;
	s8 =	sshrl.u32 s23, $0x3;
	[dreg:$0x14] =	wrdreg s6  }
0x15: {  	s19 =	sadd.s32 $0x4E280, s9;
	s6 =	sshrl.u32 s13, $0x3;
	[dreg:$0x6] =	wrdreg s18  }
0x16: {  	[dreg:$0x7] =	wrdreg s20;
	s25 =	sadd.s32 s8, s1;
	s8 =	sadd.s32 s26, s1  }
0x17: {  	s12 =	sadd.s32 $0x4E300, s9;
	s13 =	sadd.s32 $0x80, s9;
	s20 =	sshrl.u32 s19, $0x3  }
0x18: {  	s9 =	sadd.s32 $0x4E200, s9;
	s26 =	smax.u32 s7, $0x1;
	[dreg:$0x9] =	wrdreg s25  }
0x19: {  	s7 =	simm.s32 $0x9;
	s6 =	sadd.s32 s6, s1;
	[dreg:$0xa] =	wrdreg s8  }
0x1a: {  	s8 =	sshrl.u32 s12, $0x3;
	s17 =	sshrl.u32 s13, $0x3;
	[dreg:$0x17] =	wrdreg s26  }
0x1b: {  	s23 =	sshrl.u32 s9, $0x3;
	s25 =	sadd.s32 $0x500, s5;
	[dreg:$0x5] =	wrdreg s6  }
0x1c: {  	s12 =	simm.s32 $0xA;
	s6 =	sadd.s32 s22, s1;
	[dreg:$0x16] =	wrdreg s25  }
0x1d: {  	s9 =	simm.s32 $0x6;
	s16 =	sadd.s32 s8, s1;
	[dreg:$0x8] =	wrdreg s6  }
0x1e: {  	s5 =	simm.s32 $0xC;
	s18 =	sadd.s32 s17, s1;
	[dreg:$0xc] =	wrdreg s16  }
0x1f: {  	s13 =	simm.s32 $0x0;
	s22 =	sadd.s32 s21, s1;
	[dreg:$0xd] =	wrdreg s18  }
0x20: {  	s24 =	sadd.s32 s23, s1;
	s17 =	simm.s32 $0x19;
	[dreg:$0xf] =	wrdreg s22  }
0x21: {  	s25 =	simm.s32 $0xDB0;
	s6 =	sadd.s32 s11, s1;
	[dreg:$0x10] =	wrdreg s24  }
0x22: {  	s8 =	simm.s32 $0x4;
	[dreg:$0xb] =	wrdreg s6;
	s6 =	sadd.s32 s20, s1  }
0x23: {  	v0 =	vimm.f32 $0.0e+00;
	v1 =	vimm.f32 $1.000000000e+00;
	s11 =	simm.s32 $0xB;
	s1 =	simm.s32 $0x8;
	[dreg:$0xe] =	wrdreg s6  }
.LBB2_1:
0x24: {  	[tilespmem:$0xB0] =	vst v0  }
0x25: {  	[tilespmem:$0xC0] =	vst v0  }
0x26: {  	[tilespmem:$0xD0] =	vst v0  }
0x27: {  	[tilespmem:$0xE0] =	vst v0  }
0x28: {  	[tilespmem:$0xF0] =	vst v0  }
0x29: {  	[tilespmem:$0x100] =	vst v0  }
0x2a: {  	[tilespmem:$0x110] =	vst v0  }
0x2b: {  	[tilespmem:$0x120] =	vst v0  }
0x2c: {  	[tilespmem:$0x130] =	vst v0  }
0x2d: {  	[tilespmem:$0x140] =	vst v0  }
0x2e: {  	[tilespmem:$0x150] =	vst v0  }
0x2f: {  	[tilespmem:$0x160] =	vst v0  }
0x30: {  	[tilespmem:$0x170] =	vst v0  }
0x31: {  	[tilespmem:$0x180] =	vst v0  }
0x32: {  	[tilespmem:$0x190] =	vst v0  }
0x33: {  	[tilespmem:$0x1A0] =	vst v0  }
0x34: {  	[tilespmem:$0x1B0] =	vst v0  }
0x35: {  	[tilespmem:$0x1C0] =	vst v0  }
0x36: {  	[tilespmem:$0x1D0] =	vst v0  }
0x37: {  	[tilespmem:$0x1E0] =	vst v0  }
0x38: {  	[tilespmem:$0x1F0] =	vst v0  }
0x39: {  	[tilespmem:$0x200] =	vst v0  }
0x3a: {  	[tilespmem:$0x210] =	vst v0  }
0x3b: {  	[tilespmem:$0x220] =	vst v0  }
0x3c: {  	[tilespmem:$0x230] =	vst v0  }
0x3d: {  	[tilespmem:$0x240] =	vst v0  }
0x3e: {  	[tilespmem:$0x250] =	vst v0  }
0x3f: {  	[tilespmem:$0x260] =	vst v0  }
0x40: {  	[tilespmem:$0x270] =	vst v0  }
0x41: {  	[tilespmem:$0x280] =	vst v0  }
0x42: {  	[tilespmem:$0x290] =	vst v0  }
0x43: {  	[tilespmem:$0x2A0] =	vst v0  }
0x44: {  	[tilespmem:$0x2B0] =	vst v0  }
0x45: {  	[tilespmem:$0x2C0] =	vst v0  }
0x46: {  	[tilespmem:$0x2D0] =	vst v0  }
0x47: {  	[tilespmem:$0x2E0] =	vst v0  }
0x48: {  	[tilespmem:$0x2F0] =	vst v0  }
0x49: {  	[tilespmem:$0x300] =	vst v0  }
0x4a: {  	[tilespmem:$0x310] =	vst v0  }
0x4b: {  	[tilespmem:$0x320] =	vst v0  }
0x4c: {  	[tilespmem:$0x20] =	vst v1  }
0x4d: {  	[tilespmem:$0x30] =	vst v1  }
0x4e: {  	[tilespmem:$0x40] =	vst v1  }
0x4f: {  	[tilespmem:$0x50] =	vst v1  }
0x50: {  	[tilespmem:$0x60] =	vst v1  }
0x51: {  	[tilespmem:$0x70] =	vst v1  }
0x52: {  	[tilespmem:$0x80] =	vst v1  }
0x53: {  	[tilespmem:$0x90] =	vst v1  }
0x54: {  	[dreg:$0x18] =	wrdreg s13;
	[tilespmem:$0xA0] =	vst v1;
	s6 =	simm.s32 $0xB0  }
0x55: {  	[spmem:s14] =	stream.linear.scatter [tilespmem:s6], [sflag:$0x19], $0x280, $0x38;
	[tilespmem:$0xE30] =	vst v63  }
0x56: {  	_ =	swait.ge [sflag:s17], $0x280  }
0x57: {  	[sflag:s17] =	ssyncset.done $0x0  }
0x58: {  	[sflag:s17] =	ssyncadd.s32 $0xFFFFFD80  }
0x59: {  	[spmem:s15] =	stream.linear.scatter [tilespmem:s6], [sflag:$0x19], $0x280, $0x38;
	[tilespmem:$0xE30] =	vst v63  }
0x5a: {  	_ =	swait.ge [sflag:s17], $0x280  }
0x5b: {  	[sflag:s17] =	ssyncset.done $0x0  }
0x5c: {  	p0 =	por $0x1, $0x1;
	[sflag:s17] =	ssyncadd.s32 $0xFFFFFD80  }
0x5d: {  	s6 =	simm.s32 @!p0 $0xD;
	[bflag:$0x0] =	sbarrier.arrive $0xFFFF  }
0x5e: {  	_ =	swait.ge @!p0 [sflag:s6], $0x80  }
0x5f: {  	[sflag:s6] =	ssyncset.done @!p0 $0x0  }
0x60: {  	[sflag:s6] =	ssyncadd.s32 @!p0 $0xFFFFFF80;
	s6 =	simm.s32 @!p0 $0x13  }
0x61: {  	_ =	swait.ge @!p0 [sflag:s6], $0x80  }
0x62: {  	s15 =	simm.s32 $0x830;
	s20 =	rddreg [dreg:$0xf];
	[sflag:s6] =	ssyncset.done @!p0 $0x0  }
0x63: {  	s21 =	rddreg [dreg:$0x10];
	[sflag:s6] =	ssyncadd.s32 @!p0 $0xFFFFFF80;
	s22 =	sadd.s32 $0x0, s20  }
0x64: {  	[tilespmem:s15], [sflag:$0x1] =	stream.linear.gather [hbm4b:s22+s4], $0x80, $0x38;
	[tilespmem:$0xE30] =	vst v63  }
0x65: {  	s16 =	simm.s32 $0xB30;
	s13 =	simm.s32 @!p0 $0xE;
	s23 =	sadd.s32 $0x0, s21  }
0x66: {  	[tilespmem:s16], [sflag:$0x7] =	stream.linear.gather [hbm4b:s23+s4], $0x80, $0x38;
	[tilespmem:$0xE30] =	vst v63  }
0x67: {  	_ =	swait.ge @!p0 [sflag:s13], $0x80  }
0x68: {  	[sflag:s13] =	ssyncset.done @!p0 $0x0  }
0x69: {  	s6 =	simm.s32 @!p0 $0x14;
	[sflag:s13] =	ssyncadd.s32 @!p0 $0xFFFFFF80  }
0x6a: {  	_ =	swait.ge @!p0 [sflag:s6], $0x80  }
0x6b: {  	s17 =	simm.s32 $0x8B0;
	s24 =	rddreg [dreg:$0xd];
	[sflag:s6] =	ssyncset.done @!p0 $0x0  }
0x6c: {  	s26 =	rddreg [dreg:$0xe];
	[sflag:s6] =	ssyncadd.s32 @!p0 $0xFFFFFF80;
	s18 =	sadd.s32 $0x0, s24  }
0x6d: {  	[tilespmem:s17], [sflag:$0x2] =	stream.linear.gather [hbm4b:s18+s4], $0x80, $0x38;
	[tilespmem:$0xE30] =	vst v63  }
0x6e: {  	s13 =	simm.s32 @!p0 $0xF;
	s19 =	sadd.s32 $0x0, s26;
	s18 =	simm.s32 $0xBB0  }
0x6f: {  	[tilespmem:s18], [sflag:$0x8] =	stream.linear.gather [hbm4b:s19+s4], $0x80, $0x38;
	[tilespmem:$0xE30] =	vst v63  }
0x70: {  	_ =	swait.ge @!p0 [sflag:s13], $0x80  }
0x71: {  	[sflag:s13] =	ssyncset.done @!p0 $0x0  }
0x72: {  	s6 =	simm.s32 @!p0 $0x15;
	[sflag:s13] =	ssyncadd.s32 @!p0 $0xFFFFFF80  }
0x73: {  	_ =	swait.ge @!p0 [sflag:s6], $0x80  }
0x74: {  	s19 =	simm.s32 $0x930;
	s20 =	rddreg [dreg:$0xb];
	[sflag:s6] =	ssyncset.done @!p0 $0x0  }
0x75: {  	s21 =	rddreg [dreg:$0xc];
	[sflag:s6] =	ssyncadd.s32 @!p0 $0xFFFFFF80;
	s22 =	sadd.s32 $0x0, s20  }
0x76: {  	[tilespmem:s19], [sflag:$0x3] =	stream.linear.gather [hbm4b:s22+s4], $0x80, $0x38;
	[tilespmem:$0xE30] =	vst v63  }
0x77: {  	s13 =	simm.s32 @!p0 $0x10;
	s23 =	sadd.s32 $0x0, s21;
	s20 =	simm.s32 $0xC30  }
0x78: {  	[tilespmem:s20], [sflag:$0x9] =	stream.linear.gather [hbm4b:s23+s4], $0x80, $0x38;
	[tilespmem:$0xE30] =	vst v63  }
0x79: {  	_ =	swait.ge @!p0 [sflag:s13], $0x80  }
0x7a: {  	[sflag:s13] =	ssyncset.done @!p0 $0x0  }
0x7b: {  	s6 =	simm.s32 @!p0 $0x16;
	[sflag:s13] =	ssyncadd.s32 @!p0 $0xFFFFFF80  }
0x7c: {  	_ =	swait.ge @!p0 [sflag:s6], $0x80  }
0x7d: {  	s21 =	simm.s32 $0x9B0;
	s24 =	rddreg [dreg:$0x9];
	[sflag:s6] =	ssyncset.done @!p0 $0x0  }
0x7e: {  	s26 =	rddreg [dreg:$0xa];
	[sflag:s6] =	ssyncadd.s32 @!p0 $0xFFFFFF80;
	s22 =	sadd.s32 $0x0, s24  }
0x7f: {  	[tilespmem:s21], [sflag:$0x4] =	stream.linear.gather [hbm4b:s22+s4], $0x80, $0x38;
	[tilespmem:$0xE30] =	vst v63  }
0x80: {  	s13 =	simm.s32 @!p0 $0x11;
	s23 =	sadd.s32 $0x0, s26;
	s22 =	simm.s32 $0xCB0  }
0x81: {  	[tilespmem:s22], [sflag:$0xA] =	stream.linear.gather [hbm4b:s23+s4], $0x80, $0x38;
	[tilespmem:$0xE30] =	vst v63  }
0x82: {  	_ =	swait.ge @!p0 [sflag:s13], $0x80  }
0x83: {  	[sflag:s13] =	ssyncset.done @!p0 $0x0  }
0x84: {  	s6 =	simm.s32 @!p0 $0x17;
	[sflag:s13] =	ssyncadd.s32 @!p0 $0xFFFFFF80  }
0x85: {  	_ =	swait.ge @!p0 [sflag:s6], $0x80  }
0x86: {  	s23 =	simm.s32 $0xA30;
	s24 =	rddreg [dreg:$0x7];
	[sflag:s6] =	ssyncset.done @!p0 $0x0  }
0x87: {  	s26 =	rddreg [dreg:$0x8];
	[sflag:s6] =	ssyncadd.s32 @!p0 $0xFFFFFF80;
	s13 =	sadd.s32 $0x0, s24  }
0x88: {  	[tilespmem:s23], [sflag:$0x5] =	stream.linear.gather [hbm4b:s13+s4], $0x80, $0x38;
	[tilespmem:$0xE30] =	vst v63  }
0x89: {  	s14 =	sadd.s32 $0x0, s26;
	s24 =	simm.s32 $0xD30;
	s13 =	simm.s32 @!p0 $0x12  }
0x8a: {  	[tilespmem:s24], [sflag:$0xB] =	stream.linear.gather [hbm4b:s14+s4], $0x80, $0x38;
	[tilespmem:$0xE30] =	vst v63  }
0x8b: {  	_ =	swait.ge @!p0 [sflag:s13], $0x80  }
0x8c: {  	[sflag:s13] =	ssyncset.done @!p0 $0x0  }
0x8d: {  	s6 =	simm.s32 @!p0 $0x18;
	[sflag:s13] =	ssyncadd.s32 @!p0 $0xFFFFFF80  }
0x8e: {  	_ =	swait.ge @!p0 [sflag:s6], $0x80  }
0x8f: {  	s13 =	simm.s32 $0xAB0;
	s26 =	rddreg [dreg:$0x5];
	[sflag:s6] =	ssyncset.done @!p0 $0x0  }
0x90: {  	s14 =	rddreg [dreg:$0x6];
	[sflag:s6] =	ssyncadd.s32 @!p0 $0xFFFFFF80;
	s26 =	sadd.s32 $0x0, s26  }
0x91: {  	[tilespmem:s13], [sflag:$0x6] =	stream.linear.gather [hbm4b:s26+s4], $0x80, $0x38;
	[tilespmem:$0xE30] =	vst v63  }
0x92: {  	s26 =	sadd.s32 $0x0, s14;
	s14 =	simm.s32 $0x1  }
0x93: {  	[tilespmem:s25], [sflag:$0xC] =	stream.linear.gather [hbm4b:s26+s4], $0x80, $0x38;
	[tilespmem:$0xE30] =	vst v63  }
0x94: {  	_ =	swait.ge [sflag:s14], $0x80  }
0x95: {  	[sflag:s14] =	ssyncset.done $0x0  }
0x96: {  	s25 =	simm.s32 $0x7;
	[sflag:s14] =	ssyncadd.s32 $0xFFFFFF80  }
0x97: {  	[spmem:s3] =	stream.indirect.scatter.add.f32 [tilespmem:s29], [sflag:$0xD], $0x1, s15, s28, $0xb8;
	[tilespmem:$0xE30] =	vst v63  }
0x98: {  	_ =	swait.ge [sflag:s25], $0x80  }
0x99: {  	[sflag:s25] =	ssyncset.done $0x0  }
0x9a: {  	s26 =	simm.s32 $0x2;
	[sflag:s25] =	ssyncadd.s32 $0xFFFFFF80  }
0x9b: {  	[spmem:s2] =	stream.indirect.scatter.add.f32 [tilespmem:s29], [sflag:$0x13], $0x1, s16, s28, $0xb8;
	[tilespmem:$0xE30] =	vst v63  }
0x9c: {  	_ =	swait.ge [sflag:s26], $0x80  }
0x9d: {  	[sflag:s26] =	ssyncset.done $0x0  }
0x9e: {  	[sflag:s26] =	ssyncadd.s32 $0xFFFFFF80  }
0x9f: {  	[spmem:s3] =	stream.indirect.scatter.add.f32 [tilespmem:s29], [sflag:$0xE], $0x1, s17, s28, $0xb8;
	[tilespmem:$0xE30] =	vst v63  }
0xa0: {  	_ =	swait.ge [sflag:s1], $0x80  }
0xa1: {  	[sflag:s1] =	ssyncset.done $0x0  }
0xa2: {  	[sflag:s1] =	ssyncadd.s32 $0xFFFFFF80  }
0xa3: {  	[spmem:s2] =	stream.indirect.scatter.add.f32 [tilespmem:s29], [sflag:$0x14], $0x1, s18, s28, $0xb8;
	[tilespmem:$0xE30] =	vst v63  }
0xa4: {  	_ =	swait.ge [sflag:s0], $0x80  }
0xa5: {  	[sflag:s0] =	ssyncset.done $0x0  }
0xa6: {  	[sflag:s0] =	ssyncadd.s32 $0xFFFFFF80  }
0xa7: {  	[spmem:s3] =	stream.indirect.scatter.add.f32 [tilespmem:s29], [sflag:$0xF], $0x1, s19, s28, $0xb8;
	[tilespmem:$0xE30] =	vst v63  }
0xa8: {  	_ =	swait.ge [sflag:s7], $0x80  }
0xa9: {  	[sflag:s7] =	ssyncset.done $0x0  }
0xaa: {  	[sflag:s7] =	ssyncadd.s32 $0xFFFFFF80  }
0xab: {  	[spmem:s2] =	stream.indirect.scatter.add.f32 [tilespmem:s29], [sflag:$0x15], $0x1, s20, s28, $0xb8;
	[tilespmem:$0xE30] =	vst v63  }
0xac: {  	_ =	swait.ge [sflag:s8], $0x80  }
0xad: {  	[sflag:s8] =	ssyncset.done $0x0  }
0xae: {  	[sflag:s8] =	ssyncadd.s32 $0xFFFFFF80  }
0xaf: {  	[spmem:s3] =	stream.indirect.scatter.add.f32 [tilespmem:s29], [sflag:$0x10], $0x1, s21, s28, $0xb8;
	[tilespmem:$0xE30] =	vst v63  }
0xb0: {  	_ =	swait.ge [sflag:s12], $0x80  }
0xb1: {  	[sflag:s12] =	ssyncset.done $0x0  }
0xb2: {  	[sflag:s12] =	ssyncadd.s32 $0xFFFFFF80  }
0xb3: {  	[spmem:s2] =	stream.indirect.scatter.add.f32 [tilespmem:s29], [sflag:$0x16], $0x1, s22, s28, $0xb8;
	[tilespmem:$0xE30] =	vst v63  }
0xb4: {  	_ =	swait.ge [sflag:s10], $0x80  }
0xb5: {  	[sflag:s10] =	ssyncset.done $0x0  }
0xb6: {  	[sflag:s10] =	ssyncadd.s32 $0xFFFFFF80  }
0xb7: {  	[spmem:s3] =	stream.indirect.scatter.add.f32 [tilespmem:s29], [sflag:$0x11], $0x1, s23, s28, $0xb8;
	[tilespmem:$0xE30] =	vst v63  }
0xb8: {  	_ =	swait.ge [sflag:s11], $0x80  }
0xb9: {  	[sflag:s11] =	ssyncset.done $0x0  }
0xba: {  	[sflag:s11] =	ssyncadd.s32 $0xFFFFFF80  }
0xbb: {  	[spmem:s2] =	stream.indirect.scatter.add.f32 [tilespmem:s29], [sflag:$0x17], $0x1, s24, s28, $0xb8;
	[tilespmem:$0xE30] =	vst v63  }
0xbc: {  	_ =	swait.ge [sflag:s9], $0x80  }
0xbd: {  	[sflag:s9] =	ssyncset.done $0x0  }
0xbe: {  	[sflag:s9] =	ssyncadd.s32 $0xFFFFFF80  }
0xbf: {  	[spmem:s3] =	stream.indirect.scatter.add.f32 [tilespmem:s29], [sflag:$0x12], $0x1, s13, s28, $0xb8;
	[tilespmem:$0xE30] =	vst v63  }
0xc0: {  	p1 =	por $0x0, $0x0;
	_ =	swait.ge [sflag:s5], $0x80  }
0xc1: {  	s6 =	simm.s32 $0x60;
	s13 =	simm.s32 $0xC0;
	[sflag:s5] =	ssyncset.done $0x0  }
.LBB2_2:
0xc2: {  	s15 =	simm.s32 @!p1 $0xD;
	[sflag:s5] =	ssyncadd.s32 $0xFFFFFF80  }
0xc3: {  	[spmem:s2] =	stream.indirect.scatter.add.f32 [tilespmem:s29], [sflag:$0x18], $0x1, s31, s28, $0xb8;
	[tilespmem:$0xE30] =	vst v63  }
0xc4: {  	_ =	swait.ge @!p1 [sflag:s15], $0x80  }
0xc5: {  	[sflag:s15] =	ssyncset.done @!p1 $0x0  }
0xc6: {  	[sflag:s15] =	ssyncadd.s32 @!p1 $0xFFFFFF80;
	s15 =	simm.s32 @!p1 $0x13  }
0xc7: {  	_ =	swait.ge @!p1 [sflag:s15], $0x80  }
0xc8: {  	s18 =	simm.s32 $0x830;
	s16 =	rddreg [dreg:$0xf];
	[sflag:s15] =	ssyncset.done @!p1 $0x0  }
0xc9: {  	s17 =	rddreg [dreg:$0x10];
	[sflag:s15] =	ssyncadd.s32 @!p1 $0xFFFFFF80;
	s19 =	sadd.s32 s6, s16  }
0xca: {  	[tilespmem:s18], [sflag:$0x1] =	stream.linear.gather [hbm4b:s19+s4], $0x80, $0x38;
	[tilespmem:$0xE30] =	vst v63  }
0xcb: {  	s20 =	sadd.s32 s6, s17;
	s16 =	simm.s32 @!p1 $0xE;
	s19 =	simm.s32 $0xB30  }
0xcc: {  	[tilespmem:s19], [sflag:$0x7] =	stream.linear.gather [hbm4b:s20+s4], $0x80, $0x38;
	[tilespmem:$0xE30] =	vst v63  }
0xcd: {  	_ =	swait.ge @!p1 [sflag:s16], $0x80  }
0xce: {  	[sflag:s16] =	ssyncset.done @!p1 $0x0  }
0xcf: {  	s15 =	simm.s32 @!p1 $0x14;
	[sflag:s16] =	ssyncadd.s32 @!p1 $0xFFFFFF80  }
0xd0: {  	_ =	swait.ge @!p1 [sflag:s15], $0x80  }
0xd1: {  	s20 =	simm.s32 $0x8B0;
	s21 =	rddreg [dreg:$0xd];
	[sflag:s15] =	ssyncset.done @!p1 $0x0  }
0xd2: {  	s22 =	rddreg [dreg:$0xe];
	[sflag:s15] =	ssyncadd.s32 @!p1 $0xFFFFFF80;
	s23 =	sadd.s32 s6, s21  }
0xd3: {  	[tilespmem:s20], [sflag:$0x2] =	stream.linear.gather [hbm4b:s23+s4], $0x80, $0x38;
	[tilespmem:$0xE30] =	vst v63  }
0xd4: {  	s16 =	simm.s32 @!p1 $0xF;
	s24 =	sadd.s32 s6, s22;
	s21 =	simm.s32 $0xBB0  }
0xd5: {  	[tilespmem:s21], [sflag:$0x8] =	stream.linear.gather [hbm4b:s24+s4], $0x80, $0x38;
	[tilespmem:$0xE30] =	vst v63  }
0xd6: {  	_ =	swait.ge @!p1 [sflag:s16], $0x80  }
0xd7: {  	[sflag:s16] =	ssyncset.done @!p1 $0x0  }
0xd8: {  	s15 =	simm.s32 @!p1 $0x15;
	[sflag:s16] =	ssyncadd.s32 @!p1 $0xFFFFFF80  }
0xd9: {  	_ =	swait.ge @!p1 [sflag:s15], $0x80  }
0xda: {  	s22 =	simm.s32 $0x930;
	s25 =	rddreg [dreg:$0xb];
	[sflag:s15] =	ssyncset.done @!p1 $0x0  }
0xdb: {  	s26 =	rddreg [dreg:$0xc];
	[sflag:s15] =	ssyncadd.s32 @!p1 $0xFFFFFF80;
	s23 =	sadd.s32 s6, s25  }
0xdc: {  	[tilespmem:s22], [sflag:$0x3] =	stream.linear.gather [hbm4b:s23+s4], $0x80, $0x38;
	[tilespmem:$0xE30] =	vst v63  }
0xdd: {  	s16 =	simm.s32 @!p1 $0x10;
	s24 =	sadd.s32 s6, s26;
	s23 =	simm.s32 $0xC30  }
0xde: {  	[tilespmem:s23], [sflag:$0x9] =	stream.linear.gather [hbm4b:s24+s4], $0x80, $0x38;
	[tilespmem:$0xE30] =	vst v63  }
0xdf: {  	_ =	swait.ge @!p1 [sflag:s16], $0x80  }
0xe0: {  	[sflag:s16] =	ssyncset.done @!p1 $0x0  }
0xe1: {  	s15 =	simm.s32 @!p1 $0x16;
	[sflag:s16] =	ssyncadd.s32 @!p1 $0xFFFFFF80  }
0xe2: {  	_ =	swait.ge @!p1 [sflag:s15], $0x80  }
0xe3: {  	s24 =	simm.s32 $0x9B0;
	s25 =	rddreg [dreg:$0x9];
	[sflag:s15] =	ssyncset.done @!p1 $0x0  }
0xe4: {  	s26 =	rddreg [dreg:$0xa];
	[sflag:s15] =	ssyncadd.s32 @!p1 $0xFFFFFF80;
	s16 =	sadd.s32 s6, s25  }
0xe5: {  	[tilespmem:s24], [sflag:$0x4] =	stream.linear.gather [hbm4b:s16+s4], $0x80, $0x38;
	[tilespmem:$0xE30] =	vst v63  }
0xe6: {  	s17 =	sadd.s32 s6, s26;
	s25 =	simm.s32 $0xCB0;
	s16 =	simm.s32 @!p1 $0x11  }
0xe7: {  	[tilespmem:s25], [sflag:$0xA] =	stream.linear.gather [hbm4b:s17+s4], $0x80, $0x38;
	[tilespmem:$0xE30] =	vst v63  }
0xe8: {  	_ =	swait.ge @!p1 [sflag:s16], $0x80  }
0xe9: {  	[sflag:s16] =	ssyncset.done @!p1 $0x0  }
0xea: {  	s15 =	simm.s32 @!p1 $0x17;
	[sflag:s16] =	ssyncadd.s32 @!p1 $0xFFFFFF80  }
0xeb: {  	_ =	swait.ge @!p1 [sflag:s15], $0x80  }
0xec: {  	s26 =	rddreg [dreg:$0x7]  }
0xed: {  	[sflag:s15] =	ssyncset.done @!p1 $0x0;
	s17 =	rddreg [dreg:$0x8]  }
0xee: {  	[sflag:s15] =	ssyncadd.s32 @!p1 $0xFFFFFF80;
	s16 =	sadd.s32 s6, s26;
	s26 =	simm.s32 $0xA30  }
0xef: {  	[tilespmem:s26], [sflag:$0x5] =	stream.linear.gather [hbm4b:s16+s4], $0x80, $0x38;
	[tilespmem:$0xE30] =	vst v63  }
0xf0: {  	s17 =	sadd.s32 s6, s17;
	s16 =	simm.s32 @!p1 $0x12  }
0xf1: {  	[tilespmem:s30], [sflag:$0xB] =	stream.linear.gather [hbm4b:s17+s4], $0x80, $0x38;
	[tilespmem:$0xE30] =	vst v63  }
0xf2: {  	_ =	swait.ge @!p1 [sflag:s16], $0x80  }
0xf3: {  	[sflag:s16] =	ssyncset.done @!p1 $0x0  }
0xf4: {  	s15 =	simm.s32 @!p1 $0x18;
	[sflag:s16] =	ssyncadd.s32 @!p1 $0xFFFFFF80  }
0xf5: {  	_ =	swait.ge @!p1 [sflag:s15], $0x80  }
0xf6: {  	s16 =	rddreg [dreg:$0x5]  }
0xf7: {  	[sflag:s15] =	ssyncset.done @!p1 $0x0;
	s17 =	rddreg [dreg:$0x6]  }
0xf8: {  	[sflag:s15] =	ssyncadd.s32 @!p1 $0xFFFFFF80;
	s15 =	sadd.s32 s6, s16;
	s16 =	simm.s32 $0xAB0  }
0xf9: {  	[tilespmem:s16], [sflag:$0x6] =	stream.linear.gather [hbm4b:s15+s4], $0x80, $0x38;
	[tilespmem:$0xE30] =	vst v63  }
0xfa: {  	s17 =	sadd.s32 s6, s17  }
0xfb: {  	[tilespmem:s31], [sflag:$0xC] =	stream.linear.gather [hbm4b:s17+s4], $0x80, $0x38;
	[tilespmem:$0xE30] =	vst v63  }
0xfc: {  	s17 =	simm.s32 $0x1  }
0xfd: {  	_ =	swait.ge [sflag:s17], $0x80  }
0xfe: {  	[sflag:s17] =	ssyncset.done $0x0  }
0xff: {  	[sflag:s17] =	ssyncadd.s32 $0xFFFFFF80  }
0x100: {  	[spmem:s3] =	stream.indirect.scatter.add.f32 [tilespmem:s29], [sflag:$0xD], $0x1, s18, s28, $0xb8;
	[tilespmem:$0xE30] =	vst v63  }
0x101: {  	s18 =	simm.s32 $0x7  }
0x102: {  	_ =	swait.ge [sflag:s18], $0x80  }
0x103: {  	[sflag:s18] =	ssyncset.done $0x0  }
0x104: {  	[sflag:s18] =	ssyncadd.s32 $0xFFFFFF80  }
0x105: {  	[spmem:s2] =	stream.indirect.scatter.add.f32 [tilespmem:s29], [sflag:$0x13], $0x1, s19, s28, $0xb8;
	[tilespmem:$0xE30] =	vst v63  }
0x106: {  	s19 =	simm.s32 $0x2  }
0x107: {  	_ =	swait.ge [sflag:s19], $0x80  }
0x108: {  	[sflag:s19] =	ssyncset.done $0x0  }
0x109: {  	[sflag:s19] =	ssyncadd.s32 $0xFFFFFF80  }
0x10a: {  	[spmem:s3] =	stream.indirect.scatter.add.f32 [tilespmem:s29], [sflag:$0xE], $0x1, s20, s28, $0xb8;
	[tilespmem:$0xE30] =	vst v63  }
0x10b: {  	_ =	swait.ge [sflag:s1], $0x80  }
0x10c: {  	[sflag:s1] =	ssyncset.done $0x0  }
0x10d: {  	[sflag:s1] =	ssyncadd.s32 $0xFFFFFF80  }
0x10e: {  	[spmem:s2] =	stream.indirect.scatter.add.f32 [tilespmem:s29], [sflag:$0x14], $0x1, s21, s28, $0xb8;
	[tilespmem:$0xE30] =	vst v63  }
0x10f: {  	_ =	swait.ge [sflag:s0], $0x80  }
0x110: {  	[sflag:s0] =	ssyncset.done $0x0  }
0x111: {  	[sflag:s0] =	ssyncadd.s32 $0xFFFFFF80  }
0x112: {  	[spmem:s3] =	stream.indirect.scatter.add.f32 [tilespmem:s29], [sflag:$0xF], $0x1, s22, s28, $0xb8;
	[tilespmem:$0xE30] =	vst v63  }
0x113: {  	_ =	swait.ge [sflag:s7], $0x80  }
0x114: {  	[sflag:s7] =	ssyncset.done $0x0  }
0x115: {  	[sflag:s7] =	ssyncadd.s32 $0xFFFFFF80  }
0x116: {  	[spmem:s2] =	stream.indirect.scatter.add.f32 [tilespmem:s29], [sflag:$0x15], $0x1, s23, s28, $0xb8;
	[tilespmem:$0xE30] =	vst v63  }
0x117: {  	_ =	swait.ge [sflag:s8], $0x80  }
0x118: {  	[sflag:s8] =	ssyncset.done $0x0  }
0x119: {  	[sflag:s8] =	ssyncadd.s32 $0xFFFFFF80  }
0x11a: {  	[spmem:s3] =	stream.indirect.scatter.add.f32 [tilespmem:s29], [sflag:$0x10], $0x1, s24, s28, $0xb8;
	[tilespmem:$0xE30] =	vst v63  }
0x11b: {  	_ =	swait.ge [sflag:s12], $0x80  }
0x11c: {  	[sflag:s12] =	ssyncset.done $0x0  }
0x11d: {  	[sflag:s12] =	ssyncadd.s32 $0xFFFFFF80  }
0x11e: {  	[spmem:s2] =	stream.indirect.scatter.add.f32 [tilespmem:s29], [sflag:$0x16], $0x1, s25, s28, $0xb8;
	[tilespmem:$0xE30] =	vst v63  }
0x11f: {  	_ =	swait.ge [sflag:s10], $0x80  }
0x120: {  	[sflag:s10] =	ssyncset.done $0x0  }
0x121: {  	[sflag:s10] =	ssyncadd.s32 $0xFFFFFF80  }
0x122: {  	[spmem:s3] =	stream.indirect.scatter.add.f32 [tilespmem:s29], [sflag:$0x11], $0x1, s26, s28, $0xb8;
	[tilespmem:$0xE30] =	vst v63  }
0x123: {  	_ =	swait.ge [sflag:s11], $0x80  }
0x124: {  	[sflag:s11] =	ssyncset.done $0x0  }
0x125: {  	s14 =	smov.u32 s13;
	s13 =	sadd.s32 $0x60, s13;
	[sflag:s11] =	ssyncadd.s32 $0xFFFFFF80  }
0x126: {  	[spmem:s2] =	stream.indirect.scatter.add.f32 [tilespmem:s29], [sflag:$0x17], $0x1, s30, s28, $0xb8;
	[tilespmem:$0xE30] =	vst v63  }
0x127: {  	p0 =	sne.s32 s13, $0x4E0;
	_ =	swait.ge [sflag:s9], $0x80  }
.Ltmp0:
0x128: {  	[sflag:s9] =	ssyncset.done $0x0;
	(pc) =	sbr.rel @p0 .LBB2_2-.Ltmp0, $4  }
0x129: {  	[sflag:s9] =	ssyncadd.s32 $0xFFFFFF80  }
0x12a: {  	[spmem:s3] =	stream.indirect.scatter.add.f32 [tilespmem:s29], [sflag:$0x12], $0x1, s16, s28, $0xb8;
	[tilespmem:$0xE30] =	vst v63  }
0x12b: {  	s6 =	smov.u32 s14;
	_ =	swait.ge [sflag:s5], $0x80  }
0x12c: {  	p1 =	seq.s32 s6, $0x0;
	[sflag:s5] =	ssyncset.done $0x0  }
0x12d: {  	s13 =	simm.s32 @!p1 $0xD;
	[sflag:s5] =	ssyncadd.s32 $0xFFFFFF80;
	s26 =	simm.s32 $0xDB0  }
0x12e: {  	[spmem:s2] =	stream.indirect.scatter.add.f32 [tilespmem:s29], [sflag:$0x18], $0x1, s26, s28, $0xb8;
	[tilespmem:$0xE30] =	vst v63  }
0x12f: {  	_ =	swait.ge @!p1 [sflag:s13], $0x80  }
0x130: {  	[sflag:s13] =	ssyncset.done @!p1 $0x0  }
0x131: {  	[sflag:s13] =	ssyncadd.s32 @!p1 $0xFFFFFF80;
	s13 =	simm.s32 @!p1 $0x13  }
0x132: {  	_ =	swait.ge @!p1 [sflag:s13], $0x80  }
0x133: {  	s16 =	simm.s32 $0x830;
	s14 =	rddreg [dreg:$0xf];
	[sflag:s13] =	ssyncset.done @!p1 $0x0  }
0x134: {  	s15 =	rddreg [dreg:$0x10];
	[sflag:s13] =	ssyncadd.s32 @!p1 $0xFFFFFF80;
	s22 =	sadd.s32 s6, s14  }
0x135: {  	[tilespmem:s16], [sflag:$0x1] =	stream.linear.gather [hbm4b:s22+s4], $0x80, $0x38;
	[tilespmem:$0xE30] =	vst v63  }
0x136: {  	s17 =	simm.s32 $0xB30;
	s23 =	sadd.s32 s6, s15;
	s14 =	simm.s32 @!p1 $0xE  }
0x137: {  	[tilespmem:s17], [sflag:$0x7] =	stream.linear.gather [hbm4b:s23+s4], $0x80, $0x38;
	[tilespmem:$0xE30] =	vst v63  }
0x138: {  	_ =	swait.ge @!p1 [sflag:s14], $0x80  }
0x139: {  	[sflag:s14] =	ssyncset.done @!p1 $0x0  }
0x13a: {  	s13 =	simm.s32 @!p1 $0x14;
	[sflag:s14] =	ssyncadd.s32 @!p1 $0xFFFFFF80  }
0x13b: {  	_ =	swait.ge @!p1 [sflag:s13], $0x80  }
0x13c: {  	s18 =	simm.s32 $0x8B0;
	s24 =	rddreg [dreg:$0xd];
	[sflag:s13] =	ssyncset.done @!p1 $0x0  }
0x13d: {  	s25 =	rddreg [dreg:$0xe];
	[sflag:s13] =	ssyncadd.s32 @!p1 $0xFFFFFF80;
	s14 =	sadd.s32 s6, s24  }
0x13e: {  	[tilespmem:s18], [sflag:$0x2] =	stream.linear.gather [hbm4b:s14+s4], $0x80, $0x38;
	[tilespmem:$0xE30] =	vst v63  }
0x13f: {  	s19 =	simm.s32 $0xBB0;
	s15 =	sadd.s32 s6, s25;
	s14 =	simm.s32 @!p1 $0xF  }
0x140: {  	[tilespmem:s19], [sflag:$0x8] =	stream.linear.gather [hbm4b:s15+s4], $0x80, $0x38;
	[tilespmem:$0xE30] =	vst v63  }
0x141: {  	_ =	swait.ge @!p1 [sflag:s14], $0x80  }
0x142: {  	[sflag:s14] =	ssyncset.done @!p1 $0x0  }
0x143: {  	s13 =	simm.s32 @!p1 $0x15;
	[sflag:s14] =	ssyncadd.s32 @!p1 $0xFFFFFF80  }
0x144: {  	_ =	swait.ge @!p1 [sflag:s13], $0x80  }
0x145: {  	s20 =	rddreg [dreg:$0xb]  }
0x146: {  	[sflag:s13] =	ssyncset.done @!p1 $0x0;
	s21 =	rddreg [dreg:$0xc]  }
0x147: {  	[sflag:s13] =	ssyncadd.s32 @!p1 $0xFFFFFF80;
	s22 =	sadd.s32 s6, s20;
	s20 =	simm.s32 $0x930  }
0x148: {  	[tilespmem:s20], [sflag:$0x3] =	stream.linear.gather [hbm4b:s22+s4], $0x80, $0x38;
	[tilespmem:$0xE30] =	vst v63  }
0x149: {  	s14 =	simm.s32 @!p1 $0x10;
	s23 =	sadd.s32 s6, s21;
	s21 =	simm.s32 $0xC30  }
0x14a: {  	[tilespmem:s21], [sflag:$0x9] =	stream.linear.gather [hbm4b:s23+s4], $0x80, $0x38;
	[tilespmem:$0xE30] =	vst v63  }
0x14b: {  	_ =	swait.ge @!p1 [sflag:s14], $0x80  }
0x14c: {  	[sflag:s14] =	ssyncset.done @!p1 $0x0  }
0x14d: {  	s13 =	simm.s32 @!p1 $0x16;
	[sflag:s14] =	ssyncadd.s32 @!p1 $0xFFFFFF80  }
0x14e: {  	_ =	swait.ge @!p1 [sflag:s13], $0x80  }
0x14f: {  	s22 =	simm.s32 $0x9B0;
	s24 =	rddreg [dreg:$0x9];
	[sflag:s13] =	ssyncset.done @!p1 $0x0  }
0x150: {  	s25 =	rddreg [dreg:$0xa];
	[sflag:s13] =	ssyncadd.s32 @!p1 $0xFFFFFF80;
	s14 =	sadd.s32 s6, s24  }
0x151: {  	[tilespmem:s22], [sflag:$0x4] =	stream.linear.gather [hbm4b:s14+s4], $0x80, $0x38;
	[tilespmem:$0xE30] =	vst v63  }
0x152: {  	s23 =	simm.s32 $0xCB0;
	s15 =	sadd.s32 s6, s25;
	s14 =	simm.s32 @!p1 $0x11  }
0x153: {  	[tilespmem:s23], [sflag:$0xA] =	stream.linear.gather [hbm4b:s15+s4], $0x80, $0x38;
	[tilespmem:$0xE30] =	vst v63  }
0x154: {  	_ =	swait.ge @!p1 [sflag:s14], $0x80  }
0x155: {  	[sflag:s14] =	ssyncset.done @!p1 $0x0  }
0x156: {  	s13 =	simm.s32 @!p1 $0x17;
	[sflag:s14] =	ssyncadd.s32 @!p1 $0xFFFFFF80  }
0x157: {  	_ =	swait.ge @!p1 [sflag:s13], $0x80  }
0x158: {  	s24 =	rddreg [dreg:$0x7]  }
0x159: {  	[sflag:s13] =	ssyncset.done @!p1 $0x0;
	s25 =	rddreg [dreg:$0x8]  }
0x15a: {  	[sflag:s13] =	ssyncadd.s32 @!p1 $0xFFFFFF80;
	s14 =	sadd.s32 s6, s24;
	s24 =	simm.s32 $0xA30  }
0x15b: {  	[tilespmem:s24], [sflag:$0x5] =	stream.linear.gather [hbm4b:s14+s4], $0x80, $0x38;
	[tilespmem:$0xE30] =	vst v63  }
0x15c: {  	s15 =	sadd.s32 s6, s25;
	s25 =	simm.s32 $0xD30;
	s14 =	simm.s32 @!p1 $0x12  }
0x15d: {  	[tilespmem:s25], [sflag:$0xB] =	stream.linear.gather [hbm4b:s15+s4], $0x80, $0x38;
	[tilespmem:$0xE30] =	vst v63  }
0x15e: {  	_ =	swait.ge @!p1 [sflag:s14], $0x80  }
0x15f: {  	[sflag:s14] =	ssyncset.done @!p1 $0x0  }
0x160: {  	s13 =	simm.s32 @!p1 $0x18;
	[sflag:s14] =	ssyncadd.s32 @!p1 $0xFFFFFF80  }
0x161: {  	_ =	swait.ge @!p1 [sflag:s13], $0x80  }
0x162: {  	s14 =	rddreg [dreg:$0x5]  }
0x163: {  	[sflag:s13] =	ssyncset.done @!p1 $0x0;
	s15 =	rddreg [dreg:$0x6]  }
0x164: {  	[sflag:s13] =	ssyncadd.s32 @!p1 $0xFFFFFF80;
	s13 =	sadd.s32 s6, s14;
	s14 =	simm.s32 $0xAB0  }
0x165: {  	[tilespmem:s14], [sflag:$0x6] =	stream.linear.gather [hbm4b:s13+s4], $0x80, $0x38;
	[tilespmem:$0xE30] =	vst v63  }
0x166: {  	s13 =	sadd.s32 s6, s15;
	s15 =	simm.s32 $0x1  }
0x167: {  	[tilespmem:s26], [sflag:$0xC] =	stream.linear.gather [hbm4b:s13+s4], $0x80, $0x38;
	[tilespmem:$0xE30] =	vst v63  }
0x168: {  	_ =	swait.ge [sflag:s15], $0x80  }
0x169: {  	[sflag:s15] =	ssyncset.done $0x0  }
0x16a: {  	[sflag:s15] =	ssyncadd.s32 $0xFFFFFF80  }
0x16b: {  	[spmem:s3] =	stream.indirect.scatter.add.f32 [tilespmem:s29], [sflag:$0xD], $0x1, s16, s28, $0xb8;
	[tilespmem:$0xE30] =	vst v63  }
0x16c: {  	s16 =	simm.s32 $0x7  }
0x16d: {  	_ =	swait.ge [sflag:s16], $0x80  }
0x16e: {  	[sflag:s16] =	ssyncset.done $0x0  }
0x16f: {  	s13 =	simm.s32 $0x2;
	[sflag:s16] =	ssyncadd.s32 $0xFFFFFF80  }
0x170: {  	[spmem:s2] =	stream.indirect.scatter.add.f32 [tilespmem:s29], [sflag:$0x13], $0x1, s17, s28, $0xb8;
	[tilespmem:$0xE30] =	vst v63  }
0x171: {  	_ =	swait.ge [sflag:s13], $0x80  }
0x172: {  	[sflag:s13] =	ssyncset.done $0x0  }
0x173: {  	[sflag:s13] =	ssyncadd.s32 $0xFFFFFF80  }
0x174: {  	[spmem:s3] =	stream.indirect.scatter.add.f32 [tilespmem:s29], [sflag:$0xE], $0x1, s18, s28, $0xb8;
	[tilespmem:$0xE30] =	vst v63  }
0x175: {  	_ =	swait.ge [sflag:s1], $0x80  }
0x176: {  	[sflag:s1] =	ssyncset.done $0x0  }
0x177: {  	[sflag:s1] =	ssyncadd.s32 $0xFFFFFF80  }
0x178: {  	[spmem:s2] =	stream.indirect.scatter.add.f32 [tilespmem:s29], [sflag:$0x14], $0x1, s19, s28, $0xb8;
	[tilespmem:$0xE30] =	vst v63  }
0x179: {  	_ =	swait.ge [sflag:s0], $0x80  }
0x17a: {  	[sflag:s0] =	ssyncset.done $0x0  }
0x17b: {  	[sflag:s0] =	ssyncadd.s32 $0xFFFFFF80  }
0x17c: {  	[spmem:s3] =	stream.indirect.scatter.add.f32 [tilespmem:s29], [sflag:$0xF], $0x1, s20, s28, $0xb8;
	[tilespmem:$0xE30] =	vst v63  }
0x17d: {  	_ =	swait.ge [sflag:s7], $0x80  }
0x17e: {  	[sflag:s7] =	ssyncset.done $0x0  }
0x17f: {  	[sflag:s7] =	ssyncadd.s32 $0xFFFFFF80  }
0x180: {  	[spmem:s2] =	stream.indirect.scatter.add.f32 [tilespmem:s29], [sflag:$0x15], $0x1, s21, s28, $0xb8;
	[tilespmem:$0xE30] =	vst v63  }
0x181: {  	_ =	swait.ge [sflag:s8], $0x80  }
0x182: {  	[sflag:s8] =	ssyncset.done $0x0  }
0x183: {  	[sflag:s8] =	ssyncadd.s32 $0xFFFFFF80  }
0x184: {  	[spmem:s3] =	stream.indirect.scatter.add.f32 [tilespmem:s29], [sflag:$0x10], $0x1, s22, s28, $0xb8;
	[tilespmem:$0xE30] =	vst v63  }
0x185: {  	_ =	swait.ge [sflag:s12], $0x80  }
0x186: {  	[sflag:s12] =	ssyncset.done $0x0  }
0x187: {  	[sflag:s12] =	ssyncadd.s32 $0xFFFFFF80  }
0x188: {  	[spmem:s2] =	stream.indirect.scatter.add.f32 [tilespmem:s29], [sflag:$0x16], $0x1, s23, s28, $0xb8;
	[tilespmem:$0xE30] =	vst v63  }
0x189: {  	_ =	swait.ge [sflag:s10], $0x80  }
0x18a: {  	[sflag:s10] =	ssyncset.done $0x0  }
0x18b: {  	[sflag:s10] =	ssyncadd.s32 $0xFFFFFF80  }
0x18c: {  	[spmem:s3] =	stream.indirect.scatter.add.f32 [tilespmem:s29], [sflag:$0x11], $0x1, s24, s28, $0xb8;
	[tilespmem:$0xE30] =	vst v63  }
0x18d: {  	_ =	swait.ge [sflag:s11], $0x80  }
0x18e: {  	[sflag:s11] =	ssyncset.done $0x0  }
0x18f: {  	[sflag:s11] =	ssyncadd.s32 $0xFFFFFF80  }
0x190: {  	[spmem:s2] =	stream.indirect.scatter.add.f32 [tilespmem:s29], [sflag:$0x17], $0x1, s25, s28, $0xb8;
	[tilespmem:$0xE30] =	vst v63  }
0x191: {  	_ =	swait.ge [sflag:s9], $0x80  }
0x192: {  	[sflag:s9] =	ssyncset.done $0x0  }
0x193: {  	[sflag:s9] =	ssyncadd.s32 $0xFFFFFF80  }
0x194: {  	[spmem:s3] =	stream.indirect.scatter.add.f32 [tilespmem:s29], [sflag:$0x12], $0x1, s14, s28, $0xb8;
	[tilespmem:$0xE30] =	vst v63  }
0x195: {  	_ =	swait.ge [sflag:s5], $0x80  }
0x196: {  	[sflag:s5] =	ssyncset.done $0x0  }
0x197: {  	s15 =	simm.s32 $0xD;
	[sflag:s5] =	ssyncadd.s32 $0xFFFFFF80  }
0x198: {  	[spmem:s2] =	stream.indirect.scatter.add.f32 [tilespmem:s29], [sflag:$0x18], $0x1, s26, s28, $0xb8;
	[tilespmem:$0xE30] =	vst v63  }
0x199: {  	_ =	swait.ge [sflag:s15], $0x80  }
0x19a: {  	[sflag:s15] =	ssyncset.done $0x0  }
0x19b: {  	s16 =	simm.s32 $0x13;
	[sflag:s15] =	ssyncadd.s32 $0xFFFFFF80  }
0x19c: {  	_ =	swait.ge [sflag:s16], $0x80  }
0x19d: {  	[sflag:s16] =	ssyncset.done $0x0  }
0x19e: {  	s17 =	simm.s32 $0xE;
	[sflag:s16] =	ssyncadd.s32 $0xFFFFFF80  }
0x19f: {  	_ =	swait.ge [sflag:s17], $0x80  }
0x1a0: {  	[sflag:s17] =	ssyncset.done $0x0  }
0x1a1: {  	s18 =	simm.s32 $0x14;
	[sflag:s17] =	ssyncadd.s32 $0xFFFFFF80  }
0x1a2: {  	_ =	swait.ge [sflag:s18], $0x80  }
0x1a3: {  	[sflag:s18] =	ssyncset.done $0x0  }
0x1a4: {  	s19 =	simm.s32 $0xF;
	[sflag:s18] =	ssyncadd.s32 $0xFFFFFF80  }
0x1a5: {  	_ =	swait.ge [sflag:s19], $0x80  }
0x1a6: {  	[sflag:s19] =	ssyncset.done $0x0  }
0x1a7: {  	s20 =	simm.s32 $0x15;
	[sflag:s19] =	ssyncadd.s32 $0xFFFFFF80  }
0x1a8: {  	_ =	swait.ge [sflag:s20], $0x80  }
0x1a9: {  	[sflag:s20] =	ssyncset.done $0x0  }
0x1aa: {  	s21 =	simm.s32 $0x10;
	[sflag:s20] =	ssyncadd.s32 $0xFFFFFF80  }
0x1ab: {  	_ =	swait.ge [sflag:s21], $0x80  }
0x1ac: {  	[sflag:s21] =	ssyncset.done $0x0  }
0x1ad: {  	s22 =	simm.s32 $0x16;
	[sflag:s21] =	ssyncadd.s32 $0xFFFFFF80  }
0x1ae: {  	_ =	swait.ge [sflag:s22], $0x80  }
0x1af: {  	[sflag:s22] =	ssyncset.done $0x0  }
0x1b0: {  	s23 =	simm.s32 $0x11;
	[sflag:s22] =	ssyncadd.s32 $0xFFFFFF80  }
0x1b1: {  	_ =	swait.ge [sflag:s23], $0x80  }
0x1b2: {  	[sflag:s23] =	ssyncset.done $0x0  }
0x1b3: {  	s24 =	simm.s32 $0x17;
	[sflag:s23] =	ssyncadd.s32 $0xFFFFFF80  }
0x1b4: {  	_ =	swait.ge [sflag:s24], $0x80  }
0x1b5: {  	[sflag:s24] =	ssyncset.done $0x0  }
0x1b6: {  	s26 =	simm.s32 $0x12;
	[sflag:s24] =	ssyncadd.s32 $0xFFFFFF80  }
0x1b7: {  	_ =	swait.ge [sflag:s26], $0x80  }
0x1b8: {  	[sflag:s26] =	ssyncset.done $0x0  }
0x1b9: {  	s14 =	simm.s32 $0x18;
	[sflag:s26] =	ssyncadd.s32 $0xFFFFFF80  }
0x1ba: {  	_ =	swait.ge [sflag:s14], $0x80  }
0x1bb: {  	[sflag:s14] =	ssyncset.done $0x0  }
0x1bc: {  	s17 =	simm.s32 $0x19;
	s15 =	rddreg [dreg:$0x13];
	[sflag:s14] =	ssyncadd.s32 $0xFFFFFF80  }
0x1bd: {  	[tilespmem:s4], [sflag:$0x19] =	stream.linear.gather [hbm4b:s15+s4], $0x10, $0x38;
	[tilespmem:$0xE30] =	vst v63  }
0x1be: {  	_ =	swait.ge [sflag:s17], $0x10  }
0x1bf: {  	[sflag:s17] =	ssyncset.done $0x0  }
0x1c0: {  	s16 =	simm.s32 $0xA0;
	[sflag:s17] =	ssyncadd.s32 $0xFFFFFFF0  }
0x1c1: {  	[spmem:s3] =	stream.indirect.scatter.add.f32 [tilespmem:s16], [sflag:$0x19], $0x1, s4, s21, $0xb8;
	[tilespmem:$0xE30] =	vst v63  }
0x1c2: {  	_ =	swait.ge [sflag:s17], $0x10  }
0x1c3: {  	[sflag:s17] =	ssyncset.done $0x0  }
0x1c4: {  	s18 =	rddreg [dreg:$0x14];
	[sflag:s17] =	ssyncadd.s32 $0xFFFFFFF0  }
0x1c5: {  	[tilespmem:s21], [sflag:$0x19] =	stream.linear.gather [hbm4b:s18+s4], $0x10, $0x38;
	[tilespmem:$0xE30] =	vst v63  }
0x1c6: {  	_ =	swait.ge [sflag:s17], $0x10  }
0x1c7: {  	[sflag:s17] =	ssyncset.done $0x0  }
0x1c8: {  	[sflag:s17] =	ssyncadd.s32 $0xFFFFFFF0  }
0x1c9: {  	[spmem:s2] =	stream.indirect.scatter.add.f32 [tilespmem:s16], [sflag:$0x19], $0x1, s21, s21, $0xb8;
	[tilespmem:$0xE30] =	vst v63  }
0x1ca: {  	_ =	swait.ge [sflag:s17], $0x10  }
0x1cb: {  	[sflag:s17] =	ssyncset.done $0x0  }
0x1cc: {  	[sflag:s17] =	ssyncadd.s32 $0xFFFFFFF0  }
0x1cd: {  	s19 =	stileid.u32;
	[bflag:$0x0] =	sbarrier.arrive $0xFFFF  }
0x1ce: {  	s6 =	sshll.u32 s19, $0x6;
	s14 =	rddreg [dreg:$0x11]  }
0x1cf: {  	s6 =	sor.u32 $0x1C19, s6;
	s21 =	rddreg [dreg:$0x15];
	s20 =	sshrl.u32 s14, $0x3  }
0x1d0: {  	[hbm:s21], [sflag:s6] =	dma.local [spmem:s20], $0x50  }
0x1d1: {  	_ =	swait.ge [sflag:s17], $0x50  }
0x1d2: {  	[sflag:s17] =	ssyncset.done $0x0;
	s15 =	rddreg [dreg:$0x12]  }
0x1d3: {  	s23 =	rddreg [dreg:$0x16];
	[sflag:s17] =	ssyncadd.s32 $0xFFFFFFB0;
	s22 =	sshrl.u32 s15, $0x3  }
0x1d4: {  	[hbm:s23], [sflag:s6] =	dma.local [spmem:s22], $0x50  }
0x1d5: {  	_ =	swait.ge [sflag:s17], $0x50  }
0x1d6: {  	s24 =	rddreg [dreg:$0x18]  }
0x1d7: {  	s26 =	rddreg [dreg:$0x17];
	s13 =	sadd.s32 $0x1, s24  }
0x1d8: {  	p0 =	sne.s32 s13, s26  }
.Ltmp1:
0x1d9: {  	_ = 	snop;
	(pc) =	sbr.rel @p0 .LBB2_1-.Ltmp1, $3  }
0x1da: {  	_ =	sdelay $0x1  }
0x1db: {  	[sflag:s17] =	ssyncset.done $0x0  }
0x1dc: {  	s25 =	simm.s32 $0xDB0;
	[sflag:s17] =	ssyncadd.s32 $0xFFFFFFB0  }
0x1dd: {  	_ =	sfence.sel $0x180000  }
0x1de: {  	[bflag:$0x0] =	sbarrier.arrive $0xFFFF  }
0x1df: {  	_ =	strace $0x90000047  }
0x1e0: {  	s0 =	stileid.u32;
	[bflag:$0x2] =	sbarrier.arrive $0xFFFF  }
0x1e1: {  	p0 =	sne.s32 s0, $0x0;
	s0 =	rddreg [dreg:$0x4]  }
0x1e2: {  	s0 =	sadd.s32 @!p0 $0x100000, s0  }
0x1e3: {  	[sflag:s0] =	ssyncadd.tile.s32 @!p0 $0x1;
	_ =	shalt  }
.Lfunc_end2:
_tile_overlayer_lowered:
.L_overlay_start_2:
0x1e4: {  	(tag) =	ssettag $0x2  }
0x1e5: {  	s0 =	rddreg [dreg:$0x0];
	s2 =	stileid.u32  }
0x1e6: {  	s1 =	rddreg [dreg:$0x1];
	p0 =	sne.s32 s2, $0x0  }
0x1e7: {  	s3 =	rddreg [dreg:$0x2];
	[bflag:$0x3] =	sbarrier.arrive $0xFFFF;
	s2 =	simm.s32 @!p0 $0x1C19  }
0x1e8: {  	[timem:s3], [sflag:s2] =	dma.local @!p0 [hbm:s0], s1  }
0x1e9: {  	s0 =	simm.s32 @!p0 $0x19  }
0x1ea: {  	_ =	swait.ge @!p0 [sflag:s0], s1  }
0x1eb: {  	s1 =	ssub.s32 @!p0 $0x0, s1;
	[sflag:s0] =	ssyncset.done @!p0 $0x0  }
0x1ec: {  	[sflag:s0] =	ssyncadd.s32 @!p0 s1  }
0x1ed: {  	[bflag:$0x3] =	sbarrier.arrive $0xFFFF  }
0x1ee: {  	_ =	shalt  }

</sc_bundles>
